<compile_context>
chip_gen: v7x
topology: tpu7x:2x2x1
jax: 0.10.2.dev20260603
libtpu: 0.0.44.dev20260713+nightly
codegen_flags: <defaults>
</compile_context>

<pallas_src>
import functools

import jax
import jax.numpy as jnp
import numpy as np
from jax import lax
from jax.experimental import pallas as pl
from jax.experimental.pallas import tpu as pltpu
from jax.experimental.pallas import tpu_sc as plsc

_FIELD_DIMS = [100000] * 26
_NUM_FIELDS = len(_FIELD_DIMS)
_OFFSETS = np.concatenate(([0], np.cumsum(_FIELD_DIMS)[:-1])).astype(np.int32)

_B = 4096
_F = _NUM_FIELDS
_FPAD = 32
_D = 32
_NC, _NS = 2, 16
_NW = _NC * _NS
_BPW = _B // _NW
_CHUNK = 128


def _fm_body(idx_hbm, idxp_hbm, emb_hbm, lin_hbm, out_hbm,
             idx_v, idxp_v, rows_v, lin_v, tvals_v, out_v, esem, lsem):
    w = lax.axis_index("s") * _NC + lax.axis_index("c")

    pltpu.sync_copy(idx_hbm.at[w], idx_v)
    pltpu.sync_copy(idxp_hbm.at[w], idxp_v)

    emb_copies = []
    for j in range(_F):
        c = pltpu.async_copy(
            emb_hbm.at[idx_v.at[j]], rows_v.at[pl.ds(j * _CHUNK, _CHUNK)], esem)
        emb_copies.append(c)
    lin_copies = []
    for j in range(_FPAD):
        c = pltpu.async_copy(
            lin_hbm.at[idxp_v.at[j]], lin_v.at[pl.ds(j * _CHUNK, _CHUNK)], lsem)
        lin_copies.append(c)
    for c in emb_copies:
        c.wait()
    for c in lin_copies:
        c.wait()

    lane = lax.iota(jnp.int32, 16)
    padmask = lane < (_F - 16)
    zero = jnp.zeros((16,), jnp.float32)

    def row_body(r, carry):
        s0 = zero
        s1 = zero
        q0 = zero
        q1 = zero
        for f in range(_F):
            e0 = rows_v[r * _F + f, pl.ds(0, 16)]
            e1 = rows_v[r * _F + f, pl.ds(16, 16)]
            s0 = s0 + e0
            q0 = q0 + e0 * e0
            s1 = s1 + e1
            q1 = q1 + e1 * e1
        t = (s0 * s0 - q0) + (s1 * s1 - q1)
        l0 = plsc.load_gather(lin_v, [r * _FPAD + lane])
        l1 = plsc.load_gather(lin_v, [r * _FPAD + 16 + lane])
        l1 = jnp.where(padmask, l1, 0.0)
        tvals_v[r, :] = 0.5 * t + l0 + l1
        return carry

    lax.fori_loop(0, _BPW, row_body, 0)

    for g in range(_BPW // 16):
        rows16 = g * 16 + lane
        acc = zero
        for d in range(16):
            acc = acc + plsc.load_gather(
                tvals_v, [rows16, jnp.full((16,), d, jnp.int32)])
        out_v[pl.ds(g * 16, 16)] = acc

    pltpu.sync_copy(out_v, out_hbm.at[w])


_fm_kernel = functools.partial(
    pl.kernel,
    out_type=jax.ShapeDtypeStruct((_NW, _BPW), jnp.float32),
    mesh=plsc.VectorSubcoreMesh(core_axis_name="c", subcore_axis_name="s"),
    scratch_types=[
        pltpu.VMEM((_F, _CHUNK), jnp.int32),
        pltpu.VMEM((_FPAD, _CHUNK), jnp.int32),
        pltpu.VMEM((_BPW * _F, _D), jnp.float32),
        pltpu.VMEM((_BPW * _FPAD,), jnp.float32),
        pltpu.VMEM((_BPW, 16), jnp.float32),
        pltpu.VMEM((_BPW,), jnp.float32),
        pltpu.SemaphoreType.DMA,
        pltpu.SemaphoreType.DMA,
    ],
    compiler_params=pltpu.CompilerParams(
        needs_layout_passes=False, use_tc_tiling_on_sc=False),
)(_fm_body)


def kernel(x, emb_table, linear_table, bias):
    offsets = jnp.asarray(_OFFSETS)
    idx = x + offsets[None, :]
    idxp = jnp.concatenate([idx, idx[:, : _FPAD - _F]], axis=1)
    idx3 = idx.reshape(_NW, _F, _CHUNK)
    idxp3 = idxp.reshape(_NW, _FPAD, _CHUNK)
    lin_flat = linear_table.reshape(-1)
    out = _fm_kernel(idx3, idxp3, emb_table, lin_flat)
    return out.reshape(_B, 1) + bias

# --- scband reference (transcript-rebuilt; emitter-appended) ---
"""Pipeline reference for scband-factorization-machine-model-64372969832487 (READ-ONLY COPY).

The authoritative reference and input builder live on the scoring server;
editing this copy changes nothing except your own understanding.
"""

import jax, jax.numpy as jnp
import numpy as np

FIELD_DIMS = [100000] * 26
EMBED_DIM = 32
BATCH = 4096
NUM_FIELDS = len(FIELD_DIMS)
TOTAL_VOCAB = int(sum(FIELD_DIMS))
OFFSETS = jnp.asarray(np.concatenate(([0], np.cumsum(FIELD_DIMS)[:-1])).astype(np.int32))


def setup_inputs(seed: int = 0) -> dict:
    key = jax.random.key(seed)
    kx, ke, kl = jax.random.split(key, 3)
    x = jax.random.randint(kx, (BATCH, NUM_FIELDS), 0, FIELD_DIMS[0], dtype=jnp.int32)
    emb_table = jax.random.normal(ke, (TOTAL_VOCAB, EMBED_DIM), dtype=jnp.float32) * 0.01
    linear_table = jax.random.normal(kl, (TOTAL_VOCAB, 1), dtype=jnp.float32) * 0.01
    bias = jnp.zeros((1,), dtype=jnp.float32)
    return {"x": x, "emb_table": emb_table, "linear_table": linear_table, "bias": bias}


def reference(x, emb_table, linear_table, bias):
    # Per-field offset so each field indexes its own slice of the shared table
    idx = x + OFFSETS[None, :]  # [B, F]
    # FeaturesLinear: sum of per-field scalar weights + bias -> [B, 1]
    lin = jnp.sum(jnp.take(linear_table, idx, axis=0), axis=1) + bias
    # FactorizationMachine interaction term
    e = jnp.take(emb_table, idx, axis=0)          # [B, F, D]
    sum_of_emb = jnp.sum(e, axis=1)               # [B, D]
    sum_of_sq = jnp.sum(e * e, axis=1)            # [B, D]
    ix = 0.5 * jnp.sum(sum_of_emb * sum_of_emb - sum_of_sq, axis=1, keepdims=True)  # [B, 1]
    return lin + ix

if __name__ == "__main__":
    import jax
    _d = setup_inputs()
    print(jax.jit(kernel)(*tuple(_d.values())))

</pallas_src>

<mosaic_0001>
#map = affine_map<(d0, d1) -> (0, 0, 0)>
#map1 = affine_map<(d0, d1) -> (0, 0)>
#map2 = affine_map<(d0, d1) -> (0)>
module attributes {stable_mosaic.version = 14 : i64} {
  func.func @_fm_body(%arg0: i32, %arg1: i32, %arg2: memref<32x26x128xi32, #tpu.memory_space<hbm>>, %arg3: memref<32x32x128xi32, #tpu.memory_space<hbm>>, %arg4: memref<2600000x32xf32, #tpu.memory_space<hbm>>, %arg5: memref<2600000xf32, #tpu.memory_space<hbm>>, %arg6: memref<32x128xf32, #tpu.memory_space<hbm>>, %arg7: memref<26x128xi32, #tpu.memory_space<vmem>>, %arg8: memref<32x128xi32, #tpu.memory_space<vmem>>, %arg9: memref<3328x32xf32, #tpu.memory_space<vmem>>, %arg10: memref<4096xf32, #tpu.memory_space<vmem>>, %arg11: memref<128x16xf32, #tpu.memory_space<vmem>>, %arg12: memref<128xf32, #tpu.memory_space<vmem>>, %arg13: memref<!tpu.dma_semaphore, #tpu.memory_space<semaphore_mem>>, %arg14: memref<!tpu.dma_semaphore, #tpu.memory_space<semaphore_mem>>) attributes {dimension_semantics = [#tpu.dimension_semantics<core_parallel>, #tpu.dimension_semantics<subcore_parallel>], iteration_bounds = array<i64: 2, 16>, scalar_prefetch = 0 : i64, scratch_operands = 8 : i64, tpu.core_type = #tpu.core_type<sc_vector_subcore>, window_params = [{transform_indices = #map}, {transform_indices = #map}, {transform_indices = #map1}, {transform_indices = #map2}, {transform_indices = #map1}]} {
    %mul3A = arith.constant 2 : i32
    %mul3A_0 = arith.muli %arg1, %mul3A : i32
    %add3A = arith.addi %mul3A_0, %arg0 : i32
    "tpu.region"() ({
      %run_scoped3A = tpu.sem_alloc : memref<!tpu.dma_semaphore, #tpu.memory_space<semaphore_mem>>
      %dma_start3A_1589 = arith.constant 0 : i32
      %dma_start3A_1590 = arith.constant 0 : i32
      %dma_start3A_1591 = tpu.memref_slice %arg2[%add3A, %dma_start3A_1589, %dma_start3A_1590] : memref<32x26x128xi32, #tpu.memory_space<hbm>> -> memref<1x26x128xi32, #tpu.memory_space<hbm>>
      %dma_start3A_1592 = tpu.memref_squeeze %dma_start3A_1591 : memref<1x26x128xi32, #tpu.memory_space<hbm>> -> memref<26x128xi32, #tpu.memory_space<hbm>>
      %dma_start3A_1593 = arith.constant 0 : i32
      %dma_start3A_1594 = arith.constant 0 : i32
      %dma_start3A_1595 = tpu.memref_slice %arg2[%add3A, %dma_start3A_1593, %dma_start3A_1594] : memref<32x26x128xi32, #tpu.memory_space<hbm>> -> memref<1x26x128xi32, #tpu.memory_space<hbm>>
      %dma_start3A_1596 = tpu.memref_squeeze %dma_start3A_1595 : memref<1x26x128xi32, #tpu.memory_space<hbm>> -> memref<26x128xi32, #tpu.memory_space<hbm>>
      tpu.enqueue_dma source(%dma_start3A_1596 : memref<26x128xi32, #tpu.memory_space<hbm>>) target(%arg7 : memref<26x128xi32, #tpu.memory_space<vmem>>) target_semaphore(%run_scoped3A : memref<!tpu.dma_semaphore, #tpu.memory_space<semaphore_mem>>)
      %dma_wait3A_1597 = arith.constant 0 : i32
      %dma_wait3A_1598 = arith.constant 0 : i32
      %dma_wait3A_1599 = tpu.memref_slice %arg2[%add3A, %dma_wait3A_1597, %dma_wait3A_1598] : memref<32x26x128xi32, #tpu.memory_space<hbm>> -> memref<1x26x128xi32, #tpu.memory_space<hbm>>
      %dma_wait3A_1600 = tpu.memref_squeeze %dma_wait3A_1599 : memref<1x26x128xi32, #tpu.memory_space<hbm>> -> memref<26x128xi32, #tpu.memory_space<hbm>>
      %dma_wait3A_1601 = arith.constant 0 : i32
      %dma_wait3A_1602 = arith.constant 0 : i32
      %dma_wait3A_1603 = tpu.memref_slice %arg2[%add3A, %dma_wait3A_1601, %dma_wait3A_1602] : memref<32x26x128xi32, #tpu.memory_space<hbm>> -> memref<1x26x128xi32, #tpu.memory_space<hbm>>
      %dma_wait3A_1604 = tpu.memref_squeeze %dma_wait3A_1603 : memref<1x26x128xi32, #tpu.memory_space<hbm>> -> memref<26x128xi32, #tpu.memory_space<hbm>>
      tpu.wait_dma2 semaphore(%run_scoped3A : memref<!tpu.dma_semaphore, #tpu.memory_space<semaphore_mem>>) src(%dma_wait3A_1604 : memref<26x128xi32, #tpu.memory_space<hbm>>) dst(%arg7 : memref<26x128xi32, #tpu.memory_space<vmem>>)
      tpu.yield
    }) : () -> ()
    "tpu.region"() ({
      %run_scoped3A = tpu.sem_alloc : memref<!tpu.dma_semaphore, #tpu.memory_space<semaphore_mem>>
      %dma_start3A_1589 = arith.constant 0 : i32
      %dma_start3A_1590 = arith.constant 0 : i32
      %dma_start3A_1591 = tpu.memref_slice %arg3[%add3A, %dma_start3A_1589, %dma_start3A_1590] : memref<32x32x128xi32, #tpu.memory_space<hbm>> -> memref<1x32x128xi32, #tpu.memory_space<hbm>>
      %dma_start3A_1592 = tpu.memref_squeeze %dma_start3A_1591 : memref<1x32x128xi32, #tpu.memory_space<hbm>> -> memref<32x128xi32, #tpu.memory_space<hbm>>
      %dma_start3A_1593 = arith.constant 0 : i32
      %dma_start3A_1594 = arith.constant 0 : i32
      %dma_start3A_1595 = tpu.memref_slice %arg3[%add3A, %dma_start3A_1593, %dma_start3A_1594] : memref<32x32x128xi32, #tpu.memory_space<hbm>> -> memref<1x32x128xi32, #tpu.memory_space<hbm>>
      %dma_start3A_1596 = tpu.memref_squeeze %dma_start3A_1595 : memref<1x32x128xi32, #tpu.memory_space<hbm>> -> memref<32x128xi32, #tpu.memory_space<hbm>>
      tpu.enqueue_dma source(%dma_start3A_1596 : memref<32x128xi32, #tpu.memory_space<hbm>>) target(%arg8 : memref<32x128xi32, #tpu.memory_space<vmem>>) target_semaphore(%run_scoped3A : memref<!tpu.dma_semaphore, #tpu.memory_space<semaphore_mem>>)
      %dma_wait3A_1597 = arith.constant 0 : i32
      %dma_wait3A_1598 = arith.constant 0 : i32
      %dma_wait3A_1599 = tpu.memref_slice %arg3[%add3A, %dma_wait3A_1597, %dma_wait3A_1598] : memref<32x32x128xi32, #tpu.memory_space<hbm>> -> memref<1x32x128xi32, #tpu.memory_space<hbm>>
      %dma_wait3A_1600 = tpu.memref_squeeze %dma_wait3A_1599 : memref<1x32x128xi32, #tpu.memory_space<hbm>> -> memref<32x128xi32, #tpu.memory_space<hbm>>
      %dma_wait3A_1601 = arith.constant 0 : i32
      %dma_wait3A_1602 = arith.constant 0 : i32
      %dma_wait3A_1603 = tpu.memref_slice %arg3[%add3A, %dma_wait3A_1601, %dma_wait3A_1602] : memref<32x32x128xi32, #tpu.memory_space<hbm>> -> memref<1x32x128xi32, #tpu.memory_space<hbm>>
      %dma_wait3A_1604 = tpu.memref_squeeze %dma_wait3A_1603 : memref<1x32x128xi32, #tpu.memory_space<hbm>> -> memref<32x128xi32, #tpu.memory_space<hbm>>
      tpu.wait_dma2 semaphore(%run_scoped3A : memref<!tpu.dma_semaphore, #tpu.memory_space<semaphore_mem>>) src(%dma_wait3A_1604 : memref<32x128xi32, #tpu.memory_space<hbm>>) dst(%arg8 : memref<32x128xi32, #tpu.memory_space<vmem>>)
      tpu.yield
    }) : () -> ()
    %dma_start3A = arith.constant 0 : i32
    %dma_start3A_1 = arith.constant 0 : i32
    %dma_start3A_2 = arith.constant 0 : i32
    %dma_start3A_3 = tpu.memref_slice %arg9[%dma_start3A_1, %dma_start3A_2] : memref<3328x32xf32, #tpu.memory_space<vmem>> -> memref<128x32xf32, #tpu.memory_space<vmem>>
    %dma_start3A_4 = arith.constant 0 : i32
    %dma_start3A_5 = tpu.memref_slice %arg7[%dma_start3A, %dma_start3A_4] : memref<26x128xi32, #tpu.memory_space<vmem>> -> memref<1x128xi32, #tpu.memory_space<vmem>>
    %dma_start3A_6 = tpu.memref_squeeze %dma_start3A_5 : memref<1x128xi32, #tpu.memory_space<vmem>> -> memref<128xi32, #tpu.memory_space<vmem>>
    %dma_start3A_7 = arith.constant 0 : i32
    %dma_start3A_8 = arith.constant 0 : i32
    %dma_start3A_9 = tpu.memref_slice %arg4[%dma_start3A_7, %dma_start3A_8] : memref<2600000x32xf32, #tpu.memory_space<hbm>> -> memref<2600000x32xf32, #tpu.memory_space<hbm>>
    tpu.enqueue_indirect_dma source(%dma_start3A_9 : memref<2600000x32xf32, #tpu.memory_space<hbm>>) target(%dma_start3A_3 : memref<128x32xf32, #tpu.memory_space<vmem>>) offsets(%dma_start3A_6 : memref<128xi32, #tpu.memory_space<vmem>>) semaphore(%arg13 : memref<!tpu.dma_semaphore, #tpu.memory_space<semaphore_mem>>)
    %dma_start3A_10 = arith.constant 1 : i32
    %dma_start3A_11 = arith.constant 128 : i32
    %dma_start3A_12 = arith.constant 0 : i32
    %dma_start3A_13 = tpu.memref_slice %arg9[%dma_start3A_11, %dma_start3A_12] : memref<3328x32xf32, #tpu.memory_space<vmem>> -> memref<128x32xf32, #tpu.memory_space<vmem>>
    %dma_start3A_14 = arith.constant 0 : i32
    %dma_start3A_15 = tpu.memref_slice %arg7[%dma_start3A_10, %dma_start3A_14] : memref<26x128xi32, #tpu.memory_space<vmem>> -> memref<1x128xi32, #tpu.memory_space<vmem>>
    %dma_start3A_16 = tpu.memref_squeeze %dma_start3A_15 : memref<1x128xi32, #tpu.memory_space<vmem>> -> memref<128xi32, #tpu.memory_space<vmem>>
    %dma_start3A_17 = arith.constant 0 : i32
    %dma_start3A_18 = arith.constant 0 : i32
    %dma_start3A_19 = tpu.memref_slice %arg4[%dma_start3A_17, %dma_start3A_18] : memref<2600000x32xf32, #tpu.memory_space<hbm>> -> memref<2600000x32xf32, #tpu.memory_space<hbm>>
    tpu.enqueue_indirect_dma source(%dma_start3A_19 : memref<2600000x32xf32, #tpu.memory_space<hbm>>) target(%dma_start3A_13 : memref<128x32xf32, #tpu.memory_space<vmem>>) offsets(%dma_start3A_16 : memref<128xi32, #tpu.memory_space<vmem>>) semaphore(%arg13 : memref<!tpu.dma_semaphore, #tpu.memory_space<semaphore_mem>>)
    %dma_start3A_20 = arith.constant 2 : i32
    %dma_start3A_21 = arith.constant 256 : i32
    %dma_start3A_22 = arith.constant 0 : i32
    %dma_start3A_23 = tpu.memref_slice %arg9[%dma_start3A_21, %dma_start3A_22] : memref<3328x32xf32, #tpu.memory_space<vmem>> -> memref<128x32xf32, #tpu.memory_space<vmem>>
    %dma_start3A_24 = arith.constant 0 : i32
    %dma_start3A_25 = tpu.memref_slice %arg7[%dma_start3A_20, %dma_start3A_24] : memref<26x128xi32, #tpu.memory_space<vmem>> -> memref<1x128xi32, #tpu.memory_space<vmem>>
    %dma_start3A_26 = tpu.memref_squeeze %dma_start3A_25 : memref<1x128xi32, #tpu.memory_space<vmem>> -> memref<128xi32, #tpu.memory_space<vmem>>
    %dma_start3A_27 = arith.constant 0 : i32
    %dma_start3A_28 = arith.constant 0 : i32
    %dma_start3A_29 = tpu.memref_slice %arg4[%dma_start3A_27, %dma_start3A_28] : memref<2600000x32xf32, #tpu.memory_space<hbm>> -> memref<2600000x32xf32, #tpu.memory_space<hbm>>
    tpu.enqueue_indirect_dma source(%dma_start3A_29 : memref<2600000x32xf32, #tpu.memory_space<hbm>>) target(%dma_start3A_23 : memref<128x32xf32, #tpu.memory_space<vmem>>) offsets(%dma_start3A_26 : memref<128xi32, #tpu.memory_space<vmem>>) semaphore(%arg13 : memref<!tpu.dma_semaphore, #tpu.memory_space<semaphore_mem>>)
    %dma_start3A_30 = arith.constant 3 : i32
    %dma_start3A_31 = arith.constant 384 : i32
    %dma_start3A_32 = arith.constant 0 : i32
    %dma_start3A_33 = tpu.memref_slice %arg9[%dma_start3A_31, %dma_start3A_32] : memref<3328x32xf32, #tpu.memory_space<vmem>> -> memref<128x32xf32, #tpu.memory_space<vmem>>
    %dma_start3A_34 = arith.constant 0 : i32
    %dma_start3A_35 = tpu.memref_slice %arg7[%dma_start3A_30, %dma_start3A_34] : memref<26x128xi32, #tpu.memory_space<vmem>> -> memref<1x128xi32, #tpu.memory_space<vmem>>
    %dma_start3A_36 = tpu.memref_squeeze %dma_start3A_35 : memref<1x128xi32, #tpu.memory_space<vmem>> -> memref<128xi32, #tpu.memory_space<vmem>>
    %dma_start3A_37 = arith.constant 0 : i32
    %dma_start3A_38 = arith.constant 0 : i32
    %dma_start3A_39 = tpu.memref_slice %arg4[%dma_start3A_37, %dma_start3A_38] : memref<2600000x32xf32, #tpu.memory_space<hbm>> -> memref<2600000x32xf32, #tpu.memory_space<hbm>>
    tpu.enqueue_indirect_dma source(%dma_start3A_39 : memref<2600000x32xf32, #tpu.memory_space<hbm>>) target(%dma_start3A_33 : memref<128x32xf32, #tpu.memory_space<vmem>>) offsets(%dma_start3A_36 : memref<128xi32, #tpu.memory_space<vmem>>) semaphore(%arg13 : memref<!tpu.dma_semaphore, #tpu.memory_space<semaphore_mem>>)
    %dma_start3A_40 = arith.constant 4 : i32
    %dma_start3A_41 = arith.constant 512 : i32
    %dma_start3A_42 = arith.constant 0 : i32
    %dma_start3A_43 = tpu.memref_slice %arg9[%dma_start3A_41, %dma_start3A_42] : memref<3328x32xf32, #tpu.memory_space<vmem>> -> memref<128x32xf32, #tpu.memory_space<vmem>>
    %dma_start3A_44 = arith.constant 0 : i32
    %dma_start3A_45 = tpu.memref_slice %arg7[%dma_start3A_40, %dma_start3A_44] : memref<26x128xi32, #tpu.memory_space<vmem>> -> memref<1x128xi32, #tpu.memory_space<vmem>>
    %dma_start3A_46 = tpu.memref_squeeze %dma_start3A_45 : memref<1x128xi32, #tpu.memory_space<vmem>> -> memref<128xi32, #tpu.memory_space<vmem>>
    %dma_start3A_47 = arith.constant 0 : i32
    %dma_start3A_48 = arith.constant 0 : i32
    %dma_start3A_49 = tpu.memref_slice %arg4[%dma_start3A_47, %dma_start3A_48] : memref<2600000x32xf32, #tpu.memory_space<hbm>> -> memref<2600000x32xf32, #tpu.memory_space<hbm>>
    tpu.enqueue_indirect_dma source(%dma_start3A_49 : memref<2600000x32xf32, #tpu.memory_space<hbm>>) target(%dma_start3A_43 : memref<128x32xf32, #tpu.memory_space<vmem>>) offsets(%dma_start3A_46 : memref<128xi32, #tpu.memory_space<vmem>>) semaphore(%arg13 : memref<!tpu.dma_semaphore, #tpu.memory_space<semaphore_mem>>)
    %dma_start3A_50 = arith.constant 5 : i32
    %dma_start3A_51 = arith.constant 640 : i32
    %dma_start3A_52 = arith.constant 0 : i32
    %dma_start3A_53 = tpu.memref_slice %arg9[%dma_start3A_51, %dma_start3A_52] : memref<3328x32xf32, #tpu.memory_space<vmem>> -> memref<128x32xf32, #tpu.memory_space<vmem>>
    %dma_start3A_54 = arith.constant 0 : i32
    %dma_start3A_55 = tpu.memref_slice %arg7[%dma_start3A_50, %dma_start3A_54] : memref<26x128xi32, #tpu.memory_space<vmem>> -> memref<1x128xi32, #tpu.memory_space<vmem>>
    %dma_start3A_56 = tpu.memref_squeeze %dma_start3A_55 : memref<1x128xi32, #tpu.memory_space<vmem>> -> memref<128xi32, #tpu.memory_space<vmem>>
    %dma_start3A_57 = arith.constant 0 : i32
    %dma_start3A_58 = arith.constant 0 : i32
    %dma_start3A_59 = tpu.memref_slice %arg4[%dma_start3A_57, %dma_start3A_58] : memref<2600000x32xf32, #tpu.memory_space<hbm>> -> memref<2600000x32xf32, #tpu.memory_space<hbm>>
    tpu.enqueue_indirect_dma source(%dma_start3A_59 : memref<2600000x32xf32, #tpu.memory_space<hbm>>) target(%dma_start3A_53 : memref<128x32xf32, #tpu.memory_space<vmem>>) offsets(%dma_start3A_56 : memref<128xi32, #tpu.memory_space<vmem>>) semaphore(%arg13 : memref<!tpu.dma_semaphore, #tpu.memory_space<semaphore_mem>>)
    %dma_start3A_60 = arith.constant 6 : i32
    %dma_start3A_61 = arith.constant 768 : i32
    %dma_start3A_62 = arith.constant 0 : i32
    %dma_start3A_63 = tpu.memref_slice %arg9[%dma_start3A_61, %dma_start3A_62] : memref<3328x32xf32, #tpu.memory_space<vmem>> -> memref<128x32xf32, #tpu.memory_space<vmem>>
    %dma_start3A_64 = arith.constant 0 : i32
    %dma_start3A_65 = tpu.memref_slice %arg7[%dma_start3A_60, %dma_start3A_64] : memref<26x128xi32, #tpu.memory_space<vmem>> -> memref<1x128xi32, #tpu.memory_space<vmem>>
    %dma_start3A_66 = tpu.memref_squeeze %dma_start3A_65 : memref<1x128xi32, #tpu.memory_space<vmem>> -> memref<128xi32, #tpu.memory_space<vmem>>
    %dma_start3A_67 = arith.constant 0 : i32
    %dma_start3A_68 = arith.constant 0 : i32
    %dma_start3A_69 = tpu.memref_slice %arg4[%dma_start3A_67, %dma_start3A_68] : memref<2600000x32xf32, #tpu.memory_space<hbm>> -> memref<2600000x32xf32, #tpu.memory_space<hbm>>
    tpu.enqueue_indirect_dma source(%dma_start3A_69 : memref<2600000x32xf32, #tpu.memory_space<hbm>>) target(%dma_start3A_63 : memref<128x32xf32, #tpu.memory_space<vmem>>) offsets(%dma_start3A_66 : memref<128xi32, #tpu.memory_space<vmem>>) semaphore(%arg13 : memref<!tpu.dma_semaphore, #tpu.memory_space<semaphore_mem>>)
    %dma_start3A_70 = arith.constant 7 : i32
    %dma_start3A_71 = arith.constant 896 : i32
    %dma_start3A_72 = arith.constant 0 : i32
    %dma_start3A_73 = tpu.memref_slice %arg9[%dma_start3A_71, %dma_start3A_72] : memref<3328x32xf32, #tpu.memory_space<vmem>> -> memref<128x32xf32, #tpu.memory_space<vmem>>
    %dma_start3A_74 = arith.constant 0 : i32
    %dma_start3A_75 = tpu.memref_slice %arg7[%dma_start3A_70, %dma_start3A_74] : memref<26x128xi32, #tpu.memory_space<vmem>> -> memref<1x128xi32, #tpu.memory_space<vmem>>
    %dma_start3A_76 = tpu.memref_squeeze %dma_start3A_75 : memref<1x128xi32, #tpu.memory_space<vmem>> -> memref<128xi32, #tpu.memory_space<vmem>>
    %dma_start3A_77 = arith.constant 0 : i32
    %dma_start3A_78 = arith.constant 0 : i32
    %dma_start3A_79 = tpu.memref_slice %arg4[%dma_start3A_77, %dma_start3A_78] : memref<2600000x32xf32, #tpu.memory_space<hbm>> -> memref<2600000x32xf32, #tpu.memory_space<hbm>>
    tpu.enqueue_indirect_dma source(%dma_start3A_79 : memref<2600000x32xf32, #tpu.memory_space<hbm>>) target(%dma_start3A_73 : memref<128x32xf32, #tpu.memory_space<vmem>>) offsets(%dma_start3A_76 : memref<128xi32, #tpu.memory_space<vmem>>) semaphore(%arg13 : memref<!tpu.dma_semaphore, #tpu.memory_space<semaphore_mem>>)
    %dma_start3A_80 = arith.constant 8 : i32
    %dma_start3A_81 = arith.constant 1024 : i32
    %dma_start3A_82 = arith.constant 0 : i32
    %dma_start3A_83 = tpu.memref_slice %arg9[%dma_start3A_81, %dma_start3A_82] : memref<3328x32xf32, #tpu.memory_space<vmem>> -> memref<128x32xf32, #tpu.memory_space<vmem>>
    %dma_start3A_84 = arith.constant 0 : i32
    %dma_start3A_85 = tpu.memref_slice %arg7[%dma_start3A_80, %dma_start3A_84] : memref<26x128xi32, #tpu.memory_space<vmem>> -> memref<1x128xi32, #tpu.memory_space<vmem>>
    %dma_start3A_86 = tpu.memref_squeeze %dma_start3A_85 : memref<1x128xi32, #tpu.memory_space<vmem>> -> memref<128xi32, #tpu.memory_space<vmem>>
    %dma_start3A_87 = arith.constant 0 : i32
    %dma_start3A_88 = arith.constant 0 : i32
    %dma_start3A_89 = tpu.memref_slice %arg4[%dma_start3A_87, %dma_start3A_88] : memref<2600000x32xf32, #tpu.memory_space<hbm>> -> memref<2600000x32xf32, #tpu.memory_space<hbm>>
    tpu.enqueue_indirect_dma source(%dma_start3A_89 : memref<2600000x32xf32, #tpu.memory_space<hbm>>) target(%dma_start3A_83 : memref<128x32xf32, #tpu.memory_space<vmem>>) offsets(%dma_start3A_86 : memref<128xi32, #tpu.memory_space<vmem>>) semaphore(%arg13 : memref<!tpu.dma_semaphore, #tpu.memory_space<semaphore_mem>>)
    %dma_start3A_90 = arith.constant 9 : i32
    %dma_start3A_91 = arith.constant 1152 : i32
    %dma_start3A_92 = arith.constant 0 : i32
    %dma_start3A_93 = tpu.memref_slice %arg9[%dma_start3A_91, %dma_start3A_92] : memref<3328x32xf32, #tpu.memory_space<vmem>> -> memref<128x32xf32, #tpu.memory_space<vmem>>
    %dma_start3A_94 = arith.constant 0 : i32
    %dma_start3A_95 = tpu.memref_slice %arg7[%dma_start3A_90, %dma_start3A_94] : memref<26x128xi32, #tpu.memory_space<vmem>> -> memref<1x128xi32, #tpu.memory_space<vmem>>
    %dma_start3A_96 = tpu.memref_squeeze %dma_start3A_95 : memref<1x128xi32, #tpu.memory_space<vmem>> -> memref<128xi32, #tpu.memory_space<vmem>>
    %dma_start3A_97 = arith.constant 0 : i32
    %dma_start3A_98 = arith.constant 0 : i32
    %dma_start3A_99 = tpu.memref_slice %arg4[%dma_start3A_97, %dma_start3A_98] : memref<2600000x32xf32, #tpu.memory_space<hbm>> -> memref<2600000x32xf32, #tpu.memory_space<hbm>>
    tpu.enqueue_indirect_dma source(%dma_start3A_99 : memref<2600000x32xf32, #tpu.memory_space<hbm>>) target(%dma_start3A_93 : memref<128x32xf32, #tpu.memory_space<vmem>>) offsets(%dma_start3A_96 : memref<128xi32, #tpu.memory_space<vmem>>) semaphore(%arg13 : memref<!tpu.dma_semaphore, #tpu.memory_space<semaphore_mem>>)
    %dma_start3A_100 = arith.constant 10 : i32
    %dma_start3A_101 = arith.constant 1280 : i32
    %dma_start3A_102 = arith.constant 0 : i32
    %dma_start3A_103 = tpu.memref_slice %arg9[%dma_start3A_101, %dma_start3A_102] : memref<3328x32xf32, #tpu.memory_space<vmem>> -> memref<128x32xf32, #tpu.memory_space<vmem>>
    %dma_start3A_104 = arith.constant 0 : i32
    %dma_start3A_105 = tpu.memref_slice %arg7[%dma_start3A_100, %dma_start3A_104] : memref<26x128xi32, #tpu.memory_space<vmem>> -> memref<1x128xi32, #tpu.memory_space<vmem>>
    %dma_start3A_106 = tpu.memref_squeeze %dma_start3A_105 : memref<1x128xi32, #tpu.memory_space<vmem>> -> memref<128xi32, #tpu.memory_space<vmem>>
    %dma_start3A_107 = arith.constant 0 : i32
    %dma_start3A_108 = arith.constant 0 : i32
    %dma_start3A_109 = tpu.memref_slice %arg4[%dma_start3A_107, %dma_start3A_108] : memref<2600000x32xf32, #tpu.memory_space<hbm>> -> memref<2600000x32xf32, #tpu.memory_space<hbm>>
    tpu.enqueue_indirect_dma source(%dma_start3A_109 : memref<2600000x32xf32, #tpu.memory_space<hbm>>) target(%dma_start3A_103 : memref<128x32xf32, #tpu.memory_space<vmem>>) offsets(%dma_start3A_106 : memref<128xi32, #tpu.memory_space<vmem>>) semaphore(%arg13 : memref<!tpu.dma_semaphore, #tpu.memory_space<semaphore_mem>>)
    %dma_start3A_110 = arith.constant 11 : i32
    %dma_start3A_111 = arith.constant 1408 : i32
    %dma_start3A_112 = arith.constant 0 : i32
    %dma_start3A_113 = tpu.memref_slice %arg9[%dma_start3A_111, %dma_start3A_112] : memref<3328x32xf32, #tpu.memory_space<vmem>> -> memref<128x32xf32, #tpu.memory_space<vmem>>
    %dma_start3A_114 = arith.constant 0 : i32
    %dma_start3A_115 = tpu.memref_slice %arg7[%dma_start3A_110, %dma_start3A_114] : memref<26x128xi32, #tpu.memory_space<vmem>> -> memref<1x128xi32, #tpu.memory_space<vmem>>
    %dma_start3A_116 = tpu.memref_squeeze %dma_start3A_115 : memref<1x128xi32, #tpu.memory_space<vmem>> -> memref<128xi32, #tpu.memory_space<vmem>>
    %dma_start3A_117 = arith.constant 0 : i32
    %dma_start3A_118 = arith.constant 0 : i32
    %dma_start3A_119 = tpu.memref_slice %arg4[%dma_start3A_117, %dma_start3A_118] : memref<2600000x32xf32, #tpu.memory_space<hbm>> -> memref<2600000x32xf32, #tpu.memory_space<hbm>>
    tpu.enqueue_indirect_dma source(%dma_start3A_119 : memref<2600000x32xf32, #tpu.memory_space<hbm>>) target(%dma_start3A_113 : memref<128x32xf32, #tpu.memory_space<vmem>>) offsets(%dma_start3A_116 : memref<128xi32, #tpu.memory_space<vmem>>) semaphore(%arg13 : memref<!tpu.dma_semaphore, #tpu.memory_space<semaphore_mem>>)
    %dma_start3A_120 = arith.constant 12 : i32
    %dma_start3A_121 = arith.constant 1536 : i32
    %dma_start3A_122 = arith.constant 0 : i32
    %dma_start3A_123 = tpu.memref_slice %arg9[%dma_start3A_121, %dma_start3A_122] : memref<3328x32xf32, #tpu.memory_space<vmem>> -> memref<128x32xf32, #tpu.memory_space<vmem>>
    %dma_start3A_124 = arith.constant 0 : i32
    %dma_start3A_125 = tpu.memref_slice %arg7[%dma_start3A_120, %dma_start3A_124] : memref<26x128xi32, #tpu.memory_space<vmem>> -> memref<1x128xi32, #tpu.memory_space<vmem>>
    %dma_start3A_126 = tpu.memref_squeeze %dma_start3A_125 : memref<1x128xi32, #tpu.memory_space<vmem>> -> memref<128xi32, #tpu.memory_space<vmem>>
    %dma_start3A_127 = arith.constant 0 : i32
    %dma_start3A_128 = arith.constant 0 : i32
    %dma_start3A_129 = tpu.memref_slice %arg4[%dma_start3A_127, %dma_start3A_128] : memref<2600000x32xf32, #tpu.memory_space<hbm>> -> memref<2600000x32xf32, #tpu.memory_space<hbm>>
    tpu.enqueue_indirect_dma source(%dma_start3A_129 : memref<2600000x32xf32, #tpu.memory_space<hbm>>) target(%dma_start3A_123 : memref<128x32xf32, #tpu.memory_space<vmem>>) offsets(%dma_start3A_126 : memref<128xi32, #tpu.memory_space<vmem>>) semaphore(%arg13 : memref<!tpu.dma_semaphore, #tpu.memory_space<semaphore_mem>>)
    %dma_start3A_130 = arith.constant 13 : i32
    %dma_start3A_131 = arith.constant 1664 : i32
    %dma_start3A_132 = arith.constant 0 : i32
    %dma_start3A_133 = tpu.memref_slice %arg9[%dma_start3A_131, %dma_start3A_132] : memref<3328x32xf32, #tpu.memory_space<vmem>> -> memref<128x32xf32, #tpu.memory_space<vmem>>
    %dma_start3A_134 = arith.constant 0 : i32
    %dma_start3A_135 = tpu.memref_slice %arg7[%dma_start3A_130, %dma_start3A_134] : memref<26x128xi32, #tpu.memory_space<vmem>> -> memref<1x128xi32, #tpu.memory_space<vmem>>
    %dma_start3A_136 = tpu.memref_squeeze %dma_start3A_135 : memref<1x128xi32, #tpu.memory_space<vmem>> -> memref<128xi32, #tpu.memory_space<vmem>>
    %dma_start3A_137 = arith.constant 0 : i32
    %dma_start3A_138 = arith.constant 0 : i32
    %dma_start3A_139 = tpu.memref_slice %arg4[%dma_start3A_137, %dma_start3A_138] : memref<2600000x32xf32, #tpu.memory_space<hbm>> -> memref<2600000x32xf32, #tpu.memory_space<hbm>>
    tpu.enqueue_indirect_dma source(%dma_start3A_139 : memref<2600000x32xf32, #tpu.memory_space<hbm>>) target(%dma_start3A_133 : memref<128x32xf32, #tpu.memory_space<vmem>>) offsets(%dma_start3A_136 : memref<128xi32, #tpu.memory_space<vmem>>) semaphore(%arg13 : memref<!tpu.dma_semaphore, #tpu.memory_space<semaphore_mem>>)
    %dma_start3A_140 = arith.constant 14 : i32
    %dma_start3A_141 = arith.constant 1792 : i32
    %dma_start3A_142 = arith.constant 0 : i32
    %dma_start3A_143 = tpu.memref_slice %arg9[%dma_start3A_141, %dma_start3A_142] : memref<3328x32xf32, #tpu.memory_space<vmem>> -> memref<128x32xf32, #tpu.memory_space<vmem>>
    %dma_start3A_144 = arith.constant 0 : i32
    %dma_start3A_145 = tpu.memref_slice %arg7[%dma_start3A_140, %dma_start3A_144] : memref<26x128xi32, #tpu.memory_space<vmem>> -> memref<1x128xi32, #tpu.memory_space<vmem>>
    %dma_start3A_146 = tpu.memref_squeeze %dma_start3A_145 : memref<1x128xi32, #tpu.memory_space<vmem>> -> memref<128xi32, #tpu.memory_space<vmem>>
    %dma_start3A_147 = arith.constant 0 : i32
    %dma_start3A_148 = arith.constant 0 : i32
    %dma_start3A_149 = tpu.memref_slice %arg4[%dma_start3A_147, %dma_start3A_148] : memref<2600000x32xf32, #tpu.memory_space<hbm>> -> memref<2600000x32xf32, #tpu.memory_space<hbm>>
    tpu.enqueue_indirect_dma source(%dma_start3A_149 : memref<2600000x32xf32, #tpu.memory_space<hbm>>) target(%dma_start3A_143 : memref<128x32xf32, #tpu.memory_space<vmem>>) offsets(%dma_start3A_146 : memref<128xi32, #tpu.memory_space<vmem>>) semaphore(%arg13 : memref<!tpu.dma_semaphore, #tpu.memory_space<semaphore_mem>>)
    %dma_start3A_150 = arith.constant 15 : i32
    %dma_start3A_151 = arith.constant 1920 : i32
    %dma_start3A_152 = arith.constant 0 : i32
    %dma_start3A_153 = tpu.memref_slice %arg9[%dma_start3A_151, %dma_start3A_152] : memref<3328x32xf32, #tpu.memory_space<vmem>> -> memref<128x32xf32, #tpu.memory_space<vmem>>
    %dma_start3A_154 = arith.constant 0 : i32
    %dma_start3A_155 = tpu.memref_slice %arg7[%dma_start3A_150, %dma_start3A_154] : memref<26x128xi32, #tpu.memory_space<vmem>> -> memref<1x128xi32, #tpu.memory_space<vmem>>
    %dma_start3A_156 = tpu.memref_squeeze %dma_start3A_155 : memref<1x128xi32, #tpu.memory_space<vmem>> -> memref<128xi32, #tpu.memory_space<vmem>>
    %dma_start3A_157 = arith.constant 0 : i32
    %dma_start3A_158 = arith.constant 0 : i32
    %dma_start3A_159 = tpu.memref_slice %arg4[%dma_start3A_157, %dma_start3A_158] : memref<2600000x32xf32, #tpu.memory_space<hbm>> -> memref<2600000x32xf32, #tpu.memory_space<hbm>>
    tpu.enqueue_indirect_dma source(%dma_start3A_159 : memref<2600000x32xf32, #tpu.memory_space<hbm>>) target(%dma_start3A_153 : memref<128x32xf32, #tpu.memory_space<vmem>>) offsets(%dma_start3A_156 : memref<128xi32, #tpu.memory_space<vmem>>) semaphore(%arg13 : memref<!tpu.dma_semaphore, #tpu.memory_space<semaphore_mem>>)
    %dma_start3A_160 = arith.constant 16 : i32
    %dma_start3A_161 = arith.constant 2048 : i32
    %dma_start3A_162 = arith.constant 0 : i32
    %dma_start3A_163 = tpu.memref_slice %arg9[%dma_start3A_161, %dma_start3A_162] : memref<3328x32xf32, #tpu.memory_space<vmem>> -> memref<128x32xf32, #tpu.memory_space<vmem>>
    %dma_start3A_164 = arith.constant 0 : i32
    %dma_start3A_165 = tpu.memref_slice %arg7[%dma_start3A_160, %dma_start3A_164] : memref<26x128xi32, #tpu.memory_space<vmem>> -> memref<1x128xi32, #tpu.memory_space<vmem>>
    %dma_start3A_166 = tpu.memref_squeeze %dma_start3A_165 : memref<1x128xi32, #tpu.memory_space<vmem>> -> memref<128xi32, #tpu.memory_space<vmem>>
    %dma_start3A_167 = arith.constant 0 : i32
    %dma_start3A_168 = arith.constant 0 : i32
    %dma_start3A_169 = tpu.memref_slice %arg4[%dma_start3A_167, %dma_start3A_168] : memref<2600000x32xf32, #tpu.memory_space<hbm>> -> memref<2600000x32xf32, #tpu.memory_space<hbm>>
    tpu.enqueue_indirect_dma source(%dma_start3A_169 : memref<2600000x32xf32, #tpu.memory_space<hbm>>) target(%dma_start3A_163 : memref<128x32xf32, #tpu.memory_space<vmem>>) offsets(%dma_start3A_166 : memref<128xi32, #tpu.memory_space<vmem>>) semaphore(%arg13 : memref<!tpu.dma_semaphore, #tpu.memory_space<semaphore_mem>>)
    %dma_start3A_170 = arith.constant 17 : i32
    %dma_start3A_171 = arith.constant 2176 : i32
    %dma_start3A_172 = arith.constant 0 : i32
    %dma_start3A_173 = tpu.memref_slice %arg9[%dma_start3A_171, %dma_start3A_172] : memref<3328x32xf32, #tpu.memory_space<vmem>> -> memref<128x32xf32, #tpu.memory_space<vmem>>
    %dma_start3A_174 = arith.constant 0 : i32
    %dma_start3A_175 = tpu.memref_slice %arg7[%dma_start3A_170, %dma_start3A_174] : memref<26x128xi32, #tpu.memory_space<vmem>> -> memref<1x128xi32, #tpu.memory_space<vmem>>
    %dma_start3A_176 = tpu.memref_squeeze %dma_start3A_175 : memref<1x128xi32, #tpu.memory_space<vmem>> -> memref<128xi32, #tpu.memory_space<vmem>>
    %dma_start3A_177 = arith.constant 0 : i32
    %dma_start3A_178 = arith.constant 0 : i32
    %dma_start3A_179 = tpu.memref_slice %arg4[%dma_start3A_177, %dma_start3A_178] : memref<2600000x32xf32, #tpu.memory_space<hbm>> -> memref<2600000x32xf32, #tpu.memory_space<hbm>>
    tpu.enqueue_indirect_dma source(%dma_start3A_179 : memref<2600000x32xf32, #tpu.memory_space<hbm>>) target(%dma_start3A_173 : memref<128x32xf32, #tpu.memory_space<vmem>>) offsets(%dma_start3A_176 : memref<128xi32, #tpu.memory_space<vmem>>) semaphore(%arg13 : memref<!tpu.dma_semaphore, #tpu.memory_space<semaphore_mem>>)
    %dma_start3A_180 = arith.constant 18 : i32
    %dma_start3A_181 = arith.constant 2304 : i32
    %dma_start3A_182 = arith.constant 0 : i32
    %dma_start3A_183 = tpu.memref_slice %arg9[%dma_start3A_181, %dma_start3A_182] : memref<3328x32xf32, #tpu.memory_space<vmem>> -> memref<128x32xf32, #tpu.memory_space<vmem>>
    %dma_start3A_184 = arith.constant 0 : i32
    %dma_start3A_185 = tpu.memref_slice %arg7[%dma_start3A_180, %dma_start3A_184] : memref<26x128xi32, #tpu.memory_space<vmem>> -> memref<1x128xi32, #tpu.memory_space<vmem>>
    %dma_start3A_186 = tpu.memref_squeeze %dma_start3A_185 : memref<1x128xi32, #tpu.memory_space<vmem>> -> memref<128xi32, #tpu.memory_space<vmem>>
    %dma_start3A_187 = arith.constant 0 : i32
    %dma_start3A_188 = arith.constant 0 : i32
    %dma_start3A_189 = tpu.memref_slice %arg4[%dma_start3A_187, %dma_start3A_188] : memref<2600000x32xf32, #tpu.memory_space<hbm>> -> memref<2600000x32xf32, #tpu.memory_space<hbm>>
    tpu.enqueue_indirect_dma source(%dma_start3A_189 : memref<2600000x32xf32, #tpu.memory_space<hbm>>) target(%dma_start3A_183 : memref<128x32xf32, #tpu.memory_space<vmem>>) offsets(%dma_start3A_186 : memref<128xi32, #tpu.memory_space<vmem>>) semaphore(%arg13 : memref<!tpu.dma_semaphore, #tpu.memory_space<semaphore_mem>>)
    %dma_start3A_190 = arith.constant 19 : i32
    %dma_start3A_191 = arith.constant 2432 : i32
    %dma_start3A_192 = arith.constant 0 : i32
    %dma_start3A_193 = tpu.memref_slice %arg9[%dma_start3A_191, %dma_start3A_192] : memref<3328x32xf32, #tpu.memory_space<vmem>> -> memref<128x32xf32, #tpu.memory_space<vmem>>
    %dma_start3A_194 = arith.constant 0 : i32
    %dma_start3A_195 = tpu.memref_slice %arg7[%dma_start3A_190, %dma_start3A_194] : memref<26x128xi32, #tpu.memory_space<vmem>> -> memref<1x128xi32, #tpu.memory_space<vmem>>
    %dma_start3A_196 = tpu.memref_squeeze %dma_start3A_195 : memref<1x128xi32, #tpu.memory_space<vmem>> -> memref<128xi32, #tpu.memory_space<vmem>>
    %dma_start3A_197 = arith.constant 0 : i32
    %dma_start3A_198 = arith.constant 0 : i32
    %dma_start3A_199 = tpu.memref_slice %arg4[%dma_start3A_197, %dma_start3A_198] : memref<2600000x32xf32, #tpu.memory_space<hbm>> -> memref<2600000x32xf32, #tpu.memory_space<hbm>>
    tpu.enqueue_indirect_dma source(%dma_start3A_199 : memref<2600000x32xf32, #tpu.memory_space<hbm>>) target(%dma_start3A_193 : memref<128x32xf32, #tpu.memory_space<vmem>>) offsets(%dma_start3A_196 : memref<128xi32, #tpu.memory_space<vmem>>) semaphore(%arg13 : memref<!tpu.dma_semaphore, #tpu.memory_space<semaphore_mem>>)
    %dma_start3A_200 = arith.constant 20 : i32
    %dma_start3A_201 = arith.constant 2560 : i32
    %dma_start3A_202 = arith.constant 0 : i32
    %dma_start3A_203 = tpu.memref_slice %arg9[%dma_start3A_201, %dma_start3A_202] : memref<3328x32xf32, #tpu.memory_space<vmem>> -> memref<128x32xf32, #tpu.memory_space<vmem>>
    %dma_start3A_204 = arith.constant 0 : i32
    %dma_start3A_205 = tpu.memref_slice %arg7[%dma_start3A_200, %dma_start3A_204] : memref<26x128xi32, #tpu.memory_space<vmem>> -> memref<1x128xi32, #tpu.memory_space<vmem>>
    %dma_start3A_206 = tpu.memref_squeeze %dma_start3A_205 : memref<1x128xi32, #tpu.memory_space<vmem>> -> memref<128xi32, #tpu.memory_space<vmem>>
    %dma_start3A_207 = arith.constant 0 : i32
    %dma_start3A_208 = arith.constant 0 : i32
    %dma_start3A_209 = tpu.memref_slice %arg4[%dma_start3A_207, %dma_start3A_208] : memref<2600000x32xf32, #tpu.memory_space<hbm>> -> memref<2600000x32xf32, #tpu.memory_space<hbm>>
    tpu.enqueue_indirect_dma source(%dma_start3A_209 : memref<2600000x32xf32, #tpu.memory_space<hbm>>) target(%dma_start3A_203 : memref<128x32xf32, #tpu.memory_space<vmem>>) offsets(%dma_start3A_206 : memref<128xi32, #tpu.memory_space<vmem>>) semaphore(%arg13 : memref<!tpu.dma_semaphore, #tpu.memory_space<semaphore_mem>>)
    %dma_start3A_210 = arith.constant 21 : i32
    %dma_start3A_211 = arith.constant 2688 : i32
    %dma_start3A_212 = arith.constant 0 : i32
    %dma_start3A_213 = tpu.memref_slice %arg9[%dma_start3A_211, %dma_start3A_212] : memref<3328x32xf32, #tpu.memory_space<vmem>> -> memref<128x32xf32, #tpu.memory_space<vmem>>
    %dma_start3A_214 = arith.constant 0 : i32
    %dma_start3A_215 = tpu.memref_slice %arg7[%dma_start3A_210, %dma_start3A_214] : memref<26x128xi32, #tpu.memory_space<vmem>> -> memref<1x128xi32, #tpu.memory_space<vmem>>
    %dma_start3A_216 = tpu.memref_squeeze %dma_start3A_215 : memref<1x128xi32, #tpu.memory_space<vmem>> -> memref<128xi32, #tpu.memory_space<vmem>>
    %dma_start3A_217 = arith.constant 0 : i32
    %dma_start3A_218 = arith.constant 0 : i32
    %dma_start3A_219 = tpu.memref_slice %arg4[%dma_start3A_217, %dma_start3A_218] : memref<2600000x32xf32, #tpu.memory_space<hbm>> -> memref<2600000x32xf32, #tpu.memory_space<hbm>>
    tpu.enqueue_indirect_dma source(%dma_start3A_219 : memref<2600000x32xf32, #tpu.memory_space<hbm>>) target(%dma_start3A_213 : memref<128x32xf32, #tpu.memory_space<vmem>>) offsets(%dma_start3A_216 : memref<128xi32, #tpu.memory_space<vmem>>) semaphore(%arg13 : memref<!tpu.dma_semaphore, #tpu.memory_space<semaphore_mem>>)
    %dma_start3A_220 = arith.constant 22 : i32
    %dma_start3A_221 = arith.constant 2816 : i32
    %dma_start3A_222 = arith.constant 0 : i32
    %dma_start3A_223 = tpu.memref_slice %arg9[%dma_start3A_221, %dma_start3A_222] : memref<3328x32xf32, #tpu.memory_space<vmem>> -> memref<128x32xf32, #tpu.memory_space<vmem>>
    %dma_start3A_224 = arith.constant 0 : i32
    %dma_start3A_225 = tpu.memref_slice %arg7[%dma_start3A_220, %dma_start3A_224] : memref<26x128xi32, #tpu.memory_space<vmem>> -> memref<1x128xi32, #tpu.memory_space<vmem>>
    %dma_start3A_226 = tpu.memref_squeeze %dma_start3A_225 : memref<1x128xi32, #tpu.memory_space<vmem>> -> memref<128xi32, #tpu.memory_space<vmem>>
    %dma_start3A_227 = arith.constant 0 : i32
    %dma_start3A_228 = arith.constant 0 : i32
    %dma_start3A_229 = tpu.memref_slice %arg4[%dma_start3A_227, %dma_start3A_228] : memref<2600000x32xf32, #tpu.memory_space<hbm>> -> memref<2600000x32xf32, #tpu.memory_space<hbm>>
    tpu.enqueue_indirect_dma source(%dma_start3A_229 : memref<2600000x32xf32, #tpu.memory_space<hbm>>) target(%dma_start3A_223 : memref<128x32xf32, #tpu.memory_space<vmem>>) offsets(%dma_start3A_226 : memref<128xi32, #tpu.memory_space<vmem>>) semaphore(%arg13 : memref<!tpu.dma_semaphore, #tpu.memory_space<semaphore_mem>>)
    %dma_start3A_230 = arith.constant 23 : i32
    %dma_start3A_231 = arith.constant 2944 : i32
    %dma_start3A_232 = arith.constant 0 : i32
    %dma_start3A_233 = tpu.memref_slice %arg9[%dma_start3A_231, %dma_start3A_232] : memref<3328x32xf32, #tpu.memory_space<vmem>> -> memref<128x32xf32, #tpu.memory_space<vmem>>
    %dma_start3A_234 = arith.constant 0 : i32
    %dma_start3A_235 = tpu.memref_slice %arg7[%dma_start3A_230, %dma_start3A_234] : memref<26x128xi32, #tpu.memory_space<vmem>> -> memref<1x128xi32, #tpu.memory_space<vmem>>
    %dma_start3A_236 = tpu.memref_squeeze %dma_start3A_235 : memref<1x128xi32, #tpu.memory_space<vmem>> -> memref<128xi32, #tpu.memory_space<vmem>>
    %dma_start3A_237 = arith.constant 0 : i32
    %dma_start3A_238 = arith.constant 0 : i32
    %dma_start3A_239 = tpu.memref_slice %arg4[%dma_start3A_237, %dma_start3A_238] : memref<2600000x32xf32, #tpu.memory_space<hbm>> -> memref<2600000x32xf32, #tpu.memory_space<hbm>>
    tpu.enqueue_indirect_dma source(%dma_start3A_239 : memref<2600000x32xf32, #tpu.memory_space<hbm>>) target(%dma_start3A_233 : memref<128x32xf32, #tpu.memory_space<vmem>>) offsets(%dma_start3A_236 : memref<128xi32, #tpu.memory_space<vmem>>) semaphore(%arg13 : memref<!tpu.dma_semaphore, #tpu.memory_space<semaphore_mem>>)
    %dma_start3A_240 = arith.constant 24 : i32
    %dma_start3A_241 = arith.constant 3072 : i32
    %dma_start3A_242 = arith.constant 0 : i32
    %dma_start3A_243 = tpu.memref_slice %arg9[%dma_start3A_241, %dma_start3A_242] : memref<3328x32xf32, #tpu.memory_space<vmem>> -> memref<128x32xf32, #tpu.memory_space<vmem>>
    %dma_start3A_244 = arith.constant 0 : i32
    %dma_start3A_245 = tpu.memref_slice %arg7[%dma_start3A_240, %dma_start3A_244] : memref<26x128xi32, #tpu.memory_space<vmem>> -> memref<1x128xi32, #tpu.memory_space<vmem>>
    %dma_start3A_246 = tpu.memref_squeeze %dma_start3A_245 : memref<1x128xi32, #tpu.memory_space<vmem>> -> memref<128xi32, #tpu.memory_space<vmem>>
    %dma_start3A_247 = arith.constant 0 : i32
    %dma_start3A_248 = arith.constant 0 : i32
    %dma_start3A_249 = tpu.memref_slice %arg4[%dma_start3A_247, %dma_start3A_248] : memref<2600000x32xf32, #tpu.memory_space<hbm>> -> memref<2600000x32xf32, #tpu.memory_space<hbm>>
    tpu.enqueue_indirect_dma source(%dma_start3A_249 : memref<2600000x32xf32, #tpu.memory_space<hbm>>) target(%dma_start3A_243 : memref<128x32xf32, #tpu.memory_space<vmem>>) offsets(%dma_start3A_246 : memref<128xi32, #tpu.memory_space<vmem>>) semaphore(%arg13 : memref<!tpu.dma_semaphore, #tpu.memory_space<semaphore_mem>>)
    %dma_start3A_250 = arith.constant 25 : i32
    %dma_start3A_251 = arith.constant 3200 : i32
    %dma_start3A_252 = arith.constant 0 : i32
    %dma_start3A_253 = tpu.memref_slice %arg9[%dma_start3A_251, %dma_start3A_252] : memref<3328x32xf32, #tpu.memory_space<vmem>> -> memref<128x32xf32, #tpu.memory_space<vmem>>
    %dma_start3A_254 = arith.constant 0 : i32
    %dma_start3A_255 = tpu.memref_slice %arg7[%dma_start3A_250, %dma_start3A_254] : memref<26x128xi32, #tpu.memory_space<vmem>> -> memref<1x128xi32, #tpu.memory_space<vmem>>
    %dma_start3A_256 = tpu.memref_squeeze %dma_start3A_255 : memref<1x128xi32, #tpu.memory_space<vmem>> -> memref<128xi32, #tpu.memory_space<vmem>>
    %dma_start3A_257 = arith.constant 0 : i32
    %dma_start3A_258 = arith.constant 0 : i32
    %dma_start3A_259 = tpu.memref_slice %arg4[%dma_start3A_257, %dma_start3A_258] : memref<2600000x32xf32, #tpu.memory_space<hbm>> -> memref<2600000x32xf32, #tpu.memory_space<hbm>>
    tpu.enqueue_indirect_dma source(%dma_start3A_259 : memref<2600000x32xf32, #tpu.memory_space<hbm>>) target(%dma_start3A_253 : memref<128x32xf32, #tpu.memory_space<vmem>>) offsets(%dma_start3A_256 : memref<128xi32, #tpu.memory_space<vmem>>) semaphore(%arg13 : memref<!tpu.dma_semaphore, #tpu.memory_space<semaphore_mem>>)
    %dma_start3A_260 = arith.constant 0 : i32
    %dma_start3A_261 = arith.constant 0 : i32
    %dma_start3A_262 = tpu.memref_slice %arg10[%dma_start3A_261] : memref<4096xf32, #tpu.memory_space<vmem>> -> memref<128xf32, #tpu.memory_space<vmem>>
    %dma_start3A_263 = arith.constant 0 : i32
    %dma_start3A_264 = tpu.memref_slice %arg8[%dma_start3A_260, %dma_start3A_263] : memref<32x128xi32, #tpu.memory_space<vmem>> -> memref<1x128xi32, #tpu.memory_space<vmem>>
    %dma_start3A_265 = tpu.memref_squeeze %dma_start3A_264 : memref<1x128xi32, #tpu.memory_space<vmem>> -> memref<128xi32, #tpu.memory_space<vmem>>
    %dma_start3A_266 = arith.constant 0 : i32
    %dma_start3A_267 = tpu.memref_slice %arg5[%dma_start3A_266] : memref<2600000xf32, #tpu.memory_space<hbm>> -> memref<2600000xf32, #tpu.memory_space<hbm>>
    tpu.enqueue_indirect_dma source(%dma_start3A_267 : memref<2600000xf32, #tpu.memory_space<hbm>>) target(%dma_start3A_262 : memref<128xf32, #tpu.memory_space<vmem>>) offsets(%dma_start3A_265 : memref<128xi32, #tpu.memory_space<vmem>>) semaphore(%arg14 : memref<!tpu.dma_semaphore, #tpu.memory_space<semaphore_mem>>)
    %dma_start3A_268 = arith.constant 1 : i32
    %dma_start3A_269 = arith.constant 128 : i32
    %dma_start3A_270 = tpu.memref_slice %arg10[%dma_start3A_269] : memref<4096xf32, #tpu.memory_space<vmem>> -> memref<128xf32, #tpu.memory_space<vmem>>
    %dma_start3A_271 = arith.constant 0 : i32
    %dma_start3A_272 = tpu.memref_slice %arg8[%dma_start3A_268, %dma_start3A_271] : memref<32x128xi32, #tpu.memory_space<vmem>> -> memref<1x128xi32, #tpu.memory_space<vmem>>
    %dma_start3A_273 = tpu.memref_squeeze %dma_start3A_272 : memref<1x128xi32, #tpu.memory_space<vmem>> -> memref<128xi32, #tpu.memory_space<vmem>>
    %dma_start3A_274 = arith.constant 0 : i32
    %dma_start3A_275 = tpu.memref_slice %arg5[%dma_start3A_274] : memref<2600000xf32, #tpu.memory_space<hbm>> -> memref<2600000xf32, #tpu.memory_space<hbm>>
    tpu.enqueue_indirect_dma source(%dma_start3A_275 : memref<2600000xf32, #tpu.memory_space<hbm>>) target(%dma_start3A_270 : memref<128xf32, #tpu.memory_space<vmem>>) offsets(%dma_start3A_273 : memref<128xi32, #tpu.memory_space<vmem>>) semaphore(%arg14 : memref<!tpu.dma_semaphore, #tpu.memory_space<semaphore_mem>>)
    %dma_start3A_276 = arith.constant 2 : i32
    %dma_start3A_277 = arith.constant 256 : i32
    %dma_start3A_278 = tpu.memref_slice %arg10[%dma_start3A_277] : memref<4096xf32, #tpu.memory_space<vmem>> -> memref<128xf32, #tpu.memory_space<vmem>>
    %dma_start3A_279 = arith.constant 0 : i32
    %dma_start3A_280 = tpu.memref_slice %arg8[%dma_start3A_276, %dma_start3A_279] : memref<32x128xi32, #tpu.memory_space<vmem>> -> memref<1x128xi32, #tpu.memory_space<vmem>>
    %dma_start3A_281 = tpu.memref_squeeze %dma_start3A_280 : memref<1x128xi32, #tpu.memory_space<vmem>> -> memref<128xi32, #tpu.memory_space<vmem>>
    %dma_start3A_282 = arith.constant 0 : i32
    %dma_start3A_283 = tpu.memref_slice %arg5[%dma_start3A_282] : memref<2600000xf32, #tpu.memory_space<hbm>> -> memref<2600000xf32, #tpu.memory_space<hbm>>
    tpu.enqueue_indirect_dma source(%dma_start3A_283 : memref<2600000xf32, #tpu.memory_space<hbm>>) target(%dma_start3A_278 : memref<128xf32, #tpu.memory_space<vmem>>) offsets(%dma_start3A_281 : memref<128xi32, #tpu.memory_space<vmem>>) semaphore(%arg14 : memref<!tpu.dma_semaphore, #tpu.memory_space<semaphore_mem>>)
    %dma_start3A_284 = arith.constant 3 : i32
    %dma_start3A_285 = arith.constant 384 : i32
    %dma_start3A_286 = tpu.memref_slice %arg10[%dma_start3A_285] : memref<4096xf32, #tpu.memory_space<vmem>> -> memref<128xf32, #tpu.memory_space<vmem>>
    %dma_start3A_287 = arith.constant 0 : i32
    %dma_start3A_288 = tpu.memref_slice %arg8[%dma_start3A_284, %dma_start3A_287] : memref<32x128xi32, #tpu.memory_space<vmem>> -> memref<1x128xi32, #tpu.memory_space<vmem>>
    %dma_start3A_289 = tpu.memref_squeeze %dma_start3A_288 : memref<1x128xi32, #tpu.memory_space<vmem>> -> memref<128xi32, #tpu.memory_space<vmem>>
    %dma_start3A_290 = arith.constant 0 : i32
    %dma_start3A_291 = tpu.memref_slice %arg5[%dma_start3A_290] : memref<2600000xf32, #tpu.memory_space<hbm>> -> memref<2600000xf32, #tpu.memory_space<hbm>>
    tpu.enqueue_indirect_dma source(%dma_start3A_291 : memref<2600000xf32, #tpu.memory_space<hbm>>) target(%dma_start3A_286 : memref<128xf32, #tpu.memory_space<vmem>>) offsets(%dma_start3A_289 : memref<128xi32, #tpu.memory_space<vmem>>) semaphore(%arg14 : memref<!tpu.dma_semaphore, #tpu.memory_space<semaphore_mem>>)
    %dma_start3A_292 = arith.constant 4 : i32
    %dma_start3A_293 = arith.constant 512 : i32
    %dma_start3A_294 = tpu.memref_slice %arg10[%dma_start3A_293] : memref<4096xf32, #tpu.memory_space<vmem>> -> memref<128xf32, #tpu.memory_space<vmem>>
    %dma_start3A_295 = arith.constant 0 : i32
    %dma_start3A_296 = tpu.memref_slice %arg8[%dma_start3A_292, %dma_start3A_295] : memref<32x128xi32, #tpu.memory_space<vmem>> -> memref<1x128xi32, #tpu.memory_space<vmem>>
    %dma_start3A_297 = tpu.memref_squeeze %dma_start3A_296 : memref<1x128xi32, #tpu.memory_space<vmem>> -> memref<128xi32, #tpu.memory_space<vmem>>
    %dma_start3A_298 = arith.constant 0 : i32
    %dma_start3A_299 = tpu.memref_slice %arg5[%dma_start3A_298] : memref<2600000xf32, #tpu.memory_space<hbm>> -> memref<2600000xf32, #tpu.memory_space<hbm>>
    tpu.enqueue_indirect_dma source(%dma_start3A_299 : memref<2600000xf32, #tpu.memory_space<hbm>>) target(%dma_start3A_294 : memref<128xf32, #tpu.memory_space<vmem>>) offsets(%dma_start3A_297 : memref<128xi32, #tpu.memory_space<vmem>>) semaphore(%arg14 : memref<!tpu.dma_semaphore, #tpu.memory_space<semaphore_mem>>)
    %dma_start3A_300 = arith.constant 5 : i32
    %dma_start3A_301 = arith.constant 640 : i32
    %dma_start3A_302 = tpu.memref_slice %arg10[%dma_start3A_301] : memref<4096xf32, #tpu.memory_space<vmem>> -> memref<128xf32, #tpu.memory_space<vmem>>
    %dma_start3A_303 = arith.constant 0 : i32
    %dma_start3A_304 = tpu.memref_slice %arg8[%dma_start3A_300, %dma_start3A_303] : memref<32x128xi32, #tpu.memory_space<vmem>> -> memref<1x128xi32, #tpu.memory_space<vmem>>
    %dma_start3A_305 = tpu.memref_squeeze %dma_start3A_304 : memref<1x128xi32, #tpu.memory_space<vmem>> -> memref<128xi32, #tpu.memory_space<vmem>>
    %dma_start3A_306 = arith.constant 0 : i32
    %dma_start3A_307 = tpu.memref_slice %arg5[%dma_start3A_306] : memref<2600000xf32, #tpu.memory_space<hbm>> -> memref<2600000xf32, #tpu.memory_space<hbm>>
    tpu.enqueue_indirect_dma source(%dma_start3A_307 : memref<2600000xf32, #tpu.memory_space<hbm>>) target(%dma_start3A_302 : memref<128xf32, #tpu.memory_space<vmem>>) offsets(%dma_start3A_305 : memref<128xi32, #tpu.memory_space<vmem>>) semaphore(%arg14 : memref<!tpu.dma_semaphore, #tpu.memory_space<semaphore_mem>>)
    %dma_start3A_308 = arith.constant 6 : i32
    %dma_start3A_309 = arith.constant 768 : i32
    %dma_start3A_310 = tpu.memref_slice %arg10[%dma_start3A_309] : memref<4096xf32, #tpu.memory_space<vmem>> -> memref<128xf32, #tpu.memory_space<vmem>>
    %dma_start3A_311 = arith.constant 0 : i32
    %dma_start3A_312 = tpu.memref_slice %arg8[%dma_start3A_308, %dma_start3A_311] : memref<32x128xi32, #tpu.memory_space<vmem>> -> memref<1x128xi32, #tpu.memory_space<vmem>>
    %dma_start3A_313 = tpu.memref_squeeze %dma_start3A_312 : memref<1x128xi32, #tpu.memory_space<vmem>> -> memref<128xi32, #tpu.memory_space<vmem>>
    %dma_start3A_314 = arith.constant 0 : i32
    %dma_start3A_315 = tpu.memref_slice %arg5[%dma_start3A_314] : memref<2600000xf32, #tpu.memory_space<hbm>> -> memref<2600000xf32, #tpu.memory_space<hbm>>
    tpu.enqueue_indirect_dma source(%dma_start3A_315 : memref<2600000xf32, #tpu.memory_space<hbm>>) target(%dma_start3A_310 : memref<128xf32, #tpu.memory_space<vmem>>) offsets(%dma_start3A_313 : memref<128xi32, #tpu.memory_space<vmem>>) semaphore(%arg14 : memref<!tpu.dma_semaphore, #tpu.memory_space<semaphore_mem>>)
    %dma_start3A_316 = arith.constant 7 : i32
    %dma_start3A_317 = arith.constant 896 : i32
    %dma_start3A_318 = tpu.memref_slice %arg10[%dma_start3A_317] : memref<4096xf32, #tpu.memory_space<vmem>> -> memref<128xf32, #tpu.memory_space<vmem>>
    %dma_start3A_319 = arith.constant 0 : i32
    %dma_start3A_320 = tpu.memref_slice %arg8[%dma_start3A_316, %dma_start3A_319] : memref<32x128xi32, #tpu.memory_space<vmem>> -> memref<1x128xi32, #tpu.memory_space<vmem>>
    %dma_start3A_321 = tpu.memref_squeeze %dma_start3A_320 : memref<1x128xi32, #tpu.memory_space<vmem>> -> memref<128xi32, #tpu.memory_space<vmem>>
    %dma_start3A_322 = arith.constant 0 : i32
    %dma_start3A_323 = tpu.memref_slice %arg5[%dma_start3A_322] : memref<2600000xf32, #tpu.memory_space<hbm>> -> memref<2600000xf32, #tpu.memory_space<hbm>>
    tpu.enqueue_indirect_dma source(%dma_start3A_323 : memref<2600000xf32, #tpu.memory_space<hbm>>) target(%dma_start3A_318 : memref<128xf32, #tpu.memory_space<vmem>>) offsets(%dma_start3A_321 : memref<128xi32, #tpu.memory_space<vmem>>) semaphore(%arg14 : memref<!tpu.dma_semaphore, #tpu.memory_space<semaphore_mem>>)
    %dma_start3A_324 = arith.constant 8 : i32
    %dma_start3A_325 = arith.constant 1024 : i32
    %dma_start3A_326 = tpu.memref_slice %arg10[%dma_start3A_325] : memref<4096xf32, #tpu.memory_space<vmem>> -> memref<128xf32, #tpu.memory_space<vmem>>
    %dma_start3A_327 = arith.constant 0 : i32
    %dma_start3A_328 = tpu.memref_slice %arg8[%dma_start3A_324, %dma_start3A_327] : memref<32x128xi32, #tpu.memory_space<vmem>> -> memref<1x128xi32, #tpu.memory_space<vmem>>
    %dma_start3A_329 = tpu.memref_squeeze %dma_start3A_328 : memref<1x128xi32, #tpu.memory_space<vmem>> -> memref<128xi32, #tpu.memory_space<vmem>>
    %dma_start3A_330 = arith.constant 0 : i32
    %dma_start3A_331 = tpu.memref_slice %arg5[%dma_start3A_330] : memref<2600000xf32, #tpu.memory_space<hbm>> -> memref<2600000xf32, #tpu.memory_space<hbm>>
    tpu.enqueue_indirect_dma source(%dma_start3A_331 : memref<2600000xf32, #tpu.memory_space<hbm>>) target(%dma_start3A_326 : memref<128xf32, #tpu.memory_space<vmem>>) offsets(%dma_start3A_329 : memref<128xi32, #tpu.memory_space<vmem>>) semaphore(%arg14 : memref<!tpu.dma_semaphore, #tpu.memory_space<semaphore_mem>>)
    %dma_start3A_332 = arith.constant 9 : i32
    %dma_start3A_333 = arith.constant 1152 : i32
    %dma_start3A_334 = tpu.memref_slice %arg10[%dma_start3A_333] : memref<4096xf32, #tpu.memory_space<vmem>> -> memref<128xf32, #tpu.memory_space<vmem>>
    %dma_start3A_335 = arith.constant 0 : i32
    %dma_start3A_336 = tpu.memref_slice %arg8[%dma_start3A_332, %dma_start3A_335] : memref<32x128xi32, #tpu.memory_space<vmem>> -> memref<1x128xi32, #tpu.memory_space<vmem>>
    %dma_start3A_337 = tpu.memref_squeeze %dma_start3A_336 : memref<1x128xi32, #tpu.memory_space<vmem>> -> memref<128xi32, #tpu.memory_space<vmem>>
    %dma_start3A_338 = arith.constant 0 : i32
    %dma_start3A_339 = tpu.memref_slice %arg5[%dma_start3A_338] : memref<2600000xf32, #tpu.memory_space<hbm>> -> memref<2600000xf32, #tpu.memory_space<hbm>>
    tpu.enqueue_indirect_dma source(%dma_start3A_339 : memref<2600000xf32, #tpu.memory_space<hbm>>) target(%dma_start3A_334 : memref<128xf32, #tpu.memory_space<vmem>>) offsets(%dma_start3A_337 : memref<128xi32, #tpu.memory_space<vmem>>) semaphore(%arg14 : memref<!tpu.dma_semaphore, #tpu.memory_space<semaphore_mem>>)
    %dma_start3A_340 = arith.constant 10 : i32
    %dma_start3A_341 = arith.constant 1280 : i32
    %dma_start3A_342 = tpu.memref_slice %arg10[%dma_start3A_341] : memref<4096xf32, #tpu.memory_space<vmem>> -> memref<128xf32, #tpu.memory_space<vmem>>
    %dma_start3A_343 = arith.constant 0 : i32
    %dma_start3A_344 = tpu.memref_slice %arg8[%dma_start3A_340, %dma_start3A_343] : memref<32x128xi32, #tpu.memory_space<vmem>> -> memref<1x128xi32, #tpu.memory_space<vmem>>
    %dma_start3A_345 = tpu.memref_squeeze %dma_start3A_344 : memref<1x128xi32, #tpu.memory_space<vmem>> -> memref<128xi32, #tpu.memory_space<vmem>>
    %dma_start3A_346 = arith.constant 0 : i32
    %dma_start3A_347 = tpu.memref_slice %arg5[%dma_start3A_346] : memref<2600000xf32, #tpu.memory_space<hbm>> -> memref<2600000xf32, #tpu.memory_space<hbm>>
    tpu.enqueue_indirect_dma source(%dma_start3A_347 : memref<2600000xf32, #tpu.memory_space<hbm>>) target(%dma_start3A_342 : memref<128xf32, #tpu.memory_space<vmem>>) offsets(%dma_start3A_345 : memref<128xi32, #tpu.memory_space<vmem>>) semaphore(%arg14 : memref<!tpu.dma_semaphore, #tpu.memory_space<semaphore_mem>>)
    %dma_start3A_348 = arith.constant 11 : i32
    %dma_start3A_349 = arith.constant 1408 : i32
    %dma_start3A_350 = tpu.memref_slice %arg10[%dma_start3A_349] : memref<4096xf32, #tpu.memory_space<vmem>> -> memref<128xf32, #tpu.memory_space<vmem>>
    %dma_start3A_351 = arith.constant 0 : i32
    %dma_start3A_352 = tpu.memref_slice %arg8[%dma_start3A_348, %dma_start3A_351] : memref<32x128xi32, #tpu.memory_space<vmem>> -> memref<1x128xi32, #tpu.memory_space<vmem>>
    %dma_start3A_353 = tpu.memref_squeeze %dma_start3A_352 : memref<1x128xi32, #tpu.memory_space<vmem>> -> memref<128xi32, #tpu.memory_space<vmem>>
    %dma_start3A_354 = arith.constant 0 : i32
    %dma_start3A_355 = tpu.memref_slice %arg5[%dma_start3A_354] : memref<2600000xf32, #tpu.memory_space<hbm>> -> memref<2600000xf32, #tpu.memory_space<hbm>>
    tpu.enqueue_indirect_dma source(%dma_start3A_355 : memref<2600000xf32, #tpu.memory_space<hbm>>) target(%dma_start3A_350 : memref<128xf32, #tpu.memory_space<vmem>>) offsets(%dma_start3A_353 : memref<128xi32, #tpu.memory_space<vmem>>) semaphore(%arg14 : memref<!tpu.dma_semaphore, #tpu.memory_space<semaphore_mem>>)
    %dma_start3A_356 = arith.constant 12 : i32
    %dma_start3A_357 = arith.constant 1536 : i32
    %dma_start3A_358 = tpu.memref_slice %arg10[%dma_start3A_357] : memref<4096xf32, #tpu.memory_space<vmem>> -> memref<128xf32, #tpu.memory_space<vmem>>
    %dma_start3A_359 = arith.constant 0 : i32
    %dma_start3A_360 = tpu.memref_slice %arg8[%dma_start3A_356, %dma_start3A_359] : memref<32x128xi32, #tpu.memory_space<vmem>> -> memref<1x128xi32, #tpu.memory_space<vmem>>
    %dma_start3A_361 = tpu.memref_squeeze %dma_start3A_360 : memref<1x128xi32, #tpu.memory_space<vmem>> -> memref<128xi32, #tpu.memory_space<vmem>>
    %dma_start3A_362 = arith.constant 0 : i32
    %dma_start3A_363 = tpu.memref_slice %arg5[%dma_start3A_362] : memref<2600000xf32, #tpu.memory_space<hbm>> -> memref<2600000xf32, #tpu.memory_space<hbm>>
    tpu.enqueue_indirect_dma source(%dma_start3A_363 : memref<2600000xf32, #tpu.memory_space<hbm>>) target(%dma_start3A_358 : memref<128xf32, #tpu.memory_space<vmem>>) offsets(%dma_start3A_361 : memref<128xi32, #tpu.memory_space<vmem>>) semaphore(%arg14 : memref<!tpu.dma_semaphore, #tpu.memory_space<semaphore_mem>>)
    %dma_start3A_364 = arith.constant 13 : i32
    %dma_start3A_365 = arith.constant 1664 : i32
    %dma_start3A_366 = tpu.memref_slice %arg10[%dma_start3A_365] : memref<4096xf32, #tpu.memory_space<vmem>> -> memref<128xf32, #tpu.memory_space<vmem>>
    %dma_start3A_367 = arith.constant 0 : i32
    %dma_start3A_368 = tpu.memref_slice %arg8[%dma_start3A_364, %dma_start3A_367] : memref<32x128xi32, #tpu.memory_space<vmem>> -> memref<1x128xi32, #tpu.memory_space<vmem>>
    %dma_start3A_369 = tpu.memref_squeeze %dma_start3A_368 : memref<1x128xi32, #tpu.memory_space<vmem>> -> memref<128xi32, #tpu.memory_space<vmem>>
    %dma_start3A_370 = arith.constant 0 : i32
    %dma_start3A_371 = tpu.memref_slice %arg5[%dma_start3A_370] : memref<2600000xf32, #tpu.memory_space<hbm>> -> memref<2600000xf32, #tpu.memory_space<hbm>>
    tpu.enqueue_indirect_dma source(%dma_start3A_371 : memref<2600000xf32, #tpu.memory_space<hbm>>) target(%dma_start3A_366 : memref<128xf32, #tpu.memory_space<vmem>>) offsets(%dma_start3A_369 : memref<128xi32, #tpu.memory_space<vmem>>) semaphore(%arg14 : memref<!tpu.dma_semaphore, #tpu.memory_space<semaphore_mem>>)
    %dma_start3A_372 = arith.constant 14 : i32
    %dma_start3A_373 = arith.constant 1792 : i32
    %dma_start3A_374 = tpu.memref_slice %arg10[%dma_start3A_373] : memref<4096xf32, #tpu.memory_space<vmem>> -> memref<128xf32, #tpu.memory_space<vmem>>
    %dma_start3A_375 = arith.constant 0 : i32
    %dma_start3A_376 = tpu.memref_slice %arg8[%dma_start3A_372, %dma_start3A_375] : memref<32x128xi32, #tpu.memory_space<vmem>> -> memref<1x128xi32, #tpu.memory_space<vmem>>
    %dma_start3A_377 = tpu.memref_squeeze %dma_start3A_376 : memref<1x128xi32, #tpu.memory_space<vmem>> -> memref<128xi32, #tpu.memory_space<vmem>>
    %dma_start3A_378 = arith.constant 0 : i32
    %dma_start3A_379 = tpu.memref_slice %arg5[%dma_start3A_378] : memref<2600000xf32, #tpu.memory_space<hbm>> -> memref<2600000xf32, #tpu.memory_space<hbm>>
    tpu.enqueue_indirect_dma source(%dma_start3A_379 : memref<2600000xf32, #tpu.memory_space<hbm>>) target(%dma_start3A_374 : memref<128xf32, #tpu.memory_space<vmem>>) offsets(%dma_start3A_377 : memref<128xi32, #tpu.memory_space<vmem>>) semaphore(%arg14 : memref<!tpu.dma_semaphore, #tpu.memory_space<semaphore_mem>>)
    %dma_start3A_380 = arith.constant 15 : i32
    %dma_start3A_381 = arith.constant 1920 : i32
    %dma_start3A_382 = tpu.memref_slice %arg10[%dma_start3A_381] : memref<4096xf32, #tpu.memory_space<vmem>> -> memref<128xf32, #tpu.memory_space<vmem>>
    %dma_start3A_383 = arith.constant 0 : i32
    %dma_start3A_384 = tpu.memref_slice %arg8[%dma_start3A_380, %dma_start3A_383] : memref<32x128xi32, #tpu.memory_space<vmem>> -> memref<1x128xi32, #tpu.memory_space<vmem>>
    %dma_start3A_385 = tpu.memref_squeeze %dma_start3A_384 : memref<1x128xi32, #tpu.memory_space<vmem>> -> memref<128xi32, #tpu.memory_space<vmem>>
    %dma_start3A_386 = arith.constant 0 : i32
    %dma_start3A_387 = tpu.memref_slice %arg5[%dma_start3A_386] : memref<2600000xf32, #tpu.memory_space<hbm>> -> memref<2600000xf32, #tpu.memory_space<hbm>>
    tpu.enqueue_indirect_dma source(%dma_start3A_387 : memref<2600000xf32, #tpu.memory_space<hbm>>) target(%dma_start3A_382 : memref<128xf32, #tpu.memory_space<vmem>>) offsets(%dma_start3A_385 : memref<128xi32, #tpu.memory_space<vmem>>) semaphore(%arg14 : memref<!tpu.dma_semaphore, #tpu.memory_space<semaphore_mem>>)
    %dma_start3A_388 = arith.constant 16 : i32
    %dma_start3A_389 = arith.constant 2048 : i32
    %dma_start3A_390 = tpu.memref_slice %arg10[%dma_start3A_389] : memref<4096xf32, #tpu.memory_space<vmem>> -> memref<128xf32, #tpu.memory_space<vmem>>
    %dma_start3A_391 = arith.constant 0 : i32
    %dma_start3A_392 = tpu.memref_slice %arg8[%dma_start3A_388, %dma_start3A_391] : memref<32x128xi32, #tpu.memory_space<vmem>> -> memref<1x128xi32, #tpu.memory_space<vmem>>
    %dma_start3A_393 = tpu.memref_squeeze %dma_start3A_392 : memref<1x128xi32, #tpu.memory_space<vmem>> -> memref<128xi32, #tpu.memory_space<vmem>>
    %dma_start3A_394 = arith.constant 0 : i32
    %dma_start3A_395 = tpu.memref_slice %arg5[%dma_start3A_394] : memref<2600000xf32, #tpu.memory_space<hbm>> -> memref<2600000xf32, #tpu.memory_space<hbm>>
    tpu.enqueue_indirect_dma source(%dma_start3A_395 : memref<2600000xf32, #tpu.memory_space<hbm>>) target(%dma_start3A_390 : memref<128xf32, #tpu.memory_space<vmem>>) offsets(%dma_start3A_393 : memref<128xi32, #tpu.memory_space<vmem>>) semaphore(%arg14 : memref<!tpu.dma_semaphore, #tpu.memory_space<semaphore_mem>>)
    %dma_start3A_396 = arith.constant 17 : i32
    %dma_start3A_397 = arith.constant 2176 : i32
    %dma_start3A_398 = tpu.memref_slice %arg10[%dma_start3A_397] : memref<4096xf32, #tpu.memory_space<vmem>> -> memref<128xf32, #tpu.memory_space<vmem>>
    %dma_start3A_399 = arith.constant 0 : i32
    %dma_start3A_400 = tpu.memref_slice %arg8[%dma_start3A_396, %dma_start3A_399] : memref<32x128xi32, #tpu.memory_space<vmem>> -> memref<1x128xi32, #tpu.memory_space<vmem>>
    %dma_start3A_401 = tpu.memref_squeeze %dma_start3A_400 : memref<1x128xi32, #tpu.memory_space<vmem>> -> memref<128xi32, #tpu.memory_space<vmem>>
    %dma_start3A_402 = arith.constant 0 : i32
    %dma_start3A_403 = tpu.memref_slice %arg5[%dma_start3A_402] : memref<2600000xf32, #tpu.memory_space<hbm>> -> memref<2600000xf32, #tpu.memory_space<hbm>>
    tpu.enqueue_indirect_dma source(%dma_start3A_403 : memref<2600000xf32, #tpu.memory_space<hbm>>) target(%dma_start3A_398 : memref<128xf32, #tpu.memory_space<vmem>>) offsets(%dma_start3A_401 : memref<128xi32, #tpu.memory_space<vmem>>) semaphore(%arg14 : memref<!tpu.dma_semaphore, #tpu.memory_space<semaphore_mem>>)
    %dma_start3A_404 = arith.constant 18 : i32
    %dma_start3A_405 = arith.constant 2304 : i32
    %dma_start3A_406 = tpu.memref_slice %arg10[%dma_start3A_405] : memref<4096xf32, #tpu.memory_space<vmem>> -> memref<128xf32, #tpu.memory_space<vmem>>
    %dma_start3A_407 = arith.constant 0 : i32
    %dma_start3A_408 = tpu.memref_slice %arg8[%dma_start3A_404, %dma_start3A_407] : memref<32x128xi32, #tpu.memory_space<vmem>> -> memref<1x128xi32, #tpu.memory_space<vmem>>
    %dma_start3A_409 = tpu.memref_squeeze %dma_start3A_408 : memref<1x128xi32, #tpu.memory_space<vmem>> -> memref<128xi32, #tpu.memory_space<vmem>>
    %dma_start3A_410 = arith.constant 0 : i32
    %dma_start3A_411 = tpu.memref_slice %arg5[%dma_start3A_410] : memref<2600000xf32, #tpu.memory_space<hbm>> -> memref<2600000xf32, #tpu.memory_space<hbm>>
    tpu.enqueue_indirect_dma source(%dma_start3A_411 : memref<2600000xf32, #tpu.memory_space<hbm>>) target(%dma_start3A_406 : memref<128xf32, #tpu.memory_space<vmem>>) offsets(%dma_start3A_409 : memref<128xi32, #tpu.memory_space<vmem>>) semaphore(%arg14 : memref<!tpu.dma_semaphore, #tpu.memory_space<semaphore_mem>>)
    %dma_start3A_412 = arith.constant 19 : i32
    %dma_start3A_413 = arith.constant 2432 : i32
    %dma_start3A_414 = tpu.memref_slice %arg10[%dma_start3A_413] : memref<4096xf32, #tpu.memory_space<vmem>> -> memref<128xf32, #tpu.memory_space<vmem>>
    %dma_start3A_415 = arith.constant 0 : i32
    %dma_start3A_416 = tpu.memref_slice %arg8[%dma_start3A_412, %dma_start3A_415] : memref<32x128xi32, #tpu.memory_space<vmem>> -> memref<1x128xi32, #tpu.memory_space<vmem>>
    %dma_start3A_417 = tpu.memref_squeeze %dma_start3A_416 : memref<1x128xi32, #tpu.memory_space<vmem>> -> memref<128xi32, #tpu.memory_space<vmem>>
    %dma_start3A_418 = arith.constant 0 : i32
    %dma_start3A_419 = tpu.memref_slice %arg5[%dma_start3A_418] : memref<2600000xf32, #tpu.memory_space<hbm>> -> memref<2600000xf32, #tpu.memory_space<hbm>>
    tpu.enqueue_indirect_dma source(%dma_start3A_419 : memref<2600000xf32, #tpu.memory_space<hbm>>) target(%dma_start3A_414 : memref<128xf32, #tpu.memory_space<vmem>>) offsets(%dma_start3A_417 : memref<128xi32, #tpu.memory_space<vmem>>) semaphore(%arg14 : memref<!tpu.dma_semaphore, #tpu.memory_space<semaphore_mem>>)
    %dma_start3A_420 = arith.constant 20 : i32
    %dma_start3A_421 = arith.constant 2560 : i32
    %dma_start3A_422 = tpu.memref_slice %arg10[%dma_start3A_421] : memref<4096xf32, #tpu.memory_space<vmem>> -> memref<128xf32, #tpu.memory_space<vmem>>
    %dma_start3A_423 = arith.constant 0 : i32
    %dma_start3A_424 = tpu.memref_slice %arg8[%dma_start3A_420, %dma_start3A_423] : memref<32x128xi32, #tpu.memory_space<vmem>> -> memref<1x128xi32, #tpu.memory_space<vmem>>
    %dma_start3A_425 = tpu.memref_squeeze %dma_start3A_424 : memref<1x128xi32, #tpu.memory_space<vmem>> -> memref<128xi32, #tpu.memory_space<vmem>>
    %dma_start3A_426 = arith.constant 0 : i32
    %dma_start3A_427 = tpu.memref_slice %arg5[%dma_start3A_426] : memref<2600000xf32, #tpu.memory_space<hbm>> -> memref<2600000xf32, #tpu.memory_space<hbm>>
    tpu.enqueue_indirect_dma source(%dma_start3A_427 : memref<2600000xf32, #tpu.memory_space<hbm>>) target(%dma_start3A_422 : memref<128xf32, #tpu.memory_space<vmem>>) offsets(%dma_start3A_425 : memref<128xi32, #tpu.memory_space<vmem>>) semaphore(%arg14 : memref<!tpu.dma_semaphore, #tpu.memory_space<semaphore_mem>>)
    %dma_start3A_428 = arith.constant 21 : i32
    %dma_start3A_429 = arith.constant 2688 : i32
    %dma_start3A_430 = tpu.memref_slice %arg10[%dma_start3A_429] : memref<4096xf32, #tpu.memory_space<vmem>> -> memref<128xf32, #tpu.memory_space<vmem>>
    %dma_start3A_431 = arith.constant 0 : i32
    %dma_start3A_432 = tpu.memref_slice %arg8[%dma_start3A_428, %dma_start3A_431] : memref<32x128xi32, #tpu.memory_space<vmem>> -> memref<1x128xi32, #tpu.memory_space<vmem>>
    %dma_start3A_433 = tpu.memref_squeeze %dma_start3A_432 : memref<1x128xi32, #tpu.memory_space<vmem>> -> memref<128xi32, #tpu.memory_space<vmem>>
    %dma_start3A_434 = arith.constant 0 : i32
    %dma_start3A_435 = tpu.memref_slice %arg5[%dma_start3A_434] : memref<2600000xf32, #tpu.memory_space<hbm>> -> memref<2600000xf32, #tpu.memory_space<hbm>>
    tpu.enqueue_indirect_dma source(%dma_start3A_435 : memref<2600000xf32, #tpu.memory_space<hbm>>) target(%dma_start3A_430 : memref<128xf32, #tpu.memory_space<vmem>>) offsets(%dma_start3A_433 : memref<128xi32, #tpu.memory_space<vmem>>) semaphore(%arg14 : memref<!tpu.dma_semaphore, #tpu.memory_space<semaphore_mem>>)
    %dma_start3A_436 = arith.constant 22 : i32
    %dma_start3A_437 = arith.constant 2816 : i32
    %dma_start3A_438 = tpu.memref_slice %arg10[%dma_start3A_437] : memref<4096xf32, #tpu.memory_space<vmem>> -> memref<128xf32, #tpu.memory_space<vmem>>
    %dma_start3A_439 = arith.constant 0 : i32
    %dma_start3A_440 = tpu.memref_slice %arg8[%dma_start3A_436, %dma_start3A_439] : memref<32x128xi32, #tpu.memory_space<vmem>> -> memref<1x128xi32, #tpu.memory_space<vmem>>
    %dma_start3A_441 = tpu.memref_squeeze %dma_start3A_440 : memref<1x128xi32, #tpu.memory_space<vmem>> -> memref<128xi32, #tpu.memory_space<vmem>>
    %dma_start3A_442 = arith.constant 0 : i32
    %dma_start3A_443 = tpu.memref_slice %arg5[%dma_start3A_442] : memref<2600000xf32, #tpu.memory_space<hbm>> -> memref<2600000xf32, #tpu.memory_space<hbm>>
    tpu.enqueue_indirect_dma source(%dma_start3A_443 : memref<2600000xf32, #tpu.memory_space<hbm>>) target(%dma_start3A_438 : memref<128xf32, #tpu.memory_space<vmem>>) offsets(%dma_start3A_441 : memref<128xi32, #tpu.memory_space<vmem>>) semaphore(%arg14 : memref<!tpu.dma_semaphore, #tpu.memory_space<semaphore_mem>>)
    %dma_start3A_444 = arith.constant 23 : i32
    %dma_start3A_445 = arith.constant 2944 : i32
    %dma_start3A_446 = tpu.memref_slice %arg10[%dma_start3A_445] : memref<4096xf32, #tpu.memory_space<vmem>> -> memref<128xf32, #tpu.memory_space<vmem>>
    %dma_start3A_447 = arith.constant 0 : i32
    %dma_start3A_448 = tpu.memref_slice %arg8[%dma_start3A_444, %dma_start3A_447] : memref<32x128xi32, #tpu.memory_space<vmem>> -> memref<1x128xi32, #tpu.memory_space<vmem>>
    %dma_start3A_449 = tpu.memref_squeeze %dma_start3A_448 : memref<1x128xi32, #tpu.memory_space<vmem>> -> memref<128xi32, #tpu.memory_space<vmem>>
    %dma_start3A_450 = arith.constant 0 : i32
    %dma_start3A_451 = tpu.memref_slice %arg5[%dma_start3A_450] : memref<2600000xf32, #tpu.memory_space<hbm>> -> memref<2600000xf32, #tpu.memory_space<hbm>>
    tpu.enqueue_indirect_dma source(%dma_start3A_451 : memref<2600000xf32, #tpu.memory_space<hbm>>) target(%dma_start3A_446 : memref<128xf32, #tpu.memory_space<vmem>>) offsets(%dma_start3A_449 : memref<128xi32, #tpu.memory_space<vmem>>) semaphore(%arg14 : memref<!tpu.dma_semaphore, #tpu.memory_space<semaphore_mem>>)
    %dma_start3A_452 = arith.constant 24 : i32
    %dma_start3A_453 = arith.constant 3072 : i32
    %dma_start3A_454 = tpu.memref_slice %arg10[%dma_start3A_453] : memref<4096xf32, #tpu.memory_space<vmem>> -> memref<128xf32, #tpu.memory_space<vmem>>
    %dma_start3A_455 = arith.constant 0 : i32
    %dma_start3A_456 = tpu.memref_slice %arg8[%dma_start3A_452, %dma_start3A_455] : memref<32x128xi32, #tpu.memory_space<vmem>> -> memref<1x128xi32, #tpu.memory_space<vmem>>
    %dma_start3A_457 = tpu.memref_squeeze %dma_start3A_456 : memref<1x128xi32, #tpu.memory_space<vmem>> -> memref<128xi32, #tpu.memory_space<vmem>>
    %dma_start3A_458 = arith.constant 0 : i32
    %dma_start3A_459 = tpu.memref_slice %arg5[%dma_start3A_458] : memref<2600000xf32, #tpu.memory_space<hbm>> -> memref<2600000xf32, #tpu.memory_space<hbm>>
    tpu.enqueue_indirect_dma source(%dma_start3A_459 : memref<2600000xf32, #tpu.memory_space<hbm>>) target(%dma_start3A_454 : memref<128xf32, #tpu.memory_space<vmem>>) offsets(%dma_start3A_457 : memref<128xi32, #tpu.memory_space<vmem>>) semaphore(%arg14 : memref<!tpu.dma_semaphore, #tpu.memory_space<semaphore_mem>>)
    %dma_start3A_460 = arith.constant 25 : i32
    %dma_start3A_461 = arith.constant 3200 : i32
    %dma_start3A_462 = tpu.memref_slice %arg10[%dma_start3A_461] : memref<4096xf32, #tpu.memory_space<vmem>> -> memref<128xf32, #tpu.memory_space<vmem>>
    %dma_start3A_463 = arith.constant 0 : i32
    %dma_start3A_464 = tpu.memref_slice %arg8[%dma_start3A_460, %dma_start3A_463] : memref<32x128xi32, #tpu.memory_space<vmem>> -> memref<1x128xi32, #tpu.memory_space<vmem>>
    %dma_start3A_465 = tpu.memref_squeeze %dma_start3A_464 : memref<1x128xi32, #tpu.memory_space<vmem>> -> memref<128xi32, #tpu.memory_space<vmem>>
    %dma_start3A_466 = arith.constant 0 : i32
    %dma_start3A_467 = tpu.memref_slice %arg5[%dma_start3A_466] : memref<2600000xf32, #tpu.memory_space<hbm>> -> memref<2600000xf32, #tpu.memory_space<hbm>>
    tpu.enqueue_indirect_dma source(%dma_start3A_467 : memref<2600000xf32, #tpu.memory_space<hbm>>) target(%dma_start3A_462 : memref<128xf32, #tpu.memory_space<vmem>>) offsets(%dma_start3A_465 : memref<128xi32, #tpu.memory_space<vmem>>) semaphore(%arg14 : memref<!tpu.dma_semaphore, #tpu.memory_space<semaphore_mem>>)
    %dma_start3A_468 = arith.constant 26 : i32
    %dma_start3A_469 = arith.constant 3328 : i32
    %dma_start3A_470 = tpu.memref_slice %arg10[%dma_start3A_469] : memref<4096xf32, #tpu.memory_space<vmem>> -> memref<128xf32, #tpu.memory_space<vmem>>
    %dma_start3A_471 = arith.constant 0 : i32
    %dma_start3A_472 = tpu.memref_slice %arg8[%dma_start3A_468, %dma_start3A_471] : memref<32x128xi32, #tpu.memory_space<vmem>> -> memref<1x128xi32, #tpu.memory_space<vmem>>
    %dma_start3A_473 = tpu.memref_squeeze %dma_start3A_472 : memref<1x128xi32, #tpu.memory_space<vmem>> -> memref<128xi32, #tpu.memory_space<vmem>>
    %dma_start3A_474 = arith.constant 0 : i32
    %dma_start3A_475 = tpu.memref_slice %arg5[%dma_start3A_474] : memref<2600000xf32, #tpu.memory_space<hbm>> -> memref<2600000xf32, #tpu.memory_space<hbm>>
    tpu.enqueue_indirect_dma source(%dma_start3A_475 : memref<2600000xf32, #tpu.memory_space<hbm>>) target(%dma_start3A_470 : memref<128xf32, #tpu.memory_space<vmem>>) offsets(%dma_start3A_473 : memref<128xi32, #tpu.memory_space<vmem>>) semaphore(%arg14 : memref<!tpu.dma_semaphore, #tpu.memory_space<semaphore_mem>>)
    %dma_start3A_476 = arith.constant 27 : i32
    %dma_start3A_477 = arith.constant 3456 : i32
    %dma_start3A_478 = tpu.memref_slice %arg10[%dma_start3A_477] : memref<4096xf32, #tpu.memory_space<vmem>> -> memref<128xf32, #tpu.memory_space<vmem>>
    %dma_start3A_479 = arith.constant 0 : i32
    %dma_start3A_480 = tpu.memref_slice %arg8[%dma_start3A_476, %dma_start3A_479] : memref<32x128xi32, #tpu.memory_space<vmem>> -> memref<1x128xi32, #tpu.memory_space<vmem>>
    %dma_start3A_481 = tpu.memref_squeeze %dma_start3A_480 : memref<1x128xi32, #tpu.memory_space<vmem>> -> memref<128xi32, #tpu.memory_space<vmem>>
    %dma_start3A_482 = arith.constant 0 : i32
    %dma_start3A_483 = tpu.memref_slice %arg5[%dma_start3A_482] : memref<2600000xf32, #tpu.memory_space<hbm>> -> memref<2600000xf32, #tpu.memory_space<hbm>>
    tpu.enqueue_indirect_dma source(%dma_start3A_483 : memref<2600000xf32, #tpu.memory_space<hbm>>) target(%dma_start3A_478 : memref<128xf32, #tpu.memory_space<vmem>>) offsets(%dma_start3A_481 : memref<128xi32, #tpu.memory_space<vmem>>) semaphore(%arg14 : memref<!tpu.dma_semaphore, #tpu.memory_space<semaphore_mem>>)
    %dma_start3A_484 = arith.constant 28 : i32
    %dma_start3A_485 = arith.constant 3584 : i32
    %dma_start3A_486 = tpu.memref_slice %arg10[%dma_start3A_485] : memref<4096xf32, #tpu.memory_space<vmem>> -> memref<128xf32, #tpu.memory_space<vmem>>
    %dma_start3A_487 = arith.constant 0 : i32
    %dma_start3A_488 = tpu.memref_slice %arg8[%dma_start3A_484, %dma_start3A_487] : memref<32x128xi32, #tpu.memory_space<vmem>> -> memref<1x128xi32, #tpu.memory_space<vmem>>
    %dma_start3A_489 = tpu.memref_squeeze %dma_start3A_488 : memref<1x128xi32, #tpu.memory_space<vmem>> -> memref<128xi32, #tpu.memory_space<vmem>>
    %dma_start3A_490 = arith.constant 0 : i32
    %dma_start3A_491 = tpu.memref_slice %arg5[%dma_start3A_490] : memref<2600000xf32, #tpu.memory_space<hbm>> -> memref<2600000xf32, #tpu.memory_space<hbm>>
    tpu.enqueue_indirect_dma source(%dma_start3A_491 : memref<2600000xf32, #tpu.memory_space<hbm>>) target(%dma_start3A_486 : memref<128xf32, #tpu.memory_space<vmem>>) offsets(%dma_start3A_489 : memref<128xi32, #tpu.memory_space<vmem>>) semaphore(%arg14 : memref<!tpu.dma_semaphore, #tpu.memory_space<semaphore_mem>>)
    %dma_start3A_492 = arith.constant 29 : i32
    %dma_start3A_493 = arith.constant 3712 : i32
    %dma_start3A_494 = tpu.memref_slice %arg10[%dma_start3A_493] : memref<4096xf32, #tpu.memory_space<vmem>> -> memref<128xf32, #tpu.memory_space<vmem>>
    %dma_start3A_495 = arith.constant 0 : i32
    %dma_start3A_496 = tpu.memref_slice %arg8[%dma_start3A_492, %dma_start3A_495] : memref<32x128xi32, #tpu.memory_space<vmem>> -> memref<1x128xi32, #tpu.memory_space<vmem>>
    %dma_start3A_497 = tpu.memref_squeeze %dma_start3A_496 : memref<1x128xi32, #tpu.memory_space<vmem>> -> memref<128xi32, #tpu.memory_space<vmem>>
    %dma_start3A_498 = arith.constant 0 : i32
    %dma_start3A_499 = tpu.memref_slice %arg5[%dma_start3A_498] : memref<2600000xf32, #tpu.memory_space<hbm>> -> memref<2600000xf32, #tpu.memory_space<hbm>>
    tpu.enqueue_indirect_dma source(%dma_start3A_499 : memref<2600000xf32, #tpu.memory_space<hbm>>) target(%dma_start3A_494 : memref<128xf32, #tpu.memory_space<vmem>>) offsets(%dma_start3A_497 : memref<128xi32, #tpu.memory_space<vmem>>) semaphore(%arg14 : memref<!tpu.dma_semaphore, #tpu.memory_space<semaphore_mem>>)
    %dma_start3A_500 = arith.constant 30 : i32
    %dma_start3A_501 = arith.constant 3840 : i32
    %dma_start3A_502 = tpu.memref_slice %arg10[%dma_start3A_501] : memref<4096xf32, #tpu.memory_space<vmem>> -> memref<128xf32, #tpu.memory_space<vmem>>
    %dma_start3A_503 = arith.constant 0 : i32
    %dma_start3A_504 = tpu.memref_slice %arg8[%dma_start3A_500, %dma_start3A_503] : memref<32x128xi32, #tpu.memory_space<vmem>> -> memref<1x128xi32, #tpu.memory_space<vmem>>
    %dma_start3A_505 = tpu.memref_squeeze %dma_start3A_504 : memref<1x128xi32, #tpu.memory_space<vmem>> -> memref<128xi32, #tpu.memory_space<vmem>>
    %dma_start3A_506 = arith.constant 0 : i32
    %dma_start3A_507 = tpu.memref_slice %arg5[%dma_start3A_506] : memref<2600000xf32, #tpu.memory_space<hbm>> -> memref<2600000xf32, #tpu.memory_space<hbm>>
    tpu.enqueue_indirect_dma source(%dma_start3A_507 : memref<2600000xf32, #tpu.memory_space<hbm>>) target(%dma_start3A_502 : memref<128xf32, #tpu.memory_space<vmem>>) offsets(%dma_start3A_505 : memref<128xi32, #tpu.memory_space<vmem>>) semaphore(%arg14 : memref<!tpu.dma_semaphore, #tpu.memory_space<semaphore_mem>>)
    %dma_start3A_508 = arith.constant 31 : i32
    %dma_start3A_509 = arith.constant 3968 : i32
    %dma_start3A_510 = tpu.memref_slice %arg10[%dma_start3A_509] : memref<4096xf32, #tpu.memory_space<vmem>> -> memref<128xf32, #tpu.memory_space<vmem>>
    %dma_start3A_511 = arith.constant 0 : i32
    %dma_start3A_512 = tpu.memref_slice %arg8[%dma_start3A_508, %dma_start3A_511] : memref<32x128xi32, #tpu.memory_space<vmem>> -> memref<1x128xi32, #tpu.memory_space<vmem>>
    %dma_start3A_513 = tpu.memref_squeeze %dma_start3A_512 : memref<1x128xi32, #tpu.memory_space<vmem>> -> memref<128xi32, #tpu.memory_space<vmem>>
    %dma_start3A_514 = arith.constant 0 : i32
    %dma_start3A_515 = tpu.memref_slice %arg5[%dma_start3A_514] : memref<2600000xf32, #tpu.memory_space<hbm>> -> memref<2600000xf32, #tpu.memory_space<hbm>>
    tpu.enqueue_indirect_dma source(%dma_start3A_515 : memref<2600000xf32, #tpu.memory_space<hbm>>) target(%dma_start3A_510 : memref<128xf32, #tpu.memory_space<vmem>>) offsets(%dma_start3A_513 : memref<128xi32, #tpu.memory_space<vmem>>) semaphore(%arg14 : memref<!tpu.dma_semaphore, #tpu.memory_space<semaphore_mem>>)
    %dma_wait3A = arith.constant 0 : i32
    %dma_wait3A_516 = arith.constant 0 : i32
    %dma_wait3A_517 = arith.constant 0 : i32
    %dma_wait3A_518 = tpu.memref_slice %arg9[%dma_wait3A_516, %dma_wait3A_517] : memref<3328x32xf32, #tpu.memory_space<vmem>> -> memref<128x32xf32, #tpu.memory_space<vmem>>
    %dma_wait3A_519 = arith.constant 0 : i32
    %dma_wait3A_520 = tpu.memref_slice %arg7[%dma_wait3A, %dma_wait3A_519] : memref<26x128xi32, #tpu.memory_space<vmem>> -> memref<1x128xi32, #tpu.memory_space<vmem>>
    %dma_wait3A_521 = tpu.memref_squeeze %dma_wait3A_520 : memref<1x128xi32, #tpu.memory_space<vmem>> -> memref<128xi32, #tpu.memory_space<vmem>>
    %dma_wait3A_522 = arith.constant 0 : i32
    %dma_wait3A_523 = arith.constant 0 : i32
    %dma_wait3A_524 = tpu.memref_slice %arg4[%dma_wait3A_522, %dma_wait3A_523] : memref<2600000x32xf32, #tpu.memory_space<hbm>> -> memref<2600000x32xf32, #tpu.memory_space<hbm>>
    tpu.wait_indirect_dma semaphore(%arg13 : memref<!tpu.dma_semaphore, #tpu.memory_space<semaphore_mem>>) src(%dma_wait3A_524 : memref<2600000x32xf32, #tpu.memory_space<hbm>>) dst(%dma_wait3A_518 : memref<128x32xf32, #tpu.memory_space<vmem>>)
    %dma_wait3A_525 = arith.constant 1 : i32
    %dma_wait3A_526 = arith.constant 128 : i32
    %dma_wait3A_527 = arith.constant 0 : i32
    %dma_wait3A_528 = tpu.memref_slice %arg9[%dma_wait3A_526, %dma_wait3A_527] : memref<3328x32xf32, #tpu.memory_space<vmem>> -> memref<128x32xf32, #tpu.memory_space<vmem>>
    %dma_wait3A_529 = arith.constant 0 : i32
    %dma_wait3A_530 = tpu.memref_slice %arg7[%dma_wait3A_525, %dma_wait3A_529] : memref<26x128xi32, #tpu.memory_space<vmem>> -> memref<1x128xi32, #tpu.memory_space<vmem>>
    %dma_wait3A_531 = tpu.memref_squeeze %dma_wait3A_530 : memref<1x128xi32, #tpu.memory_space<vmem>> -> memref<128xi32, #tpu.memory_space<vmem>>
    %dma_wait3A_532 = arith.constant 0 : i32
    %dma_wait3A_533 = arith.constant 0 : i32
    %dma_wait3A_534 = tpu.memref_slice %arg4[%dma_wait3A_532, %dma_wait3A_533] : memref<2600000x32xf32, #tpu.memory_space<hbm>> -> memref<2600000x32xf32, #tpu.memory_space<hbm>>
    tpu.wait_indirect_dma semaphore(%arg13 : memref<!tpu.dma_semaphore, #tpu.memory_space<semaphore_mem>>) src(%dma_wait3A_534 : memref<2600000x32xf32, #tpu.memory_space<hbm>>) dst(%dma_wait3A_528 : memref<128x32xf32, #tpu.memory_space<vmem>>)
    %dma_wait3A_535 = arith.constant 2 : i32
    %dma_wait3A_536 = arith.constant 256 : i32
    %dma_wait3A_537 = arith.constant 0 : i32
    %dma_wait3A_538 = tpu.memref_slice %arg9[%dma_wait3A_536, %dma_wait3A_537] : memref<3328x32xf32, #tpu.memory_space<vmem>> -> memref<128x32xf32, #tpu.memory_space<vmem>>
    %dma_wait3A_539 = arith.constant 0 : i32
    %dma_wait3A_540 = tpu.memref_slice %arg7[%dma_wait3A_535, %dma_wait3A_539] : memref<26x128xi32, #tpu.memory_space<vmem>> -> memref<1x128xi32, #tpu.memory_space<vmem>>
    %dma_wait3A_541 = tpu.memref_squeeze %dma_wait3A_540 : memref<1x128xi32, #tpu.memory_space<vmem>> -> memref<128xi32, #tpu.memory_space<vmem>>
    %dma_wait3A_542 = arith.constant 0 : i32
    %dma_wait3A_543 = arith.constant 0 : i32
    %dma_wait3A_544 = tpu.memref_slice %arg4[%dma_wait3A_542, %dma_wait3A_543] : memref<2600000x32xf32, #tpu.memory_space<hbm>> -> memref<2600000x32xf32, #tpu.memory_space<hbm>>
    tpu.wait_indirect_dma semaphore(%arg13 : memref<!tpu.dma_semaphore, #tpu.memory_space<semaphore_mem>>) src(%dma_wait3A_544 : memref<2600000x32xf32, #tpu.memory_space<hbm>>) dst(%dma_wait3A_538 : memref<128x32xf32, #tpu.memory_space<vmem>>)
    %dma_wait3A_545 = arith.constant 3 : i32
    %dma_wait3A_546 = arith.constant 384 : i32
    %dma_wait3A_547 = arith.constant 0 : i32
    %dma_wait3A_548 = tpu.memref_slice %arg9[%dma_wait3A_546, %dma_wait3A_547] : memref<3328x32xf32, #tpu.memory_space<vmem>> -> memref<128x32xf32, #tpu.memory_space<vmem>>
    %dma_wait3A_549 = arith.constant 0 : i32
    %dma_wait3A_550 = tpu.memref_slice %arg7[%dma_wait3A_545, %dma_wait3A_549] : memref<26x128xi32, #tpu.memory_space<vmem>> -> memref<1x128xi32, #tpu.memory_space<vmem>>
    %dma_wait3A_551 = tpu.memref_squeeze %dma_wait3A_550 : memref<1x128xi32, #tpu.memory_space<vmem>> -> memref<128xi32, #tpu.memory_space<vmem>>
    %dma_wait3A_552 = arith.constant 0 : i32
    %dma_wait3A_553 = arith.constant 0 : i32
    %dma_wait3A_554 = tpu.memref_slice %arg4[%dma_wait3A_552, %dma_wait3A_553] : memref<2600000x32xf32, #tpu.memory_space<hbm>> -> memref<2600000x32xf32, #tpu.memory_space<hbm>>
    tpu.wait_indirect_dma semaphore(%arg13 : memref<!tpu.dma_semaphore, #tpu.memory_space<semaphore_mem>>) src(%dma_wait3A_554 : memref<2600000x32xf32, #tpu.memory_space<hbm>>) dst(%dma_wait3A_548 : memref<128x32xf32, #tpu.memory_space<vmem>>)
    %dma_wait3A_555 = arith.constant 4 : i32
    %dma_wait3A_556 = arith.constant 512 : i32
    %dma_wait3A_557 = arith.constant 0 : i32
    %dma_wait3A_558 = tpu.memref_slice %arg9[%dma_wait3A_556, %dma_wait3A_557] : memref<3328x32xf32, #tpu.memory_space<vmem>> -> memref<128x32xf32, #tpu.memory_space<vmem>>
    %dma_wait3A_559 = arith.constant 0 : i32
    %dma_wait3A_560 = tpu.memref_slice %arg7[%dma_wait3A_555, %dma_wait3A_559] : memref<26x128xi32, #tpu.memory_space<vmem>> -> memref<1x128xi32, #tpu.memory_space<vmem>>
    %dma_wait3A_561 = tpu.memref_squeeze %dma_wait3A_560 : memref<1x128xi32, #tpu.memory_space<vmem>> -> memref<128xi32, #tpu.memory_space<vmem>>
    %dma_wait3A_562 = arith.constant 0 : i32
    %dma_wait3A_563 = arith.constant 0 : i32
    %dma_wait3A_564 = tpu.memref_slice %arg4[%dma_wait3A_562, %dma_wait3A_563] : memref<2600000x32xf32, #tpu.memory_space<hbm>> -> memref<2600000x32xf32, #tpu.memory_space<hbm>>
    tpu.wait_indirect_dma semaphore(%arg13 : memref<!tpu.dma_semaphore, #tpu.memory_space<semaphore_mem>>) src(%dma_wait3A_564 : memref<2600000x32xf32, #tpu.memory_space<hbm>>) dst(%dma_wait3A_558 : memref<128x32xf32, #tpu.memory_space<vmem>>)
    %dma_wait3A_565 = arith.constant 5 : i32
    %dma_wait3A_566 = arith.constant 640 : i32
    %dma_wait3A_567 = arith.constant 0 : i32
    %dma_wait3A_568 = tpu.memref_slice %arg9[%dma_wait3A_566, %dma_wait3A_567] : memref<3328x32xf32, #tpu.memory_space<vmem>> -> memref<128x32xf32, #tpu.memory_space<vmem>>
    %dma_wait3A_569 = arith.constant 0 : i32
    %dma_wait3A_570 = tpu.memref_slice %arg7[%dma_wait3A_565, %dma_wait3A_569] : memref<26x128xi32, #tpu.memory_space<vmem>> -> memref<1x128xi32, #tpu.memory_space<vmem>>
    %dma_wait3A_571 = tpu.memref_squeeze %dma_wait3A_570 : memref<1x128xi32, #tpu.memory_space<vmem>> -> memref<128xi32, #tpu.memory_space<vmem>>
    %dma_wait3A_572 = arith.constant 0 : i32
    %dma_wait3A_573 = arith.constant 0 : i32
    %dma_wait3A_574 = tpu.memref_slice %arg4[%dma_wait3A_572, %dma_wait3A_573] : memref<2600000x32xf32, #tpu.memory_space<hbm>> -> memref<2600000x32xf32, #tpu.memory_space<hbm>>
    tpu.wait_indirect_dma semaphore(%arg13 : memref<!tpu.dma_semaphore, #tpu.memory_space<semaphore_mem>>) src(%dma_wait3A_574 : memref<2600000x32xf32, #tpu.memory_space<hbm>>) dst(%dma_wait3A_568 : memref<128x32xf32, #tpu.memory_space<vmem>>)
    %dma_wait3A_575 = arith.constant 6 : i32
    %dma_wait3A_576 = arith.constant 768 : i32
    %dma_wait3A_577 = arith.constant 0 : i32
    %dma_wait3A_578 = tpu.memref_slice %arg9[%dma_wait3A_576, %dma_wait3A_577] : memref<3328x32xf32, #tpu.memory_space<vmem>> -> memref<128x32xf32, #tpu.memory_space<vmem>>
    %dma_wait3A_579 = arith.constant 0 : i32
    %dma_wait3A_580 = tpu.memref_slice %arg7[%dma_wait3A_575, %dma_wait3A_579] : memref<26x128xi32, #tpu.memory_space<vmem>> -> memref<1x128xi32, #tpu.memory_space<vmem>>
    %dma_wait3A_581 = tpu.memref_squeeze %dma_wait3A_580 : memref<1x128xi32, #tpu.memory_space<vmem>> -> memref<128xi32, #tpu.memory_space<vmem>>
    %dma_wait3A_582 = arith.constant 0 : i32
    %dma_wait3A_583 = arith.constant 0 : i32
    %dma_wait3A_584 = tpu.memref_slice %arg4[%dma_wait3A_582, %dma_wait3A_583] : memref<2600000x32xf32, #tpu.memory_space<hbm>> -> memref<2600000x32xf32, #tpu.memory_space<hbm>>
    tpu.wait_indirect_dma semaphore(%arg13 : memref<!tpu.dma_semaphore, #tpu.memory_space<semaphore_mem>>) src(%dma_wait3A_584 : memref<2600000x32xf32, #tpu.memory_space<hbm>>) dst(%dma_wait3A_578 : memref<128x32xf32, #tpu.memory_space<vmem>>)
    %dma_wait3A_585 = arith.constant 7 : i32
    %dma_wait3A_586 = arith.constant 896 : i32
    %dma_wait3A_587 = arith.constant 0 : i32
    %dma_wait3A_588 = tpu.memref_slice %arg9[%dma_wait3A_586, %dma_wait3A_587] : memref<3328x32xf32, #tpu.memory_space<vmem>> -> memref<128x32xf32, #tpu.memory_space<vmem>>
    %dma_wait3A_589 = arith.constant 0 : i32
    %dma_wait3A_590 = tpu.memref_slice %arg7[%dma_wait3A_585, %dma_wait3A_589] : memref<26x128xi32, #tpu.memory_space<vmem>> -> memref<1x128xi32, #tpu.memory_space<vmem>>
    %dma_wait3A_591 = tpu.memref_squeeze %dma_wait3A_590 : memref<1x128xi32, #tpu.memory_space<vmem>> -> memref<128xi32, #tpu.memory_space<vmem>>
    %dma_wait3A_592 = arith.constant 0 : i32
    %dma_wait3A_593 = arith.constant 0 : i32
    %dma_wait3A_594 = tpu.memref_slice %arg4[%dma_wait3A_592, %dma_wait3A_593] : memref<2600000x32xf32, #tpu.memory_space<hbm>> -> memref<2600000x32xf32, #tpu.memory_space<hbm>>
    tpu.wait_indirect_dma semaphore(%arg13 : memref<!tpu.dma_semaphore, #tpu.memory_space<semaphore_mem>>) src(%dma_wait3A_594 : memref<2600000x32xf32, #tpu.memory_space<hbm>>) dst(%dma_wait3A_588 : memref<128x32xf32, #tpu.memory_space<vmem>>)
    %dma_wait3A_595 = arith.constant 8 : i32
    %dma_wait3A_596 = arith.constant 1024 : i32
    %dma_wait3A_597 = arith.constant 0 : i32
    %dma_wait3A_598 = tpu.memref_slice %arg9[%dma_wait3A_596, %dma_wait3A_597] : memref<3328x32xf32, #tpu.memory_space<vmem>> -> memref<128x32xf32, #tpu.memory_space<vmem>>
    %dma_wait3A_599 = arith.constant 0 : i32
    %dma_wait3A_600 = tpu.memref_slice %arg7[%dma_wait3A_595, %dma_wait3A_599] : memref<26x128xi32, #tpu.memory_space<vmem>> -> memref<1x128xi32, #tpu.memory_space<vmem>>
    %dma_wait3A_601 = tpu.memref_squeeze %dma_wait3A_600 : memref<1x128xi32, #tpu.memory_space<vmem>> -> memref<128xi32, #tpu.memory_space<vmem>>
    %dma_wait3A_602 = arith.constant 0 : i32
    %dma_wait3A_603 = arith.constant 0 : i32
    %dma_wait3A_604 = tpu.memref_slice %arg4[%dma_wait3A_602, %dma_wait3A_603] : memref<2600000x32xf32, #tpu.memory_space<hbm>> -> memref<2600000x32xf32, #tpu.memory_space<hbm>>
    tpu.wait_indirect_dma semaphore(%arg13 : memref<!tpu.dma_semaphore, #tpu.memory_space<semaphore_mem>>) src(%dma_wait3A_604 : memref<2600000x32xf32, #tpu.memory_space<hbm>>) dst(%dma_wait3A_598 : memref<128x32xf32, #tpu.memory_space<vmem>>)
    %dma_wait3A_605 = arith.constant 9 : i32
    %dma_wait3A_606 = arith.constant 1152 : i32
    %dma_wait3A_607 = arith.constant 0 : i32
    %dma_wait3A_608 = tpu.memref_slice %arg9[%dma_wait3A_606, %dma_wait3A_607] : memref<3328x32xf32, #tpu.memory_space<vmem>> -> memref<128x32xf32, #tpu.memory_space<vmem>>
    %dma_wait3A_609 = arith.constant 0 : i32
    %dma_wait3A_610 = tpu.memref_slice %arg7[%dma_wait3A_605, %dma_wait3A_609] : memref<26x128xi32, #tpu.memory_space<vmem>> -> memref<1x128xi32, #tpu.memory_space<vmem>>
    %dma_wait3A_611 = tpu.memref_squeeze %dma_wait3A_610 : memref<1x128xi32, #tpu.memory_space<vmem>> -> memref<128xi32, #tpu.memory_space<vmem>>
    %dma_wait3A_612 = arith.constant 0 : i32
    %dma_wait3A_613 = arith.constant 0 : i32
    %dma_wait3A_614 = tpu.memref_slice %arg4[%dma_wait3A_612, %dma_wait3A_613] : memref<2600000x32xf32, #tpu.memory_space<hbm>> -> memref<2600000x32xf32, #tpu.memory_space<hbm>>
    tpu.wait_indirect_dma semaphore(%arg13 : memref<!tpu.dma_semaphore, #tpu.memory_space<semaphore_mem>>) src(%dma_wait3A_614 : memref<2600000x32xf32, #tpu.memory_space<hbm>>) dst(%dma_wait3A_608 : memref<128x32xf32, #tpu.memory_space<vmem>>)
    %dma_wait3A_615 = arith.constant 10 : i32
    %dma_wait3A_616 = arith.constant 1280 : i32
    %dma_wait3A_617 = arith.constant 0 : i32
    %dma_wait3A_618 = tpu.memref_slice %arg9[%dma_wait3A_616, %dma_wait3A_617] : memref<3328x32xf32, #tpu.memory_space<vmem>> -> memref<128x32xf32, #tpu.memory_space<vmem>>
    %dma_wait3A_619 = arith.constant 0 : i32
    %dma_wait3A_620 = tpu.memref_slice %arg7[%dma_wait3A_615, %dma_wait3A_619] : memref<26x128xi32, #tpu.memory_space<vmem>> -> memref<1x128xi32, #tpu.memory_space<vmem>>
    %dma_wait3A_621 = tpu.memref_squeeze %dma_wait3A_620 : memref<1x128xi32, #tpu.memory_space<vmem>> -> memref<128xi32, #tpu.memory_space<vmem>>
    %dma_wait3A_622 = arith.constant 0 : i32
    %dma_wait3A_623 = arith.constant 0 : i32
    %dma_wait3A_624 = tpu.memref_slice %arg4[%dma_wait3A_622, %dma_wait3A_623] : memref<2600000x32xf32, #tpu.memory_space<hbm>> -> memref<2600000x32xf32, #tpu.memory_space<hbm>>
    tpu.wait_indirect_dma semaphore(%arg13 : memref<!tpu.dma_semaphore, #tpu.memory_space<semaphore_mem>>) src(%dma_wait3A_624 : memref<2600000x32xf32, #tpu.memory_space<hbm>>) dst(%dma_wait3A_618 : memref<128x32xf32, #tpu.memory_space<vmem>>)
    %dma_wait3A_625 = arith.constant 11 : i32
    %dma_wait3A_626 = arith.constant 1408 : i32
    %dma_wait3A_627 = arith.constant 0 : i32
    %dma_wait3A_628 = tpu.memref_slice %arg9[%dma_wait3A_626, %dma_wait3A_627] : memref<3328x32xf32, #tpu.memory_space<vmem>> -> memref<128x32xf32, #tpu.memory_space<vmem>>
    %dma_wait3A_629 = arith.constant 0 : i32
    %dma_wait3A_630 = tpu.memref_slice %arg7[%dma_wait3A_625, %dma_wait3A_629] : memref<26x128xi32, #tpu.memory_space<vmem>> -> memref<1x128xi32, #tpu.memory_space<vmem>>
    %dma_wait3A_631 = tpu.memref_squeeze %dma_wait3A_630 : memref<1x128xi32, #tpu.memory_space<vmem>> -> memref<128xi32, #tpu.memory_space<vmem>>
    %dma_wait3A_632 = arith.constant 0 : i32
    %dma_wait3A_633 = arith.constant 0 : i32
    %dma_wait3A_634 = tpu.memref_slice %arg4[%dma_wait3A_632, %dma_wait3A_633] : memref<2600000x32xf32, #tpu.memory_space<hbm>> -> memref<2600000x32xf32, #tpu.memory_space<hbm>>
    tpu.wait_indirect_dma semaphore(%arg13 : memref<!tpu.dma_semaphore, #tpu.memory_space<semaphore_mem>>) src(%dma_wait3A_634 : memref<2600000x32xf32, #tpu.memory_space<hbm>>) dst(%dma_wait3A_628 : memref<128x32xf32, #tpu.memory_space<vmem>>)
    %dma_wait3A_635 = arith.constant 12 : i32
    %dma_wait3A_636 = arith.constant 1536 : i32
    %dma_wait3A_637 = arith.constant 0 : i32
    %dma_wait3A_638 = tpu.memref_slice %arg9[%dma_wait3A_636, %dma_wait3A_637] : memref<3328x32xf32, #tpu.memory_space<vmem>> -> memref<128x32xf32, #tpu.memory_space<vmem>>
    %dma_wait3A_639 = arith.constant 0 : i32
    %dma_wait3A_640 = tpu.memref_slice %arg7[%dma_wait3A_635, %dma_wait3A_639] : memref<26x128xi32, #tpu.memory_space<vmem>> -> memref<1x128xi32, #tpu.memory_space<vmem>>
    %dma_wait3A_641 = tpu.memref_squeeze %dma_wait3A_640 : memref<1x128xi32, #tpu.memory_space<vmem>> -> memref<128xi32, #tpu.memory_space<vmem>>
    %dma_wait3A_642 = arith.constant 0 : i32
    %dma_wait3A_643 = arith.constant 0 : i32
    %dma_wait3A_644 = tpu.memref_slice %arg4[%dma_wait3A_642, %dma_wait3A_643] : memref<2600000x32xf32, #tpu.memory_space<hbm>> -> memref<2600000x32xf32, #tpu.memory_space<hbm>>
    tpu.wait_indirect_dma semaphore(%arg13 : memref<!tpu.dma_semaphore, #tpu.memory_space<semaphore_mem>>) src(%dma_wait3A_644 : memref<2600000x32xf32, #tpu.memory_space<hbm>>) dst(%dma_wait3A_638 : memref<128x32xf32, #tpu.memory_space<vmem>>)
    %dma_wait3A_645 = arith.constant 13 : i32
    %dma_wait3A_646 = arith.constant 1664 : i32
    %dma_wait3A_647 = arith.constant 0 : i32
    %dma_wait3A_648 = tpu.memref_slice %arg9[%dma_wait3A_646, %dma_wait3A_647] : memref<3328x32xf32, #tpu.memory_space<vmem>> -> memref<128x32xf32, #tpu.memory_space<vmem>>
    %dma_wait3A_649 = arith.constant 0 : i32
    %dma_wait3A_650 = tpu.memref_slice %arg7[%dma_wait3A_645, %dma_wait3A_649] : memref<26x128xi32, #tpu.memory_space<vmem>> -> memref<1x128xi32, #tpu.memory_space<vmem>>
    %dma_wait3A_651 = tpu.memref_squeeze %dma_wait3A_650 : memref<1x128xi32, #tpu.memory_space<vmem>> -> memref<128xi32, #tpu.memory_space<vmem>>
    %dma_wait3A_652 = arith.constant 0 : i32
    %dma_wait3A_653 = arith.constant 0 : i32
    %dma_wait3A_654 = tpu.memref_slice %arg4[%dma_wait3A_652, %dma_wait3A_653] : memref<2600000x32xf32, #tpu.memory_space<hbm>> -> memref<2600000x32xf32, #tpu.memory_space<hbm>>
    tpu.wait_indirect_dma semaphore(%arg13 : memref<!tpu.dma_semaphore, #tpu.memory_space<semaphore_mem>>) src(%dma_wait3A_654 : memref<2600000x32xf32, #tpu.memory_space<hbm>>) dst(%dma_wait3A_648 : memref<128x32xf32, #tpu.memory_space<vmem>>)
    %dma_wait3A_655 = arith.constant 14 : i32
    %dma_wait3A_656 = arith.constant 1792 : i32
    %dma_wait3A_657 = arith.constant 0 : i32
    %dma_wait3A_658 = tpu.memref_slice %arg9[%dma_wait3A_656, %dma_wait3A_657] : memref<3328x32xf32, #tpu.memory_space<vmem>> -> memref<128x32xf32, #tpu.memory_space<vmem>>
    %dma_wait3A_659 = arith.constant 0 : i32
    %dma_wait3A_660 = tpu.memref_slice %arg7[%dma_wait3A_655, %dma_wait3A_659] : memref<26x128xi32, #tpu.memory_space<vmem>> -> memref<1x128xi32, #tpu.memory_space<vmem>>
    %dma_wait3A_661 = tpu.memref_squeeze %dma_wait3A_660 : memref<1x128xi32, #tpu.memory_space<vmem>> -> memref<128xi32, #tpu.memory_space<vmem>>
    %dma_wait3A_662 = arith.constant 0 : i32
    %dma_wait3A_663 = arith.constant 0 : i32
    %dma_wait3A_664 = tpu.memref_slice %arg4[%dma_wait3A_662, %dma_wait3A_663] : memref<2600000x32xf32, #tpu.memory_space<hbm>> -> memref<2600000x32xf32, #tpu.memory_space<hbm>>
    tpu.wait_indirect_dma semaphore(%arg13 : memref<!tpu.dma_semaphore, #tpu.memory_space<semaphore_mem>>) src(%dma_wait3A_664 : memref<2600000x32xf32, #tpu.memory_space<hbm>>) dst(%dma_wait3A_658 : memref<128x32xf32, #tpu.memory_space<vmem>>)
    %dma_wait3A_665 = arith.constant 15 : i32
    %dma_wait3A_666 = arith.constant 1920 : i32
    %dma_wait3A_667 = arith.constant 0 : i32
    %dma_wait3A_668 = tpu.memref_slice %arg9[%dma_wait3A_666, %dma_wait3A_667] : memref<3328x32xf32, #tpu.memory_space<vmem>> -> memref<128x32xf32, #tpu.memory_space<vmem>>
    %dma_wait3A_669 = arith.constant 0 : i32
    %dma_wait3A_670 = tpu.memref_slice %arg7[%dma_wait3A_665, %dma_wait3A_669] : memref<26x128xi32, #tpu.memory_space<vmem>> -> memref<1x128xi32, #tpu.memory_space<vmem>>
    %dma_wait3A_671 = tpu.memref_squeeze %dma_wait3A_670 : memref<1x128xi32, #tpu.memory_space<vmem>> -> memref<128xi32, #tpu.memory_space<vmem>>
    %dma_wait3A_672 = arith.constant 0 : i32
    %dma_wait3A_673 = arith.constant 0 : i32
    %dma_wait3A_674 = tpu.memref_slice %arg4[%dma_wait3A_672, %dma_wait3A_673] : memref<2600000x32xf32, #tpu.memory_space<hbm>> -> memref<2600000x32xf32, #tpu.memory_space<hbm>>
    tpu.wait_indirect_dma semaphore(%arg13 : memref<!tpu.dma_semaphore, #tpu.memory_space<semaphore_mem>>) src(%dma_wait3A_674 : memref<2600000x32xf32, #tpu.memory_space<hbm>>) dst(%dma_wait3A_668 : memref<128x32xf32, #tpu.memory_space<vmem>>)
    %dma_wait3A_675 = arith.constant 16 : i32
    %dma_wait3A_676 = arith.constant 2048 : i32
    %dma_wait3A_677 = arith.constant 0 : i32
    %dma_wait3A_678 = tpu.memref_slice %arg9[%dma_wait3A_676, %dma_wait3A_677] : memref<3328x32xf32, #tpu.memory_space<vmem>> -> memref<128x32xf32, #tpu.memory_space<vmem>>
    %dma_wait3A_679 = arith.constant 0 : i32
    %dma_wait3A_680 = tpu.memref_slice %arg7[%dma_wait3A_675, %dma_wait3A_679] : memref<26x128xi32, #tpu.memory_space<vmem>> -> memref<1x128xi32, #tpu.memory_space<vmem>>
    %dma_wait3A_681 = tpu.memref_squeeze %dma_wait3A_680 : memref<1x128xi32, #tpu.memory_space<vmem>> -> memref<128xi32, #tpu.memory_space<vmem>>
    %dma_wait3A_682 = arith.constant 0 : i32
    %dma_wait3A_683 = arith.constant 0 : i32
    %dma_wait3A_684 = tpu.memref_slice %arg4[%dma_wait3A_682, %dma_wait3A_683] : memref<2600000x32xf32, #tpu.memory_space<hbm>> -> memref<2600000x32xf32, #tpu.memory_space<hbm>>
    tpu.wait_indirect_dma semaphore(%arg13 : memref<!tpu.dma_semaphore, #tpu.memory_space<semaphore_mem>>) src(%dma_wait3A_684 : memref<2600000x32xf32, #tpu.memory_space<hbm>>) dst(%dma_wait3A_678 : memref<128x32xf32, #tpu.memory_space<vmem>>)
    %dma_wait3A_685 = arith.constant 17 : i32
    %dma_wait3A_686 = arith.constant 2176 : i32
    %dma_wait3A_687 = arith.constant 0 : i32
    %dma_wait3A_688 = tpu.memref_slice %arg9[%dma_wait3A_686, %dma_wait3A_687] : memref<3328x32xf32, #tpu.memory_space<vmem>> -> memref<128x32xf32, #tpu.memory_space<vmem>>
    %dma_wait3A_689 = arith.constant 0 : i32
    %dma_wait3A_690 = tpu.memref_slice %arg7[%dma_wait3A_685, %dma_wait3A_689] : memref<26x128xi32, #tpu.memory_space<vmem>> -> memref<1x128xi32, #tpu.memory_space<vmem>>
    %dma_wait3A_691 = tpu.memref_squeeze %dma_wait3A_690 : memref<1x128xi32, #tpu.memory_space<vmem>> -> memref<128xi32, #tpu.memory_space<vmem>>
    %dma_wait3A_692 = arith.constant 0 : i32
    %dma_wait3A_693 = arith.constant 0 : i32
    %dma_wait3A_694 = tpu.memref_slice %arg4[%dma_wait3A_692, %dma_wait3A_693] : memref<2600000x32xf32, #tpu.memory_space<hbm>> -> memref<2600000x32xf32, #tpu.memory_space<hbm>>
    tpu.wait_indirect_dma semaphore(%arg13 : memref<!tpu.dma_semaphore, #tpu.memory_space<semaphore_mem>>) src(%dma_wait3A_694 : memref<2600000x32xf32, #tpu.memory_space<hbm>>) dst(%dma_wait3A_688 : memref<128x32xf32, #tpu.memory_space<vmem>>)
    %dma_wait3A_695 = arith.constant 18 : i32
    %dma_wait3A_696 = arith.constant 2304 : i32
    %dma_wait3A_697 = arith.constant 0 : i32
    %dma_wait3A_698 = tpu.memref_slice %arg9[%dma_wait3A_696, %dma_wait3A_697] : memref<3328x32xf32, #tpu.memory_space<vmem>> -> memref<128x32xf32, #tpu.memory_space<vmem>>
    %dma_wait3A_699 = arith.constant 0 : i32
    %dma_wait3A_700 = tpu.memref_slice %arg7[%dma_wait3A_695, %dma_wait3A_699] : memref<26x128xi32, #tpu.memory_space<vmem>> -> memref<1x128xi32, #tpu.memory_space<vmem>>
    %dma_wait3A_701 = tpu.memref_squeeze %dma_wait3A_700 : memref<1x128xi32, #tpu.memory_space<vmem>> -> memref<128xi32, #tpu.memory_space<vmem>>
    %dma_wait3A_702 = arith.constant 0 : i32
    %dma_wait3A_703 = arith.constant 0 : i32
    %dma_wait3A_704 = tpu.memref_slice %arg4[%dma_wait3A_702, %dma_wait3A_703] : memref<2600000x32xf32, #tpu.memory_space<hbm>> -> memref<2600000x32xf32, #tpu.memory_space<hbm>>
    tpu.wait_indirect_dma semaphore(%arg13 : memref<!tpu.dma_semaphore, #tpu.memory_space<semaphore_mem>>) src(%dma_wait3A_704 : memref<2600000x32xf32, #tpu.memory_space<hbm>>) dst(%dma_wait3A_698 : memref<128x32xf32, #tpu.memory_space<vmem>>)
    %dma_wait3A_705 = arith.constant 19 : i32
    %dma_wait3A_706 = arith.constant 2432 : i32
    %dma_wait3A_707 = arith.constant 0 : i32
    %dma_wait3A_708 = tpu.memref_slice %arg9[%dma_wait3A_706, %dma_wait3A_707] : memref<3328x32xf32, #tpu.memory_space<vmem>> -> memref<128x32xf32, #tpu.memory_space<vmem>>
    %dma_wait3A_709 = arith.constant 0 : i32
    %dma_wait3A_710 = tpu.memref_slice %arg7[%dma_wait3A_705, %dma_wait3A_709] : memref<26x128xi32, #tpu.memory_space<vmem>> -> memref<1x128xi32, #tpu.memory_space<vmem>>
    %dma_wait3A_711 = tpu.memref_squeeze %dma_wait3A_710 : memref<1x128xi32, #tpu.memory_space<vmem>> -> memref<128xi32, #tpu.memory_space<vmem>>
    %dma_wait3A_712 = arith.constant 0 : i32
    %dma_wait3A_713 = arith.constant 0 : i32
    %dma_wait3A_714 = tpu.memref_slice %arg4[%dma_wait3A_712, %dma_wait3A_713] : memref<2600000x32xf32, #tpu.memory_space<hbm>> -> memref<2600000x32xf32, #tpu.memory_space<hbm>>
    tpu.wait_indirect_dma semaphore(%arg13 : memref<!tpu.dma_semaphore, #tpu.memory_space<semaphore_mem>>) src(%dma_wait3A_714 : memref<2600000x32xf32, #tpu.memory_space<hbm>>) dst(%dma_wait3A_708 : memref<128x32xf32, #tpu.memory_space<vmem>>)
    %dma_wait3A_715 = arith.constant 20 : i32
    %dma_wait3A_716 = arith.constant 2560 : i32
    %dma_wait3A_717 = arith.constant 0 : i32
    %dma_wait3A_718 = tpu.memref_slice %arg9[%dma_wait3A_716, %dma_wait3A_717] : memref<3328x32xf32, #tpu.memory_space<vmem>> -> memref<128x32xf32, #tpu.memory_space<vmem>>
    %dma_wait3A_719 = arith.constant 0 : i32
    %dma_wait3A_720 = tpu.memref_slice %arg7[%dma_wait3A_715, %dma_wait3A_719] : memref<26x128xi32, #tpu.memory_space<vmem>> -> memref<1x128xi32, #tpu.memory_space<vmem>>
    %dma_wait3A_721 = tpu.memref_squeeze %dma_wait3A_720 : memref<1x128xi32, #tpu.memory_space<vmem>> -> memref<128xi32, #tpu.memory_space<vmem>>
    %dma_wait3A_722 = arith.constant 0 : i32
    %dma_wait3A_723 = arith.constant 0 : i32
    %dma_wait3A_724 = tpu.memref_slice %arg4[%dma_wait3A_722, %dma_wait3A_723] : memref<2600000x32xf32, #tpu.memory_space<hbm>> -> memref<2600000x32xf32, #tpu.memory_space<hbm>>
    tpu.wait_indirect_dma semaphore(%arg13 : memref<!tpu.dma_semaphore, #tpu.memory_space<semaphore_mem>>) src(%dma_wait3A_724 : memref<2600000x32xf32, #tpu.memory_space<hbm>>) dst(%dma_wait3A_718 : memref<128x32xf32, #tpu.memory_space<vmem>>)
    %dma_wait3A_725 = arith.constant 21 : i32
    %dma_wait3A_726 = arith.constant 2688 : i32
    %dma_wait3A_727 = arith.constant 0 : i32
    %dma_wait3A_728 = tpu.memref_slice %arg9[%dma_wait3A_726, %dma_wait3A_727] : memref<3328x32xf32, #tpu.memory_space<vmem>> -> memref<128x32xf32, #tpu.memory_space<vmem>>
    %dma_wait3A_729 = arith.constant 0 : i32
    %dma_wait3A_730 = tpu.memref_slice %arg7[%dma_wait3A_725, %dma_wait3A_729] : memref<26x128xi32, #tpu.memory_space<vmem>> -> memref<1x128xi32, #tpu.memory_space<vmem>>
    %dma_wait3A_731 = tpu.memref_squeeze %dma_wait3A_730 : memref<1x128xi32, #tpu.memory_space<vmem>> -> memref<128xi32, #tpu.memory_space<vmem>>
    %dma_wait3A_732 = arith.constant 0 : i32
    %dma_wait3A_733 = arith.constant 0 : i32
    %dma_wait3A_734 = tpu.memref_slice %arg4[%dma_wait3A_732, %dma_wait3A_733] : memref<2600000x32xf32, #tpu.memory_space<hbm>> -> memref<2600000x32xf32, #tpu.memory_space<hbm>>
    tpu.wait_indirect_dma semaphore(%arg13 : memref<!tpu.dma_semaphore, #tpu.memory_space<semaphore_mem>>) src(%dma_wait3A_734 : memref<2600000x32xf32, #tpu.memory_space<hbm>>) dst(%dma_wait3A_728 : memref<128x32xf32, #tpu.memory_space<vmem>>)
    %dma_wait3A_735 = arith.constant 22 : i32
    %dma_wait3A_736 = arith.constant 2816 : i32
    %dma_wait3A_737 = arith.constant 0 : i32
    %dma_wait3A_738 = tpu.memref_slice %arg9[%dma_wait3A_736, %dma_wait3A_737] : memref<3328x32xf32, #tpu.memory_space<vmem>> -> memref<128x32xf32, #tpu.memory_space<vmem>>
    %dma_wait3A_739 = arith.constant 0 : i32
    %dma_wait3A_740 = tpu.memref_slice %arg7[%dma_wait3A_735, %dma_wait3A_739] : memref<26x128xi32, #tpu.memory_space<vmem>> -> memref<1x128xi32, #tpu.memory_space<vmem>>
    %dma_wait3A_741 = tpu.memref_squeeze %dma_wait3A_740 : memref<1x128xi32, #tpu.memory_space<vmem>> -> memref<128xi32, #tpu.memory_space<vmem>>
    %dma_wait3A_742 = arith.constant 0 : i32
    %dma_wait3A_743 = arith.constant 0 : i32
    %dma_wait3A_744 = tpu.memref_slice %arg4[%dma_wait3A_742, %dma_wait3A_743] : memref<2600000x32xf32, #tpu.memory_space<hbm>> -> memref<2600000x32xf32, #tpu.memory_space<hbm>>
    tpu.wait_indirect_dma semaphore(%arg13 : memref<!tpu.dma_semaphore, #tpu.memory_space<semaphore_mem>>) src(%dma_wait3A_744 : memref<2600000x32xf32, #tpu.memory_space<hbm>>) dst(%dma_wait3A_738 : memref<128x32xf32, #tpu.memory_space<vmem>>)
    %dma_wait3A_745 = arith.constant 23 : i32
    %dma_wait3A_746 = arith.constant 2944 : i32
    %dma_wait3A_747 = arith.constant 0 : i32
    %dma_wait3A_748 = tpu.memref_slice %arg9[%dma_wait3A_746, %dma_wait3A_747] : memref<3328x32xf32, #tpu.memory_space<vmem>> -> memref<128x32xf32, #tpu.memory_space<vmem>>
    %dma_wait3A_749 = arith.constant 0 : i32
    %dma_wait3A_750 = tpu.memref_slice %arg7[%dma_wait3A_745, %dma_wait3A_749] : memref<26x128xi32, #tpu.memory_space<vmem>> -> memref<1x128xi32, #tpu.memory_space<vmem>>
    %dma_wait3A_751 = tpu.memref_squeeze %dma_wait3A_750 : memref<1x128xi32, #tpu.memory_space<vmem>> -> memref<128xi32, #tpu.memory_space<vmem>>
    %dma_wait3A_752 = arith.constant 0 : i32
    %dma_wait3A_753 = arith.constant 0 : i32
    %dma_wait3A_754 = tpu.memref_slice %arg4[%dma_wait3A_752, %dma_wait3A_753] : memref<2600000x32xf32, #tpu.memory_space<hbm>> -> memref<2600000x32xf32, #tpu.memory_space<hbm>>
    tpu.wait_indirect_dma semaphore(%arg13 : memref<!tpu.dma_semaphore, #tpu.memory_space<semaphore_mem>>) src(%dma_wait3A_754 : memref<2600000x32xf32, #tpu.memory_space<hbm>>) dst(%dma_wait3A_748 : memref<128x32xf32, #tpu.memory_space<vmem>>)
    %dma_wait3A_755 = arith.constant 24 : i32
    %dma_wait3A_756 = arith.constant 3072 : i32
    %dma_wait3A_757 = arith.constant 0 : i32
    %dma_wait3A_758 = tpu.memref_slice %arg9[%dma_wait3A_756, %dma_wait3A_757] : memref<3328x32xf32, #tpu.memory_space<vmem>> -> memref<128x32xf32, #tpu.memory_space<vmem>>
    %dma_wait3A_759 = arith.constant 0 : i32
    %dma_wait3A_760 = tpu.memref_slice %arg7[%dma_wait3A_755, %dma_wait3A_759] : memref<26x128xi32, #tpu.memory_space<vmem>> -> memref<1x128xi32, #tpu.memory_space<vmem>>
    %dma_wait3A_761 = tpu.memref_squeeze %dma_wait3A_760 : memref<1x128xi32, #tpu.memory_space<vmem>> -> memref<128xi32, #tpu.memory_space<vmem>>
    %dma_wait3A_762 = arith.constant 0 : i32
    %dma_wait3A_763 = arith.constant 0 : i32
    %dma_wait3A_764 = tpu.memref_slice %arg4[%dma_wait3A_762, %dma_wait3A_763] : memref<2600000x32xf32, #tpu.memory_space<hbm>> -> memref<2600000x32xf32, #tpu.memory_space<hbm>>
    tpu.wait_indirect_dma semaphore(%arg13 : memref<!tpu.dma_semaphore, #tpu.memory_space<semaphore_mem>>) src(%dma_wait3A_764 : memref<2600000x32xf32, #tpu.memory_space<hbm>>) dst(%dma_wait3A_758 : memref<128x32xf32, #tpu.memory_space<vmem>>)
    %dma_wait3A_765 = arith.constant 25 : i32
    %dma_wait3A_766 = arith.constant 3200 : i32
    %dma_wait3A_767 = arith.constant 0 : i32
    %dma_wait3A_768 = tpu.memref_slice %arg9[%dma_wait3A_766, %dma_wait3A_767] : memref<3328x32xf32, #tpu.memory_space<vmem>> -> memref<128x32xf32, #tpu.memory_space<vmem>>
    %dma_wait3A_769 = arith.constant 0 : i32
    %dma_wait3A_770 = tpu.memref_slice %arg7[%dma_wait3A_765, %dma_wait3A_769] : memref<26x128xi32, #tpu.memory_space<vmem>> -> memref<1x128xi32, #tpu.memory_space<vmem>>
    %dma_wait3A_771 = tpu.memref_squeeze %dma_wait3A_770 : memref<1x128xi32, #tpu.memory_space<vmem>> -> memref<128xi32, #tpu.memory_space<vmem>>
    %dma_wait3A_772 = arith.constant 0 : i32
    %dma_wait3A_773 = arith.constant 0 : i32
    %dma_wait3A_774 = tpu.memref_slice %arg4[%dma_wait3A_772, %dma_wait3A_773] : memref<2600000x32xf32, #tpu.memory_space<hbm>> -> memref<2600000x32xf32, #tpu.memory_space<hbm>>
    tpu.wait_indirect_dma semaphore(%arg13 : memref<!tpu.dma_semaphore, #tpu.memory_space<semaphore_mem>>) src(%dma_wait3A_774 : memref<2600000x32xf32, #tpu.memory_space<hbm>>) dst(%dma_wait3A_768 : memref<128x32xf32, #tpu.memory_space<vmem>>)
    %dma_wait3A_775 = arith.constant 0 : i32
    %dma_wait3A_776 = arith.constant 0 : i32
    %dma_wait3A_777 = tpu.memref_slice %arg10[%dma_wait3A_776] : memref<4096xf32, #tpu.memory_space<vmem>> -> memref<128xf32, #tpu.memory_space<vmem>>
    %dma_wait3A_778 = arith.constant 0 : i32
    %dma_wait3A_779 = tpu.memref_slice %arg8[%dma_wait3A_775, %dma_wait3A_778] : memref<32x128xi32, #tpu.memory_space<vmem>> -> memref<1x128xi32, #tpu.memory_space<vmem>>
    %dma_wait3A_780 = tpu.memref_squeeze %dma_wait3A_779 : memref<1x128xi32, #tpu.memory_space<vmem>> -> memref<128xi32, #tpu.memory_space<vmem>>
    %dma_wait3A_781 = arith.constant 0 : i32
    %dma_wait3A_782 = tpu.memref_slice %arg5[%dma_wait3A_781] : memref<2600000xf32, #tpu.memory_space<hbm>> -> memref<2600000xf32, #tpu.memory_space<hbm>>
    tpu.wait_indirect_dma semaphore(%arg14 : memref<!tpu.dma_semaphore, #tpu.memory_space<semaphore_mem>>) src(%dma_wait3A_782 : memref<2600000xf32, #tpu.memory_space<hbm>>) dst(%dma_wait3A_777 : memref<128xf32, #tpu.memory_space<vmem>>)
    %dma_wait3A_783 = arith.constant 1 : i32
    %dma_wait3A_784 = arith.constant 128 : i32
    %dma_wait3A_785 = tpu.memref_slice %arg10[%dma_wait3A_784] : memref<4096xf32, #tpu.memory_space<vmem>> -> memref<128xf32, #tpu.memory_space<vmem>>
    %dma_wait3A_786 = arith.constant 0 : i32
    %dma_wait3A_787 = tpu.memref_slice %arg8[%dma_wait3A_783, %dma_wait3A_786] : memref<32x128xi32, #tpu.memory_space<vmem>> -> memref<1x128xi32, #tpu.memory_space<vmem>>
    %dma_wait3A_788 = tpu.memref_squeeze %dma_wait3A_787 : memref<1x128xi32, #tpu.memory_space<vmem>> -> memref<128xi32, #tpu.memory_space<vmem>>
    %dma_wait3A_789 = arith.constant 0 : i32
    %dma_wait3A_790 = tpu.memref_slice %arg5[%dma_wait3A_789] : memref<2600000xf32, #tpu.memory_space<hbm>> -> memref<2600000xf32, #tpu.memory_space<hbm>>
    tpu.wait_indirect_dma semaphore(%arg14 : memref<!tpu.dma_semaphore, #tpu.memory_space<semaphore_mem>>) src(%dma_wait3A_790 : memref<2600000xf32, #tpu.memory_space<hbm>>) dst(%dma_wait3A_785 : memref<128xf32, #tpu.memory_space<vmem>>)
    %dma_wait3A_791 = arith.constant 2 : i32
    %dma_wait3A_792 = arith.constant 256 : i32
    %dma_wait3A_793 = tpu.memref_slice %arg10[%dma_wait3A_792] : memref<4096xf32, #tpu.memory_space<vmem>> -> memref<128xf32, #tpu.memory_space<vmem>>
    %dma_wait3A_794 = arith.constant 0 : i32
    %dma_wait3A_795 = tpu.memref_slice %arg8[%dma_wait3A_791, %dma_wait3A_794] : memref<32x128xi32, #tpu.memory_space<vmem>> -> memref<1x128xi32, #tpu.memory_space<vmem>>
    %dma_wait3A_796 = tpu.memref_squeeze %dma_wait3A_795 : memref<1x128xi32, #tpu.memory_space<vmem>> -> memref<128xi32, #tpu.memory_space<vmem>>
    %dma_wait3A_797 = arith.constant 0 : i32
    %dma_wait3A_798 = tpu.memref_slice %arg5[%dma_wait3A_797] : memref<2600000xf32, #tpu.memory_space<hbm>> -> memref<2600000xf32, #tpu.memory_space<hbm>>
    tpu.wait_indirect_dma semaphore(%arg14 : memref<!tpu.dma_semaphore, #tpu.memory_space<semaphore_mem>>) src(%dma_wait3A_798 : memref<2600000xf32, #tpu.memory_space<hbm>>) dst(%dma_wait3A_793 : memref<128xf32, #tpu.memory_space<vmem>>)
    %dma_wait3A_799 = arith.constant 3 : i32
    %dma_wait3A_800 = arith.constant 384 : i32
    %dma_wait3A_801 = tpu.memref_slice %arg10[%dma_wait3A_800] : memref<4096xf32, #tpu.memory_space<vmem>> -> memref<128xf32, #tpu.memory_space<vmem>>
    %dma_wait3A_802 = arith.constant 0 : i32
    %dma_wait3A_803 = tpu.memref_slice %arg8[%dma_wait3A_799, %dma_wait3A_802] : memref<32x128xi32, #tpu.memory_space<vmem>> -> memref<1x128xi32, #tpu.memory_space<vmem>>
    %dma_wait3A_804 = tpu.memref_squeeze %dma_wait3A_803 : memref<1x128xi32, #tpu.memory_space<vmem>> -> memref<128xi32, #tpu.memory_space<vmem>>
    %dma_wait3A_805 = arith.constant 0 : i32
    %dma_wait3A_806 = tpu.memref_slice %arg5[%dma_wait3A_805] : memref<2600000xf32, #tpu.memory_space<hbm>> -> memref<2600000xf32, #tpu.memory_space<hbm>>
    tpu.wait_indirect_dma semaphore(%arg14 : memref<!tpu.dma_semaphore, #tpu.memory_space<semaphore_mem>>) src(%dma_wait3A_806 : memref<2600000xf32, #tpu.memory_space<hbm>>) dst(%dma_wait3A_801 : memref<128xf32, #tpu.memory_space<vmem>>)
    %dma_wait3A_807 = arith.constant 4 : i32
    %dma_wait3A_808 = arith.constant 512 : i32
    %dma_wait3A_809 = tpu.memref_slice %arg10[%dma_wait3A_808] : memref<4096xf32, #tpu.memory_space<vmem>> -> memref<128xf32, #tpu.memory_space<vmem>>
    %dma_wait3A_810 = arith.constant 0 : i32
    %dma_wait3A_811 = tpu.memref_slice %arg8[%dma_wait3A_807, %dma_wait3A_810] : memref<32x128xi32, #tpu.memory_space<vmem>> -> memref<1x128xi32, #tpu.memory_space<vmem>>
    %dma_wait3A_812 = tpu.memref_squeeze %dma_wait3A_811 : memref<1x128xi32, #tpu.memory_space<vmem>> -> memref<128xi32, #tpu.memory_space<vmem>>
    %dma_wait3A_813 = arith.constant 0 : i32
    %dma_wait3A_814 = tpu.memref_slice %arg5[%dma_wait3A_813] : memref<2600000xf32, #tpu.memory_space<hbm>> -> memref<2600000xf32, #tpu.memory_space<hbm>>
    tpu.wait_indirect_dma semaphore(%arg14 : memref<!tpu.dma_semaphore, #tpu.memory_space<semaphore_mem>>) src(%dma_wait3A_814 : memref<2600000xf32, #tpu.memory_space<hbm>>) dst(%dma_wait3A_809 : memref<128xf32, #tpu.memory_space<vmem>>)
    %dma_wait3A_815 = arith.constant 5 : i32
    %dma_wait3A_816 = arith.constant 640 : i32
    %dma_wait3A_817 = tpu.memref_slice %arg10[%dma_wait3A_816] : memref<4096xf32, #tpu.memory_space<vmem>> -> memref<128xf32, #tpu.memory_space<vmem>>
    %dma_wait3A_818 = arith.constant 0 : i32
    %dma_wait3A_819 = tpu.memref_slice %arg8[%dma_wait3A_815, %dma_wait3A_818] : memref<32x128xi32, #tpu.memory_space<vmem>> -> memref<1x128xi32, #tpu.memory_space<vmem>>
    %dma_wait3A_820 = tpu.memref_squeeze %dma_wait3A_819 : memref<1x128xi32, #tpu.memory_space<vmem>> -> memref<128xi32, #tpu.memory_space<vmem>>
    %dma_wait3A_821 = arith.constant 0 : i32
    %dma_wait3A_822 = tpu.memref_slice %arg5[%dma_wait3A_821] : memref<2600000xf32, #tpu.memory_space<hbm>> -> memref<2600000xf32, #tpu.memory_space<hbm>>
    tpu.wait_indirect_dma semaphore(%arg14 : memref<!tpu.dma_semaphore, #tpu.memory_space<semaphore_mem>>) src(%dma_wait3A_822 : memref<2600000xf32, #tpu.memory_space<hbm>>) dst(%dma_wait3A_817 : memref<128xf32, #tpu.memory_space<vmem>>)
    %dma_wait3A_823 = arith.constant 6 : i32
    %dma_wait3A_824 = arith.constant 768 : i32
    %dma_wait3A_825 = tpu.memref_slice %arg10[%dma_wait3A_824] : memref<4096xf32, #tpu.memory_space<vmem>> -> memref<128xf32, #tpu.memory_space<vmem>>
    %dma_wait3A_826 = arith.constant 0 : i32
    %dma_wait3A_827 = tpu.memref_slice %arg8[%dma_wait3A_823, %dma_wait3A_826] : memref<32x128xi32, #tpu.memory_space<vmem>> -> memref<1x128xi32, #tpu.memory_space<vmem>>
    %dma_wait3A_828 = tpu.memref_squeeze %dma_wait3A_827 : memref<1x128xi32, #tpu.memory_space<vmem>> -> memref<128xi32, #tpu.memory_space<vmem>>
    %dma_wait3A_829 = arith.constant 0 : i32
    %dma_wait3A_830 = tpu.memref_slice %arg5[%dma_wait3A_829] : memref<2600000xf32, #tpu.memory_space<hbm>> -> memref<2600000xf32, #tpu.memory_space<hbm>>
    tpu.wait_indirect_dma semaphore(%arg14 : memref<!tpu.dma_semaphore, #tpu.memory_space<semaphore_mem>>) src(%dma_wait3A_830 : memref<2600000xf32, #tpu.memory_space<hbm>>) dst(%dma_wait3A_825 : memref<128xf32, #tpu.memory_space<vmem>>)
    %dma_wait3A_831 = arith.constant 7 : i32
    %dma_wait3A_832 = arith.constant 896 : i32
    %dma_wait3A_833 = tpu.memref_slice %arg10[%dma_wait3A_832] : memref<4096xf32, #tpu.memory_space<vmem>> -> memref<128xf32, #tpu.memory_space<vmem>>
    %dma_wait3A_834 = arith.constant 0 : i32
    %dma_wait3A_835 = tpu.memref_slice %arg8[%dma_wait3A_831, %dma_wait3A_834] : memref<32x128xi32, #tpu.memory_space<vmem>> -> memref<1x128xi32, #tpu.memory_space<vmem>>
    %dma_wait3A_836 = tpu.memref_squeeze %dma_wait3A_835 : memref<1x128xi32, #tpu.memory_space<vmem>> -> memref<128xi32, #tpu.memory_space<vmem>>
    %dma_wait3A_837 = arith.constant 0 : i32
    %dma_wait3A_838 = tpu.memref_slice %arg5[%dma_wait3A_837] : memref<2600000xf32, #tpu.memory_space<hbm>> -> memref<2600000xf32, #tpu.memory_space<hbm>>
    tpu.wait_indirect_dma semaphore(%arg14 : memref<!tpu.dma_semaphore, #tpu.memory_space<semaphore_mem>>) src(%dma_wait3A_838 : memref<2600000xf32, #tpu.memory_space<hbm>>) dst(%dma_wait3A_833 : memref<128xf32, #tpu.memory_space<vmem>>)
    %dma_wait3A_839 = arith.constant 8 : i32
    %dma_wait3A_840 = arith.constant 1024 : i32
    %dma_wait3A_841 = tpu.memref_slice %arg10[%dma_wait3A_840] : memref<4096xf32, #tpu.memory_space<vmem>> -> memref<128xf32, #tpu.memory_space<vmem>>
    %dma_wait3A_842 = arith.constant 0 : i32
    %dma_wait3A_843 = tpu.memref_slice %arg8[%dma_wait3A_839, %dma_wait3A_842] : memref<32x128xi32, #tpu.memory_space<vmem>> -> memref<1x128xi32, #tpu.memory_space<vmem>>
    %dma_wait3A_844 = tpu.memref_squeeze %dma_wait3A_843 : memref<1x128xi32, #tpu.memory_space<vmem>> -> memref<128xi32, #tpu.memory_space<vmem>>
    %dma_wait3A_845 = arith.constant 0 : i32
    %dma_wait3A_846 = tpu.memref_slice %arg5[%dma_wait3A_845] : memref<2600000xf32, #tpu.memory_space<hbm>> -> memref<2600000xf32, #tpu.memory_space<hbm>>
    tpu.wait_indirect_dma semaphore(%arg14 : memref<!tpu.dma_semaphore, #tpu.memory_space<semaphore_mem>>) src(%dma_wait3A_846 : memref<2600000xf32, #tpu.memory_space<hbm>>) dst(%dma_wait3A_841 : memref<128xf32, #tpu.memory_space<vmem>>)
    %dma_wait3A_847 = arith.constant 9 : i32
    %dma_wait3A_848 = arith.constant 1152 : i32
    %dma_wait3A_849 = tpu.memref_slice %arg10[%dma_wait3A_848] : memref<4096xf32, #tpu.memory_space<vmem>> -> memref<128xf32, #tpu.memory_space<vmem>>
    %dma_wait3A_850 = arith.constant 0 : i32
    %dma_wait3A_851 = tpu.memref_slice %arg8[%dma_wait3A_847, %dma_wait3A_850] : memref<32x128xi32, #tpu.memory_space<vmem>> -> memref<1x128xi32, #tpu.memory_space<vmem>>
    %dma_wait3A_852 = tpu.memref_squeeze %dma_wait3A_851 : memref<1x128xi32, #tpu.memory_space<vmem>> -> memref<128xi32, #tpu.memory_space<vmem>>
    %dma_wait3A_853 = arith.constant 0 : i32
    %dma_wait3A_854 = tpu.memref_slice %arg5[%dma_wait3A_853] : memref<2600000xf32, #tpu.memory_space<hbm>> -> memref<2600000xf32, #tpu.memory_space<hbm>>
    tpu.wait_indirect_dma semaphore(%arg14 : memref<!tpu.dma_semaphore, #tpu.memory_space<semaphore_mem>>) src(%dma_wait3A_854 : memref<2600000xf32, #tpu.memory_space<hbm>>) dst(%dma_wait3A_849 : memref<128xf32, #tpu.memory_space<vmem>>)
    %dma_wait3A_855 = arith.constant 10 : i32
    %dma_wait3A_856 = arith.constant 1280 : i32
    %dma_wait3A_857 = tpu.memref_slice %arg10[%dma_wait3A_856] : memref<4096xf32, #tpu.memory_space<vmem>> -> memref<128xf32, #tpu.memory_space<vmem>>
    %dma_wait3A_858 = arith.constant 0 : i32
    %dma_wait3A_859 = tpu.memref_slice %arg8[%dma_wait3A_855, %dma_wait3A_858] : memref<32x128xi32, #tpu.memory_space<vmem>> -> memref<1x128xi32, #tpu.memory_space<vmem>>
    %dma_wait3A_860 = tpu.memref_squeeze %dma_wait3A_859 : memref<1x128xi32, #tpu.memory_space<vmem>> -> memref<128xi32, #tpu.memory_space<vmem>>
    %dma_wait3A_861 = arith.constant 0 : i32
    %dma_wait3A_862 = tpu.memref_slice %arg5[%dma_wait3A_861] : memref<2600000xf32, #tpu.memory_space<hbm>> -> memref<2600000xf32, #tpu.memory_space<hbm>>
    tpu.wait_indirect_dma semaphore(%arg14 : memref<!tpu.dma_semaphore, #tpu.memory_space<semaphore_mem>>) src(%dma_wait3A_862 : memref<2600000xf32, #tpu.memory_space<hbm>>) dst(%dma_wait3A_857 : memref<128xf32, #tpu.memory_space<vmem>>)
    %dma_wait3A_863 = arith.constant 11 : i32
    %dma_wait3A_864 = arith.constant 1408 : i32
    %dma_wait3A_865 = tpu.memref_slice %arg10[%dma_wait3A_864] : memref<4096xf32, #tpu.memory_space<vmem>> -> memref<128xf32, #tpu.memory_space<vmem>>
    %dma_wait3A_866 = arith.constant 0 : i32
    %dma_wait3A_867 = tpu.memref_slice %arg8[%dma_wait3A_863, %dma_wait3A_866] : memref<32x128xi32, #tpu.memory_space<vmem>> -> memref<1x128xi32, #tpu.memory_space<vmem>>
    %dma_wait3A_868 = tpu.memref_squeeze %dma_wait3A_867 : memref<1x128xi32, #tpu.memory_space<vmem>> -> memref<128xi32, #tpu.memory_space<vmem>>
    %dma_wait3A_869 = arith.constant 0 : i32
    %dma_wait3A_870 = tpu.memref_slice %arg5[%dma_wait3A_869] : memref<2600000xf32, #tpu.memory_space<hbm>> -> memref<2600000xf32, #tpu.memory_space<hbm>>
    tpu.wait_indirect_dma semaphore(%arg14 : memref<!tpu.dma_semaphore, #tpu.memory_space<semaphore_mem>>) src(%dma_wait3A_870 : memref<2600000xf32, #tpu.memory_space<hbm>>) dst(%dma_wait3A_865 : memref<128xf32, #tpu.memory_space<vmem>>)
    %dma_wait3A_871 = arith.constant 12 : i32
    %dma_wait3A_872 = arith.constant 1536 : i32
    %dma_wait3A_873 = tpu.memref_slice %arg10[%dma_wait3A_872] : memref<4096xf32, #tpu.memory_space<vmem>> -> memref<128xf32, #tpu.memory_space<vmem>>
    %dma_wait3A_874 = arith.constant 0 : i32
    %dma_wait3A_875 = tpu.memref_slice %arg8[%dma_wait3A_871, %dma_wait3A_874] : memref<32x128xi32, #tpu.memory_space<vmem>> -> memref<1x128xi32, #tpu.memory_space<vmem>>
    %dma_wait3A_876 = tpu.memref_squeeze %dma_wait3A_875 : memref<1x128xi32, #tpu.memory_space<vmem>> -> memref<128xi32, #tpu.memory_space<vmem>>
    %dma_wait3A_877 = arith.constant 0 : i32
    %dma_wait3A_878 = tpu.memref_slice %arg5[%dma_wait3A_877] : memref<2600000xf32, #tpu.memory_space<hbm>> -> memref<2600000xf32, #tpu.memory_space<hbm>>
    tpu.wait_indirect_dma semaphore(%arg14 : memref<!tpu.dma_semaphore, #tpu.memory_space<semaphore_mem>>) src(%dma_wait3A_878 : memref<2600000xf32, #tpu.memory_space<hbm>>) dst(%dma_wait3A_873 : memref<128xf32, #tpu.memory_space<vmem>>)
    %dma_wait3A_879 = arith.constant 13 : i32
    %dma_wait3A_880 = arith.constant 1664 : i32
    %dma_wait3A_881 = tpu.memref_slice %arg10[%dma_wait3A_880] : memref<4096xf32, #tpu.memory_space<vmem>> -> memref<128xf32, #tpu.memory_space<vmem>>
    %dma_wait3A_882 = arith.constant 0 : i32
    %dma_wait3A_883 = tpu.memref_slice %arg8[%dma_wait3A_879, %dma_wait3A_882] : memref<32x128xi32, #tpu.memory_space<vmem>> -> memref<1x128xi32, #tpu.memory_space<vmem>>
    %dma_wait3A_884 = tpu.memref_squeeze %dma_wait3A_883 : memref<1x128xi32, #tpu.memory_space<vmem>> -> memref<128xi32, #tpu.memory_space<vmem>>
    %dma_wait3A_885 = arith.constant 0 : i32
    %dma_wait3A_886 = tpu.memref_slice %arg5[%dma_wait3A_885] : memref<2600000xf32, #tpu.memory_space<hbm>> -> memref<2600000xf32, #tpu.memory_space<hbm>>
    tpu.wait_indirect_dma semaphore(%arg14 : memref<!tpu.dma_semaphore, #tpu.memory_space<semaphore_mem>>) src(%dma_wait3A_886 : memref<2600000xf32, #tpu.memory_space<hbm>>) dst(%dma_wait3A_881 : memref<128xf32, #tpu.memory_space<vmem>>)
    %dma_wait3A_887 = arith.constant 14 : i32
    %dma_wait3A_888 = arith.constant 1792 : i32
    %dma_wait3A_889 = tpu.memref_slice %arg10[%dma_wait3A_888] : memref<4096xf32, #tpu.memory_space<vmem>> -> memref<128xf32, #tpu.memory_space<vmem>>
    %dma_wait3A_890 = arith.constant 0 : i32
    %dma_wait3A_891 = tpu.memref_slice %arg8[%dma_wait3A_887, %dma_wait3A_890] : memref<32x128xi32, #tpu.memory_space<vmem>> -> memref<1x128xi32, #tpu.memory_space<vmem>>
    %dma_wait3A_892 = tpu.memref_squeeze %dma_wait3A_891 : memref<1x128xi32, #tpu.memory_space<vmem>> -> memref<128xi32, #tpu.memory_space<vmem>>
    %dma_wait3A_893 = arith.constant 0 : i32
    %dma_wait3A_894 = tpu.memref_slice %arg5[%dma_wait3A_893] : memref<2600000xf32, #tpu.memory_space<hbm>> -> memref<2600000xf32, #tpu.memory_space<hbm>>
    tpu.wait_indirect_dma semaphore(%arg14 : memref<!tpu.dma_semaphore, #tpu.memory_space<semaphore_mem>>) src(%dma_wait3A_894 : memref<2600000xf32, #tpu.memory_space<hbm>>) dst(%dma_wait3A_889 : memref<128xf32, #tpu.memory_space<vmem>>)
    %dma_wait3A_895 = arith.constant 15 : i32
    %dma_wait3A_896 = arith.constant 1920 : i32
    %dma_wait3A_897 = tpu.memref_slice %arg10[%dma_wait3A_896] : memref<4096xf32, #tpu.memory_space<vmem>> -> memref<128xf32, #tpu.memory_space<vmem>>
    %dma_wait3A_898 = arith.constant 0 : i32
    %dma_wait3A_899 = tpu.memref_slice %arg8[%dma_wait3A_895, %dma_wait3A_898] : memref<32x128xi32, #tpu.memory_space<vmem>> -> memref<1x128xi32, #tpu.memory_space<vmem>>
    %dma_wait3A_900 = tpu.memref_squeeze %dma_wait3A_899 : memref<1x128xi32, #tpu.memory_space<vmem>> -> memref<128xi32, #tpu.memory_space<vmem>>
    %dma_wait3A_901 = arith.constant 0 : i32
    %dma_wait3A_902 = tpu.memref_slice %arg5[%dma_wait3A_901] : memref<2600000xf32, #tpu.memory_space<hbm>> -> memref<2600000xf32, #tpu.memory_space<hbm>>
    tpu.wait_indirect_dma semaphore(%arg14 : memref<!tpu.dma_semaphore, #tpu.memory_space<semaphore_mem>>) src(%dma_wait3A_902 : memref<2600000xf32, #tpu.memory_space<hbm>>) dst(%dma_wait3A_897 : memref<128xf32, #tpu.memory_space<vmem>>)
    %dma_wait3A_903 = arith.constant 16 : i32
    %dma_wait3A_904 = arith.constant 2048 : i32
    %dma_wait3A_905 = tpu.memref_slice %arg10[%dma_wait3A_904] : memref<4096xf32, #tpu.memory_space<vmem>> -> memref<128xf32, #tpu.memory_space<vmem>>
    %dma_wait3A_906 = arith.constant 0 : i32
    %dma_wait3A_907 = tpu.memref_slice %arg8[%dma_wait3A_903, %dma_wait3A_906] : memref<32x128xi32, #tpu.memory_space<vmem>> -> memref<1x128xi32, #tpu.memory_space<vmem>>
    %dma_wait3A_908 = tpu.memref_squeeze %dma_wait3A_907 : memref<1x128xi32, #tpu.memory_space<vmem>> -> memref<128xi32, #tpu.memory_space<vmem>>
    %dma_wait3A_909 = arith.constant 0 : i32
    %dma_wait3A_910 = tpu.memref_slice %arg5[%dma_wait3A_909] : memref<2600000xf32, #tpu.memory_space<hbm>> -> memref<2600000xf32, #tpu.memory_space<hbm>>
    tpu.wait_indirect_dma semaphore(%arg14 : memref<!tpu.dma_semaphore, #tpu.memory_space<semaphore_mem>>) src(%dma_wait3A_910 : memref<2600000xf32, #tpu.memory_space<hbm>>) dst(%dma_wait3A_905 : memref<128xf32, #tpu.memory_space<vmem>>)
    %dma_wait3A_911 = arith.constant 17 : i32
    %dma_wait3A_912 = arith.constant 2176 : i32
    %dma_wait3A_913 = tpu.memref_slice %arg10[%dma_wait3A_912] : memref<4096xf32, #tpu.memory_space<vmem>> -> memref<128xf32, #tpu.memory_space<vmem>>
    %dma_wait3A_914 = arith.constant 0 : i32
    %dma_wait3A_915 = tpu.memref_slice %arg8[%dma_wait3A_911, %dma_wait3A_914] : memref<32x128xi32, #tpu.memory_space<vmem>> -> memref<1x128xi32, #tpu.memory_space<vmem>>
    %dma_wait3A_916 = tpu.memref_squeeze %dma_wait3A_915 : memref<1x128xi32, #tpu.memory_space<vmem>> -> memref<128xi32, #tpu.memory_space<vmem>>
    %dma_wait3A_917 = arith.constant 0 : i32
    %dma_wait3A_918 = tpu.memref_slice %arg5[%dma_wait3A_917] : memref<2600000xf32, #tpu.memory_space<hbm>> -> memref<2600000xf32, #tpu.memory_space<hbm>>
    tpu.wait_indirect_dma semaphore(%arg14 : memref<!tpu.dma_semaphore, #tpu.memory_space<semaphore_mem>>) src(%dma_wait3A_918 : memref<2600000xf32, #tpu.memory_space<hbm>>) dst(%dma_wait3A_913 : memref<128xf32, #tpu.memory_space<vmem>>)
    %dma_wait3A_919 = arith.constant 18 : i32
    %dma_wait3A_920 = arith.constant 2304 : i32
    %dma_wait3A_921 = tpu.memref_slice %arg10[%dma_wait3A_920] : memref<4096xf32, #tpu.memory_space<vmem>> -> memref<128xf32, #tpu.memory_space<vmem>>
    %dma_wait3A_922 = arith.constant 0 : i32
    %dma_wait3A_923 = tpu.memref_slice %arg8[%dma_wait3A_919, %dma_wait3A_922] : memref<32x128xi32, #tpu.memory_space<vmem>> -> memref<1x128xi32, #tpu.memory_space<vmem>>
    %dma_wait3A_924 = tpu.memref_squeeze %dma_wait3A_923 : memref<1x128xi32, #tpu.memory_space<vmem>> -> memref<128xi32, #tpu.memory_space<vmem>>
    %dma_wait3A_925 = arith.constant 0 : i32
    %dma_wait3A_926 = tpu.memref_slice %arg5[%dma_wait3A_925] : memref<2600000xf32, #tpu.memory_space<hbm>> -> memref<2600000xf32, #tpu.memory_space<hbm>>
    tpu.wait_indirect_dma semaphore(%arg14 : memref<!tpu.dma_semaphore, #tpu.memory_space<semaphore_mem>>) src(%dma_wait3A_926 : memref<2600000xf32, #tpu.memory_space<hbm>>) dst(%dma_wait3A_921 : memref<128xf32, #tpu.memory_space<vmem>>)
    %dma_wait3A_927 = arith.constant 19 : i32
    %dma_wait3A_928 = arith.constant 2432 : i32
    %dma_wait3A_929 = tpu.memref_slice %arg10[%dma_wait3A_928] : memref<4096xf32, #tpu.memory_space<vmem>> -> memref<128xf32, #tpu.memory_space<vmem>>
    %dma_wait3A_930 = arith.constant 0 : i32
    %dma_wait3A_931 = tpu.memref_slice %arg8[%dma_wait3A_927, %dma_wait3A_930] : memref<32x128xi32, #tpu.memory_space<vmem>> -> memref<1x128xi32, #tpu.memory_space<vmem>>
    %dma_wait3A_932 = tpu.memref_squeeze %dma_wait3A_931 : memref<1x128xi32, #tpu.memory_space<vmem>> -> memref<128xi32, #tpu.memory_space<vmem>>
    %dma_wait3A_933 = arith.constant 0 : i32
    %dma_wait3A_934 = tpu.memref_slice %arg5[%dma_wait3A_933] : memref<2600000xf32, #tpu.memory_space<hbm>> -> memref<2600000xf32, #tpu.memory_space<hbm>>
    tpu.wait_indirect_dma semaphore(%arg14 : memref<!tpu.dma_semaphore, #tpu.memory_space<semaphore_mem>>) src(%dma_wait3A_934 : memref<2600000xf32, #tpu.memory_space<hbm>>) dst(%dma_wait3A_929 : memref<128xf32, #tpu.memory_space<vmem>>)
    %dma_wait3A_935 = arith.constant 20 : i32
    %dma_wait3A_936 = arith.constant 2560 : i32
    %dma_wait3A_937 = tpu.memref_slice %arg10[%dma_wait3A_936] : memref<4096xf32, #tpu.memory_space<vmem>> -> memref<128xf32, #tpu.memory_space<vmem>>
    %dma_wait3A_938 = arith.constant 0 : i32
    %dma_wait3A_939 = tpu.memref_slice %arg8[%dma_wait3A_935, %dma_wait3A_938] : memref<32x128xi32, #tpu.memory_space<vmem>> -> memref<1x128xi32, #tpu.memory_space<vmem>>
    %dma_wait3A_940 = tpu.memref_squeeze %dma_wait3A_939 : memref<1x128xi32, #tpu.memory_space<vmem>> -> memref<128xi32, #tpu.memory_space<vmem>>
    %dma_wait3A_941 = arith.constant 0 : i32
    %dma_wait3A_942 = tpu.memref_slice %arg5[%dma_wait3A_941] : memref<2600000xf32, #tpu.memory_space<hbm>> -> memref<2600000xf32, #tpu.memory_space<hbm>>
    tpu.wait_indirect_dma semaphore(%arg14 : memref<!tpu.dma_semaphore, #tpu.memory_space<semaphore_mem>>) src(%dma_wait3A_942 : memref<2600000xf32, #tpu.memory_space<hbm>>) dst(%dma_wait3A_937 : memref<128xf32, #tpu.memory_space<vmem>>)
    %dma_wait3A_943 = arith.constant 21 : i32
    %dma_wait3A_944 = arith.constant 2688 : i32
    %dma_wait3A_945 = tpu.memref_slice %arg10[%dma_wait3A_944] : memref<4096xf32, #tpu.memory_space<vmem>> -> memref<128xf32, #tpu.memory_space<vmem>>
    %dma_wait3A_946 = arith.constant 0 : i32
    %dma_wait3A_947 = tpu.memref_slice %arg8[%dma_wait3A_943, %dma_wait3A_946] : memref<32x128xi32, #tpu.memory_space<vmem>> -> memref<1x128xi32, #tpu.memory_space<vmem>>
    %dma_wait3A_948 = tpu.memref_squeeze %dma_wait3A_947 : memref<1x128xi32, #tpu.memory_space<vmem>> -> memref<128xi32, #tpu.memory_space<vmem>>
    %dma_wait3A_949 = arith.constant 0 : i32
    %dma_wait3A_950 = tpu.memref_slice %arg5[%dma_wait3A_949] : memref<2600000xf32, #tpu.memory_space<hbm>> -> memref<2600000xf32, #tpu.memory_space<hbm>>
    tpu.wait_indirect_dma semaphore(%arg14 : memref<!tpu.dma_semaphore, #tpu.memory_space<semaphore_mem>>) src(%dma_wait3A_950 : memref<2600000xf32, #tpu.memory_space<hbm>>) dst(%dma_wait3A_945 : memref<128xf32, #tpu.memory_space<vmem>>)
    %dma_wait3A_951 = arith.constant 22 : i32
    %dma_wait3A_952 = arith.constant 2816 : i32
    %dma_wait3A_953 = tpu.memref_slice %arg10[%dma_wait3A_952] : memref<4096xf32, #tpu.memory_space<vmem>> -> memref<128xf32, #tpu.memory_space<vmem>>
    %dma_wait3A_954 = arith.constant 0 : i32
    %dma_wait3A_955 = tpu.memref_slice %arg8[%dma_wait3A_951, %dma_wait3A_954] : memref<32x128xi32, #tpu.memory_space<vmem>> -> memref<1x128xi32, #tpu.memory_space<vmem>>
    %dma_wait3A_956 = tpu.memref_squeeze %dma_wait3A_955 : memref<1x128xi32, #tpu.memory_space<vmem>> -> memref<128xi32, #tpu.memory_space<vmem>>
    %dma_wait3A_957 = arith.constant 0 : i32
    %dma_wait3A_958 = tpu.memref_slice %arg5[%dma_wait3A_957] : memref<2600000xf32, #tpu.memory_space<hbm>> -> memref<2600000xf32, #tpu.memory_space<hbm>>
    tpu.wait_indirect_dma semaphore(%arg14 : memref<!tpu.dma_semaphore, #tpu.memory_space<semaphore_mem>>) src(%dma_wait3A_958 : memref<2600000xf32, #tpu.memory_space<hbm>>) dst(%dma_wait3A_953 : memref<128xf32, #tpu.memory_space<vmem>>)
    %dma_wait3A_959 = arith.constant 23 : i32
    %dma_wait3A_960 = arith.constant 2944 : i32
    %dma_wait3A_961 = tpu.memref_slice %arg10[%dma_wait3A_960] : memref<4096xf32, #tpu.memory_space<vmem>> -> memref<128xf32, #tpu.memory_space<vmem>>
    %dma_wait3A_962 = arith.constant 0 : i32
    %dma_wait3A_963 = tpu.memref_slice %arg8[%dma_wait3A_959, %dma_wait3A_962] : memref<32x128xi32, #tpu.memory_space<vmem>> -> memref<1x128xi32, #tpu.memory_space<vmem>>
    %dma_wait3A_964 = tpu.memref_squeeze %dma_wait3A_963 : memref<1x128xi32, #tpu.memory_space<vmem>> -> memref<128xi32, #tpu.memory_space<vmem>>
    %dma_wait3A_965 = arith.constant 0 : i32
    %dma_wait3A_966 = tpu.memref_slice %arg5[%dma_wait3A_965] : memref<2600000xf32, #tpu.memory_space<hbm>> -> memref<2600000xf32, #tpu.memory_space<hbm>>
    tpu.wait_indirect_dma semaphore(%arg14 : memref<!tpu.dma_semaphore, #tpu.memory_space<semaphore_mem>>) src(%dma_wait3A_966 : memref<2600000xf32, #tpu.memory_space<hbm>>) dst(%dma_wait3A_961 : memref<128xf32, #tpu.memory_space<vmem>>)
    %dma_wait3A_967 = arith.constant 24 : i32
    %dma_wait3A_968 = arith.constant 3072 : i32
    %dma_wait3A_969 = tpu.memref_slice %arg10[%dma_wait3A_968] : memref<4096xf32, #tpu.memory_space<vmem>> -> memref<128xf32, #tpu.memory_space<vmem>>
    %dma_wait3A_970 = arith.constant 0 : i32
    %dma_wait3A_971 = tpu.memref_slice %arg8[%dma_wait3A_967, %dma_wait3A_970] : memref<32x128xi32, #tpu.memory_space<vmem>> -> memref<1x128xi32, #tpu.memory_space<vmem>>
    %dma_wait3A_972 = tpu.memref_squeeze %dma_wait3A_971 : memref<1x128xi32, #tpu.memory_space<vmem>> -> memref<128xi32, #tpu.memory_space<vmem>>
    %dma_wait3A_973 = arith.constant 0 : i32
    %dma_wait3A_974 = tpu.memref_slice %arg5[%dma_wait3A_973] : memref<2600000xf32, #tpu.memory_space<hbm>> -> memref<2600000xf32, #tpu.memory_space<hbm>>
    tpu.wait_indirect_dma semaphore(%arg14 : memref<!tpu.dma_semaphore, #tpu.memory_space<semaphore_mem>>) src(%dma_wait3A_974 : memref<2600000xf32, #tpu.memory_space<hbm>>) dst(%dma_wait3A_969 : memref<128xf32, #tpu.memory_space<vmem>>)
    %dma_wait3A_975 = arith.constant 25 : i32
    %dma_wait3A_976 = arith.constant 3200 : i32
    %dma_wait3A_977 = tpu.memref_slice %arg10[%dma_wait3A_976] : memref<4096xf32, #tpu.memory_space<vmem>> -> memref<128xf32, #tpu.memory_space<vmem>>
    %dma_wait3A_978 = arith.constant 0 : i32
    %dma_wait3A_979 = tpu.memref_slice %arg8[%dma_wait3A_975, %dma_wait3A_978] : memref<32x128xi32, #tpu.memory_space<vmem>> -> memref<1x128xi32, #tpu.memory_space<vmem>>
    %dma_wait3A_980 = tpu.memref_squeeze %dma_wait3A_979 : memref<1x128xi32, #tpu.memory_space<vmem>> -> memref<128xi32, #tpu.memory_space<vmem>>
    %dma_wait3A_981 = arith.constant 0 : i32
    %dma_wait3A_982 = tpu.memref_slice %arg5[%dma_wait3A_981] : memref<2600000xf32, #tpu.memory_space<hbm>> -> memref<2600000xf32, #tpu.memory_space<hbm>>
    tpu.wait_indirect_dma semaphore(%arg14 : memref<!tpu.dma_semaphore, #tpu.memory_space<semaphore_mem>>) src(%dma_wait3A_982 : memref<2600000xf32, #tpu.memory_space<hbm>>) dst(%dma_wait3A_977 : memref<128xf32, #tpu.memory_space<vmem>>)
    %dma_wait3A_983 = arith.constant 26 : i32
    %dma_wait3A_984 = arith.constant 3328 : i32
    %dma_wait3A_985 = tpu.memref_slice %arg10[%dma_wait3A_984] : memref<4096xf32, #tpu.memory_space<vmem>> -> memref<128xf32, #tpu.memory_space<vmem>>
    %dma_wait3A_986 = arith.constant 0 : i32
    %dma_wait3A_987 = tpu.memref_slice %arg8[%dma_wait3A_983, %dma_wait3A_986] : memref<32x128xi32, #tpu.memory_space<vmem>> -> memref<1x128xi32, #tpu.memory_space<vmem>>
    %dma_wait3A_988 = tpu.memref_squeeze %dma_wait3A_987 : memref<1x128xi32, #tpu.memory_space<vmem>> -> memref<128xi32, #tpu.memory_space<vmem>>
    %dma_wait3A_989 = arith.constant 0 : i32
    %dma_wait3A_990 = tpu.memref_slice %arg5[%dma_wait3A_989] : memref<2600000xf32, #tpu.memory_space<hbm>> -> memref<2600000xf32, #tpu.memory_space<hbm>>
    tpu.wait_indirect_dma semaphore(%arg14 : memref<!tpu.dma_semaphore, #tpu.memory_space<semaphore_mem>>) src(%dma_wait3A_990 : memref<2600000xf32, #tpu.memory_space<hbm>>) dst(%dma_wait3A_985 : memref<128xf32, #tpu.memory_space<vmem>>)
    %dma_wait3A_991 = arith.constant 27 : i32
    %dma_wait3A_992 = arith.constant 3456 : i32
    %dma_wait3A_993 = tpu.memref_slice %arg10[%dma_wait3A_992] : memref<4096xf32, #tpu.memory_space<vmem>> -> memref<128xf32, #tpu.memory_space<vmem>>
    %dma_wait3A_994 = arith.constant 0 : i32
    %dma_wait3A_995 = tpu.memref_slice %arg8[%dma_wait3A_991, %dma_wait3A_994] : memref<32x128xi32, #tpu.memory_space<vmem>> -> memref<1x128xi32, #tpu.memory_space<vmem>>
    %dma_wait3A_996 = tpu.memref_squeeze %dma_wait3A_995 : memref<1x128xi32, #tpu.memory_space<vmem>> -> memref<128xi32, #tpu.memory_space<vmem>>
    %dma_wait3A_997 = arith.constant 0 : i32
    %dma_wait3A_998 = tpu.memref_slice %arg5[%dma_wait3A_997] : memref<2600000xf32, #tpu.memory_space<hbm>> -> memref<2600000xf32, #tpu.memory_space<hbm>>
    tpu.wait_indirect_dma semaphore(%arg14 : memref<!tpu.dma_semaphore, #tpu.memory_space<semaphore_mem>>) src(%dma_wait3A_998 : memref<2600000xf32, #tpu.memory_space<hbm>>) dst(%dma_wait3A_993 : memref<128xf32, #tpu.memory_space<vmem>>)
    %dma_wait3A_999 = arith.constant 28 : i32
    %dma_wait3A_1000 = arith.constant 3584 : i32
    %dma_wait3A_1001 = tpu.memref_slice %arg10[%dma_wait3A_1000] : memref<4096xf32, #tpu.memory_space<vmem>> -> memref<128xf32, #tpu.memory_space<vmem>>
    %dma_wait3A_1002 = arith.constant 0 : i32
    %dma_wait3A_1003 = tpu.memref_slice %arg8[%dma_wait3A_999, %dma_wait3A_1002] : memref<32x128xi32, #tpu.memory_space<vmem>> -> memref<1x128xi32, #tpu.memory_space<vmem>>
    %dma_wait3A_1004 = tpu.memref_squeeze %dma_wait3A_1003 : memref<1x128xi32, #tpu.memory_space<vmem>> -> memref<128xi32, #tpu.memory_space<vmem>>
    %dma_wait3A_1005 = arith.constant 0 : i32
    %dma_wait3A_1006 = tpu.memref_slice %arg5[%dma_wait3A_1005] : memref<2600000xf32, #tpu.memory_space<hbm>> -> memref<2600000xf32, #tpu.memory_space<hbm>>
    tpu.wait_indirect_dma semaphore(%arg14 : memref<!tpu.dma_semaphore, #tpu.memory_space<semaphore_mem>>) src(%dma_wait3A_1006 : memref<2600000xf32, #tpu.memory_space<hbm>>) dst(%dma_wait3A_1001 : memref<128xf32, #tpu.memory_space<vmem>>)
    %dma_wait3A_1007 = arith.constant 29 : i32
    %dma_wait3A_1008 = arith.constant 3712 : i32
    %dma_wait3A_1009 = tpu.memref_slice %arg10[%dma_wait3A_1008] : memref<4096xf32, #tpu.memory_space<vmem>> -> memref<128xf32, #tpu.memory_space<vmem>>
    %dma_wait3A_1010 = arith.constant 0 : i32
    %dma_wait3A_1011 = tpu.memref_slice %arg8[%dma_wait3A_1007, %dma_wait3A_1010] : memref<32x128xi32, #tpu.memory_space<vmem>> -> memref<1x128xi32, #tpu.memory_space<vmem>>
    %dma_wait3A_1012 = tpu.memref_squeeze %dma_wait3A_1011 : memref<1x128xi32, #tpu.memory_space<vmem>> -> memref<128xi32, #tpu.memory_space<vmem>>
    %dma_wait3A_1013 = arith.constant 0 : i32
    %dma_wait3A_1014 = tpu.memref_slice %arg5[%dma_wait3A_1013] : memref<2600000xf32, #tpu.memory_space<hbm>> -> memref<2600000xf32, #tpu.memory_space<hbm>>
    tpu.wait_indirect_dma semaphore(%arg14 : memref<!tpu.dma_semaphore, #tpu.memory_space<semaphore_mem>>) src(%dma_wait3A_1014 : memref<2600000xf32, #tpu.memory_space<hbm>>) dst(%dma_wait3A_1009 : memref<128xf32, #tpu.memory_space<vmem>>)
    %dma_wait3A_1015 = arith.constant 30 : i32
    %dma_wait3A_1016 = arith.constant 3840 : i32
    %dma_wait3A_1017 = tpu.memref_slice %arg10[%dma_wait3A_1016] : memref<4096xf32, #tpu.memory_space<vmem>> -> memref<128xf32, #tpu.memory_space<vmem>>
    %dma_wait3A_1018 = arith.constant 0 : i32
    %dma_wait3A_1019 = tpu.memref_slice %arg8[%dma_wait3A_1015, %dma_wait3A_1018] : memref<32x128xi32, #tpu.memory_space<vmem>> -> memref<1x128xi32, #tpu.memory_space<vmem>>
    %dma_wait3A_1020 = tpu.memref_squeeze %dma_wait3A_1019 : memref<1x128xi32, #tpu.memory_space<vmem>> -> memref<128xi32, #tpu.memory_space<vmem>>
    %dma_wait3A_1021 = arith.constant 0 : i32
    %dma_wait3A_1022 = tpu.memref_slice %arg5[%dma_wait3A_1021] : memref<2600000xf32, #tpu.memory_space<hbm>> -> memref<2600000xf32, #tpu.memory_space<hbm>>
    tpu.wait_indirect_dma semaphore(%arg14 : memref<!tpu.dma_semaphore, #tpu.memory_space<semaphore_mem>>) src(%dma_wait3A_1022 : memref<2600000xf32, #tpu.memory_space<hbm>>) dst(%dma_wait3A_1017 : memref<128xf32, #tpu.memory_space<vmem>>)
    %dma_wait3A_1023 = arith.constant 31 : i32
    %dma_wait3A_1024 = arith.constant 3968 : i32
    %dma_wait3A_1025 = tpu.memref_slice %arg10[%dma_wait3A_1024] : memref<4096xf32, #tpu.memory_space<vmem>> -> memref<128xf32, #tpu.memory_space<vmem>>
    %dma_wait3A_1026 = arith.constant 0 : i32
    %dma_wait3A_1027 = tpu.memref_slice %arg8[%dma_wait3A_1023, %dma_wait3A_1026] : memref<32x128xi32, #tpu.memory_space<vmem>> -> memref<1x128xi32, #tpu.memory_space<vmem>>
    %dma_wait3A_1028 = tpu.memref_squeeze %dma_wait3A_1027 : memref<1x128xi32, #tpu.memory_space<vmem>> -> memref<128xi32, #tpu.memory_space<vmem>>
    %dma_wait3A_1029 = arith.constant 0 : i32
    %dma_wait3A_1030 = tpu.memref_slice %arg5[%dma_wait3A_1029] : memref<2600000xf32, #tpu.memory_space<hbm>> -> memref<2600000xf32, #tpu.memory_space<hbm>>
    tpu.wait_indirect_dma semaphore(%arg14 : memref<!tpu.dma_semaphore, #tpu.memory_space<semaphore_mem>>) src(%dma_wait3A_1030 : memref<2600000xf32, #tpu.memory_space<hbm>>) dst(%dma_wait3A_1025 : memref<128xf32, #tpu.memory_space<vmem>>)
    %iota3A = tpu.iota {dimensions = array<i32: 0>} : vector<16xi32>
    %lt3A = arith.constant 10 : i32
    %lt3A_1031 = vector.broadcast %lt3A : i32 to vector<16xi32>
    %lt3A_1032 = arith.cmpi slt, %iota3A, %lt3A_1031 : vector<16xi32>
    %broadcast_in_dim3A = arith.constant 0.000000e+00 : f32
    %broadcast_in_dim3A_1033 = vector.broadcast %broadcast_in_dim3A : f32 to vector<16xf32>
    %scan3A = arith.constant 0 : i32
    %scan3A_1034 = arith.constant 0 : i32
    %scan3A_1035 = arith.constant 128 : i32
    %scan3A_1036 = arith.addi %scan3A_1034, %scan3A_1035 : i32
    %scan3A_1037 = arith.constant 1 : i32
    scf.for %scan3A_1589 = %scan3A_1034 to %scan3A_1036 step %scan3A_1037  : i32 {
      %mul3A_1590 = arith.constant 26 : i32
      %mul3A_1591 = arith.muli %scan3A_1589, %mul3A_1590 : i32
      %add3A_1592 = arith.constant 0 : i32
      %add3A_1593 = arith.addi %mul3A_1591, %add3A_1592 : i32
      %get3A = arith.index_cast %add3A_1593 : i32 to index
      %get3A_1594 = arith.constant 0 : index
      %get3A_1595 = tpu.vector_load %arg9[%get3A, %get3A_1594] {strides = array<i32>} : memref<3328x32xf32, #tpu.memory_space<vmem>>, vector<16xf32>,
      %mul3A_1596 = arith.constant 26 : i32
      %mul3A_1597 = arith.muli %scan3A_1589, %mul3A_1596 : i32
      %add3A_1598 = arith.constant 0 : i32
      %add3A_1599 = arith.addi %mul3A_1597, %add3A_1598 : i32
      %get3A_1600 = arith.index_cast %add3A_1599 : i32 to index
      %get3A_1601 = arith.constant 16 : index
      %get3A_1602 = tpu.vector_load %arg9[%get3A_1600, %get3A_1601] {strides = array<i32>} : memref<3328x32xf32, #tpu.memory_space<vmem>>, vector<16xf32>,
      %add3A_1603 = arith.addf %broadcast_in_dim3A_1033, %get3A_1595 : vector<16xf32>
      %mul3A_1604 = arith.mulf %get3A_1595, %get3A_1595 : vector<16xf32>
      %add3A_1605 = arith.addf %broadcast_in_dim3A_1033, %mul3A_1604 : vector<16xf32>
      %add3A_1606 = arith.addf %broadcast_in_dim3A_1033, %get3A_1602 : vector<16xf32>
      %mul3A_1607 = arith.mulf %get3A_1602, %get3A_1602 : vector<16xf32>
      %add3A_1608 = arith.addf %broadcast_in_dim3A_1033, %mul3A_1607 : vector<16xf32>
      %mul3A_1609 = arith.constant 26 : i32
      %mul3A_1610 = arith.muli %scan3A_1589, %mul3A_1609 : i32
      %add3A_1611 = arith.constant 1 : i32
      %add3A_1612 = arith.addi %mul3A_1610, %add3A_1611 : i32
      %get3A_1613 = arith.index_cast %add3A_1612 : i32 to index
      %get3A_1614 = arith.constant 0 : index
      %get3A_1615 = tpu.vector_load %arg9[%get3A_1613, %get3A_1614] {strides = array<i32>} : memref<3328x32xf32, #tpu.memory_space<vmem>>, vector<16xf32>,
      %mul3A_1616 = arith.constant 26 : i32
      %mul3A_1617 = arith.muli %scan3A_1589, %mul3A_1616 : i32
      %add3A_1618 = arith.constant 1 : i32
      %add3A_1619 = arith.addi %mul3A_1617, %add3A_1618 : i32
      %get3A_1620 = arith.index_cast %add3A_1619 : i32 to index
      %get3A_1621 = arith.constant 16 : index
      %get3A_1622 = tpu.vector_load %arg9[%get3A_1620, %get3A_1621] {strides = array<i32>} : memref<3328x32xf32, #tpu.memory_space<vmem>>, vector<16xf32>,
      %add3A_1623 = arith.addf %add3A_1603, %get3A_1615 : vector<16xf32>
      %mul3A_1624 = arith.mulf %get3A_1615, %get3A_1615 : vector<16xf32>
      %add3A_1625 = arith.addf %add3A_1605, %mul3A_1624 : vector<16xf32>
      %add3A_1626 = arith.addf %add3A_1606, %get3A_1622 : vector<16xf32>
      %mul3A_1627 = arith.mulf %get3A_1622, %get3A_1622 : vector<16xf32>
      %add3A_1628 = arith.addf %add3A_1608, %mul3A_1627 : vector<16xf32>
      %mul3A_1629 = arith.constant 26 : i32
      %mul3A_1630 = arith.muli %scan3A_1589, %mul3A_1629 : i32
      %add3A_1631 = arith.constant 2 : i32
      %add3A_1632 = arith.addi %mul3A_1630, %add3A_1631 : i32
      %get3A_1633 = arith.index_cast %add3A_1632 : i32 to index
      %get3A_1634 = arith.constant 0 : index
      %get3A_1635 = tpu.vector_load %arg9[%get3A_1633, %get3A_1634] {strides = array<i32>} : memref<3328x32xf32, #tpu.memory_space<vmem>>, vector<16xf32>,
      %mul3A_1636 = arith.constant 26 : i32
      %mul3A_1637 = arith.muli %scan3A_1589, %mul3A_1636 : i32
      %add3A_1638 = arith.constant 2 : i32
      %add3A_1639 = arith.addi %mul3A_1637, %add3A_1638 : i32
      %get3A_1640 = arith.index_cast %add3A_1639 : i32 to index
      %get3A_1641 = arith.constant 16 : index
      %get3A_1642 = tpu.vector_load %arg9[%get3A_1640, %get3A_1641] {strides = array<i32>} : memref<3328x32xf32, #tpu.memory_space<vmem>>, vector<16xf32>,
      %add3A_1643 = arith.addf %add3A_1623, %get3A_1635 : vector<16xf32>
      %mul3A_1644 = arith.mulf %get3A_1635, %get3A_1635 : vector<16xf32>
      %add3A_1645 = arith.addf %add3A_1625, %mul3A_1644 : vector<16xf32>
      %add3A_1646 = arith.addf %add3A_1626, %get3A_1642 : vector<16xf32>
      %mul3A_1647 = arith.mulf %get3A_1642, %get3A_1642 : vector<16xf32>
      %add3A_1648 = arith.addf %add3A_1628, %mul3A_1647 : vector<16xf32>
      %mul3A_1649 = arith.constant 26 : i32
      %mul3A_1650 = arith.muli %scan3A_1589, %mul3A_1649 : i32
      %add3A_1651 = arith.constant 3 : i32
      %add3A_1652 = arith.addi %mul3A_1650, %add3A_1651 : i32
      %get3A_1653 = arith.index_cast %add3A_1652 : i32 to index
      %get3A_1654 = arith.constant 0 : index
      %get3A_1655 = tpu.vector_load %arg9[%get3A_1653, %get3A_1654] {strides = array<i32>} : memref<3328x32xf32, #tpu.memory_space<vmem>>, vector<16xf32>,
      %mul3A_1656 = arith.constant 26 : i32
      %mul3A_1657 = arith.muli %scan3A_1589, %mul3A_1656 : i32
      %add3A_1658 = arith.constant 3 : i32
      %add3A_1659 = arith.addi %mul3A_1657, %add3A_1658 : i32
      %get3A_1660 = arith.index_cast %add3A_1659 : i32 to index
      %get3A_1661 = arith.constant 16 : index
      %get3A_1662 = tpu.vector_load %arg9[%get3A_1660, %get3A_1661] {strides = array<i32>} : memref<3328x32xf32, #tpu.memory_space<vmem>>, vector<16xf32>,
      %add3A_1663 = arith.addf %add3A_1643, %get3A_1655 : vector<16xf32>
      %mul3A_1664 = arith.mulf %get3A_1655, %get3A_1655 : vector<16xf32>
      %add3A_1665 = arith.addf %add3A_1645, %mul3A_1664 : vector<16xf32>
      %add3A_1666 = arith.addf %add3A_1646, %get3A_1662 : vector<16xf32>
      %mul3A_1667 = arith.mulf %get3A_1662, %get3A_1662 : vector<16xf32>
      %add3A_1668 = arith.addf %add3A_1648, %mul3A_1667 : vector<16xf32>
      %mul3A_1669 = arith.constant 26 : i32
      %mul3A_1670 = arith.muli %scan3A_1589, %mul3A_1669 : i32
      %add3A_1671 = arith.constant 4 : i32
      %add3A_1672 = arith.addi %mul3A_1670, %add3A_1671 : i32
      %get3A_1673 = arith.index_cast %add3A_1672 : i32 to index
      %get3A_1674 = arith.constant 0 : index
      %get3A_1675 = tpu.vector_load %arg9[%get3A_1673, %get3A_1674] {strides = array<i32>} : memref<3328x32xf32, #tpu.memory_space<vmem>>, vector<16xf32>,
      %mul3A_1676 = arith.constant 26 : i32
      %mul3A_1677 = arith.muli %scan3A_1589, %mul3A_1676 : i32
      %add3A_1678 = arith.constant 4 : i32
      %add3A_1679 = arith.addi %mul3A_1677, %add3A_1678 : i32
      %get3A_1680 = arith.index_cast %add3A_1679 : i32 to index
      %get3A_1681 = arith.constant 16 : index
      %get3A_1682 = tpu.vector_load %arg9[%get3A_1680, %get3A_1681] {strides = array<i32>} : memref<3328x32xf32, #tpu.memory_space<vmem>>, vector<16xf32>,
      %add3A_1683 = arith.addf %add3A_1663, %get3A_1675 : vector<16xf32>
      %mul3A_1684 = arith.mulf %get3A_1675, %get3A_1675 : vector<16xf32>
      %add3A_1685 = arith.addf %add3A_1665, %mul3A_1684 : vector<16xf32>
      %add3A_1686 = arith.addf %add3A_1666, %get3A_1682 : vector<16xf32>
      %mul3A_1687 = arith.mulf %get3A_1682, %get3A_1682 : vector<16xf32>
      %add3A_1688 = arith.addf %add3A_1668, %mul3A_1687 : vector<16xf32>
      %mul3A_1689 = arith.constant 26 : i32
      %mul3A_1690 = arith.muli %scan3A_1589, %mul3A_1689 : i32
      %add3A_1691 = arith.constant 5 : i32
      %add3A_1692 = arith.addi %mul3A_1690, %add3A_1691 : i32
      %get3A_1693 = arith.index_cast %add3A_1692 : i32 to index
      %get3A_1694 = arith.constant 0 : index
      %get3A_1695 = tpu.vector_load %arg9[%get3A_1693, %get3A_1694] {strides = array<i32>} : memref<3328x32xf32, #tpu.memory_space<vmem>>, vector<16xf32>,
      %mul3A_1696 = arith.constant 26 : i32
      %mul3A_1697 = arith.muli %scan3A_1589, %mul3A_1696 : i32
      %add3A_1698 = arith.constant 5 : i32
      %add3A_1699 = arith.addi %mul3A_1697, %add3A_1698 : i32
      %get3A_1700 = arith.index_cast %add3A_1699 : i32 to index
      %get3A_1701 = arith.constant 16 : index
      %get3A_1702 = tpu.vector_load %arg9[%get3A_1700, %get3A_1701] {strides = array<i32>} : memref<3328x32xf32, #tpu.memory_space<vmem>>, vector<16xf32>,
      %add3A_1703 = arith.addf %add3A_1683, %get3A_1695 : vector<16xf32>
      %mul3A_1704 = arith.mulf %get3A_1695, %get3A_1695 : vector<16xf32>
      %add3A_1705 = arith.addf %add3A_1685, %mul3A_1704 : vector<16xf32>
      %add3A_1706 = arith.addf %add3A_1686, %get3A_1702 : vector<16xf32>
      %mul3A_1707 = arith.mulf %get3A_1702, %get3A_1702 : vector<16xf32>
      %add3A_1708 = arith.addf %add3A_1688, %mul3A_1707 : vector<16xf32>
      %mul3A_1709 = arith.constant 26 : i32
      %mul3A_1710 = arith.muli %scan3A_1589, %mul3A_1709 : i32
      %add3A_1711 = arith.constant 6 : i32
      %add3A_1712 = arith.addi %mul3A_1710, %add3A_1711 : i32
      %get3A_1713 = arith.index_cast %add3A_1712 : i32 to index
      %get3A_1714 = arith.constant 0 : index
      %get3A_1715 = tpu.vector_load %arg9[%get3A_1713, %get3A_1714] {strides = array<i32>} : memref<3328x32xf32, #tpu.memory_space<vmem>>, vector<16xf32>,
      %mul3A_1716 = arith.constant 26 : i32
      %mul3A_1717 = arith.muli %scan3A_1589, %mul3A_1716 : i32
      %add3A_1718 = arith.constant 6 : i32
      %add3A_1719 = arith.addi %mul3A_1717, %add3A_1718 : i32
      %get3A_1720 = arith.index_cast %add3A_1719 : i32 to index
      %get3A_1721 = arith.constant 16 : index
      %get3A_1722 = tpu.vector_load %arg9[%get3A_1720, %get3A_1721] {strides = array<i32>} : memref<3328x32xf32, #tpu.memory_space<vmem>>, vector<16xf32>,
      %add3A_1723 = arith.addf %add3A_1703, %get3A_1715 : vector<16xf32>
      %mul3A_1724 = arith.mulf %get3A_1715, %get3A_1715 : vector<16xf32>
      %add3A_1725 = arith.addf %add3A_1705, %mul3A_1724 : vector<16xf32>
      %add3A_1726 = arith.addf %add3A_1706, %get3A_1722 : vector<16xf32>
      %mul3A_1727 = arith.mulf %get3A_1722, %get3A_1722 : vector<16xf32>
      %add3A_1728 = arith.addf %add3A_1708, %mul3A_1727 : vector<16xf32>
      %mul3A_1729 = arith.constant 26 : i32
      %mul3A_1730 = arith.muli %scan3A_1589, %mul3A_1729 : i32
      %add3A_1731 = arith.constant 7 : i32
      %add3A_1732 = arith.addi %mul3A_1730, %add3A_1731 : i32
      %get3A_1733 = arith.index_cast %add3A_1732 : i32 to index
      %get3A_1734 = arith.constant 0 : index
      %get3A_1735 = tpu.vector_load %arg9[%get3A_1733, %get3A_1734] {strides = array<i32>} : memref<3328x32xf32, #tpu.memory_space<vmem>>, vector<16xf32>,
      %mul3A_1736 = arith.constant 26 : i32
      %mul3A_1737 = arith.muli %scan3A_1589, %mul3A_1736 : i32
      %add3A_1738 = arith.constant 7 : i32
      %add3A_1739 = arith.addi %mul3A_1737, %add3A_1738 : i32
      %get3A_1740 = arith.index_cast %add3A_1739 : i32 to index
      %get3A_1741 = arith.constant 16 : index
      %get3A_1742 = tpu.vector_load %arg9[%get3A_1740, %get3A_1741] {strides = array<i32>} : memref<3328x32xf32, #tpu.memory_space<vmem>>, vector<16xf32>,
      %add3A_1743 = arith.addf %add3A_1723, %get3A_1735 : vector<16xf32>
      %mul3A_1744 = arith.mulf %get3A_1735, %get3A_1735 : vector<16xf32>
      %add3A_1745 = arith.addf %add3A_1725, %mul3A_1744 : vector<16xf32>
      %add3A_1746 = arith.addf %add3A_1726, %get3A_1742 : vector<16xf32>
      %mul3A_1747 = arith.mulf %get3A_1742, %get3A_1742 : vector<16xf32>
      %add3A_1748 = arith.addf %add3A_1728, %mul3A_1747 : vector<16xf32>
      %mul3A_1749 = arith.constant 26 : i32
      %mul3A_1750 = arith.muli %scan3A_1589, %mul3A_1749 : i32
      %add3A_1751 = arith.constant 8 : i32
      %add3A_1752 = arith.addi %mul3A_1750, %add3A_1751 : i32
      %get3A_1753 = arith.index_cast %add3A_1752 : i32 to index
      %get3A_1754 = arith.constant 0 : index
      %get3A_1755 = tpu.vector_load %arg9[%get3A_1753, %get3A_1754] {strides = array<i32>} : memref<3328x32xf32, #tpu.memory_space<vmem>>, vector<16xf32>,
      %mul3A_1756 = arith.constant 26 : i32
      %mul3A_1757 = arith.muli %scan3A_1589, %mul3A_1756 : i32
      %add3A_1758 = arith.constant 8 : i32
      %add3A_1759 = arith.addi %mul3A_1757, %add3A_1758 : i32
      %get3A_1760 = arith.index_cast %add3A_1759 : i32 to index
      %get3A_1761 = arith.constant 16 : index
      %get3A_1762 = tpu.vector_load %arg9[%get3A_1760, %get3A_1761] {strides = array<i32>} : memref<3328x32xf32, #tpu.memory_space<vmem>>, vector<16xf32>,
      %add3A_1763 = arith.addf %add3A_1743, %get3A_1755 : vector<16xf32>
      %mul3A_1764 = arith.mulf %get3A_1755, %get3A_1755 : vector<16xf32>
      %add3A_1765 = arith.addf %add3A_1745, %mul3A_1764 : vector<16xf32>
      %add3A_1766 = arith.addf %add3A_1746, %get3A_1762 : vector<16xf32>
      %mul3A_1767 = arith.mulf %get3A_1762, %get3A_1762 : vector<16xf32>
      %add3A_1768 = arith.addf %add3A_1748, %mul3A_1767 : vector<16xf32>
      %mul3A_1769 = arith.constant 26 : i32
      %mul3A_1770 = arith.muli %scan3A_1589, %mul3A_1769 : i32
      %add3A_1771 = arith.constant 9 : i32
      %add3A_1772 = arith.addi %mul3A_1770, %add3A_1771 : i32
      %get3A_1773 = arith.index_cast %add3A_1772 : i32 to index
      %get3A_1774 = arith.constant 0 : index
      %get3A_1775 = tpu.vector_load %arg9[%get3A_1773, %get3A_1774] {strides = array<i32>} : memref<3328x32xf32, #tpu.memory_space<vmem>>, vector<16xf32>,
      %mul3A_1776 = arith.constant 26 : i32
      %mul3A_1777 = arith.muli %scan3A_1589, %mul3A_1776 : i32
      %add3A_1778 = arith.constant 9 : i32
      %add3A_1779 = arith.addi %mul3A_1777, %add3A_1778 : i32
      %get3A_1780 = arith.index_cast %add3A_1779 : i32 to index
      %get3A_1781 = arith.constant 16 : index
      %get3A_1782 = tpu.vector_load %arg9[%get3A_1780, %get3A_1781] {strides = array<i32>} : memref<3328x32xf32, #tpu.memory_space<vmem>>, vector<16xf32>,
      %add3A_1783 = arith.addf %add3A_1763, %get3A_1775 : vector<16xf32>
      %mul3A_1784 = arith.mulf %get3A_1775, %get3A_1775 : vector<16xf32>
      %add3A_1785 = arith.addf %add3A_1765, %mul3A_1784 : vector<16xf32>
      %add3A_1786 = arith.addf %add3A_1766, %get3A_1782 : vector<16xf32>
      %mul3A_1787 = arith.mulf %get3A_1782, %get3A_1782 : vector<16xf32>
      %add3A_1788 = arith.addf %add3A_1768, %mul3A_1787 : vector<16xf32>
      %mul3A_1789 = arith.constant 26 : i32
      %mul3A_1790 = arith.muli %scan3A_1589, %mul3A_1789 : i32
      %add3A_1791 = arith.constant 10 : i32
      %add3A_1792 = arith.addi %mul3A_1790, %add3A_1791 : i32
      %get3A_1793 = arith.index_cast %add3A_1792 : i32 to index
      %get3A_1794 = arith.constant 0 : index
      %get3A_1795 = tpu.vector_load %arg9[%get3A_1793, %get3A_1794] {strides = array<i32>} : memref<3328x32xf32, #tpu.memory_space<vmem>>, vector<16xf32>,
      %mul3A_1796 = arith.constant 26 : i32
      %mul3A_1797 = arith.muli %scan3A_1589, %mul3A_1796 : i32
      %add3A_1798 = arith.constant 10 : i32
      %add3A_1799 = arith.addi %mul3A_1797, %add3A_1798 : i32
      %get3A_1800 = arith.index_cast %add3A_1799 : i32 to index
      %get3A_1801 = arith.constant 16 : index
      %get3A_1802 = tpu.vector_load %arg9[%get3A_1800, %get3A_1801] {strides = array<i32>} : memref<3328x32xf32, #tpu.memory_space<vmem>>, vector<16xf32>,
      %add3A_1803 = arith.addf %add3A_1783, %get3A_1795 : vector<16xf32>
      %mul3A_1804 = arith.mulf %get3A_1795, %get3A_1795 : vector<16xf32>
      %add3A_1805 = arith.addf %add3A_1785, %mul3A_1804 : vector<16xf32>
      %add3A_1806 = arith.addf %add3A_1786, %get3A_1802 : vector<16xf32>
      %mul3A_1807 = arith.mulf %get3A_1802, %get3A_1802 : vector<16xf32>
      %add3A_1808 = arith.addf %add3A_1788, %mul3A_1807 : vector<16xf32>
      %mul3A_1809 = arith.constant 26 : i32
      %mul3A_1810 = arith.muli %scan3A_1589, %mul3A_1809 : i32
      %add3A_1811 = arith.constant 11 : i32
      %add3A_1812 = arith.addi %mul3A_1810, %add3A_1811 : i32
      %get3A_1813 = arith.index_cast %add3A_1812 : i32 to index
      %get3A_1814 = arith.constant 0 : index
      %get3A_1815 = tpu.vector_load %arg9[%get3A_1813, %get3A_1814] {strides = array<i32>} : memref<3328x32xf32, #tpu.memory_space<vmem>>, vector<16xf32>,
      %mul3A_1816 = arith.constant 26 : i32
      %mul3A_1817 = arith.muli %scan3A_1589, %mul3A_1816 : i32
      %add3A_1818 = arith.constant 11 : i32
      %add3A_1819 = arith.addi %mul3A_1817, %add3A_1818 : i32
      %get3A_1820 = arith.index_cast %add3A_1819 : i32 to index
      %get3A_1821 = arith.constant 16 : index
      %get3A_1822 = tpu.vector_load %arg9[%get3A_1820, %get3A_1821] {strides = array<i32>} : memref<3328x32xf32, #tpu.memory_space<vmem>>, vector<16xf32>,
      %add3A_1823 = arith.addf %add3A_1803, %get3A_1815 : vector<16xf32>
      %mul3A_1824 = arith.mulf %get3A_1815, %get3A_1815 : vector<16xf32>
      %add3A_1825 = arith.addf %add3A_1805, %mul3A_1824 : vector<16xf32>
      %add3A_1826 = arith.addf %add3A_1806, %get3A_1822 : vector<16xf32>
      %mul3A_1827 = arith.mulf %get3A_1822, %get3A_1822 : vector<16xf32>
      %add3A_1828 = arith.addf %add3A_1808, %mul3A_1827 : vector<16xf32>
      %mul3A_1829 = arith.constant 26 : i32
      %mul3A_1830 = arith.muli %scan3A_1589, %mul3A_1829 : i32
      %add3A_1831 = arith.constant 12 : i32
      %add3A_1832 = arith.addi %mul3A_1830, %add3A_1831 : i32
      %get3A_1833 = arith.index_cast %add3A_1832 : i32 to index
      %get3A_1834 = arith.constant 0 : index
      %get3A_1835 = tpu.vector_load %arg9[%get3A_1833, %get3A_1834] {strides = array<i32>} : memref<3328x32xf32, #tpu.memory_space<vmem>>, vector<16xf32>,
      %mul3A_1836 = arith.constant 26 : i32
      %mul3A_1837 = arith.muli %scan3A_1589, %mul3A_1836 : i32
      %add3A_1838 = arith.constant 12 : i32
      %add3A_1839 = arith.addi %mul3A_1837, %add3A_1838 : i32
      %get3A_1840 = arith.index_cast %add3A_1839 : i32 to index
      %get3A_1841 = arith.constant 16 : index
      %get3A_1842 = tpu.vector_load %arg9[%get3A_1840, %get3A_1841] {strides = array<i32>} : memref<3328x32xf32, #tpu.memory_space<vmem>>, vector<16xf32>,
      %add3A_1843 = arith.addf %add3A_1823, %get3A_1835 : vector<16xf32>
      %mul3A_1844 = arith.mulf %get3A_1835, %get3A_1835 : vector<16xf32>
      %add3A_1845 = arith.addf %add3A_1825, %mul3A_1844 : vector<16xf32>
      %add3A_1846 = arith.addf %add3A_1826, %get3A_1842 : vector<16xf32>
      %mul3A_1847 = arith.mulf %get3A_1842, %get3A_1842 : vector<16xf32>
      %add3A_1848 = arith.addf %add3A_1828, %mul3A_1847 : vector<16xf32>
      %mul3A_1849 = arith.constant 26 : i32
      %mul3A_1850 = arith.muli %scan3A_1589, %mul3A_1849 : i32
      %add3A_1851 = arith.constant 13 : i32
      %add3A_1852 = arith.addi %mul3A_1850, %add3A_1851 : i32
      %get3A_1853 = arith.index_cast %add3A_1852 : i32 to index
      %get3A_1854 = arith.constant 0 : index
      %get3A_1855 = tpu.vector_load %arg9[%get3A_1853, %get3A_1854] {strides = array<i32>} : memref<3328x32xf32, #tpu.memory_space<vmem>>, vector<16xf32>,
      %mul3A_1856 = arith.constant 26 : i32
      %mul3A_1857 = arith.muli %scan3A_1589, %mul3A_1856 : i32
      %add3A_1858 = arith.constant 13 : i32
      %add3A_1859 = arith.addi %mul3A_1857, %add3A_1858 : i32
      %get3A_1860 = arith.index_cast %add3A_1859 : i32 to index
      %get3A_1861 = arith.constant 16 : index
      %get3A_1862 = tpu.vector_load %arg9[%get3A_1860, %get3A_1861] {strides = array<i32>} : memref<3328x32xf32, #tpu.memory_space<vmem>>, vector<16xf32>,
      %add3A_1863 = arith.addf %add3A_1843, %get3A_1855 : vector<16xf32>
      %mul3A_1864 = arith.mulf %get3A_1855, %get3A_1855 : vector<16xf32>
      %add3A_1865 = arith.addf %add3A_1845, %mul3A_1864 : vector<16xf32>
      %add3A_1866 = arith.addf %add3A_1846, %get3A_1862 : vector<16xf32>
      %mul3A_1867 = arith.mulf %get3A_1862, %get3A_1862 : vector<16xf32>
      %add3A_1868 = arith.addf %add3A_1848, %mul3A_1867 : vector<16xf32>
      %mul3A_1869 = arith.constant 26 : i32
      %mul3A_1870 = arith.muli %scan3A_1589, %mul3A_1869 : i32
      %add3A_1871 = arith.constant 14 : i32
      %add3A_1872 = arith.addi %mul3A_1870, %add3A_1871 : i32
      %get3A_1873 = arith.index_cast %add3A_1872 : i32 to index
      %get3A_1874 = arith.constant 0 : index
      %get3A_1875 = tpu.vector_load %arg9[%get3A_1873, %get3A_1874] {strides = array<i32>} : memref<3328x32xf32, #tpu.memory_space<vmem>>, vector<16xf32>,
      %mul3A_1876 = arith.constant 26 : i32
      %mul3A_1877 = arith.muli %scan3A_1589, %mul3A_1876 : i32
      %add3A_1878 = arith.constant 14 : i32
      %add3A_1879 = arith.addi %mul3A_1877, %add3A_1878 : i32
      %get3A_1880 = arith.index_cast %add3A_1879 : i32 to index
      %get3A_1881 = arith.constant 16 : index
      %get3A_1882 = tpu.vector_load %arg9[%get3A_1880, %get3A_1881] {strides = array<i32>} : memref<3328x32xf32, #tpu.memory_space<vmem>>, vector<16xf32>,
      %add3A_1883 = arith.addf %add3A_1863, %get3A_1875 : vector<16xf32>
      %mul3A_1884 = arith.mulf %get3A_1875, %get3A_1875 : vector<16xf32>
      %add3A_1885 = arith.addf %add3A_1865, %mul3A_1884 : vector<16xf32>
      %add3A_1886 = arith.addf %add3A_1866, %get3A_1882 : vector<16xf32>
      %mul3A_1887 = arith.mulf %get3A_1882, %get3A_1882 : vector<16xf32>
      %add3A_1888 = arith.addf %add3A_1868, %mul3A_1887 : vector<16xf32>
      %mul3A_1889 = arith.constant 26 : i32
      %mul3A_1890 = arith.muli %scan3A_1589, %mul3A_1889 : i32
      %add3A_1891 = arith.constant 15 : i32
      %add3A_1892 = arith.addi %mul3A_1890, %add3A_1891 : i32
      %get3A_1893 = arith.index_cast %add3A_1892 : i32 to index
      %get3A_1894 = arith.constant 0 : index
      %get3A_1895 = tpu.vector_load %arg9[%get3A_1893, %get3A_1894] {strides = array<i32>} : memref<3328x32xf32, #tpu.memory_space<vmem>>, vector<16xf32>,
      %mul3A_1896 = arith.constant 26 : i32
      %mul3A_1897 = arith.muli %scan3A_1589, %mul3A_1896 : i32
      %add3A_1898 = arith.constant 15 : i32
      %add3A_1899 = arith.addi %mul3A_1897, %add3A_1898 : i32
      %get3A_1900 = arith.index_cast %add3A_1899 : i32 to index
      %get3A_1901 = arith.constant 16 : index
      %get3A_1902 = tpu.vector_load %arg9[%get3A_1900, %get3A_1901] {strides = array<i32>} : memref<3328x32xf32, #tpu.memory_space<vmem>>, vector<16xf32>,
      %add3A_1903 = arith.addf %add3A_1883, %get3A_1895 : vector<16xf32>
      %mul3A_1904 = arith.mulf %get3A_1895, %get3A_1895 : vector<16xf32>
      %add3A_1905 = arith.addf %add3A_1885, %mul3A_1904 : vector<16xf32>
      %add3A_1906 = arith.addf %add3A_1886, %get3A_1902 : vector<16xf32>
      %mul3A_1907 = arith.mulf %get3A_1902, %get3A_1902 : vector<16xf32>
      %add3A_1908 = arith.addf %add3A_1888, %mul3A_1907 : vector<16xf32>
      %mul3A_1909 = arith.constant 26 : i32
      %mul3A_1910 = arith.muli %scan3A_1589, %mul3A_1909 : i32
      %add3A_1911 = arith.constant 16 : i32
      %add3A_1912 = arith.addi %mul3A_1910, %add3A_1911 : i32
      %get3A_1913 = arith.index_cast %add3A_1912 : i32 to index
      %get3A_1914 = arith.constant 0 : index
      %get3A_1915 = tpu.vector_load %arg9[%get3A_1913, %get3A_1914] {strides = array<i32>} : memref<3328x32xf32, #tpu.memory_space<vmem>>, vector<16xf32>,
      %mul3A_1916 = arith.constant 26 : i32
      %mul3A_1917 = arith.muli %scan3A_1589, %mul3A_1916 : i32
      %add3A_1918 = arith.constant 16 : i32
      %add3A_1919 = arith.addi %mul3A_1917, %add3A_1918 : i32
      %get3A_1920 = arith.index_cast %add3A_1919 : i32 to index
      %get3A_1921 = arith.constant 16 : index
      %get3A_1922 = tpu.vector_load %arg9[%get3A_1920, %get3A_1921] {strides = array<i32>} : memref<3328x32xf32, #tpu.memory_space<vmem>>, vector<16xf32>,
      %add3A_1923 = arith.addf %add3A_1903, %get3A_1915 : vector<16xf32>
      %mul3A_1924 = arith.mulf %get3A_1915, %get3A_1915 : vector<16xf32>
      %add3A_1925 = arith.addf %add3A_1905, %mul3A_1924 : vector<16xf32>
      %add3A_1926 = arith.addf %add3A_1906, %get3A_1922 : vector<16xf32>
      %mul3A_1927 = arith.mulf %get3A_1922, %get3A_1922 : vector<16xf32>
      %add3A_1928 = arith.addf %add3A_1908, %mul3A_1927 : vector<16xf32>
      %mul3A_1929 = arith.constant 26 : i32
      %mul3A_1930 = arith.muli %scan3A_1589, %mul3A_1929 : i32
      %add3A_1931 = arith.constant 17 : i32
      %add3A_1932 = arith.addi %mul3A_1930, %add3A_1931 : i32
      %get3A_1933 = arith.index_cast %add3A_1932 : i32 to index
      %get3A_1934 = arith.constant 0 : index
      %get3A_1935 = tpu.vector_load %arg9[%get3A_1933, %get3A_1934] {strides = array<i32>} : memref<3328x32xf32, #tpu.memory_space<vmem>>, vector<16xf32>,
      %mul3A_1936 = arith.constant 26 : i32
      %mul3A_1937 = arith.muli %scan3A_1589, %mul3A_1936 : i32
      %add3A_1938 = arith.constant 17 : i32
      %add3A_1939 = arith.addi %mul3A_1937, %add3A_1938 : i32
      %get3A_1940 = arith.index_cast %add3A_1939 : i32 to index
      %get3A_1941 = arith.constant 16 : index
      %get3A_1942 = tpu.vector_load %arg9[%get3A_1940, %get3A_1941] {strides = array<i32>} : memref<3328x32xf32, #tpu.memory_space<vmem>>, vector<16xf32>,
      %add3A_1943 = arith.addf %add3A_1923, %get3A_1935 : vector<16xf32>
      %mul3A_1944 = arith.mulf %get3A_1935, %get3A_1935 : vector<16xf32>
      %add3A_1945 = arith.addf %add3A_1925, %mul3A_1944 : vector<16xf32>
      %add3A_1946 = arith.addf %add3A_1926, %get3A_1942 : vector<16xf32>
      %mul3A_1947 = arith.mulf %get3A_1942, %get3A_1942 : vector<16xf32>
      %add3A_1948 = arith.addf %add3A_1928, %mul3A_1947 : vector<16xf32>
      %mul3A_1949 = arith.constant 26 : i32
      %mul3A_1950 = arith.muli %scan3A_1589, %mul3A_1949 : i32
      %add3A_1951 = arith.constant 18 : i32
      %add3A_1952 = arith.addi %mul3A_1950, %add3A_1951 : i32
      %get3A_1953 = arith.index_cast %add3A_1952 : i32 to index
      %get3A_1954 = arith.constant 0 : index
      %get3A_1955 = tpu.vector_load %arg9[%get3A_1953, %get3A_1954] {strides = array<i32>} : memref<3328x32xf32, #tpu.memory_space<vmem>>, vector<16xf32>,
      %mul3A_1956 = arith.constant 26 : i32
      %mul3A_1957 = arith.muli %scan3A_1589, %mul3A_1956 : i32
      %add3A_1958 = arith.constant 18 : i32
      %add3A_1959 = arith.addi %mul3A_1957, %add3A_1958 : i32
      %get3A_1960 = arith.index_cast %add3A_1959 : i32 to index
      %get3A_1961 = arith.constant 16 : index
      %get3A_1962 = tpu.vector_load %arg9[%get3A_1960, %get3A_1961] {strides = array<i32>} : memref<3328x32xf32, #tpu.memory_space<vmem>>, vector<16xf32>,
      %add3A_1963 = arith.addf %add3A_1943, %get3A_1955 : vector<16xf32>
      %mul3A_1964 = arith.mulf %get3A_1955, %get3A_1955 : vector<16xf32>
      %add3A_1965 = arith.addf %add3A_1945, %mul3A_1964 : vector<16xf32>
      %add3A_1966 = arith.addf %add3A_1946, %get3A_1962 : vector<16xf32>
      %mul3A_1967 = arith.mulf %get3A_1962, %get3A_1962 : vector<16xf32>
      %add3A_1968 = arith.addf %add3A_1948, %mul3A_1967 : vector<16xf32>
      %mul3A_1969 = arith.constant 26 : i32
      %mul3A_1970 = arith.muli %scan3A_1589, %mul3A_1969 : i32
      %add3A_1971 = arith.constant 19 : i32
      %add3A_1972 = arith.addi %mul3A_1970, %add3A_1971 : i32
      %get3A_1973 = arith.index_cast %add3A_1972 : i32 to index
      %get3A_1974 = arith.constant 0 : index
      %get3A_1975 = tpu.vector_load %arg9[%get3A_1973, %get3A_1974] {strides = array<i32>} : memref<3328x32xf32, #tpu.memory_space<vmem>>, vector<16xf32>,
      %mul3A_1976 = arith.constant 26 : i32
      %mul3A_1977 = arith.muli %scan3A_1589, %mul3A_1976 : i32
      %add3A_1978 = arith.constant 19 : i32
      %add3A_1979 = arith.addi %mul3A_1977, %add3A_1978 : i32
      %get3A_1980 = arith.index_cast %add3A_1979 : i32 to index
      %get3A_1981 = arith.constant 16 : index
      %get3A_1982 = tpu.vector_load %arg9[%get3A_1980, %get3A_1981] {strides = array<i32>} : memref<3328x32xf32, #tpu.memory_space<vmem>>, vector<16xf32>,
      %add3A_1983 = arith.addf %add3A_1963, %get3A_1975 : vector<16xf32>
      %mul3A_1984 = arith.mulf %get3A_1975, %get3A_1975 : vector<16xf32>
      %add3A_1985 = arith.addf %add3A_1965, %mul3A_1984 : vector<16xf32>
      %add3A_1986 = arith.addf %add3A_1966, %get3A_1982 : vector<16xf32>
      %mul3A_1987 = arith.mulf %get3A_1982, %get3A_1982 : vector<16xf32>
      %add3A_1988 = arith.addf %add3A_1968, %mul3A_1987 : vector<16xf32>
      %mul3A_1989 = arith.constant 26 : i32
      %mul3A_1990 = arith.muli %scan3A_1589, %mul3A_1989 : i32
      %add3A_1991 = arith.constant 20 : i32
      %add3A_1992 = arith.addi %mul3A_1990, %add3A_1991 : i32
      %get3A_1993 = arith.index_cast %add3A_1992 : i32 to index
      %get3A_1994 = arith.constant 0 : index
      %get3A_1995 = tpu.vector_load %arg9[%get3A_1993, %get3A_1994] {strides = array<i32>} : memref<3328x32xf32, #tpu.memory_space<vmem>>, vector<16xf32>,
      %mul3A_1996 = arith.constant 26 : i32
      %mul3A_1997 = arith.muli %scan3A_1589, %mul3A_1996 : i32
      %add3A_1998 = arith.constant 20 : i32
      %add3A_1999 = arith.addi %mul3A_1997, %add3A_1998 : i32
      %get3A_2000 = arith.index_cast %add3A_1999 : i32 to index
      %get3A_2001 = arith.constant 16 : index
      %get3A_2002 = tpu.vector_load %arg9[%get3A_2000, %get3A_2001] {strides = array<i32>} : memref<3328x32xf32, #tpu.memory_space<vmem>>, vector<16xf32>,
      %add3A_2003 = arith.addf %add3A_1983, %get3A_1995 : vector<16xf32>
      %mul3A_2004 = arith.mulf %get3A_1995, %get3A_1995 : vector<16xf32>
      %add3A_2005 = arith.addf %add3A_1985, %mul3A_2004 : vector<16xf32>
      %add3A_2006 = arith.addf %add3A_1986, %get3A_2002 : vector<16xf32>
      %mul3A_2007 = arith.mulf %get3A_2002, %get3A_2002 : vector<16xf32>
      %add3A_2008 = arith.addf %add3A_1988, %mul3A_2007 : vector<16xf32>
      %mul3A_2009 = arith.constant 26 : i32
      %mul3A_2010 = arith.muli %scan3A_1589, %mul3A_2009 : i32
      %add3A_2011 = arith.constant 21 : i32
      %add3A_2012 = arith.addi %mul3A_2010, %add3A_2011 : i32
      %get3A_2013 = arith.index_cast %add3A_2012 : i32 to index
      %get3A_2014 = arith.constant 0 : index
      %get3A_2015 = tpu.vector_load %arg9[%get3A_2013, %get3A_2014] {strides = array<i32>} : memref<3328x32xf32, #tpu.memory_space<vmem>>, vector<16xf32>,
      %mul3A_2016 = arith.constant 26 : i32
      %mul3A_2017 = arith.muli %scan3A_1589, %mul3A_2016 : i32
      %add3A_2018 = arith.constant 21 : i32
      %add3A_2019 = arith.addi %mul3A_2017, %add3A_2018 : i32
      %get3A_2020 = arith.index_cast %add3A_2019 : i32 to index
      %get3A_2021 = arith.constant 16 : index
      %get3A_2022 = tpu.vector_load %arg9[%get3A_2020, %get3A_2021] {strides = array<i32>} : memref<3328x32xf32, #tpu.memory_space<vmem>>, vector<16xf32>,
      %add3A_2023 = arith.addf %add3A_2003, %get3A_2015 : vector<16xf32>
      %mul3A_2024 = arith.mulf %get3A_2015, %get3A_2015 : vector<16xf32>
      %add3A_2025 = arith.addf %add3A_2005, %mul3A_2024 : vector<16xf32>
      %add3A_2026 = arith.addf %add3A_2006, %get3A_2022 : vector<16xf32>
      %mul3A_2027 = arith.mulf %get3A_2022, %get3A_2022 : vector<16xf32>
      %add3A_2028 = arith.addf %add3A_2008, %mul3A_2027 : vector<16xf32>
      %mul3A_2029 = arith.constant 26 : i32
      %mul3A_2030 = arith.muli %scan3A_1589, %mul3A_2029 : i32
      %add3A_2031 = arith.constant 22 : i32
      %add3A_2032 = arith.addi %mul3A_2030, %add3A_2031 : i32
      %get3A_2033 = arith.index_cast %add3A_2032 : i32 to index
      %get3A_2034 = arith.constant 0 : index
      %get3A_2035 = tpu.vector_load %arg9[%get3A_2033, %get3A_2034] {strides = array<i32>} : memref<3328x32xf32, #tpu.memory_space<vmem>>, vector<16xf32>,
      %mul3A_2036 = arith.constant 26 : i32
      %mul3A_2037 = arith.muli %scan3A_1589, %mul3A_2036 : i32
      %add3A_2038 = arith.constant 22 : i32
      %add3A_2039 = arith.addi %mul3A_2037, %add3A_2038 : i32
      %get3A_2040 = arith.index_cast %add3A_2039 : i32 to index
      %get3A_2041 = arith.constant 16 : index
      %get3A_2042 = tpu.vector_load %arg9[%get3A_2040, %get3A_2041] {strides = array<i32>} : memref<3328x32xf32, #tpu.memory_space<vmem>>, vector<16xf32>,
      %add3A_2043 = arith.addf %add3A_2023, %get3A_2035 : vector<16xf32>
      %mul3A_2044 = arith.mulf %get3A_2035, %get3A_2035 : vector<16xf32>
      %add3A_2045 = arith.addf %add3A_2025, %mul3A_2044 : vector<16xf32>
      %add3A_2046 = arith.addf %add3A_2026, %get3A_2042 : vector<16xf32>
      %mul3A_2047 = arith.mulf %get3A_2042, %get3A_2042 : vector<16xf32>
      %add3A_2048 = arith.addf %add3A_2028, %mul3A_2047 : vector<16xf32>
      %mul3A_2049 = arith.constant 26 : i32
      %mul3A_2050 = arith.muli %scan3A_1589, %mul3A_2049 : i32
      %add3A_2051 = arith.constant 23 : i32
      %add3A_2052 = arith.addi %mul3A_2050, %add3A_2051 : i32
      %get3A_2053 = arith.index_cast %add3A_2052 : i32 to index
      %get3A_2054 = arith.constant 0 : index
      %get3A_2055 = tpu.vector_load %arg9[%get3A_2053, %get3A_2054] {strides = array<i32>} : memref<3328x32xf32, #tpu.memory_space<vmem>>, vector<16xf32>,
      %mul3A_2056 = arith.constant 26 : i32
      %mul3A_2057 = arith.muli %scan3A_1589, %mul3A_2056 : i32
      %add3A_2058 = arith.constant 23 : i32
      %add3A_2059 = arith.addi %mul3A_2057, %add3A_2058 : i32
      %get3A_2060 = arith.index_cast %add3A_2059 : i32 to index
      %get3A_2061 = arith.constant 16 : index
      %get3A_2062 = tpu.vector_load %arg9[%get3A_2060, %get3A_2061] {strides = array<i32>} : memref<3328x32xf32, #tpu.memory_space<vmem>>, vector<16xf32>,
      %add3A_2063 = arith.addf %add3A_2043, %get3A_2055 : vector<16xf32>
      %mul3A_2064 = arith.mulf %get3A_2055, %get3A_2055 : vector<16xf32>
      %add3A_2065 = arith.addf %add3A_2045, %mul3A_2064 : vector<16xf32>
      %add3A_2066 = arith.addf %add3A_2046, %get3A_2062 : vector<16xf32>
      %mul3A_2067 = arith.mulf %get3A_2062, %get3A_2062 : vector<16xf32>
      %add3A_2068 = arith.addf %add3A_2048, %mul3A_2067 : vector<16xf32>
      %mul3A_2069 = arith.constant 26 : i32
      %mul3A_2070 = arith.muli %scan3A_1589, %mul3A_2069 : i32
      %add3A_2071 = arith.constant 24 : i32
      %add3A_2072 = arith.addi %mul3A_2070, %add3A_2071 : i32
      %get3A_2073 = arith.index_cast %add3A_2072 : i32 to index
      %get3A_2074 = arith.constant 0 : index
      %get3A_2075 = tpu.vector_load %arg9[%get3A_2073, %get3A_2074] {strides = array<i32>} : memref<3328x32xf32, #tpu.memory_space<vmem>>, vector<16xf32>,
      %mul3A_2076 = arith.constant 26 : i32
      %mul3A_2077 = arith.muli %scan3A_1589, %mul3A_2076 : i32
      %add3A_2078 = arith.constant 24 : i32
      %add3A_2079 = arith.addi %mul3A_2077, %add3A_2078 : i32
      %get3A_2080 = arith.index_cast %add3A_2079 : i32 to index
      %get3A_2081 = arith.constant 16 : index
      %get3A_2082 = tpu.vector_load %arg9[%get3A_2080, %get3A_2081] {strides = array<i32>} : memref<3328x32xf32, #tpu.memory_space<vmem>>, vector<16xf32>,
      %add3A_2083 = arith.addf %add3A_2063, %get3A_2075 : vector<16xf32>
      %mul3A_2084 = arith.mulf %get3A_2075, %get3A_2075 : vector<16xf32>
      %add3A_2085 = arith.addf %add3A_2065, %mul3A_2084 : vector<16xf32>
      %add3A_2086 = arith.addf %add3A_2066, %get3A_2082 : vector<16xf32>
      %mul3A_2087 = arith.mulf %get3A_2082, %get3A_2082 : vector<16xf32>
      %add3A_2088 = arith.addf %add3A_2068, %mul3A_2087 : vector<16xf32>
      %mul3A_2089 = arith.constant 26 : i32
      %mul3A_2090 = arith.muli %scan3A_1589, %mul3A_2089 : i32
      %add3A_2091 = arith.constant 25 : i32
      %add3A_2092 = arith.addi %mul3A_2090, %add3A_2091 : i32
      %get3A_2093 = arith.index_cast %add3A_2092 : i32 to index
      %get3A_2094 = arith.constant 0 : index
      %get3A_2095 = tpu.vector_load %arg9[%get3A_2093, %get3A_2094] {strides = array<i32>} : memref<3328x32xf32, #tpu.memory_space<vmem>>, vector<16xf32>,
      %mul3A_2096 = arith.constant 26 : i32
      %mul3A_2097 = arith.muli %scan3A_1589, %mul3A_2096 : i32
      %add3A_2098 = arith.constant 25 : i32
      %add3A_2099 = arith.addi %mul3A_2097, %add3A_2098 : i32
      %get3A_2100 = arith.index_cast %add3A_2099 : i32 to index
      %get3A_2101 = arith.constant 16 : index
      %get3A_2102 = tpu.vector_load %arg9[%get3A_2100, %get3A_2101] {strides = array<i32>} : memref<3328x32xf32, #tpu.memory_space<vmem>>, vector<16xf32>,
      %add3A_2103 = arith.addf %add3A_2083, %get3A_2095 : vector<16xf32>
      %mul3A_2104 = arith.mulf %get3A_2095, %get3A_2095 : vector<16xf32>
      %add3A_2105 = arith.addf %add3A_2085, %mul3A_2104 : vector<16xf32>
      %add3A_2106 = arith.addf %add3A_2086, %get3A_2102 : vector<16xf32>
      %mul3A_2107 = arith.mulf %get3A_2102, %get3A_2102 : vector<16xf32>
      %add3A_2108 = arith.addf %add3A_2088, %mul3A_2107 : vector<16xf32>
      %mul3A_2109 = arith.mulf %add3A_2103, %add3A_2103 : vector<16xf32>
      %sub3A = arith.subf %mul3A_2109, %add3A_2105 : vector<16xf32>
      %mul3A_2110 = arith.mulf %add3A_2106, %add3A_2106 : vector<16xf32>
      %sub3A_2111 = arith.subf %mul3A_2110, %add3A_2108 : vector<16xf32>
      %add3A_2112 = arith.addf %sub3A, %sub3A_2111 : vector<16xf32>
      %mul3A_2113 = arith.constant 32 : i32
      %mul3A_2114 = arith.muli %scan3A_1589, %mul3A_2113 : i32
      %add3A_2115 = vector.broadcast %mul3A_2114 : i32 to vector<16xi32>
      %add3A_2116 = arith.addi %add3A_2115, %iota3A : vector<16xi32>
      %gather3A_2117 = tpu.vector_load_idx %arg10[%add3A_2116] : memref<4096xf32, #tpu.memory_space<vmem>>[vector<16xi32>], vector<16xf32>,
      %mul3A_2118 = arith.constant 32 : i32
      %mul3A_2119 = arith.muli %scan3A_1589, %mul3A_2118 : i32
      %add3A_2120 = arith.constant 16 : i32
      %add3A_2121 = arith.addi %mul3A_2119, %add3A_2120 : i32
      %add3A_2122 = vector.broadcast %add3A_2121 : i32 to vector<16xi32>
      %add3A_2123 = arith.addi %add3A_2122, %iota3A : vector<16xi32>
      %gather3A_2124 = tpu.vector_load_idx %arg10[%add3A_2123] : memref<4096xf32, #tpu.memory_space<vmem>>[vector<16xi32>], vector<16xf32>,
      %jit3A = arith.constant 0.000000e+00 : f32
      %broadcast_in_dim3A_2125 = vector.broadcast %jit3A : f32 to vector<16xf32>
      %select_n3A = arith.select %lt3A_1032, %gather3A_2124, %broadcast_in_dim3A_2125 : vector<16xi1>, vector<16xf32>
      %mul3A_2126 = arith.constant 5.000000e-01 : f32
      %mul3A_2127 = vector.broadcast %mul3A_2126 : f32 to vector<16xf32>
      %mul3A_2128 = arith.mulf %mul3A_2127, %add3A_2112 : vector<16xf32>
      %add3A_2129 = arith.addf %mul3A_2128, %gather3A_2117 : vector<16xf32>
      %add3A_2130 = arith.addf %add3A_2129, %select_n3A : vector<16xf32>
      %swap3A_2131 = arith.index_cast %scan3A_1589 : i32 to index
      %swap3A_2132 = arith.constant 0 : index
      %swap3A_2133 = tpu.vector_load %arg11[%swap3A_2131, %swap3A_2132] {strides = array<i32>} : memref<128x16xf32, #tpu.memory_space<vmem>>, vector<16xf32>,
      tpu.vector_store %arg11[%swap3A_2131, %swap3A_2132], %add3A_2130 {strides = array<i32>} : memref<128x16xf32, #tpu.memory_space<vmem>>, vector<16xf32>,
    }
    %scan3A_1038 = arith.constant 128 : i32
    %add3A_1039 = arith.constant 0 : i32
    %add3A_1040 = vector.broadcast %add3A_1039 : i32 to vector<16xi32>
    %add3A_1041 = arith.addi %add3A_1040, %iota3A : vector<16xi32>
    %broadcast_in_dim3A_1042 = arith.constant 0 : i32
    %broadcast_in_dim3A_1043 = vector.broadcast %broadcast_in_dim3A_1042 : i32 to vector<16xi32>
    %gather3A = tpu.vector_load_idx %arg11[%add3A_1041, %broadcast_in_dim3A_1043] : memref<128x16xf32, #tpu.memory_space<vmem>>[vector<16xi32>, vector<16xi32>], vector<16xf32>,
    %add3A_1044 = arith.addf %broadcast_in_dim3A_1033, %gather3A : vector<16xf32>
    %broadcast_in_dim3A_1045 = arith.constant 1 : i32
    %broadcast_in_dim3A_1046 = vector.broadcast %broadcast_in_dim3A_1045 : i32 to vector<16xi32>
    %gather3A_1047 = tpu.vector_load_idx %arg11[%add3A_1041, %broadcast_in_dim3A_1046] : memref<128x16xf32, #tpu.memory_space<vmem>>[vector<16xi32>, vector<16xi32>], vector<16xf32>,
    %add3A_1048 = arith.addf %add3A_1044, %gather3A_1047 : vector<16xf32>
    %broadcast_in_dim3A_1049 = arith.constant 2 : i32
    %broadcast_in_dim3A_1050 = vector.broadcast %broadcast_in_dim3A_1049 : i32 to vector<16xi32>
    %gather3A_1051 = tpu.vector_load_idx %arg11[%add3A_1041, %broadcast_in_dim3A_1050] : memref<128x16xf32, #tpu.memory_space<vmem>>[vector<16xi32>, vector<16xi32>], vector<16xf32>,
    %add3A_1052 = arith.addf %add3A_1048, %gather3A_1051 : vector<16xf32>
    %broadcast_in_dim3A_1053 = arith.constant 3 : i32
    %broadcast_in_dim3A_1054 = vector.broadcast %broadcast_in_dim3A_1053 : i32 to vector<16xi32>
    %gather3A_1055 = tpu.vector_load_idx %arg11[%add3A_1041, %broadcast_in_dim3A_1054] : memref<128x16xf32, #tpu.memory_space<vmem>>[vector<16xi32>, vector<16xi32>], vector<16xf32>,
    %add3A_1056 = arith.addf %add3A_1052, %gather3A_1055 : vector<16xf32>
    %broadcast_in_dim3A_1057 = arith.constant 4 : i32
    %broadcast_in_dim3A_1058 = vector.broadcast %broadcast_in_dim3A_1057 : i32 to vector<16xi32>
    %gather3A_1059 = tpu.vector_load_idx %arg11[%add3A_1041, %broadcast_in_dim3A_1058] : memref<128x16xf32, #tpu.memory_space<vmem>>[vector<16xi32>, vector<16xi32>], vector<16xf32>,
    %add3A_1060 = arith.addf %add3A_1056, %gather3A_1059 : vector<16xf32>
    %broadcast_in_dim3A_1061 = arith.constant 5 : i32
    %broadcast_in_dim3A_1062 = vector.broadcast %broadcast_in_dim3A_1061 : i32 to vector<16xi32>
    %gather3A_1063 = tpu.vector_load_idx %arg11[%add3A_1041, %broadcast_in_dim3A_1062] : memref<128x16xf32, #tpu.memory_space<vmem>>[vector<16xi32>, vector<16xi32>], vector<16xf32>,
    %add3A_1064 = arith.addf %add3A_1060, %gather3A_1063 : vector<16xf32>
    %broadcast_in_dim3A_1065 = arith.constant 6 : i32
    %broadcast_in_dim3A_1066 = vector.broadcast %broadcast_in_dim3A_1065 : i32 to vector<16xi32>
    %gather3A_1067 = tpu.vector_load_idx %arg11[%add3A_1041, %broadcast_in_dim3A_1066] : memref<128x16xf32, #tpu.memory_space<vmem>>[vector<16xi32>, vector<16xi32>], vector<16xf32>,
    %add3A_1068 = arith.addf %add3A_1064, %gather3A_1067 : vector<16xf32>
    %broadcast_in_dim3A_1069 = arith.constant 7 : i32
    %broadcast_in_dim3A_1070 = vector.broadcast %broadcast_in_dim3A_1069 : i32 to vector<16xi32>
    %gather3A_1071 = tpu.vector_load_idx %arg11[%add3A_1041, %broadcast_in_dim3A_1070] : memref<128x16xf32, #tpu.memory_space<vmem>>[vector<16xi32>, vector<16xi32>], vector<16xf32>,
    %add3A_1072 = arith.addf %add3A_1068, %gather3A_1071 : vector<16xf32>
    %broadcast_in_dim3A_1073 = arith.constant 8 : i32
    %broadcast_in_dim3A_1074 = vector.broadcast %broadcast_in_dim3A_1073 : i32 to vector<16xi32>
    %gather3A_1075 = tpu.vector_load_idx %arg11[%add3A_1041, %broadcast_in_dim3A_1074] : memref<128x16xf32, #tpu.memory_space<vmem>>[vector<16xi32>, vector<16xi32>], vector<16xf32>,
    %add3A_1076 = arith.addf %add3A_1072, %gather3A_1075 : vector<16xf32>
    %broadcast_in_dim3A_1077 = arith.constant 9 : i32
    %broadcast_in_dim3A_1078 = vector.broadcast %broadcast_in_dim3A_1077 : i32 to vector<16xi32>
    %gather3A_1079 = tpu.vector_load_idx %arg11[%add3A_1041, %broadcast_in_dim3A_1078] : memref<128x16xf32, #tpu.memory_space<vmem>>[vector<16xi32>, vector<16xi32>], vector<16xf32>,
    %add3A_1080 = arith.addf %add3A_1076, %gather3A_1079 : vector<16xf32>
    %broadcast_in_dim3A_1081 = arith.constant 10 : i32
    %broadcast_in_dim3A_1082 = vector.broadcast %broadcast_in_dim3A_1081 : i32 to vector<16xi32>
    %gather3A_1083 = tpu.vector_load_idx %arg11[%add3A_1041, %broadcast_in_dim3A_1082] : memref<128x16xf32, #tpu.memory_space<vmem>>[vector<16xi32>, vector<16xi32>], vector<16xf32>,
    %add3A_1084 = arith.addf %add3A_1080, %gather3A_1083 : vector<16xf32>
    %broadcast_in_dim3A_1085 = arith.constant 11 : i32
    %broadcast_in_dim3A_1086 = vector.broadcast %broadcast_in_dim3A_1085 : i32 to vector<16xi32>
    %gather3A_1087 = tpu.vector_load_idx %arg11[%add3A_1041, %broadcast_in_dim3A_1086] : memref<128x16xf32, #tpu.memory_space<vmem>>[vector<16xi32>, vector<16xi32>], vector<16xf32>,
    %add3A_1088 = arith.addf %add3A_1084, %gather3A_1087 : vector<16xf32>
    %broadcast_in_dim3A_1089 = arith.constant 12 : i32
    %broadcast_in_dim3A_1090 = vector.broadcast %broadcast_in_dim3A_1089 : i32 to vector<16xi32>
    %gather3A_1091 = tpu.vector_load_idx %arg11[%add3A_1041, %broadcast_in_dim3A_1090] : memref<128x16xf32, #tpu.memory_space<vmem>>[vector<16xi32>, vector<16xi32>], vector<16xf32>,
    %add3A_1092 = arith.addf %add3A_1088, %gather3A_1091 : vector<16xf32>
    %broadcast_in_dim3A_1093 = arith.constant 13 : i32
    %broadcast_in_dim3A_1094 = vector.broadcast %broadcast_in_dim3A_1093 : i32 to vector<16xi32>
    %gather3A_1095 = tpu.vector_load_idx %arg11[%add3A_1041, %broadcast_in_dim3A_1094] : memref<128x16xf32, #tpu.memory_space<vmem>>[vector<16xi32>, vector<16xi32>], vector<16xf32>,
    %add3A_1096 = arith.addf %add3A_1092, %gather3A_1095 : vector<16xf32>
    %broadcast_in_dim3A_1097 = arith.constant 14 : i32
    %broadcast_in_dim3A_1098 = vector.broadcast %broadcast_in_dim3A_1097 : i32 to vector<16xi32>
    %gather3A_1099 = tpu.vector_load_idx %arg11[%add3A_1041, %broadcast_in_dim3A_1098] : memref<128x16xf32, #tpu.memory_space<vmem>>[vector<16xi32>, vector<16xi32>], vector<16xf32>,
    %add3A_1100 = arith.addf %add3A_1096, %gather3A_1099 : vector<16xf32>
    %broadcast_in_dim3A_1101 = arith.constant 15 : i32
    %broadcast_in_dim3A_1102 = vector.broadcast %broadcast_in_dim3A_1101 : i32 to vector<16xi32>
    %gather3A_1103 = tpu.vector_load_idx %arg11[%add3A_1041, %broadcast_in_dim3A_1102] : memref<128x16xf32, #tpu.memory_space<vmem>>[vector<16xi32>, vector<16xi32>], vector<16xf32>,
    %add3A_1104 = arith.addf %add3A_1100, %gather3A_1103 : vector<16xf32>
    %swap3A = arith.constant 0 : index
    %swap3A_1105 = tpu.vector_load %arg12[%swap3A] {strides = array<i32>} : memref<128xf32, #tpu.memory_space<vmem>>, vector<16xf32>,
    tpu.vector_store %arg12[%swap3A], %add3A_1104 {strides = array<i32>} : memref<128xf32, #tpu.memory_space<vmem>>, vector<16xf32>,
    %add3A_1106 = arith.constant 16 : i32
    %add3A_1107 = vector.broadcast %add3A_1106 : i32 to vector<16xi32>
    %add3A_1108 = arith.addi %add3A_1107, %iota3A : vector<16xi32>
    %broadcast_in_dim3A_1109 = arith.constant 0 : i32
    %broadcast_in_dim3A_1110 = vector.broadcast %broadcast_in_dim3A_1109 : i32 to vector<16xi32>
    %gather3A_1111 = tpu.vector_load_idx %arg11[%add3A_1108, %broadcast_in_dim3A_1110] : memref<128x16xf32, #tpu.memory_space<vmem>>[vector<16xi32>, vector<16xi32>], vector<16xf32>,
    %add3A_1112 = arith.addf %broadcast_in_dim3A_1033, %gather3A_1111 : vector<16xf32>
    %broadcast_in_dim3A_1113 = arith.constant 1 : i32
    %broadcast_in_dim3A_1114 = vector.broadcast %broadcast_in_dim3A_1113 : i32 to vector<16xi32>
    %gather3A_1115 = tpu.vector_load_idx %arg11[%add3A_1108, %broadcast_in_dim3A_1114] : memref<128x16xf32, #tpu.memory_space<vmem>>[vector<16xi32>, vector<16xi32>], vector<16xf32>,
    %add3A_1116 = arith.addf %add3A_1112, %gather3A_1115 : vector<16xf32>
    %broadcast_in_dim3A_1117 = arith.constant 2 : i32
    %broadcast_in_dim3A_1118 = vector.broadcast %broadcast_in_dim3A_1117 : i32 to vector<16xi32>
    %gather3A_1119 = tpu.vector_load_idx %arg11[%add3A_1108, %broadcast_in_dim3A_1118] : memref<128x16xf32, #tpu.memory_space<vmem>>[vector<16xi32>, vector<16xi32>], vector<16xf32>,
    %add3A_1120 = arith.addf %add3A_1116, %gather3A_1119 : vector<16xf32>
    %broadcast_in_dim3A_1121 = arith.constant 3 : i32
    %broadcast_in_dim3A_1122 = vector.broadcast %broadcast_in_dim3A_1121 : i32 to vector<16xi32>
    %gather3A_1123 = tpu.vector_load_idx %arg11[%add3A_1108, %broadcast_in_dim3A_1122] : memref<128x16xf32, #tpu.memory_space<vmem>>[vector<16xi32>, vector<16xi32>], vector<16xf32>,
    %add3A_1124 = arith.addf %add3A_1120, %gather3A_1123 : vector<16xf32>
    %broadcast_in_dim3A_1125 = arith.constant 4 : i32
    %broadcast_in_dim3A_1126 = vector.broadcast %broadcast_in_dim3A_1125 : i32 to vector<16xi32>
    %gather3A_1127 = tpu.vector_load_idx %arg11[%add3A_1108, %broadcast_in_dim3A_1126] : memref<128x16xf32, #tpu.memory_space<vmem>>[vector<16xi32>, vector<16xi32>], vector<16xf32>,
    %add3A_1128 = arith.addf %add3A_1124, %gather3A_1127 : vector<16xf32>
    %broadcast_in_dim3A_1129 = arith.constant 5 : i32
    %broadcast_in_dim3A_1130 = vector.broadcast %broadcast_in_dim3A_1129 : i32 to vector<16xi32>
    %gather3A_1131 = tpu.vector_load_idx %arg11[%add3A_1108, %broadcast_in_dim3A_1130] : memref<128x16xf32, #tpu.memory_space<vmem>>[vector<16xi32>, vector<16xi32>], vector<16xf32>,
    %add3A_1132 = arith.addf %add3A_1128, %gather3A_1131 : vector<16xf32>
    %broadcast_in_dim3A_1133 = arith.constant 6 : i32
    %broadcast_in_dim3A_1134 = vector.broadcast %broadcast_in_dim3A_1133 : i32 to vector<16xi32>
    %gather3A_1135 = tpu.vector_load_idx %arg11[%add3A_1108, %broadcast_in_dim3A_1134] : memref<128x16xf32, #tpu.memory_space<vmem>>[vector<16xi32>, vector<16xi32>], vector<16xf32>,
    %add3A_1136 = arith.addf %add3A_1132, %gather3A_1135 : vector<16xf32>
    %broadcast_in_dim3A_1137 = arith.constant 7 : i32
    %broadcast_in_dim3A_1138 = vector.broadcast %broadcast_in_dim3A_1137 : i32 to vector<16xi32>
    %gather3A_1139 = tpu.vector_load_idx %arg11[%add3A_1108, %broadcast_in_dim3A_1138] : memref<128x16xf32, #tpu.memory_space<vmem>>[vector<16xi32>, vector<16xi32>], vector<16xf32>,
    %add3A_1140 = arith.addf %add3A_1136, %gather3A_1139 : vector<16xf32>
    %broadcast_in_dim3A_1141 = arith.constant 8 : i32
    %broadcast_in_dim3A_1142 = vector.broadcast %broadcast_in_dim3A_1141 : i32 to vector<16xi32>
    %gather3A_1143 = tpu.vector_load_idx %arg11[%add3A_1108, %broadcast_in_dim3A_1142] : memref<128x16xf32, #tpu.memory_space<vmem>>[vector<16xi32>, vector<16xi32>], vector<16xf32>,
    %add3A_1144 = arith.addf %add3A_1140, %gather3A_1143 : vector<16xf32>
    %broadcast_in_dim3A_1145 = arith.constant 9 : i32
    %broadcast_in_dim3A_1146 = vector.broadcast %broadcast_in_dim3A_1145 : i32 to vector<16xi32>
    %gather3A_1147 = tpu.vector_load_idx %arg11[%add3A_1108, %broadcast_in_dim3A_1146] : memref<128x16xf32, #tpu.memory_space<vmem>>[vector<16xi32>, vector<16xi32>], vector<16xf32>,
    %add3A_1148 = arith.addf %add3A_1144, %gather3A_1147 : vector<16xf32>
    %broadcast_in_dim3A_1149 = arith.constant 10 : i32
    %broadcast_in_dim3A_1150 = vector.broadcast %broadcast_in_dim3A_1149 : i32 to vector<16xi32>
    %gather3A_1151 = tpu.vector_load_idx %arg11[%add3A_1108, %broadcast_in_dim3A_1150] : memref<128x16xf32, #tpu.memory_space<vmem>>[vector<16xi32>, vector<16xi32>], vector<16xf32>,
    %add3A_1152 = arith.addf %add3A_1148, %gather3A_1151 : vector<16xf32>
    %broadcast_in_dim3A_1153 = arith.constant 11 : i32
    %broadcast_in_dim3A_1154 = vector.broadcast %broadcast_in_dim3A_1153 : i32 to vector<16xi32>
    %gather3A_1155 = tpu.vector_load_idx %arg11[%add3A_1108, %broadcast_in_dim3A_1154] : memref<128x16xf32, #tpu.memory_space<vmem>>[vector<16xi32>, vector<16xi32>], vector<16xf32>,
    %add3A_1156 = arith.addf %add3A_1152, %gather3A_1155 : vector<16xf32>
    %broadcast_in_dim3A_1157 = arith.constant 12 : i32
    %broadcast_in_dim3A_1158 = vector.broadcast %broadcast_in_dim3A_1157 : i32 to vector<16xi32>
    %gather3A_1159 = tpu.vector_load_idx %arg11[%add3A_1108, %broadcast_in_dim3A_1158] : memref<128x16xf32, #tpu.memory_space<vmem>>[vector<16xi32>, vector<16xi32>], vector<16xf32>,
    %add3A_1160 = arith.addf %add3A_1156, %gather3A_1159 : vector<16xf32>
    %broadcast_in_dim3A_1161 = arith.constant 13 : i32
    %broadcast_in_dim3A_1162 = vector.broadcast %broadcast_in_dim3A_1161 : i32 to vector<16xi32>
    %gather3A_1163 = tpu.vector_load_idx %arg11[%add3A_1108, %broadcast_in_dim3A_1162] : memref<128x16xf32, #tpu.memory_space<vmem>>[vector<16xi32>, vector<16xi32>], vector<16xf32>,
    %add3A_1164 = arith.addf %add3A_1160, %gather3A_1163 : vector<16xf32>
    %broadcast_in_dim3A_1165 = arith.constant 14 : i32
    %broadcast_in_dim3A_1166 = vector.broadcast %broadcast_in_dim3A_1165 : i32 to vector<16xi32>
    %gather3A_1167 = tpu.vector_load_idx %arg11[%add3A_1108, %broadcast_in_dim3A_1166] : memref<128x16xf32, #tpu.memory_space<vmem>>[vector<16xi32>, vector<16xi32>], vector<16xf32>,
    %add3A_1168 = arith.addf %add3A_1164, %gather3A_1167 : vector<16xf32>
    %broadcast_in_dim3A_1169 = arith.constant 15 : i32
    %broadcast_in_dim3A_1170 = vector.broadcast %broadcast_in_dim3A_1169 : i32 to vector<16xi32>
    %gather3A_1171 = tpu.vector_load_idx %arg11[%add3A_1108, %broadcast_in_dim3A_1170] : memref<128x16xf32, #tpu.memory_space<vmem>>[vector<16xi32>, vector<16xi32>], vector<16xf32>,
    %add3A_1172 = arith.addf %add3A_1168, %gather3A_1171 : vector<16xf32>
    %swap3A_1173 = arith.constant 16 : index
    %swap3A_1174 = tpu.vector_load %arg12[%swap3A_1173] {strides = array<i32>} : memref<128xf32, #tpu.memory_space<vmem>>, vector<16xf32>,
    tpu.vector_store %arg12[%swap3A_1173], %add3A_1172 {strides = array<i32>} : memref<128xf32, #tpu.memory_space<vmem>>, vector<16xf32>,
    %add3A_1175 = arith.constant 32 : i32
    %add3A_1176 = vector.broadcast %add3A_1175 : i32 to vector<16xi32>
    %add3A_1177 = arith.addi %add3A_1176, %iota3A : vector<16xi32>
    %broadcast_in_dim3A_1178 = arith.constant 0 : i32
    %broadcast_in_dim3A_1179 = vector.broadcast %broadcast_in_dim3A_1178 : i32 to vector<16xi32>
    %gather3A_1180 = tpu.vector_load_idx %arg11[%add3A_1177, %broadcast_in_dim3A_1179] : memref<128x16xf32, #tpu.memory_space<vmem>>[vector<16xi32>, vector<16xi32>], vector<16xf32>,
    %add3A_1181 = arith.addf %broadcast_in_dim3A_1033, %gather3A_1180 : vector<16xf32>
    %broadcast_in_dim3A_1182 = arith.constant 1 : i32
    %broadcast_in_dim3A_1183 = vector.broadcast %broadcast_in_dim3A_1182 : i32 to vector<16xi32>
    %gather3A_1184 = tpu.vector_load_idx %arg11[%add3A_1177, %broadcast_in_dim3A_1183] : memref<128x16xf32, #tpu.memory_space<vmem>>[vector<16xi32>, vector<16xi32>], vector<16xf32>,
    %add3A_1185 = arith.addf %add3A_1181, %gather3A_1184 : vector<16xf32>
    %broadcast_in_dim3A_1186 = arith.constant 2 : i32
    %broadcast_in_dim3A_1187 = vector.broadcast %broadcast_in_dim3A_1186 : i32 to vector<16xi32>
    %gather3A_1188 = tpu.vector_load_idx %arg11[%add3A_1177, %broadcast_in_dim3A_1187] : memref<128x16xf32, #tpu.memory_space<vmem>>[vector<16xi32>, vector<16xi32>], vector<16xf32>,
    %add3A_1189 = arith.addf %add3A_1185, %gather3A_1188 : vector<16xf32>
    %broadcast_in_dim3A_1190 = arith.constant 3 : i32
    %broadcast_in_dim3A_1191 = vector.broadcast %broadcast_in_dim3A_1190 : i32 to vector<16xi32>
    %gather3A_1192 = tpu.vector_load_idx %arg11[%add3A_1177, %broadcast_in_dim3A_1191] : memref<128x16xf32, #tpu.memory_space<vmem>>[vector<16xi32>, vector<16xi32>], vector<16xf32>,
    %add3A_1193 = arith.addf %add3A_1189, %gather3A_1192 : vector<16xf32>
    %broadcast_in_dim3A_1194 = arith.constant 4 : i32
    %broadcast_in_dim3A_1195 = vector.broadcast %broadcast_in_dim3A_1194 : i32 to vector<16xi32>
    %gather3A_1196 = tpu.vector_load_idx %arg11[%add3A_1177, %broadcast_in_dim3A_1195] : memref<128x16xf32, #tpu.memory_space<vmem>>[vector<16xi32>, vector<16xi32>], vector<16xf32>,
    %add3A_1197 = arith.addf %add3A_1193, %gather3A_1196 : vector<16xf32>
    %broadcast_in_dim3A_1198 = arith.constant 5 : i32
    %broadcast_in_dim3A_1199 = vector.broadcast %broadcast_in_dim3A_1198 : i32 to vector<16xi32>
    %gather3A_1200 = tpu.vector_load_idx %arg11[%add3A_1177, %broadcast_in_dim3A_1199] : memref<128x16xf32, #tpu.memory_space<vmem>>[vector<16xi32>, vector<16xi32>], vector<16xf32>,
    %add3A_1201 = arith.addf %add3A_1197, %gather3A_1200 : vector<16xf32>
    %broadcast_in_dim3A_1202 = arith.constant 6 : i32
    %broadcast_in_dim3A_1203 = vector.broadcast %broadcast_in_dim3A_1202 : i32 to vector<16xi32>
    %gather3A_1204 = tpu.vector_load_idx %arg11[%add3A_1177, %broadcast_in_dim3A_1203] : memref<128x16xf32, #tpu.memory_space<vmem>>[vector<16xi32>, vector<16xi32>], vector<16xf32>,
    %add3A_1205 = arith.addf %add3A_1201, %gather3A_1204 : vector<16xf32>
    %broadcast_in_dim3A_1206 = arith.constant 7 : i32
    %broadcast_in_dim3A_1207 = vector.broadcast %broadcast_in_dim3A_1206 : i32 to vector<16xi32>
    %gather3A_1208 = tpu.vector_load_idx %arg11[%add3A_1177, %broadcast_in_dim3A_1207] : memref<128x16xf32, #tpu.memory_space<vmem>>[vector<16xi32>, vector<16xi32>], vector<16xf32>,
    %add3A_1209 = arith.addf %add3A_1205, %gather3A_1208 : vector<16xf32>
    %broadcast_in_dim3A_1210 = arith.constant 8 : i32
    %broadcast_in_dim3A_1211 = vector.broadcast %broadcast_in_dim3A_1210 : i32 to vector<16xi32>
    %gather3A_1212 = tpu.vector_load_idx %arg11[%add3A_1177, %broadcast_in_dim3A_1211] : memref<128x16xf32, #tpu.memory_space<vmem>>[vector<16xi32>, vector<16xi32>], vector<16xf32>,
    %add3A_1213 = arith.addf %add3A_1209, %gather3A_1212 : vector<16xf32>
    %broadcast_in_dim3A_1214 = arith.constant 9 : i32
    %broadcast_in_dim3A_1215 = vector.broadcast %broadcast_in_dim3A_1214 : i32 to vector<16xi32>
    %gather3A_1216 = tpu.vector_load_idx %arg11[%add3A_1177, %broadcast_in_dim3A_1215] : memref<128x16xf32, #tpu.memory_space<vmem>>[vector<16xi32>, vector<16xi32>], vector<16xf32>,
    %add3A_1217 = arith.addf %add3A_1213, %gather3A_1216 : vector<16xf32>
    %broadcast_in_dim3A_1218 = arith.constant 10 : i32
    %broadcast_in_dim3A_1219 = vector.broadcast %broadcast_in_dim3A_1218 : i32 to vector<16xi32>
    %gather3A_1220 = tpu.vector_load_idx %arg11[%add3A_1177, %broadcast_in_dim3A_1219] : memref<128x16xf32, #tpu.memory_space<vmem>>[vector<16xi32>, vector<16xi32>], vector<16xf32>,
    %add3A_1221 = arith.addf %add3A_1217, %gather3A_1220 : vector<16xf32>
    %broadcast_in_dim3A_1222 = arith.constant 11 : i32
    %broadcast_in_dim3A_1223 = vector.broadcast %broadcast_in_dim3A_1222 : i32 to vector<16xi32>
    %gather3A_1224 = tpu.vector_load_idx %arg11[%add3A_1177, %broadcast_in_dim3A_1223] : memref<128x16xf32, #tpu.memory_space<vmem>>[vector<16xi32>, vector<16xi32>], vector<16xf32>,
    %add3A_1225 = arith.addf %add3A_1221, %gather3A_1224 : vector<16xf32>
    %broadcast_in_dim3A_1226 = arith.constant 12 : i32
    %broadcast_in_dim3A_1227 = vector.broadcast %broadcast_in_dim3A_1226 : i32 to vector<16xi32>
    %gather3A_1228 = tpu.vector_load_idx %arg11[%add3A_1177, %broadcast_in_dim3A_1227] : memref<128x16xf32, #tpu.memory_space<vmem>>[vector<16xi32>, vector<16xi32>], vector<16xf32>,
    %add3A_1229 = arith.addf %add3A_1225, %gather3A_1228 : vector<16xf32>
    %broadcast_in_dim3A_1230 = arith.constant 13 : i32
    %broadcast_in_dim3A_1231 = vector.broadcast %broadcast_in_dim3A_1230 : i32 to vector<16xi32>
    %gather3A_1232 = tpu.vector_load_idx %arg11[%add3A_1177, %broadcast_in_dim3A_1231] : memref<128x16xf32, #tpu.memory_space<vmem>>[vector<16xi32>, vector<16xi32>], vector<16xf32>,
    %add3A_1233 = arith.addf %add3A_1229, %gather3A_1232 : vector<16xf32>
    %broadcast_in_dim3A_1234 = arith.constant 14 : i32
    %broadcast_in_dim3A_1235 = vector.broadcast %broadcast_in_dim3A_1234 : i32 to vector<16xi32>
    %gather3A_1236 = tpu.vector_load_idx %arg11[%add3A_1177, %broadcast_in_dim3A_1235] : memref<128x16xf32, #tpu.memory_space<vmem>>[vector<16xi32>, vector<16xi32>], vector<16xf32>,
    %add3A_1237 = arith.addf %add3A_1233, %gather3A_1236 : vector<16xf32>
    %broadcast_in_dim3A_1238 = arith.constant 15 : i32
    %broadcast_in_dim3A_1239 = vector.broadcast %broadcast_in_dim3A_1238 : i32 to vector<16xi32>
    %gather3A_1240 = tpu.vector_load_idx %arg11[%add3A_1177, %broadcast_in_dim3A_1239] : memref<128x16xf32, #tpu.memory_space<vmem>>[vector<16xi32>, vector<16xi32>], vector<16xf32>,
    %add3A_1241 = arith.addf %add3A_1237, %gather3A_1240 : vector<16xf32>
    %swap3A_1242 = arith.constant 32 : index
    %swap3A_1243 = tpu.vector_load %arg12[%swap3A_1242] {strides = array<i32>} : memref<128xf32, #tpu.memory_space<vmem>>, vector<16xf32>,
    tpu.vector_store %arg12[%swap3A_1242], %add3A_1241 {strides = array<i32>} : memref<128xf32, #tpu.memory_space<vmem>>, vector<16xf32>,
    %add3A_1244 = arith.constant 48 : i32
    %add3A_1245 = vector.broadcast %add3A_1244 : i32 to vector<16xi32>
    %add3A_1246 = arith.addi %add3A_1245, %iota3A : vector<16xi32>
    %broadcast_in_dim3A_1247 = arith.constant 0 : i32
    %broadcast_in_dim3A_1248 = vector.broadcast %broadcast_in_dim3A_1247 : i32 to vector<16xi32>
    %gather3A_1249 = tpu.vector_load_idx %arg11[%add3A_1246, %broadcast_in_dim3A_1248] : memref<128x16xf32, #tpu.memory_space<vmem>>[vector<16xi32>, vector<16xi32>], vector<16xf32>,
    %add3A_1250 = arith.addf %broadcast_in_dim3A_1033, %gather3A_1249 : vector<16xf32>
    %broadcast_in_dim3A_1251 = arith.constant 1 : i32
    %broadcast_in_dim3A_1252 = vector.broadcast %broadcast_in_dim3A_1251 : i32 to vector<16xi32>
    %gather3A_1253 = tpu.vector_load_idx %arg11[%add3A_1246, %broadcast_in_dim3A_1252] : memref<128x16xf32, #tpu.memory_space<vmem>>[vector<16xi32>, vector<16xi32>], vector<16xf32>,
    %add3A_1254 = arith.addf %add3A_1250, %gather3A_1253 : vector<16xf32>
    %broadcast_in_dim3A_1255 = arith.constant 2 : i32
    %broadcast_in_dim3A_1256 = vector.broadcast %broadcast_in_dim3A_1255 : i32 to vector<16xi32>
    %gather3A_1257 = tpu.vector_load_idx %arg11[%add3A_1246, %broadcast_in_dim3A_1256] : memref<128x16xf32, #tpu.memory_space<vmem>>[vector<16xi32>, vector<16xi32>], vector<16xf32>,
    %add3A_1258 = arith.addf %add3A_1254, %gather3A_1257 : vector<16xf32>
    %broadcast_in_dim3A_1259 = arith.constant 3 : i32
    %broadcast_in_dim3A_1260 = vector.broadcast %broadcast_in_dim3A_1259 : i32 to vector<16xi32>
    %gather3A_1261 = tpu.vector_load_idx %arg11[%add3A_1246, %broadcast_in_dim3A_1260] : memref<128x16xf32, #tpu.memory_space<vmem>>[vector<16xi32>, vector<16xi32>], vector<16xf32>,
    %add3A_1262 = arith.addf %add3A_1258, %gather3A_1261 : vector<16xf32>
    %broadcast_in_dim3A_1263 = arith.constant 4 : i32
    %broadcast_in_dim3A_1264 = vector.broadcast %broadcast_in_dim3A_1263 : i32 to vector<16xi32>
    %gather3A_1265 = tpu.vector_load_idx %arg11[%add3A_1246, %broadcast_in_dim3A_1264] : memref<128x16xf32, #tpu.memory_space<vmem>>[vector<16xi32>, vector<16xi32>], vector<16xf32>,
    %add3A_1266 = arith.addf %add3A_1262, %gather3A_1265 : vector<16xf32>
    %broadcast_in_dim3A_1267 = arith.constant 5 : i32
    %broadcast_in_dim3A_1268 = vector.broadcast %broadcast_in_dim3A_1267 : i32 to vector<16xi32>
    %gather3A_1269 = tpu.vector_load_idx %arg11[%add3A_1246, %broadcast_in_dim3A_1268] : memref<128x16xf32, #tpu.memory_space<vmem>>[vector<16xi32>, vector<16xi32>], vector<16xf32>,
    %add3A_1270 = arith.addf %add3A_1266, %gather3A_1269 : vector<16xf32>
    %broadcast_in_dim3A_1271 = arith.constant 6 : i32
    %broadcast_in_dim3A_1272 = vector.broadcast %broadcast_in_dim3A_1271 : i32 to vector<16xi32>
    %gather3A_1273 = tpu.vector_load_idx %arg11[%add3A_1246, %broadcast_in_dim3A_1272] : memref<128x16xf32, #tpu.memory_space<vmem>>[vector<16xi32>, vector<16xi32>], vector<16xf32>,
    %add3A_1274 = arith.addf %add3A_1270, %gather3A_1273 : vector<16xf32>
    %broadcast_in_dim3A_1275 = arith.constant 7 : i32
    %broadcast_in_dim3A_1276 = vector.broadcast %broadcast_in_dim3A_1275 : i32 to vector<16xi32>
    %gather3A_1277 = tpu.vector_load_idx %arg11[%add3A_1246, %broadcast_in_dim3A_1276] : memref<128x16xf32, #tpu.memory_space<vmem>>[vector<16xi32>, vector<16xi32>], vector<16xf32>,
    %add3A_1278 = arith.addf %add3A_1274, %gather3A_1277 : vector<16xf32>
    %broadcast_in_dim3A_1279 = arith.constant 8 : i32
    %broadcast_in_dim3A_1280 = vector.broadcast %broadcast_in_dim3A_1279 : i32 to vector<16xi32>
    %gather3A_1281 = tpu.vector_load_idx %arg11[%add3A_1246, %broadcast_in_dim3A_1280] : memref<128x16xf32, #tpu.memory_space<vmem>>[vector<16xi32>, vector<16xi32>], vector<16xf32>,
    %add3A_1282 = arith.addf %add3A_1278, %gather3A_1281 : vector<16xf32>
    %broadcast_in_dim3A_1283 = arith.constant 9 : i32
    %broadcast_in_dim3A_1284 = vector.broadcast %broadcast_in_dim3A_1283 : i32 to vector<16xi32>
    %gather3A_1285 = tpu.vector_load_idx %arg11[%add3A_1246, %broadcast_in_dim3A_1284] : memref<128x16xf32, #tpu.memory_space<vmem>>[vector<16xi32>, vector<16xi32>], vector<16xf32>,
    %add3A_1286 = arith.addf %add3A_1282, %gather3A_1285 : vector<16xf32>
    %broadcast_in_dim3A_1287 = arith.constant 10 : i32
    %broadcast_in_dim3A_1288 = vector.broadcast %broadcast_in_dim3A_1287 : i32 to vector<16xi32>
    %gather3A_1289 = tpu.vector_load_idx %arg11[%add3A_1246, %broadcast_in_dim3A_1288] : memref<128x16xf32, #tpu.memory_space<vmem>>[vector<16xi32>, vector<16xi32>], vector<16xf32>,
    %add3A_1290 = arith.addf %add3A_1286, %gather3A_1289 : vector<16xf32>
    %broadcast_in_dim3A_1291 = arith.constant 11 : i32
    %broadcast_in_dim3A_1292 = vector.broadcast %broadcast_in_dim3A_1291 : i32 to vector<16xi32>
    %gather3A_1293 = tpu.vector_load_idx %arg11[%add3A_1246, %broadcast_in_dim3A_1292] : memref<128x16xf32, #tpu.memory_space<vmem>>[vector<16xi32>, vector<16xi32>], vector<16xf32>,
    %add3A_1294 = arith.addf %add3A_1290, %gather3A_1293 : vector<16xf32>
    %broadcast_in_dim3A_1295 = arith.constant 12 : i32
    %broadcast_in_dim3A_1296 = vector.broadcast %broadcast_in_dim3A_1295 : i32 to vector<16xi32>
    %gather3A_1297 = tpu.vector_load_idx %arg11[%add3A_1246, %broadcast_in_dim3A_1296] : memref<128x16xf32, #tpu.memory_space<vmem>>[vector<16xi32>, vector<16xi32>], vector<16xf32>,
    %add3A_1298 = arith.addf %add3A_1294, %gather3A_1297 : vector<16xf32>
    %broadcast_in_dim3A_1299 = arith.constant 13 : i32
    %broadcast_in_dim3A_1300 = vector.broadcast %broadcast_in_dim3A_1299 : i32 to vector<16xi32>
    %gather3A_1301 = tpu.vector_load_idx %arg11[%add3A_1246, %broadcast_in_dim3A_1300] : memref<128x16xf32, #tpu.memory_space<vmem>>[vector<16xi32>, vector<16xi32>], vector<16xf32>,
    %add3A_1302 = arith.addf %add3A_1298, %gather3A_1301 : vector<16xf32>
    %broadcast_in_dim3A_1303 = arith.constant 14 : i32
    %broadcast_in_dim3A_1304 = vector.broadcast %broadcast_in_dim3A_1303 : i32 to vector<16xi32>
    %gather3A_1305 = tpu.vector_load_idx %arg11[%add3A_1246, %broadcast_in_dim3A_1304] : memref<128x16xf32, #tpu.memory_space<vmem>>[vector<16xi32>, vector<16xi32>], vector<16xf32>,
    %add3A_1306 = arith.addf %add3A_1302, %gather3A_1305 : vector<16xf32>
    %broadcast_in_dim3A_1307 = arith.constant 15 : i32
    %broadcast_in_dim3A_1308 = vector.broadcast %broadcast_in_dim3A_1307 : i32 to vector<16xi32>
    %gather3A_1309 = tpu.vector_load_idx %arg11[%add3A_1246, %broadcast_in_dim3A_1308] : memref<128x16xf32, #tpu.memory_space<vmem>>[vector<16xi32>, vector<16xi32>], vector<16xf32>,
    %add3A_1310 = arith.addf %add3A_1306, %gather3A_1309 : vector<16xf32>
    %swap3A_1311 = arith.constant 48 : index
    %swap3A_1312 = tpu.vector_load %arg12[%swap3A_1311] {strides = array<i32>} : memref<128xf32, #tpu.memory_space<vmem>>, vector<16xf32>,
    tpu.vector_store %arg12[%swap3A_1311], %add3A_1310 {strides = array<i32>} : memref<128xf32, #tpu.memory_space<vmem>>, vector<16xf32>,
    %add3A_1313 = arith.constant 64 : i32
    %add3A_1314 = vector.broadcast %add3A_1313 : i32 to vector<16xi32>
    %add3A_1315 = arith.addi %add3A_1314, %iota3A : vector<16xi32>
    %broadcast_in_dim3A_1316 = arith.constant 0 : i32
    %broadcast_in_dim3A_1317 = vector.broadcast %broadcast_in_dim3A_1316 : i32 to vector<16xi32>
    %gather3A_1318 = tpu.vector_load_idx %arg11[%add3A_1315, %broadcast_in_dim3A_1317] : memref<128x16xf32, #tpu.memory_space<vmem>>[vector<16xi32>, vector<16xi32>], vector<16xf32>,
    %add3A_1319 = arith.addf %broadcast_in_dim3A_1033, %gather3A_1318 : vector<16xf32>
    %broadcast_in_dim3A_1320 = arith.constant 1 : i32
    %broadcast_in_dim3A_1321 = vector.broadcast %broadcast_in_dim3A_1320 : i32 to vector<16xi32>
    %gather3A_1322 = tpu.vector_load_idx %arg11[%add3A_1315, %broadcast_in_dim3A_1321] : memref<128x16xf32, #tpu.memory_space<vmem>>[vector<16xi32>, vector<16xi32>], vector<16xf32>,
    %add3A_1323 = arith.addf %add3A_1319, %gather3A_1322 : vector<16xf32>
    %broadcast_in_dim3A_1324 = arith.constant 2 : i32
    %broadcast_in_dim3A_1325 = vector.broadcast %broadcast_in_dim3A_1324 : i32 to vector<16xi32>
    %gather3A_1326 = tpu.vector_load_idx %arg11[%add3A_1315, %broadcast_in_dim3A_1325] : memref<128x16xf32, #tpu.memory_space<vmem>>[vector<16xi32>, vector<16xi32>], vector<16xf32>,
    %add3A_1327 = arith.addf %add3A_1323, %gather3A_1326 : vector<16xf32>
    %broadcast_in_dim3A_1328 = arith.constant 3 : i32
    %broadcast_in_dim3A_1329 = vector.broadcast %broadcast_in_dim3A_1328 : i32 to vector<16xi32>
    %gather3A_1330 = tpu.vector_load_idx %arg11[%add3A_1315, %broadcast_in_dim3A_1329] : memref<128x16xf32, #tpu.memory_space<vmem>>[vector<16xi32>, vector<16xi32>], vector<16xf32>,
    %add3A_1331 = arith.addf %add3A_1327, %gather3A_1330 : vector<16xf32>
    %broadcast_in_dim3A_1332 = arith.constant 4 : i32
    %broadcast_in_dim3A_1333 = vector.broadcast %broadcast_in_dim3A_1332 : i32 to vector<16xi32>
    %gather3A_1334 = tpu.vector_load_idx %arg11[%add3A_1315, %broadcast_in_dim3A_1333] : memref<128x16xf32, #tpu.memory_space<vmem>>[vector<16xi32>, vector<16xi32>], vector<16xf32>,
    %add3A_1335 = arith.addf %add3A_1331, %gather3A_1334 : vector<16xf32>
    %broadcast_in_dim3A_1336 = arith.constant 5 : i32
    %broadcast_in_dim3A_1337 = vector.broadcast %broadcast_in_dim3A_1336 : i32 to vector<16xi32>
    %gather3A_1338 = tpu.vector_load_idx %arg11[%add3A_1315, %broadcast_in_dim3A_1337] : memref<128x16xf32, #tpu.memory_space<vmem>>[vector<16xi32>, vector<16xi32>], vector<16xf32>,
    %add3A_1339 = arith.addf %add3A_1335, %gather3A_1338 : vector<16xf32>
    %broadcast_in_dim3A_1340 = arith.constant 6 : i32
    %broadcast_in_dim3A_1341 = vector.broadcast %broadcast_in_dim3A_1340 : i32 to vector<16xi32>
    %gather3A_1342 = tpu.vector_load_idx %arg11[%add3A_1315, %broadcast_in_dim3A_1341] : memref<128x16xf32, #tpu.memory_space<vmem>>[vector<16xi32>, vector<16xi32>], vector<16xf32>,
    %add3A_1343 = arith.addf %add3A_1339, %gather3A_1342 : vector<16xf32>
    %broadcast_in_dim3A_1344 = arith.constant 7 : i32
    %broadcast_in_dim3A_1345 = vector.broadcast %broadcast_in_dim3A_1344 : i32 to vector<16xi32>
    %gather3A_1346 = tpu.vector_load_idx %arg11[%add3A_1315, %broadcast_in_dim3A_1345] : memref<128x16xf32, #tpu.memory_space<vmem>>[vector<16xi32>, vector<16xi32>], vector<16xf32>,
    %add3A_1347 = arith.addf %add3A_1343, %gather3A_1346 : vector<16xf32>
    %broadcast_in_dim3A_1348 = arith.constant 8 : i32
    %broadcast_in_dim3A_1349 = vector.broadcast %broadcast_in_dim3A_1348 : i32 to vector<16xi32>
    %gather3A_1350 = tpu.vector_load_idx %arg11[%add3A_1315, %broadcast_in_dim3A_1349] : memref<128x16xf32, #tpu.memory_space<vmem>>[vector<16xi32>, vector<16xi32>], vector<16xf32>,
    %add3A_1351 = arith.addf %add3A_1347, %gather3A_1350 : vector<16xf32>
    %broadcast_in_dim3A_1352 = arith.constant 9 : i32
    %broadcast_in_dim3A_1353 = vector.broadcast %broadcast_in_dim3A_1352 : i32 to vector<16xi32>
    %gather3A_1354 = tpu.vector_load_idx %arg11[%add3A_1315, %broadcast_in_dim3A_1353] : memref<128x16xf32, #tpu.memory_space<vmem>>[vector<16xi32>, vector<16xi32>], vector<16xf32>,
    %add3A_1355 = arith.addf %add3A_1351, %gather3A_1354 : vector<16xf32>
    %broadcast_in_dim3A_1356 = arith.constant 10 : i32
    %broadcast_in_dim3A_1357 = vector.broadcast %broadcast_in_dim3A_1356 : i32 to vector<16xi32>
    %gather3A_1358 = tpu.vector_load_idx %arg11[%add3A_1315, %broadcast_in_dim3A_1357] : memref<128x16xf32, #tpu.memory_space<vmem>>[vector<16xi32>, vector<16xi32>], vector<16xf32>,
    %add3A_1359 = arith.addf %add3A_1355, %gather3A_1358 : vector<16xf32>
    %broadcast_in_dim3A_1360 = arith.constant 11 : i32
    %broadcast_in_dim3A_1361 = vector.broadcast %broadcast_in_dim3A_1360 : i32 to vector<16xi32>
    %gather3A_1362 = tpu.vector_load_idx %arg11[%add3A_1315, %broadcast_in_dim3A_1361] : memref<128x16xf32, #tpu.memory_space<vmem>>[vector<16xi32>, vector<16xi32>], vector<16xf32>,
    %add3A_1363 = arith.addf %add3A_1359, %gather3A_1362 : vector<16xf32>
    %broadcast_in_dim3A_1364 = arith.constant 12 : i32
    %broadcast_in_dim3A_1365 = vector.broadcast %broadcast_in_dim3A_1364 : i32 to vector<16xi32>
    %gather3A_1366 = tpu.vector_load_idx %arg11[%add3A_1315, %broadcast_in_dim3A_1365] : memref<128x16xf32, #tpu.memory_space<vmem>>[vector<16xi32>, vector<16xi32>], vector<16xf32>,
    %add3A_1367 = arith.addf %add3A_1363, %gather3A_1366 : vector<16xf32>
    %broadcast_in_dim3A_1368 = arith.constant 13 : i32
    %broadcast_in_dim3A_1369 = vector.broadcast %broadcast_in_dim3A_1368 : i32 to vector<16xi32>
    %gather3A_1370 = tpu.vector_load_idx %arg11[%add3A_1315, %broadcast_in_dim3A_1369] : memref<128x16xf32, #tpu.memory_space<vmem>>[vector<16xi32>, vector<16xi32>], vector<16xf32>,
    %add3A_1371 = arith.addf %add3A_1367, %gather3A_1370 : vector<16xf32>
    %broadcast_in_dim3A_1372 = arith.constant 14 : i32
    %broadcast_in_dim3A_1373 = vector.broadcast %broadcast_in_dim3A_1372 : i32 to vector<16xi32>
    %gather3A_1374 = tpu.vector_load_idx %arg11[%add3A_1315, %broadcast_in_dim3A_1373] : memref<128x16xf32, #tpu.memory_space<vmem>>[vector<16xi32>, vector<16xi32>], vector<16xf32>,
    %add3A_1375 = arith.addf %add3A_1371, %gather3A_1374 : vector<16xf32>
    %broadcast_in_dim3A_1376 = arith.constant 15 : i32
    %broadcast_in_dim3A_1377 = vector.broadcast %broadcast_in_dim3A_1376 : i32 to vector<16xi32>
    %gather3A_1378 = tpu.vector_load_idx %arg11[%add3A_1315, %broadcast_in_dim3A_1377] : memref<128x16xf32, #tpu.memory_space<vmem>>[vector<16xi32>, vector<16xi32>], vector<16xf32>,
    %add3A_1379 = arith.addf %add3A_1375, %gather3A_1378 : vector<16xf32>
    %swap3A_1380 = arith.constant 64 : index
    %swap3A_1381 = tpu.vector_load %arg12[%swap3A_1380] {strides = array<i32>} : memref<128xf32, #tpu.memory_space<vmem>>, vector<16xf32>,
    tpu.vector_store %arg12[%swap3A_1380], %add3A_1379 {strides = array<i32>} : memref<128xf32, #tpu.memory_space<vmem>>, vector<16xf32>,
    %add3A_1382 = arith.constant 80 : i32
    %add3A_1383 = vector.broadcast %add3A_1382 : i32 to vector<16xi32>
    %add3A_1384 = arith.addi %add3A_1383, %iota3A : vector<16xi32>
    %broadcast_in_dim3A_1385 = arith.constant 0 : i32
    %broadcast_in_dim3A_1386 = vector.broadcast %broadcast_in_dim3A_1385 : i32 to vector<16xi32>
    %gather3A_1387 = tpu.vector_load_idx %arg11[%add3A_1384, %broadcast_in_dim3A_1386] : memref<128x16xf32, #tpu.memory_space<vmem>>[vector<16xi32>, vector<16xi32>], vector<16xf32>,
    %add3A_1388 = arith.addf %broadcast_in_dim3A_1033, %gather3A_1387 : vector<16xf32>
    %broadcast_in_dim3A_1389 = arith.constant 1 : i32
    %broadcast_in_dim3A_1390 = vector.broadcast %broadcast_in_dim3A_1389 : i32 to vector<16xi32>
    %gather3A_1391 = tpu.vector_load_idx %arg11[%add3A_1384, %broadcast_in_dim3A_1390] : memref<128x16xf32, #tpu.memory_space<vmem>>[vector<16xi32>, vector<16xi32>], vector<16xf32>,
    %add3A_1392 = arith.addf %add3A_1388, %gather3A_1391 : vector<16xf32>
    %broadcast_in_dim3A_1393 = arith.constant 2 : i32
    %broadcast_in_dim3A_1394 = vector.broadcast %broadcast_in_dim3A_1393 : i32 to vector<16xi32>
    %gather3A_1395 = tpu.vector_load_idx %arg11[%add3A_1384, %broadcast_in_dim3A_1394] : memref<128x16xf32, #tpu.memory_space<vmem>>[vector<16xi32>, vector<16xi32>], vector<16xf32>,
    %add3A_1396 = arith.addf %add3A_1392, %gather3A_1395 : vector<16xf32>
    %broadcast_in_dim3A_1397 = arith.constant 3 : i32
    %broadcast_in_dim3A_1398 = vector.broadcast %broadcast_in_dim3A_1397 : i32 to vector<16xi32>
    %gather3A_1399 = tpu.vector_load_idx %arg11[%add3A_1384, %broadcast_in_dim3A_1398] : memref<128x16xf32, #tpu.memory_space<vmem>>[vector<16xi32>, vector<16xi32>], vector<16xf32>,
    %add3A_1400 = arith.addf %add3A_1396, %gather3A_1399 : vector<16xf32>
    %broadcast_in_dim3A_1401 = arith.constant 4 : i32
    %broadcast_in_dim3A_1402 = vector.broadcast %broadcast_in_dim3A_1401 : i32 to vector<16xi32>
    %gather3A_1403 = tpu.vector_load_idx %arg11[%add3A_1384, %broadcast_in_dim3A_1402] : memref<128x16xf32, #tpu.memory_space<vmem>>[vector<16xi32>, vector<16xi32>], vector<16xf32>,
    %add3A_1404 = arith.addf %add3A_1400, %gather3A_1403 : vector<16xf32>
    %broadcast_in_dim3A_1405 = arith.constant 5 : i32
    %broadcast_in_dim3A_1406 = vector.broadcast %broadcast_in_dim3A_1405 : i32 to vector<16xi32>
    %gather3A_1407 = tpu.vector_load_idx %arg11[%add3A_1384, %broadcast_in_dim3A_1406] : memref<128x16xf32, #tpu.memory_space<vmem>>[vector<16xi32>, vector<16xi32>], vector<16xf32>,
    %add3A_1408 = arith.addf %add3A_1404, %gather3A_1407 : vector<16xf32>
    %broadcast_in_dim3A_1409 = arith.constant 6 : i32
    %broadcast_in_dim3A_1410 = vector.broadcast %broadcast_in_dim3A_1409 : i32 to vector<16xi32>
    %gather3A_1411 = tpu.vector_load_idx %arg11[%add3A_1384, %broadcast_in_dim3A_1410] : memref<128x16xf32, #tpu.memory_space<vmem>>[vector<16xi32>, vector<16xi32>], vector<16xf32>,
    %add3A_1412 = arith.addf %add3A_1408, %gather3A_1411 : vector<16xf32>
    %broadcast_in_dim3A_1413 = arith.constant 7 : i32
    %broadcast_in_dim3A_1414 = vector.broadcast %broadcast_in_dim3A_1413 : i32 to vector<16xi32>
    %gather3A_1415 = tpu.vector_load_idx %arg11[%add3A_1384, %broadcast_in_dim3A_1414] : memref<128x16xf32, #tpu.memory_space<vmem>>[vector<16xi32>, vector<16xi32>], vector<16xf32>,
    %add3A_1416 = arith.addf %add3A_1412, %gather3A_1415 : vector<16xf32>
    %broadcast_in_dim3A_1417 = arith.constant 8 : i32
    %broadcast_in_dim3A_1418 = vector.broadcast %broadcast_in_dim3A_1417 : i32 to vector<16xi32>
    %gather3A_1419 = tpu.vector_load_idx %arg11[%add3A_1384, %broadcast_in_dim3A_1418] : memref<128x16xf32, #tpu.memory_space<vmem>>[vector<16xi32>, vector<16xi32>], vector<16xf32>,
    %add3A_1420 = arith.addf %add3A_1416, %gather3A_1419 : vector<16xf32>
    %broadcast_in_dim3A_1421 = arith.constant 9 : i32
    %broadcast_in_dim3A_1422 = vector.broadcast %broadcast_in_dim3A_1421 : i32 to vector<16xi32>
    %gather3A_1423 = tpu.vector_load_idx %arg11[%add3A_1384, %broadcast_in_dim3A_1422] : memref<128x16xf32, #tpu.memory_space<vmem>>[vector<16xi32>, vector<16xi32>], vector<16xf32>,
    %add3A_1424 = arith.addf %add3A_1420, %gather3A_1423 : vector<16xf32>
    %broadcast_in_dim3A_1425 = arith.constant 10 : i32
    %broadcast_in_dim3A_1426 = vector.broadcast %broadcast_in_dim3A_1425 : i32 to vector<16xi32>
    %gather3A_1427 = tpu.vector_load_idx %arg11[%add3A_1384, %broadcast_in_dim3A_1426] : memref<128x16xf32, #tpu.memory_space<vmem>>[vector<16xi32>, vector<16xi32>], vector<16xf32>,
    %add3A_1428 = arith.addf %add3A_1424, %gather3A_1427 : vector<16xf32>
    %broadcast_in_dim3A_1429 = arith.constant 11 : i32
    %broadcast_in_dim3A_1430 = vector.broadcast %broadcast_in_dim3A_1429 : i32 to vector<16xi32>
    %gather3A_1431 = tpu.vector_load_idx %arg11[%add3A_1384, %broadcast_in_dim3A_1430] : memref<128x16xf32, #tpu.memory_space<vmem>>[vector<16xi32>, vector<16xi32>], vector<16xf32>,
    %add3A_1432 = arith.addf %add3A_1428, %gather3A_1431 : vector<16xf32>
    %broadcast_in_dim3A_1433 = arith.constant 12 : i32
    %broadcast_in_dim3A_1434 = vector.broadcast %broadcast_in_dim3A_1433 : i32 to vector<16xi32>
    %gather3A_1435 = tpu.vector_load_idx %arg11[%add3A_1384, %broadcast_in_dim3A_1434] : memref<128x16xf32, #tpu.memory_space<vmem>>[vector<16xi32>, vector<16xi32>], vector<16xf32>,
    %add3A_1436 = arith.addf %add3A_1432, %gather3A_1435 : vector<16xf32>
    %broadcast_in_dim3A_1437 = arith.constant 13 : i32
    %broadcast_in_dim3A_1438 = vector.broadcast %broadcast_in_dim3A_1437 : i32 to vector<16xi32>
    %gather3A_1439 = tpu.vector_load_idx %arg11[%add3A_1384, %broadcast_in_dim3A_1438] : memref<128x16xf32, #tpu.memory_space<vmem>>[vector<16xi32>, vector<16xi32>], vector<16xf32>,
    %add3A_1440 = arith.addf %add3A_1436, %gather3A_1439 : vector<16xf32>
    %broadcast_in_dim3A_1441 = arith.constant 14 : i32
    %broadcast_in_dim3A_1442 = vector.broadcast %broadcast_in_dim3A_1441 : i32 to vector<16xi32>
    %gather3A_1443 = tpu.vector_load_idx %arg11[%add3A_1384, %broadcast_in_dim3A_1442] : memref<128x16xf32, #tpu.memory_space<vmem>>[vector<16xi32>, vector<16xi32>], vector<16xf32>,
    %add3A_1444 = arith.addf %add3A_1440, %gather3A_1443 : vector<16xf32>
    %broadcast_in_dim3A_1445 = arith.constant 15 : i32
    %broadcast_in_dim3A_1446 = vector.broadcast %broadcast_in_dim3A_1445 : i32 to vector<16xi32>
    %gather3A_1447 = tpu.vector_load_idx %arg11[%add3A_1384, %broadcast_in_dim3A_1446] : memref<128x16xf32, #tpu.memory_space<vmem>>[vector<16xi32>, vector<16xi32>], vector<16xf32>,
    %add3A_1448 = arith.addf %add3A_1444, %gather3A_1447 : vector<16xf32>
    %swap3A_1449 = arith.constant 80 : index
    %swap3A_1450 = tpu.vector_load %arg12[%swap3A_1449] {strides = array<i32>} : memref<128xf32, #tpu.memory_space<vmem>>, vector<16xf32>,
    tpu.vector_store %arg12[%swap3A_1449], %add3A_1448 {strides = array<i32>} : memref<128xf32, #tpu.memory_space<vmem>>, vector<16xf32>,
    %add3A_1451 = arith.constant 96 : i32
    %add3A_1452 = vector.broadcast %add3A_1451 : i32 to vector<16xi32>
    %add3A_1453 = arith.addi %add3A_1452, %iota3A : vector<16xi32>
    %broadcast_in_dim3A_1454 = arith.constant 0 : i32
    %broadcast_in_dim3A_1455 = vector.broadcast %broadcast_in_dim3A_1454 : i32 to vector<16xi32>
    %gather3A_1456 = tpu.vector_load_idx %arg11[%add3A_1453, %broadcast_in_dim3A_1455] : memref<128x16xf32, #tpu.memory_space<vmem>>[vector<16xi32>, vector<16xi32>], vector<16xf32>,
    %add3A_1457 = arith.addf %broadcast_in_dim3A_1033, %gather3A_1456 : vector<16xf32>
    %broadcast_in_dim3A_1458 = arith.constant 1 : i32
    %broadcast_in_dim3A_1459 = vector.broadcast %broadcast_in_dim3A_1458 : i32 to vector<16xi32>
    %gather3A_1460 = tpu.vector_load_idx %arg11[%add3A_1453, %broadcast_in_dim3A_1459] : memref<128x16xf32, #tpu.memory_space<vmem>>[vector<16xi32>, vector<16xi32>], vector<16xf32>,
    %add3A_1461 = arith.addf %add3A_1457, %gather3A_1460 : vector<16xf32>
    %broadcast_in_dim3A_1462 = arith.constant 2 : i32
    %broadcast_in_dim3A_1463 = vector.broadcast %broadcast_in_dim3A_1462 : i32 to vector<16xi32>
    %gather3A_1464 = tpu.vector_load_idx %arg11[%add3A_1453, %broadcast_in_dim3A_1463] : memref<128x16xf32, #tpu.memory_space<vmem>>[vector<16xi32>, vector<16xi32>], vector<16xf32>,
    %add3A_1465 = arith.addf %add3A_1461, %gather3A_1464 : vector<16xf32>
    %broadcast_in_dim3A_1466 = arith.constant 3 : i32
    %broadcast_in_dim3A_1467 = vector.broadcast %broadcast_in_dim3A_1466 : i32 to vector<16xi32>
    %gather3A_1468 = tpu.vector_load_idx %arg11[%add3A_1453, %broadcast_in_dim3A_1467] : memref<128x16xf32, #tpu.memory_space<vmem>>[vector<16xi32>, vector<16xi32>], vector<16xf32>,
    %add3A_1469 = arith.addf %add3A_1465, %gather3A_1468 : vector<16xf32>
    %broadcast_in_dim3A_1470 = arith.constant 4 : i32
    %broadcast_in_dim3A_1471 = vector.broadcast %broadcast_in_dim3A_1470 : i32 to vector<16xi32>
    %gather3A_1472 = tpu.vector_load_idx %arg11[%add3A_1453, %broadcast_in_dim3A_1471] : memref<128x16xf32, #tpu.memory_space<vmem>>[vector<16xi32>, vector<16xi32>], vector<16xf32>,
    %add3A_1473 = arith.addf %add3A_1469, %gather3A_1472 : vector<16xf32>
    %broadcast_in_dim3A_1474 = arith.constant 5 : i32
    %broadcast_in_dim3A_1475 = vector.broadcast %broadcast_in_dim3A_1474 : i32 to vector<16xi32>
    %gather3A_1476 = tpu.vector_load_idx %arg11[%add3A_1453, %broadcast_in_dim3A_1475] : memref<128x16xf32, #tpu.memory_space<vmem>>[vector<16xi32>, vector<16xi32>], vector<16xf32>,
    %add3A_1477 = arith.addf %add3A_1473, %gather3A_1476 : vector<16xf32>
    %broadcast_in_dim3A_1478 = arith.constant 6 : i32
    %broadcast_in_dim3A_1479 = vector.broadcast %broadcast_in_dim3A_1478 : i32 to vector<16xi32>
    %gather3A_1480 = tpu.vector_load_idx %arg11[%add3A_1453, %broadcast_in_dim3A_1479] : memref<128x16xf32, #tpu.memory_space<vmem>>[vector<16xi32>, vector<16xi32>], vector<16xf32>,
    %add3A_1481 = arith.addf %add3A_1477, %gather3A_1480 : vector<16xf32>
    %broadcast_in_dim3A_1482 = arith.constant 7 : i32
    %broadcast_in_dim3A_1483 = vector.broadcast %broadcast_in_dim3A_1482 : i32 to vector<16xi32>
    %gather3A_1484 = tpu.vector_load_idx %arg11[%add3A_1453, %broadcast_in_dim3A_1483] : memref<128x16xf32, #tpu.memory_space<vmem>>[vector<16xi32>, vector<16xi32>], vector<16xf32>,
    %add3A_1485 = arith.addf %add3A_1481, %gather3A_1484 : vector<16xf32>
    %broadcast_in_dim3A_1486 = arith.constant 8 : i32
    %broadcast_in_dim3A_1487 = vector.broadcast %broadcast_in_dim3A_1486 : i32 to vector<16xi32>
    %gather3A_1488 = tpu.vector_load_idx %arg11[%add3A_1453, %broadcast_in_dim3A_1487] : memref<128x16xf32, #tpu.memory_space<vmem>>[vector<16xi32>, vector<16xi32>], vector<16xf32>,
    %add3A_1489 = arith.addf %add3A_1485, %gather3A_1488 : vector<16xf32>
    %broadcast_in_dim3A_1490 = arith.constant 9 : i32
    %broadcast_in_dim3A_1491 = vector.broadcast %broadcast_in_dim3A_1490 : i32 to vector<16xi32>
    %gather3A_1492 = tpu.vector_load_idx %arg11[%add3A_1453, %broadcast_in_dim3A_1491] : memref<128x16xf32, #tpu.memory_space<vmem>>[vector<16xi32>, vector<16xi32>], vector<16xf32>,
    %add3A_1493 = arith.addf %add3A_1489, %gather3A_1492 : vector<16xf32>
    %broadcast_in_dim3A_1494 = arith.constant 10 : i32
    %broadcast_in_dim3A_1495 = vector.broadcast %broadcast_in_dim3A_1494 : i32 to vector<16xi32>
    %gather3A_1496 = tpu.vector_load_idx %arg11[%add3A_1453, %broadcast_in_dim3A_1495] : memref<128x16xf32, #tpu.memory_space<vmem>>[vector<16xi32>, vector<16xi32>], vector<16xf32>,
    %add3A_1497 = arith.addf %add3A_1493, %gather3A_1496 : vector<16xf32>
    %broadcast_in_dim3A_1498 = arith.constant 11 : i32
    %broadcast_in_dim3A_1499 = vector.broadcast %broadcast_in_dim3A_1498 : i32 to vector<16xi32>
    %gather3A_1500 = tpu.vector_load_idx %arg11[%add3A_1453, %broadcast_in_dim3A_1499] : memref<128x16xf32, #tpu.memory_space<vmem>>[vector<16xi32>, vector<16xi32>], vector<16xf32>,
    %add3A_1501 = arith.addf %add3A_1497, %gather3A_1500 : vector<16xf32>
    %broadcast_in_dim3A_1502 = arith.constant 12 : i32
    %broadcast_in_dim3A_1503 = vector.broadcast %broadcast_in_dim3A_1502 : i32 to vector<16xi32>
    %gather3A_1504 = tpu.vector_load_idx %arg11[%add3A_1453, %broadcast_in_dim3A_1503] : memref<128x16xf32, #tpu.memory_space<vmem>>[vector<16xi32>, vector<16xi32>], vector<16xf32>,
    %add3A_1505 = arith.addf %add3A_1501, %gather3A_1504 : vector<16xf32>
    %broadcast_in_dim3A_1506 = arith.constant 13 : i32
    %broadcast_in_dim3A_1507 = vector.broadcast %broadcast_in_dim3A_1506 : i32 to vector<16xi32>
    %gather3A_1508 = tpu.vector_load_idx %arg11[%add3A_1453, %broadcast_in_dim3A_1507] : memref<128x16xf32, #tpu.memory_space<vmem>>[vector<16xi32>, vector<16xi32>], vector<16xf32>,
    %add3A_1509 = arith.addf %add3A_1505, %gather3A_1508 : vector<16xf32>
    %broadcast_in_dim3A_1510 = arith.constant 14 : i32
    %broadcast_in_dim3A_1511 = vector.broadcast %broadcast_in_dim3A_1510 : i32 to vector<16xi32>
    %gather3A_1512 = tpu.vector_load_idx %arg11[%add3A_1453, %broadcast_in_dim3A_1511] : memref<128x16xf32, #tpu.memory_space<vmem>>[vector<16xi32>, vector<16xi32>], vector<16xf32>,
    %add3A_1513 = arith.addf %add3A_1509, %gather3A_1512 : vector<16xf32>
    %broadcast_in_dim3A_1514 = arith.constant 15 : i32
    %broadcast_in_dim3A_1515 = vector.broadcast %broadcast_in_dim3A_1514 : i32 to vector<16xi32>
    %gather3A_1516 = tpu.vector_load_idx %arg11[%add3A_1453, %broadcast_in_dim3A_1515] : memref<128x16xf32, #tpu.memory_space<vmem>>[vector<16xi32>, vector<16xi32>], vector<16xf32>,
    %add3A_1517 = arith.addf %add3A_1513, %gather3A_1516 : vector<16xf32>
    %swap3A_1518 = arith.constant 96 : index
    %swap3A_1519 = tpu.vector_load %arg12[%swap3A_1518] {strides = array<i32>} : memref<128xf32, #tpu.memory_space<vmem>>, vector<16xf32>,
    tpu.vector_store %arg12[%swap3A_1518], %add3A_1517 {strides = array<i32>} : memref<128xf32, #tpu.memory_space<vmem>>, vector<16xf32>,
    %add3A_1520 = arith.constant 112 : i32
    %add3A_1521 = vector.broadcast %add3A_1520 : i32 to vector<16xi32>
    %add3A_1522 = arith.addi %add3A_1521, %iota3A : vector<16xi32>
    %broadcast_in_dim3A_1523 = arith.constant 0 : i32
    %broadcast_in_dim3A_1524 = vector.broadcast %broadcast_in_dim3A_1523 : i32 to vector<16xi32>
    %gather3A_1525 = tpu.vector_load_idx %arg11[%add3A_1522, %broadcast_in_dim3A_1524] : memref<128x16xf32, #tpu.memory_space<vmem>>[vector<16xi32>, vector<16xi32>], vector<16xf32>,
    %add3A_1526 = arith.addf %broadcast_in_dim3A_1033, %gather3A_1525 : vector<16xf32>
    %broadcast_in_dim3A_1527 = arith.constant 1 : i32
    %broadcast_in_dim3A_1528 = vector.broadcast %broadcast_in_dim3A_1527 : i32 to vector<16xi32>
    %gather3A_1529 = tpu.vector_load_idx %arg11[%add3A_1522, %broadcast_in_dim3A_1528] : memref<128x16xf32, #tpu.memory_space<vmem>>[vector<16xi32>, vector<16xi32>], vector<16xf32>,
    %add3A_1530 = arith.addf %add3A_1526, %gather3A_1529 : vector<16xf32>
    %broadcast_in_dim3A_1531 = arith.constant 2 : i32
    %broadcast_in_dim3A_1532 = vector.broadcast %broadcast_in_dim3A_1531 : i32 to vector<16xi32>
    %gather3A_1533 = tpu.vector_load_idx %arg11[%add3A_1522, %broadcast_in_dim3A_1532] : memref<128x16xf32, #tpu.memory_space<vmem>>[vector<16xi32>, vector<16xi32>], vector<16xf32>,
    %add3A_1534 = arith.addf %add3A_1530, %gather3A_1533 : vector<16xf32>
    %broadcast_in_dim3A_1535 = arith.constant 3 : i32
    %broadcast_in_dim3A_1536 = vector.broadcast %broadcast_in_dim3A_1535 : i32 to vector<16xi32>
    %gather3A_1537 = tpu.vector_load_idx %arg11[%add3A_1522, %broadcast_in_dim3A_1536] : memref<128x16xf32, #tpu.memory_space<vmem>>[vector<16xi32>, vector<16xi32>], vector<16xf32>,
    %add3A_1538 = arith.addf %add3A_1534, %gather3A_1537 : vector<16xf32>
    %broadcast_in_dim3A_1539 = arith.constant 4 : i32
    %broadcast_in_dim3A_1540 = vector.broadcast %broadcast_in_dim3A_1539 : i32 to vector<16xi32>
    %gather3A_1541 = tpu.vector_load_idx %arg11[%add3A_1522, %broadcast_in_dim3A_1540] : memref<128x16xf32, #tpu.memory_space<vmem>>[vector<16xi32>, vector<16xi32>], vector<16xf32>,
    %add3A_1542 = arith.addf %add3A_1538, %gather3A_1541 : vector<16xf32>
    %broadcast_in_dim3A_1543 = arith.constant 5 : i32
    %broadcast_in_dim3A_1544 = vector.broadcast %broadcast_in_dim3A_1543 : i32 to vector<16xi32>
    %gather3A_1545 = tpu.vector_load_idx %arg11[%add3A_1522, %broadcast_in_dim3A_1544] : memref<128x16xf32, #tpu.memory_space<vmem>>[vector<16xi32>, vector<16xi32>], vector<16xf32>,
    %add3A_1546 = arith.addf %add3A_1542, %gather3A_1545 : vector<16xf32>
    %broadcast_in_dim3A_1547 = arith.constant 6 : i32
    %broadcast_in_dim3A_1548 = vector.broadcast %broadcast_in_dim3A_1547 : i32 to vector<16xi32>
    %gather3A_1549 = tpu.vector_load_idx %arg11[%add3A_1522, %broadcast_in_dim3A_1548] : memref<128x16xf32, #tpu.memory_space<vmem>>[vector<16xi32>, vector<16xi32>], vector<16xf32>,
    %add3A_1550 = arith.addf %add3A_1546, %gather3A_1549 : vector<16xf32>
    %broadcast_in_dim3A_1551 = arith.constant 7 : i32
    %broadcast_in_dim3A_1552 = vector.broadcast %broadcast_in_dim3A_1551 : i32 to vector<16xi32>
    %gather3A_1553 = tpu.vector_load_idx %arg11[%add3A_1522, %broadcast_in_dim3A_1552] : memref<128x16xf32, #tpu.memory_space<vmem>>[vector<16xi32>, vector<16xi32>], vector<16xf32>,
    %add3A_1554 = arith.addf %add3A_1550, %gather3A_1553 : vector<16xf32>
    %broadcast_in_dim3A_1555 = arith.constant 8 : i32
    %broadcast_in_dim3A_1556 = vector.broadcast %broadcast_in_dim3A_1555 : i32 to vector<16xi32>
    %gather3A_1557 = tpu.vector_load_idx %arg11[%add3A_1522, %broadcast_in_dim3A_1556] : memref<128x16xf32, #tpu.memory_space<vmem>>[vector<16xi32>, vector<16xi32>], vector<16xf32>,
    %add3A_1558 = arith.addf %add3A_1554, %gather3A_1557 : vector<16xf32>
    %broadcast_in_dim3A_1559 = arith.constant 9 : i32
    %broadcast_in_dim3A_1560 = vector.broadcast %broadcast_in_dim3A_1559 : i32 to vector<16xi32>
    %gather3A_1561 = tpu.vector_load_idx %arg11[%add3A_1522, %broadcast_in_dim3A_1560] : memref<128x16xf32, #tpu.memory_space<vmem>>[vector<16xi32>, vector<16xi32>], vector<16xf32>,
    %add3A_1562 = arith.addf %add3A_1558, %gather3A_1561 : vector<16xf32>
    %broadcast_in_dim3A_1563 = arith.constant 10 : i32
    %broadcast_in_dim3A_1564 = vector.broadcast %broadcast_in_dim3A_1563 : i32 to vector<16xi32>
    %gather3A_1565 = tpu.vector_load_idx %arg11[%add3A_1522, %broadcast_in_dim3A_1564] : memref<128x16xf32, #tpu.memory_space<vmem>>[vector<16xi32>, vector<16xi32>], vector<16xf32>,
    %add3A_1566 = arith.addf %add3A_1562, %gather3A_1565 : vector<16xf32>
    %broadcast_in_dim3A_1567 = arith.constant 11 : i32
    %broadcast_in_dim3A_1568 = vector.broadcast %broadcast_in_dim3A_1567 : i32 to vector<16xi32>
    %gather3A_1569 = tpu.vector_load_idx %arg11[%add3A_1522, %broadcast_in_dim3A_1568] : memref<128x16xf32, #tpu.memory_space<vmem>>[vector<16xi32>, vector<16xi32>], vector<16xf32>,
    %add3A_1570 = arith.addf %add3A_1566, %gather3A_1569 : vector<16xf32>
    %broadcast_in_dim3A_1571 = arith.constant 12 : i32
    %broadcast_in_dim3A_1572 = vector.broadcast %broadcast_in_dim3A_1571 : i32 to vector<16xi32>
    %gather3A_1573 = tpu.vector_load_idx %arg11[%add3A_1522, %broadcast_in_dim3A_1572] : memref<128x16xf32, #tpu.memory_space<vmem>>[vector<16xi32>, vector<16xi32>], vector<16xf32>,
    %add3A_1574 = arith.addf %add3A_1570, %gather3A_1573 : vector<16xf32>
    %broadcast_in_dim3A_1575 = arith.constant 13 : i32
    %broadcast_in_dim3A_1576 = vector.broadcast %broadcast_in_dim3A_1575 : i32 to vector<16xi32>
    %gather3A_1577 = tpu.vector_load_idx %arg11[%add3A_1522, %broadcast_in_dim3A_1576] : memref<128x16xf32, #tpu.memory_space<vmem>>[vector<16xi32>, vector<16xi32>], vector<16xf32>,
    %add3A_1578 = arith.addf %add3A_1574, %gather3A_1577 : vector<16xf32>
    %broadcast_in_dim3A_1579 = arith.constant 14 : i32
    %broadcast_in_dim3A_1580 = vector.broadcast %broadcast_in_dim3A_1579 : i32 to vector<16xi32>
    %gather3A_1581 = tpu.vector_load_idx %arg11[%add3A_1522, %broadcast_in_dim3A_1580] : memref<128x16xf32, #tpu.memory_space<vmem>>[vector<16xi32>, vector<16xi32>], vector<16xf32>,
    %add3A_1582 = arith.addf %add3A_1578, %gather3A_1581 : vector<16xf32>
    %broadcast_in_dim3A_1583 = arith.constant 15 : i32
    %broadcast_in_dim3A_1584 = vector.broadcast %broadcast_in_dim3A_1583 : i32 to vector<16xi32>
    %gather3A_1585 = tpu.vector_load_idx %arg11[%add3A_1522, %broadcast_in_dim3A_1584] : memref<128x16xf32, #tpu.memory_space<vmem>>[vector<16xi32>, vector<16xi32>], vector<16xf32>,
    %add3A_1586 = arith.addf %add3A_1582, %gather3A_1585 : vector<16xf32>
    %swap3A_1587 = arith.constant 112 : index
    %swap3A_1588 = tpu.vector_load %arg12[%swap3A_1587] {strides = array<i32>} : memref<128xf32, #tpu.memory_space<vmem>>, vector<16xf32>,
    tpu.vector_store %arg12[%swap3A_1587], %add3A_1586 {strides = array<i32>} : memref<128xf32, #tpu.memory_space<vmem>>, vector<16xf32>,
    "tpu.region"() ({
      %run_scoped3A = tpu.sem_alloc : memref<!tpu.dma_semaphore, #tpu.memory_space<semaphore_mem>>
      %dma_start3A_1589 = arith.constant 0 : i32
      %dma_start3A_1590 = tpu.memref_slice %arg6[%add3A, %dma_start3A_1589] : memref<32x128xf32, #tpu.memory_space<hbm>> -> memref<1x128xf32, #tpu.memory_space<hbm>>
      %dma_start3A_1591 = tpu.memref_squeeze %dma_start3A_1590 : memref<1x128xf32, #tpu.memory_space<hbm>> -> memref<128xf32, #tpu.memory_space<hbm>>
      %dma_start3A_1592 = arith.constant 0 : i32
      %dma_start3A_1593 = tpu.memref_slice %arg6[%add3A, %dma_start3A_1592] : memref<32x128xf32, #tpu.memory_space<hbm>> -> memref<1x128xf32, #tpu.memory_space<hbm>>
      %dma_start3A_1594 = tpu.memref_squeeze %dma_start3A_1593 : memref<1x128xf32, #tpu.memory_space<hbm>> -> memref<128xf32, #tpu.memory_space<hbm>>
      tpu.enqueue_dma source(%arg12 : memref<128xf32, #tpu.memory_space<vmem>>) target(%dma_start3A_1594 : memref<128xf32, #tpu.memory_space<hbm>>) target_semaphore(%run_scoped3A : memref<!tpu.dma_semaphore, #tpu.memory_space<semaphore_mem>>)
      %dma_wait3A_1595 = arith.constant 0 : i32
      %dma_wait3A_1596 = tpu.memref_slice %arg6[%add3A, %dma_wait3A_1595] : memref<32x128xf32, #tpu.memory_space<hbm>> -> memref<1x128xf32, #tpu.memory_space<hbm>>
      %dma_wait3A_1597 = tpu.memref_squeeze %dma_wait3A_1596 : memref<1x128xf32, #tpu.memory_space<hbm>> -> memref<128xf32, #tpu.memory_space<hbm>>
      %dma_wait3A_1598 = arith.constant 0 : i32
      %dma_wait3A_1599 = tpu.memref_slice %arg6[%add3A, %dma_wait3A_1598] : memref<32x128xf32, #tpu.memory_space<hbm>> -> memref<1x128xf32, #tpu.memory_space<hbm>>
      %dma_wait3A_1600 = tpu.memref_squeeze %dma_wait3A_1599 : memref<1x128xf32, #tpu.memory_space<hbm>> -> memref<128xf32, #tpu.memory_space<hbm>>
      tpu.wait_dma2 semaphore(%run_scoped3A : memref<!tpu.dma_semaphore, #tpu.memory_space<semaphore_mem>>) src(%arg12 : memref<128xf32, #tpu.memory_space<vmem>>) dst(%dma_wait3A_1600 : memref<128xf32, #tpu.memory_space<hbm>>)
      tpu.yield
    }) : () -> ()
    return
  }
}

</mosaic_0001>

<sc_bundles>
// kernel: kernel.3.cloned.1.call-start
scs
__scs_entry_jumppad:
0x0: {  	(pc) =	sbr.rel $0x88, $3  }
0x1: {  	(tag) =	ssettag $0x0;
	lr =	simm.s32 $0x1  }
0x2: {  	[smem:$0x3F9D] =	sst lr;
	_ =	strace $0xD0000000  }
0x3: {  	_ = 	snop  }
0x4: {  	_ = 	snop  }
0x5: {  	_ = 	snop  }
0x6: {  	_ = 	snop  }
0x7: {  	_ = 	snop  }
__scs_overlays_trampoline_lowered:
0x8: {  	[smem:$0x3FAC] =	sst s0  }
0x9: {  	[smem:$0x3FAD] =	sst s1  }
0xa: {  	[smem:$0x3FAE] =	sst s2  }
0xb: {  	[smem:$0x3FAF] =	sst s3  }
0xc: {  	[smem:$0x3FB0] =	sst s4  }
0xd: {  	[smem:$0x3FB1] =	sst s5  }
0xe: {  	[smem:$0x3FB2] =	sst s6  }
0xf: {  	[smem:$0x3FB3] =	sst s7  }
0x10: {  	[smem:$0x3FB4] =	sst s8  }
0x11: {  	[smem:$0x3FB5] =	sst s9;
	s0 =	simm.s32 @!p0 $0x0  }
0x12: {  	s1 =	sld [smem:$0x3F9B];
	s0 =	simm.s32 @p0 $0x1  }
0x13: {  	[smem:$0x3FB6] =	sst s0;
	s0 =	simm.s32 @!p1 $0x0  }
0x14: {  	s2 =	sld [smem:$0x3F9A];
	s0 =	simm.s32 @p1 $0x1  }
0x15: {  	[smem:$0x3FB7] =	sst s0;
	s0 =	simm.s32 @!p2 $0x0  }
0x16: {  	s3 =	sld [smem:$0x3FDB];
	s0 =	simm.s32 @p2 $0x1  }
0x17: {  	s4 =	simm.s32 $0x1BF5;
	[smem:$0x3FB9] =	sst s0  }
0x18: {  	s0 =	sld [smem:$0x3F9C];
	_ =	swait.ge [sflag:s4], $0x0  }
0x19: {  	s7 =	sld [smem:$0x3F9D]  }
0x1a: {  	s8 =	sadd.s32 $0xFFFFE003, lr  }
0x1b: {  	s9 =	sadd.s32 $0xFFFFFEF7, lr;
	s5 =	simm.s32 $0xFFFFFFFF;
	p2 =	slt.u32 s8, $0xFFFFF086  }
0x1c: {  	p1 =	slt.u32 s9, $0xF7A;
	s5 =	simm.s32 @!p2 $0x0  }
0x1d: {  	s5 =	simm.s32 @p1 $0x1;
	p0 =	seq.s32 s7, s2  }
0x1e: {  	s7 =	smul.u32 @!p0 $0xF7A, s2;
	p2 =	seq.s32 @!p0 s5, $0x0  }
0x1f: {  	s9 =	smul.u32 $0xF7A, s1;
	s8 =	simm.s32 @!p0 $0x1BF5;
	p2 =	por !p2, p0  }
0x20: {  	[sflag:s8] =	ssyncset.s32 @!p0 $0xFFFFF086;
	s6 =	sadd.s32 @!p0 s3, s7;
	s7 =	simm.s32 @!p0 $0x108  }
0x21: {  	s3 =	sadd.s32 s3, s9;
	s6 =	sadd.s32 @!p0 $0x88, s6;
	s7 =	simm.s32 @p2 $0x1082  }
0x22: {  	[simem:s7], [sflag:s8] =	dma.local @!p0 [hbm:s6], $0xF7A  }
0x23: {  	s9 =	sor.u32 $0xD0000000, s2;
	s6 =	simm.s32 $0x108;
	_ =	swait.ge @!p0 [sflag:s8], $0x0  }
0x24: {  	s3 =	sadd.s32 $0x88, s3;
	s6 =	simm.s32 @!p1 $0x1082;
	[sflag:s4] =	ssyncset.s32 $0xFFFFF086  }
0x25: {  	[simem:s6], [sflag:s4] =	dma.local [hbm:s3], $0xF7A  }
0x26: {  	[smem:$0x3F9D] =	sst s1;
	(tag) =	ssettag s2;
	_ =	strace s9  }
0x27: {  	s1 =	sld [smem:$0x3FAD]  }
0x28: {  	s2 =	sld [smem:$0x3FAE]  }
0x29: {  	s4 =	sld [smem:$0x3FB0]  }
0x2a: {  	p0 =	seq.s32 s5, $0x0;
	s5 =	sld [smem:$0x3FB1]  }
0x2b: {  	s6 =	sld [smem:$0x3FB2]  }
0x2c: {  	s7 =	sld [smem:$0x3FB3]  }
0x2d: {  	s3 =	simm.s32 $0x108;
	s8 =	sld [smem:$0x3FB4]  }
0x2e: {  	s3 =	simm.s32 @!p0 $0x1082;
	s9 =	sld [smem:$0x3FB5]  }
0x2f: {  	lr =	sadd.s32 s0, s3;
	s0 =	sld [smem:$0x3FAC]  }
0x30: {  	s3 =	sld [smem:$0x3FAF]  }
0x31: {  	[smem:$0x3FB8] =	sst s10  }
0x32: {  	s10 =	sld [smem:$0x3FB6];
	_ =	sdelay $0x3  }
0x33: {  	p0 =	seq.s32 s10, $0x1;
	s10 =	sld [smem:$0x3FB8];
	_ =	sdelay $0x3  }
0x34: {  	[smem:$0x3FB8] =	sst s10  }
0x35: {  	s10 =	sld [smem:$0x3FB7];
	_ =	sdelay $0x3  }
0x36: {  	p1 =	seq.s32 s10, $0x1;
	s10 =	sld [smem:$0x3FB8];
	_ =	sdelay $0x3  }
0x37: {  	[smem:$0x3FB8] =	sst s10  }
0x38: {  	s10 =	sld [smem:$0x3FB9]  }
0x39: {  	_ = 	snop;
	(pc) =	sbr.ind lr, $3  }
0x3a: {  	_ = 	snop  }
0x3b: {  	_ = 	snop  }
0x3c: {  	p2 =	seq.s32 s10, $0x1;
	s10 =	sld [smem:$0x3FB8]  }
0x3d: {  	_ =	shalt  }
0x3e: {  	_ =	shalt  }
0x3f: {  	_ =	shalt  }
0x40: {  	_ =	shalt  }
0x41: {  	_ =	shalt  }
0x42: {  	_ =	shalt  }
0x43: {  	_ =	shalt  }
0x44: {  	_ =	shalt  }
0x45: {  	_ =	shalt  }
0x46: {  	_ =	shalt  }
0x47: {  	_ =	shalt  }
0x48: {  	_ =	shalt  }
0x49: {  	_ =	shalt  }
0x4a: {  	_ =	shalt  }
0x4b: {  	_ =	shalt  }
0x4c: {  	_ =	shalt  }
0x4d: {  	_ =	shalt  }
0x4e: {  	_ =	shalt  }
0x4f: {  	_ =	shalt  }
0x50: {  	_ =	shalt  }
0x51: {  	_ =	shalt  }
0x52: {  	_ =	shalt  }
0x53: {  	_ =	shalt  }
0x54: {  	_ =	shalt  }
0x55: {  	_ =	shalt  }
0x56: {  	_ =	shalt  }
0x57: {  	_ =	shalt  }
0x58: {  	_ =	shalt  }
0x59: {  	_ =	shalt  }
0x5a: {  	_ =	shalt  }
0x5b: {  	_ =	shalt  }
0x5c: {  	_ =	shalt  }
0x5d: {  	_ =	shalt  }
0x5e: {  	_ =	shalt  }
0x5f: {  	_ =	shalt  }
0x60: {  	_ =	shalt  }
0x61: {  	_ =	shalt  }
0x62: {  	_ =	shalt  }
0x63: {  	_ =	shalt  }
0x64: {  	_ =	shalt  }
0x65: {  	_ =	shalt  }
0x66: {  	_ =	shalt  }
0x67: {  	_ =	shalt  }
0x68: {  	_ =	shalt  }
0x69: {  	_ =	shalt  }
0x6a: {  	_ =	shalt  }
0x6b: {  	_ =	shalt  }
0x6c: {  	_ =	shalt  }
0x6d: {  	_ =	shalt  }
0x6e: {  	_ =	shalt  }
0x6f: {  	_ =	shalt  }
0x70: {  	_ =	shalt  }
0x71: {  	_ =	shalt  }
0x72: {  	_ =	shalt  }
0x73: {  	_ =	shalt  }
0x74: {  	_ =	shalt  }
0x75: {  	_ =	shalt  }
0x76: {  	_ =	shalt  }
0x77: {  	_ =	shalt  }
0x78: {  	_ =	shalt  }
0x79: {  	_ =	shalt  }
0x7a: {  	_ =	shalt  }
0x7b: {  	_ =	shalt  }
0x7c: {  	_ =	shalt  }
0x7d: {  	_ =	shalt  }
0x7e: {  	_ =	shalt  }
0x7f: {  	_ =	shalt  }
0x80: {  	_ =	shalt  }
0x81: {  	_ =	shalt  }
0x82: {  	_ =	shalt  }
0x83: {  	_ =	shalt  }
0x84: {  	_ =	shalt  }
0x85: {  	_ =	shalt  }
0x86: {  	_ =	shalt  }
0x87: {  	_ =	shalt  }
.Lfunc_end0:
.L_simem_size_0:
called_computation_lowered:
.L_overlay_start_0:
0x88: {  	s2 =	sld [smem:$0x3FD9]  }
0x89: {  	s3 =	sld [smem:$0x3FFE];
	_ =	sdelay $0x1  }
0x8a: {  	s1 =	srdreg.scid  }
0x8b: {  	s0 =	sand.u32 $0x1, s1  }
0x8c: {  	s17 =	sshll.u32 s0, $0xA;
	s2 =	sadd.s32 s3, s2  }
0x8d: {  	s2 =	sadd.s32 s2, s17  }
0x8e: {  	[smem:$0x3FC4] =	sst s2  }
0x8f: {  	_ = 	snop  }
0x90: {  	s2 =	sld [smem:$0x3FD0];
	(tm) =	ssettm $0x1  }
0x91: {  	s18 =	sld [smem:$0x3FFB];
	_ =	sdelay $0x3  }
0x92: {  	_ =	strace s18  }
0x93: {  	s3 =	sld [smem:$0x3FFC];
	_ =	sdelay $0x3  }
0x94: {  	_ =	strace s3  }
0x95: {  	s3 =	sld [smem:$0x3FFD];
	_ =	sdelay $0x3  }
0x96: {  	_ =	strace s3  }
0x97: {  	_ =	strace $0x8FFFFFFF  }
0x98: {  	s19 =	sld [smem:$0x3FDB];
	_ =	sdelay $0x1  }
0x99: {  	s4 =	simm.s32 $_scs_section_size  }
0x9a: {  	s5 =	simm.s32 $_size__tile_overlayer_lowered;
	s6 =	simm.s32 $_tile_overlayer_lowered  }
0x9b: {  	s22 =	simm.s32 $0x1BFF;
	s21 =	sshll.u32 s6, $0x1;
	s3 =	sadd.s32 s4, s19  }
0x9c: {  	s7 =	simm.s32 $0x0;
	s20 =	sshll.u32 s5, $0x1;
	s5 =	sadd.s32 s21, s3  }
0x9d: {  	[timem:s7], [sflag:s22] =	dma.local [hbm:s5], s20  }
0x9e: {  	_ =	swait.ge [sflag:s22], s20  }
0x9f: {  	s4 =	ssub.s32 $0x0, s20;
	[sflag:s22] =	ssyncset.done $0x0  }
0xa0: {  	[sflag:s22] =	ssyncadd.s32 s4;
	_ =	sdelay $0x1  }
0xa1: {  	s23 =	simm.s32 $0x1B8B  }
0xa2: {  	_ =	swait.ge [sflag:s23], $0x1  }
0xa3: {  	[sflag:s23] =	ssyncset.done $0x0  }
0xa4: {  	s25 =	simm.s32 $0x1B8E;
	s24 =	sld [smem:$0x3FFE];
	[sflag:s23] =	ssyncadd.s32 $0xFFFFFFFF  }
0xa5: {  	s26 =	simm.s32 $execute0_lowered;
	[smem:$0x3FD2] =	sst s25  }
0xa6: {  	s5 =	sshll.u32 s26, $0x1;
	_ =	strace $0x80000046;
	[dreg:$0x1] =	wrdreg $0xFFFFFFFF  }
0xa7: {  	s28 =	simm.s32 $_size_execute0_lowered;
	s3 =	sadd.s32 s3, s5;
	[dreg:$0x0] =	wrdreg $0x0  }
0xa8: {  	s5 =	sshll.u32 s28, $0x1;
	[dreg:$0x2] =	wrdreg s3  }
0xa9: {  	[dreg:$0x3] =	wrdreg s5  }
0xaa: {  	[dreg:$0x4] =	wrdreg $0xC0  }
0xab: {  	_ =	task [dreg:s7], $0x5FFFF  }
0xac: {  	[dreg:$0x1] =	wrdreg $0xFFFFFFFF  }
0xad: {  	[dreg:$0x0] =	wrdreg $0x60  }
0xae: {  	[dreg:$0x2] =	wrdreg s24  }
0xaf: {  	[dreg:$0x3] =	wrdreg s2  }
0xb0: {  	[dreg:$0x4] =	wrdreg $0x9  }
0xb1: {  	_ =	task.clear_ibuf [dreg:s7], $0x5FFFF;
	_ =	strace $0x90000046  }
0xb2: {  	s29 =	simm.s32 $0x9;
	_ =	strace $0x80000048  }
0xb3: {  	_ =	swait.ge [sflag:s29], $0x1  }
0xb4: {  	[sflag:s29] =	ssyncadd.s32 $0xFFFFFFFF  }
0xb5: {  	_ =	strace $0x90000048  }
0xb6: {  	_ =	sfence  }
0xb7: {  	s30 =	sld [smem:$0x0];
	_ =	sdelay $0x2  }
0xb8: {  	s31 =	sshll.u32 s1, $0xD;
	s1 =	sshrl.u32 s1, $0x2  }
0xb9: {  	s3 =	sand.u32 $0x4000, s31;
	s1 =	sadd.s32 s1, s30  }
0xba: {  	s0 =	sor.u32 s3, s0;
	s1 =	sshll.u32 s1, $0x11  }
0xbb: {  	s0 =	sor.u32 s1, s0  }
0xbc: {  	s0 =	sadd.s32 $0x8F2B, s0  }
0xbd: {  	[sflag:s0] =	ssyncadd.remote.s32 $0x1  }
0xbe: {  	_ =	sfence.sel $0xFFFF  }
0xbf: {  	[dreg:$0x0] =	wrdreg $0xFFFFFFFF;
	(pc) =	sbr.abs _section_cstart, $3  }
0xc0: {  	[dreg:$0x1] =	wrdreg $0xFFFFFFFF  }
0xc1: {  	_ =	task.clear_ibuf [dreg:s7], $0x2FFFF;
	_ =	strace $0x9FFFFFFF  }
0xc2: {  	(tm) =	ssettm $0x7FFFFFFF  }
0xc3: {  	_ =	shalt  }
tec
execute0_lowered:
.L_overlay_start_1:
0x0: {  	(tag) =	ssettag $0x1  }
0x1: {  	s0 =	rddreg [dreg:$0x0];
	s1 =	srdreg.scid  }
0x2: {  	s2 =	stileid.u32;
	s7 =	rddreg [dreg:$0x1]  }
0x3: {  	s10 =	simm.s32 $0xD00;
	s11 =	simm.s32 $0x80;
	s20 =	simm.s32 $0x1BD00  }
0x4: {  	s12 =	simm.s32 $0x1A80;
	s13 =	simm.s32 $0x1CA80;
	s14 =	simm.s32 $0x1B00  }
0x5: {  	s15 =	simm.s32 $0x1CB00;
	s16 =	simm.s32 $0x1B80;
	s17 =	simm.s32 $0x1CB80  }
0x6: {  	s18 =	simm.s32 $0x1C00;
	s19 =	simm.s32 $0x1CC00;
	s21 =	simm.s32 $0x1C80  }
0x7: {  	s22 =	simm.s32 $0x1CC80;
	s23 =	simm.s32 $0x1;
	s24 =	simm.s32 $0x2  }
0x8: {  	s25 =	simm.s32 $0x1CD00;
	s26 =	simm.s32 $0x1D500;
	s28 =	simm.s32 $0x0  }
0x9: {  	s1 =	sand.u32 $0x1, s1;
	s3 =	sshll.u32 s2, $0x1;
	s2 =	simm.s32 $0x0  }
0xa: {  	v0 =	vlaneseq.u32;
	s8 =	sor.u32 s1, s3;
	[smem:$0x7FF] =	sst s2;
	s1 =	ssub.s32 $0x2, s1  }
0xb: {  	v1 =	vmul.u32 $0x10, v0;
	s3 =	smul.u32 $0x1A0, s8;
	_ =	strace $0x80000047;
	s4 =	sshll.u32 s8, $0x9  }
0xc: {  	s9 =	sshrl.u32 s1, $0x1;
	s31 =	sshll.u32 s8, $0x4;
	s6 =	sadd.s32 s4, s0  }
0xd: {  	vm0 =	vmmov $0x3ff;
	v2 =	vor.u32 $0x1, v1;
	v3 =	vor.u32 $0x2, v1;
	s4 =	sadd.s32 $0x7600, s0;
	s30 =	ssub.s32 s1, s9;
	s7 =	sadd.s32 s7, s31  }
0xe: {  	v4 =	vor.u32 $0x3, v1;
	v5 =	vor.u32 $0x4, v1;
	v6 =	vor.u32 $0x5, v1;
	s9 =	simm.s32 $0x3;
	s5 =	sadd.s32 s3, s0;
	s3 =	sadd.s32 $0x27B3A00, s0  }
0xf: {  	v7 =	vor.u32 $0x6, v1;
	v8 =	vor.u32 $0x7, v1;
	v9 =	vor.u32 $0x8, v1;
	s6 =	sadd.s32 $0x200, s6;
	s8 =	smax.u32 s30, $0x1;
	s5 =	sadd.s32 $0x4200, s5  }
.LBB2_1:
0x10: {  	[tilespmem:s2], [sflag:$0x3] =	stream.linear.gather [hbm4b:s5+s2], $0xD00, $0x38;
	[tilespmem:$0x1D580] =	vst v63  }
0x11: {  	_ =	swait.ge [sflag:s9], $0xD00  }
0x12: {  	[sflag:s9] =	ssyncset.done $0x0  }
0x13: {  	[sflag:s9] =	ssyncadd.s32 $0xFFFFF300  }
0x14: {  	[tilespmem:s10], [sflag:$0x3] =	stream.linear.gather [hbm4b:s6+s2], $0x1000, $0x38;
	[tilespmem:$0x1D580] =	vst v63  }
0x15: {  	_ =	swait.ge [sflag:s9], $0x1000  }
0x16: {  	[sflag:s9] =	ssyncset.done $0x0  }
0x17: {  	s0 =	simm.s32 $0x1D00;
	[sflag:s9] =	ssyncadd.s32 $0xFFFFF000  }
0x18: {  	[tilespmem:s0], [sflag:$0x1] =	stream.indirect.gather [hbm4b:s3+s11], $0x20, s2, s11, $0xb8;
	[tilespmem:$0x1D580] =	vst v63  }
0x19: {  	s1 =	simm.s32 $0x2D00  }
0x1a: {  	[tilespmem:s1], [sflag:$0x1] =	stream.indirect.gather [hbm4b:s3+s11], $0x20, s11, s11, $0xb8;
	[tilespmem:$0x1D580] =	vst v63  }
0x1b: {  	s0 =	simm.s32 $0x100;
	s1 =	simm.s32 $0x3D00  }
0x1c: {  	[tilespmem:s1], [sflag:$0x1] =	stream.indirect.gather [hbm4b:s3+s11], $0x20, s0, s11, $0xb8;
	[tilespmem:$0x1D580] =	vst v63  }
0x1d: {  	s0 =	simm.s32 $0x180;
	s1 =	simm.s32 $0x4D00  }
0x1e: {  	[tilespmem:s1], [sflag:$0x1] =	stream.indirect.gather [hbm4b:s3+s11], $0x20, s0, s11, $0xb8;
	[tilespmem:$0x1D580] =	vst v63  }
0x1f: {  	s0 =	simm.s32 $0x200;
	s1 =	simm.s32 $0x5D00  }
0x20: {  	[tilespmem:s1], [sflag:$0x1] =	stream.indirect.gather [hbm4b:s3+s11], $0x20, s0, s11, $0xb8;
	[tilespmem:$0x1D580] =	vst v63  }
0x21: {  	s0 =	simm.s32 $0x280;
	s1 =	simm.s32 $0x6D00  }
0x22: {  	[tilespmem:s1], [sflag:$0x1] =	stream.indirect.gather [hbm4b:s3+s11], $0x20, s0, s11, $0xb8;
	[tilespmem:$0x1D580] =	vst v63  }
0x23: {  	s0 =	simm.s32 $0x300;
	s1 =	simm.s32 $0x7D00  }
0x24: {  	[tilespmem:s1], [sflag:$0x1] =	stream.indirect.gather [hbm4b:s3+s11], $0x20, s0, s11, $0xb8;
	[tilespmem:$0x1D580] =	vst v63  }
0x25: {  	s0 =	simm.s32 $0x380;
	s1 =	simm.s32 $0x8D00  }
0x26: {  	[tilespmem:s1], [sflag:$0x1] =	stream.indirect.gather [hbm4b:s3+s11], $0x20, s0, s11, $0xb8;
	[tilespmem:$0x1D580] =	vst v63  }
0x27: {  	s0 =	simm.s32 $0x400;
	s1 =	simm.s32 $0x9D00  }
0x28: {  	[tilespmem:s1], [sflag:$0x1] =	stream.indirect.gather [hbm4b:s3+s11], $0x20, s0, s11, $0xb8;
	[tilespmem:$0x1D580] =	vst v63  }
0x29: {  	s0 =	simm.s32 $0x480;
	s1 =	simm.s32 $0xAD00  }
0x2a: {  	[tilespmem:s1], [sflag:$0x1] =	stream.indirect.gather [hbm4b:s3+s11], $0x20, s0, s11, $0xb8;
	[tilespmem:$0x1D580] =	vst v63  }
0x2b: {  	s0 =	simm.s32 $0x500;
	s1 =	simm.s32 $0xBD00  }
0x2c: {  	[tilespmem:s1], [sflag:$0x1] =	stream.indirect.gather [hbm4b:s3+s11], $0x20, s0, s11, $0xb8;
	[tilespmem:$0x1D580] =	vst v63  }
0x2d: {  	s0 =	simm.s32 $0x580;
	s1 =	simm.s32 $0xCD00  }
0x2e: {  	[tilespmem:s1], [sflag:$0x1] =	stream.indirect.gather [hbm4b:s3+s11], $0x20, s0, s11, $0xb8;
	[tilespmem:$0x1D580] =	vst v63  }
0x2f: {  	s0 =	simm.s32 $0x600;
	s1 =	simm.s32 $0xDD00  }
0x30: {  	[tilespmem:s1], [sflag:$0x1] =	stream.indirect.gather [hbm4b:s3+s11], $0x20, s0, s11, $0xb8;
	[tilespmem:$0x1D580] =	vst v63  }
0x31: {  	s0 =	simm.s32 $0x680;
	s1 =	simm.s32 $0xED00  }
0x32: {  	[tilespmem:s1], [sflag:$0x1] =	stream.indirect.gather [hbm4b:s3+s11], $0x20, s0, s11, $0xb8;
	[tilespmem:$0x1D580] =	vst v63  }
0x33: {  	s0 =	simm.s32 $0x700;
	s1 =	simm.s32 $0xFD00  }
0x34: {  	[tilespmem:s1], [sflag:$0x1] =	stream.indirect.gather [hbm4b:s3+s11], $0x20, s0, s11, $0xb8;
	[tilespmem:$0x1D580] =	vst v63  }
0x35: {  	s0 =	simm.s32 $0x780;
	s1 =	simm.s32 $0x10D00  }
0x36: {  	[tilespmem:s1], [sflag:$0x1] =	stream.indirect.gather [hbm4b:s3+s11], $0x20, s0, s11, $0xb8;
	[tilespmem:$0x1D580] =	vst v63  }
0x37: {  	s0 =	simm.s32 $0x800;
	s1 =	simm.s32 $0x11D00  }
0x38: {  	[tilespmem:s1], [sflag:$0x1] =	stream.indirect.gather [hbm4b:s3+s11], $0x20, s0, s11, $0xb8;
	[tilespmem:$0x1D580] =	vst v63  }
0x39: {  	s0 =	simm.s32 $0x880;
	s1 =	simm.s32 $0x12D00  }
0x3a: {  	[tilespmem:s1], [sflag:$0x1] =	stream.indirect.gather [hbm4b:s3+s11], $0x20, s0, s11, $0xb8;
	[tilespmem:$0x1D580] =	vst v63  }
0x3b: {  	s0 =	simm.s32 $0x900;
	s1 =	simm.s32 $0x13D00  }
0x3c: {  	[tilespmem:s1], [sflag:$0x1] =	stream.indirect.gather [hbm4b:s3+s11], $0x20, s0, s11, $0xb8;
	[tilespmem:$0x1D580] =	vst v63  }
0x3d: {  	s0 =	simm.s32 $0x980;
	s1 =	simm.s32 $0x14D00  }
0x3e: {  	[tilespmem:s1], [sflag:$0x1] =	stream.indirect.gather [hbm4b:s3+s11], $0x20, s0, s11, $0xb8;
	[tilespmem:$0x1D580] =	vst v63  }
0x3f: {  	s0 =	simm.s32 $0xA00;
	s1 =	simm.s32 $0x15D00  }
0x40: {  	[tilespmem:s1], [sflag:$0x1] =	stream.indirect.gather [hbm4b:s3+s11], $0x20, s0, s11, $0xb8;
	[tilespmem:$0x1D580] =	vst v63  }
0x41: {  	s0 =	simm.s32 $0xA80;
	s1 =	simm.s32 $0x16D00  }
0x42: {  	[tilespmem:s1], [sflag:$0x1] =	stream.indirect.gather [hbm4b:s3+s11], $0x20, s0, s11, $0xb8;
	[tilespmem:$0x1D580] =	vst v63  }
0x43: {  	s0 =	simm.s32 $0xB00;
	s1 =	simm.s32 $0x17D00  }
0x44: {  	[tilespmem:s1], [sflag:$0x1] =	stream.indirect.gather [hbm4b:s3+s11], $0x20, s0, s11, $0xb8;
	[tilespmem:$0x1D580] =	vst v63  }
0x45: {  	s0 =	simm.s32 $0xB80;
	s1 =	simm.s32 $0x18D00  }
0x46: {  	[tilespmem:s1], [sflag:$0x1] =	stream.indirect.gather [hbm4b:s3+s11], $0x20, s0, s11, $0xb8;
	[tilespmem:$0x1D580] =	vst v63  }
0x47: {  	s0 =	simm.s32 $0xC00;
	s1 =	simm.s32 $0x19D00  }
0x48: {  	[tilespmem:s1], [sflag:$0x1] =	stream.indirect.gather [hbm4b:s3+s11], $0x20, s0, s11, $0xb8;
	[tilespmem:$0x1D580] =	vst v63  }
0x49: {  	s0 =	simm.s32 $0xC80;
	s1 =	simm.s32 $0x1AD00  }
0x4a: {  	[tilespmem:s1], [sflag:$0x1] =	stream.indirect.gather [hbm4b:s3+s11], $0x20, s0, s11, $0xb8;
	[tilespmem:$0x1D580] =	vst v63  }
0x4b: {  	_ = 	snop  }
0x4c: {  	[tilespmem:s20], [sflag:$0x2] =	stream.indirect.gather [hbm4b:s4+s11], $0x1, s10, s11, $0xb8;
	[tilespmem:$0x1D580] =	vst v63  }
0x4d: {  	s0 =	simm.s32 $0xD80;
	s1 =	simm.s32 $0x1BD80  }
0x4e: {  	[tilespmem:s1], [sflag:$0x2] =	stream.indirect.gather [hbm4b:s4+s11], $0x1, s0, s11, $0xb8;
	[tilespmem:$0x1D580] =	vst v63  }
0x4f: {  	s0 =	simm.s32 $0xE00;
	s1 =	simm.s32 $0x1BE00  }
0x50: {  	[tilespmem:s1], [sflag:$0x2] =	stream.indirect.gather [hbm4b:s4+s11], $0x1, s0, s11, $0xb8;
	[tilespmem:$0x1D580] =	vst v63  }
0x51: {  	s0 =	simm.s32 $0xE80;
	s1 =	simm.s32 $0x1BE80  }
0x52: {  	[tilespmem:s1], [sflag:$0x2] =	stream.indirect.gather [hbm4b:s4+s11], $0x1, s0, s11, $0xb8;
	[tilespmem:$0x1D580] =	vst v63  }
0x53: {  	s0 =	simm.s32 $0xF00;
	s1 =	simm.s32 $0x1BF00  }
0x54: {  	[tilespmem:s1], [sflag:$0x2] =	stream.indirect.gather [hbm4b:s4+s11], $0x1, s0, s11, $0xb8;
	[tilespmem:$0x1D580] =	vst v63  }
0x55: {  	s0 =	simm.s32 $0xF80;
	s1 =	simm.s32 $0x1BF80  }
0x56: {  	[tilespmem:s1], [sflag:$0x2] =	stream.indirect.gather [hbm4b:s4+s11], $0x1, s0, s11, $0xb8;
	[tilespmem:$0x1D580] =	vst v63  }
0x57: {  	s0 =	simm.s32 $0x1000;
	s1 =	simm.s32 $0x1C000  }
0x58: {  	[tilespmem:s1], [sflag:$0x2] =	stream.indirect.gather [hbm4b:s4+s11], $0x1, s0, s11, $0xb8;
	[tilespmem:$0x1D580] =	vst v63  }
0x59: {  	s0 =	simm.s32 $0x1080;
	s1 =	simm.s32 $0x1C080  }
0x5a: {  	[tilespmem:s1], [sflag:$0x2] =	stream.indirect.gather [hbm4b:s4+s11], $0x1, s0, s11, $0xb8;
	[tilespmem:$0x1D580] =	vst v63  }
0x5b: {  	s0 =	simm.s32 $0x1100;
	s1 =	simm.s32 $0x1C100  }
0x5c: {  	[tilespmem:s1], [sflag:$0x2] =	stream.indirect.gather [hbm4b:s4+s11], $0x1, s0, s11, $0xb8;
	[tilespmem:$0x1D580] =	vst v63  }
0x5d: {  	s0 =	simm.s32 $0x1180;
	s1 =	simm.s32 $0x1C180  }
0x5e: {  	[tilespmem:s1], [sflag:$0x2] =	stream.indirect.gather [hbm4b:s4+s11], $0x1, s0, s11, $0xb8;
	[tilespmem:$0x1D580] =	vst v63  }
0x5f: {  	s0 =	simm.s32 $0x1200;
	s1 =	simm.s32 $0x1C200  }
0x60: {  	[tilespmem:s1], [sflag:$0x2] =	stream.indirect.gather [hbm4b:s4+s11], $0x1, s0, s11, $0xb8;
	[tilespmem:$0x1D580] =	vst v63  }
0x61: {  	s0 =	simm.s32 $0x1280;
	s1 =	simm.s32 $0x1C280  }
0x62: {  	[tilespmem:s1], [sflag:$0x2] =	stream.indirect.gather [hbm4b:s4+s11], $0x1, s0, s11, $0xb8;
	[tilespmem:$0x1D580] =	vst v63  }
0x63: {  	s0 =	simm.s32 $0x1300;
	s1 =	simm.s32 $0x1C300  }
0x64: {  	[tilespmem:s1], [sflag:$0x2] =	stream.indirect.gather [hbm4b:s4+s11], $0x1, s0, s11, $0xb8;
	[tilespmem:$0x1D580] =	vst v63  }
0x65: {  	s0 =	simm.s32 $0x1380;
	s1 =	simm.s32 $0x1C380  }
0x66: {  	[tilespmem:s1], [sflag:$0x2] =	stream.indirect.gather [hbm4b:s4+s11], $0x1, s0, s11, $0xb8;
	[tilespmem:$0x1D580] =	vst v63  }
0x67: {  	s0 =	simm.s32 $0x1400;
	s1 =	simm.s32 $0x1C400  }
0x68: {  	[tilespmem:s1], [sflag:$0x2] =	stream.indirect.gather [hbm4b:s4+s11], $0x1, s0, s11, $0xb8;
	[tilespmem:$0x1D580] =	vst v63  }
0x69: {  	s0 =	simm.s32 $0x1480;
	s1 =	simm.s32 $0x1C480  }
0x6a: {  	[tilespmem:s1], [sflag:$0x2] =	stream.indirect.gather [hbm4b:s4+s11], $0x1, s0, s11, $0xb8;
	[tilespmem:$0x1D580] =	vst v63  }
0x6b: {  	s0 =	simm.s32 $0x1500;
	s1 =	simm.s32 $0x1C500  }
0x6c: {  	[tilespmem:s1], [sflag:$0x2] =	stream.indirect.gather [hbm4b:s4+s11], $0x1, s0, s11, $0xb8;
	[tilespmem:$0x1D580] =	vst v63  }
0x6d: {  	s0 =	simm.s32 $0x1580;
	s1 =	simm.s32 $0x1C580  }
0x6e: {  	[tilespmem:s1], [sflag:$0x2] =	stream.indirect.gather [hbm4b:s4+s11], $0x1, s0, s11, $0xb8;
	[tilespmem:$0x1D580] =	vst v63  }
0x6f: {  	s0 =	simm.s32 $0x1600;
	s1 =	simm.s32 $0x1C600  }
0x70: {  	[tilespmem:s1], [sflag:$0x2] =	stream.indirect.gather [hbm4b:s4+s11], $0x1, s0, s11, $0xb8;
	[tilespmem:$0x1D580] =	vst v63  }
0x71: {  	s0 =	simm.s32 $0x1680;
	s1 =	simm.s32 $0x1C680  }
0x72: {  	[tilespmem:s1], [sflag:$0x2] =	stream.indirect.gather [hbm4b:s4+s11], $0x1, s0, s11, $0xb8;
	[tilespmem:$0x1D580] =	vst v63  }
0x73: {  	s0 =	simm.s32 $0x1700;
	s1 =	simm.s32 $0x1C700  }
0x74: {  	[tilespmem:s1], [sflag:$0x2] =	stream.indirect.gather [hbm4b:s4+s11], $0x1, s0, s11, $0xb8;
	[tilespmem:$0x1D580] =	vst v63  }
0x75: {  	s0 =	simm.s32 $0x1780;
	s1 =	simm.s32 $0x1C780  }
0x76: {  	[tilespmem:s1], [sflag:$0x2] =	stream.indirect.gather [hbm4b:s4+s11], $0x1, s0, s11, $0xb8;
	[tilespmem:$0x1D580] =	vst v63  }
0x77: {  	s0 =	simm.s32 $0x1800;
	s1 =	simm.s32 $0x1C800  }
0x78: {  	[tilespmem:s1], [sflag:$0x2] =	stream.indirect.gather [hbm4b:s4+s11], $0x1, s0, s11, $0xb8;
	[tilespmem:$0x1D580] =	vst v63  }
0x79: {  	s0 =	simm.s32 $0x1880;
	s1 =	simm.s32 $0x1C880  }
0x7a: {  	[tilespmem:s1], [sflag:$0x2] =	stream.indirect.gather [hbm4b:s4+s11], $0x1, s0, s11, $0xb8;
	[tilespmem:$0x1D580] =	vst v63  }
0x7b: {  	s0 =	simm.s32 $0x1900;
	s1 =	simm.s32 $0x1C900  }
0x7c: {  	[tilespmem:s1], [sflag:$0x2] =	stream.indirect.gather [hbm4b:s4+s11], $0x1, s0, s11, $0xb8;
	[tilespmem:$0x1D580] =	vst v63  }
0x7d: {  	s0 =	simm.s32 $0x1980;
	s1 =	simm.s32 $0x1C980  }
0x7e: {  	[tilespmem:s1], [sflag:$0x2] =	stream.indirect.gather [hbm4b:s4+s11], $0x1, s0, s11, $0xb8;
	[tilespmem:$0x1D580] =	vst v63  }
0x7f: {  	s0 =	simm.s32 $0x1A00;
	s1 =	simm.s32 $0x1CA00  }
0x80: {  	[tilespmem:s1], [sflag:$0x2] =	stream.indirect.gather [hbm4b:s4+s11], $0x1, s0, s11, $0xb8;
	[tilespmem:$0x1D580] =	vst v63  }
0x81: {  	_ = 	snop  }
0x82: {  	[tilespmem:s13], [sflag:$0x2] =	stream.indirect.gather [hbm4b:s4+s11], $0x1, s12, s11, $0xb8;
	[tilespmem:$0x1D580] =	vst v63  }
0x83: {  	_ = 	snop  }
0x84: {  	[tilespmem:s15], [sflag:$0x2] =	stream.indirect.gather [hbm4b:s4+s11], $0x1, s14, s11, $0xb8;
	[tilespmem:$0x1D580] =	vst v63  }
0x85: {  	_ = 	snop  }
0x86: {  	[tilespmem:s17], [sflag:$0x2] =	stream.indirect.gather [hbm4b:s4+s11], $0x1, s16, s11, $0xb8;
	[tilespmem:$0x1D580] =	vst v63  }
0x87: {  	_ = 	snop  }
0x88: {  	[tilespmem:s19], [sflag:$0x2] =	stream.indirect.gather [hbm4b:s4+s11], $0x1, s18, s11, $0xb8;
	[tilespmem:$0x1D580] =	vst v63  }
0x89: {  	_ = 	snop  }
0x8a: {  	[tilespmem:s22], [sflag:$0x2] =	stream.indirect.gather [hbm4b:s4+s11], $0x1, s21, s11, $0xb8;
	[tilespmem:$0x1D580] =	vst v63  }
0x8b: {  	_ =	swait.ge [sflag:s23], $0x1000  }
0x8c: {  	[sflag:s23] =	ssyncset.done $0x0  }
0x8d: {  	[sflag:s23] =	ssyncadd.s32 $0xFFFFF000  }
0x8e: {  	_ =	swait.ge [sflag:s23], $0x1000  }
0x8f: {  	[sflag:s23] =	ssyncset.done $0x0  }
0x90: {  	[sflag:s23] =	ssyncadd.s32 $0xFFFFF000  }
0x91: {  	_ =	swait.ge [sflag:s23], $0x1000  }
0x92: {  	[sflag:s23] =	ssyncset.done $0x0  }
0x93: {  	[sflag:s23] =	ssyncadd.s32 $0xFFFFF000  }
0x94: {  	_ =	swait.ge [sflag:s23], $0x1000  }
0x95: {  	[sflag:s23] =	ssyncset.done $0x0  }
0x96: {  	[sflag:s23] =	ssyncadd.s32 $0xFFFFF000  }
0x97: {  	_ =	swait.ge [sflag:s23], $0x1000  }
0x98: {  	[sflag:s23] =	ssyncset.done $0x0  }
0x99: {  	[sflag:s23] =	ssyncadd.s32 $0xFFFFF000  }
0x9a: {  	_ =	swait.ge [sflag:s23], $0x1000  }
0x9b: {  	[sflag:s23] =	ssyncset.done $0x0  }
0x9c: {  	[sflag:s23] =	ssyncadd.s32 $0xFFFFF000  }
0x9d: {  	_ =	swait.ge [sflag:s23], $0x1000  }
0x9e: {  	[sflag:s23] =	ssyncset.done $0x0  }
0x9f: {  	[sflag:s23] =	ssyncadd.s32 $0xFFFFF000  }
0xa0: {  	_ =	swait.ge [sflag:s23], $0x1000  }
0xa1: {  	[sflag:s23] =	ssyncset.done $0x0  }
0xa2: {  	[sflag:s23] =	ssyncadd.s32 $0xFFFFF000  }
0xa3: {  	_ =	swait.ge [sflag:s23], $0x1000  }
0xa4: {  	[sflag:s23] =	ssyncset.done $0x0  }
0xa5: {  	[sflag:s23] =	ssyncadd.s32 $0xFFFFF000  }
0xa6: {  	_ =	swait.ge [sflag:s23], $0x1000  }
0xa7: {  	[sflag:s23] =	ssyncset.done $0x0  }
0xa8: {  	[sflag:s23] =	ssyncadd.s32 $0xFFFFF000  }
0xa9: {  	_ =	swait.ge [sflag:s23], $0x1000  }
0xaa: {  	[sflag:s23] =	ssyncset.done $0x0  }
0xab: {  	[sflag:s23] =	ssyncadd.s32 $0xFFFFF000  }
0xac: {  	_ =	swait.ge [sflag:s23], $0x1000  }
0xad: {  	[sflag:s23] =	ssyncset.done $0x0  }
0xae: {  	[sflag:s23] =	ssyncadd.s32 $0xFFFFF000  }
0xaf: {  	_ =	swait.ge [sflag:s23], $0x1000  }
0xb0: {  	[sflag:s23] =	ssyncset.done $0x0  }
0xb1: {  	[sflag:s23] =	ssyncadd.s32 $0xFFFFF000  }
0xb2: {  	_ =	swait.ge [sflag:s23], $0x1000  }
0xb3: {  	[sflag:s23] =	ssyncset.done $0x0  }
0xb4: {  	[sflag:s23] =	ssyncadd.s32 $0xFFFFF000  }
0xb5: {  	_ =	swait.ge [sflag:s23], $0x1000  }
0xb6: {  	[sflag:s23] =	ssyncset.done $0x0  }
0xb7: {  	[sflag:s23] =	ssyncadd.s32 $0xFFFFF000  }
0xb8: {  	_ =	swait.ge [sflag:s23], $0x1000  }
0xb9: {  	[sflag:s23] =	ssyncset.done $0x0  }
0xba: {  	[sflag:s23] =	ssyncadd.s32 $0xFFFFF000  }
0xbb: {  	_ =	swait.ge [sflag:s23], $0x1000  }
0xbc: {  	[sflag:s23] =	ssyncset.done $0x0  }
0xbd: {  	[sflag:s23] =	ssyncadd.s32 $0xFFFFF000  }
0xbe: {  	_ =	swait.ge [sflag:s23], $0x1000  }
0xbf: {  	[sflag:s23] =	ssyncset.done $0x0  }
0xc0: {  	[sflag:s23] =	ssyncadd.s32 $0xFFFFF000  }
0xc1: {  	_ =	swait.ge [sflag:s23], $0x1000  }
0xc2: {  	[sflag:s23] =	ssyncset.done $0x0  }
0xc3: {  	[sflag:s23] =	ssyncadd.s32 $0xFFFFF000  }
0xc4: {  	_ =	swait.ge [sflag:s23], $0x1000  }
0xc5: {  	[sflag:s23] =	ssyncset.done $0x0  }
0xc6: {  	[sflag:s23] =	ssyncadd.s32 $0xFFFFF000  }
0xc7: {  	_ =	swait.ge [sflag:s23], $0x1000  }
0xc8: {  	[sflag:s23] =	ssyncset.done $0x0  }
0xc9: {  	[sflag:s23] =	ssyncadd.s32 $0xFFFFF000  }
0xca: {  	_ =	swait.ge [sflag:s23], $0x1000  }
0xcb: {  	[sflag:s23] =	ssyncset.done $0x0  }
0xcc: {  	[sflag:s23] =	ssyncadd.s32 $0xFFFFF000  }
0xcd: {  	_ =	swait.ge [sflag:s23], $0x1000  }
0xce: {  	[sflag:s23] =	ssyncset.done $0x0  }
0xcf: {  	[sflag:s23] =	ssyncadd.s32 $0xFFFFF000  }
0xd0: {  	_ =	swait.ge [sflag:s23], $0x1000  }
0xd1: {  	[sflag:s23] =	ssyncset.done $0x0  }
0xd2: {  	[sflag:s23] =	ssyncadd.s32 $0xFFFFF000  }
0xd3: {  	_ =	swait.ge [sflag:s23], $0x1000  }
0xd4: {  	[sflag:s23] =	ssyncset.done $0x0  }
0xd5: {  	[sflag:s23] =	ssyncadd.s32 $0xFFFFF000  }
0xd6: {  	_ =	swait.ge [sflag:s23], $0x1000  }
0xd7: {  	[sflag:s23] =	ssyncset.done $0x0  }
0xd8: {  	[sflag:s23] =	ssyncadd.s32 $0xFFFFF000  }
0xd9: {  	_ =	swait.ge [sflag:s24], $0x80  }
0xda: {  	[sflag:s24] =	ssyncset.done $0x0  }
0xdb: {  	[sflag:s24] =	ssyncadd.s32 $0xFFFFFF80  }
0xdc: {  	_ =	swait.ge [sflag:s24], $0x80  }
0xdd: {  	[sflag:s24] =	ssyncset.done $0x0  }
0xde: {  	[sflag:s24] =	ssyncadd.s32 $0xFFFFFF80  }
0xdf: {  	_ =	swait.ge [sflag:s24], $0x80  }
0xe0: {  	[sflag:s24] =	ssyncset.done $0x0  }
0xe1: {  	[sflag:s24] =	ssyncadd.s32 $0xFFFFFF80  }
0xe2: {  	_ =	swait.ge [sflag:s24], $0x80  }
0xe3: {  	[sflag:s24] =	ssyncset.done $0x0  }
0xe4: {  	[sflag:s24] =	ssyncadd.s32 $0xFFFFFF80  }
0xe5: {  	_ =	swait.ge [sflag:s24], $0x80  }
0xe6: {  	[sflag:s24] =	ssyncset.done $0x0  }
0xe7: {  	[sflag:s24] =	ssyncadd.s32 $0xFFFFFF80  }
0xe8: {  	_ =	swait.ge [sflag:s24], $0x80  }
0xe9: {  	[sflag:s24] =	ssyncset.done $0x0  }
0xea: {  	[sflag:s24] =	ssyncadd.s32 $0xFFFFFF80  }
0xeb: {  	_ =	swait.ge [sflag:s24], $0x80  }
0xec: {  	[sflag:s24] =	ssyncset.done $0x0  }
0xed: {  	[sflag:s24] =	ssyncadd.s32 $0xFFFFFF80  }
0xee: {  	_ =	swait.ge [sflag:s24], $0x80  }
0xef: {  	[sflag:s24] =	ssyncset.done $0x0  }
0xf0: {  	[sflag:s24] =	ssyncadd.s32 $0xFFFFFF80  }
0xf1: {  	_ =	swait.ge [sflag:s24], $0x80  }
0xf2: {  	[sflag:s24] =	ssyncset.done $0x0  }
0xf3: {  	[sflag:s24] =	ssyncadd.s32 $0xFFFFFF80  }
0xf4: {  	_ =	swait.ge [sflag:s24], $0x80  }
0xf5: {  	[sflag:s24] =	ssyncset.done $0x0  }
0xf6: {  	[sflag:s24] =	ssyncadd.s32 $0xFFFFFF80  }
0xf7: {  	_ =	swait.ge [sflag:s24], $0x80  }
0xf8: {  	[sflag:s24] =	ssyncset.done $0x0  }
0xf9: {  	[sflag:s24] =	ssyncadd.s32 $0xFFFFFF80  }
0xfa: {  	_ =	swait.ge [sflag:s24], $0x80  }
0xfb: {  	[sflag:s24] =	ssyncset.done $0x0  }
0xfc: {  	[sflag:s24] =	ssyncadd.s32 $0xFFFFFF80  }
0xfd: {  	_ =	swait.ge [sflag:s24], $0x80  }
0xfe: {  	[sflag:s24] =	ssyncset.done $0x0  }
0xff: {  	[sflag:s24] =	ssyncadd.s32 $0xFFFFFF80  }
0x100: {  	_ =	swait.ge [sflag:s24], $0x80  }
0x101: {  	[sflag:s24] =	ssyncset.done $0x0  }
0x102: {  	[sflag:s24] =	ssyncadd.s32 $0xFFFFFF80  }
0x103: {  	_ =	swait.ge [sflag:s24], $0x80  }
0x104: {  	[sflag:s24] =	ssyncset.done $0x0  }
0x105: {  	[sflag:s24] =	ssyncadd.s32 $0xFFFFFF80  }
0x106: {  	_ =	swait.ge [sflag:s24], $0x80  }
0x107: {  	[sflag:s24] =	ssyncset.done $0x0  }
0x108: {  	[sflag:s24] =	ssyncadd.s32 $0xFFFFFF80  }
0x109: {  	_ =	swait.ge [sflag:s24], $0x80  }
0x10a: {  	[sflag:s24] =	ssyncset.done $0x0  }
0x10b: {  	[sflag:s24] =	ssyncadd.s32 $0xFFFFFF80  }
0x10c: {  	_ =	swait.ge [sflag:s24], $0x80  }
0x10d: {  	[sflag:s24] =	ssyncset.done $0x0  }
0x10e: {  	[sflag:s24] =	ssyncadd.s32 $0xFFFFFF80  }
0x10f: {  	_ =	swait.ge [sflag:s24], $0x80  }
0x110: {  	[sflag:s24] =	ssyncset.done $0x0  }
0x111: {  	[sflag:s24] =	ssyncadd.s32 $0xFFFFFF80  }
0x112: {  	_ =	swait.ge [sflag:s24], $0x80  }
0x113: {  	[sflag:s24] =	ssyncset.done $0x0  }
0x114: {  	[sflag:s24] =	ssyncadd.s32 $0xFFFFFF80  }
0x115: {  	_ =	swait.ge [sflag:s24], $0x80  }
0x116: {  	[sflag:s24] =	ssyncset.done $0x0  }
0x117: {  	[sflag:s24] =	ssyncadd.s32 $0xFFFFFF80  }
0x118: {  	_ =	swait.ge [sflag:s24], $0x80  }
0x119: {  	[sflag:s24] =	ssyncset.done $0x0  }
0x11a: {  	[sflag:s24] =	ssyncadd.s32 $0xFFFFFF80  }
0x11b: {  	_ =	swait.ge [sflag:s24], $0x80  }
0x11c: {  	[sflag:s24] =	ssyncset.done $0x0  }
0x11d: {  	[sflag:s24] =	ssyncadd.s32 $0xFFFFFF80  }
0x11e: {  	_ =	swait.ge [sflag:s24], $0x80  }
0x11f: {  	[sflag:s24] =	ssyncset.done $0x0  }
0x120: {  	[sflag:s24] =	ssyncadd.s32 $0xFFFFFF80  }
0x121: {  	_ =	swait.ge [sflag:s24], $0x80  }
0x122: {  	[sflag:s24] =	ssyncset.done $0x0  }
0x123: {  	[sflag:s24] =	ssyncadd.s32 $0xFFFFFF80  }
0x124: {  	_ =	swait.ge [sflag:s24], $0x80  }
0x125: {  	[sflag:s24] =	ssyncset.done $0x0  }
0x126: {  	[sflag:s24] =	ssyncadd.s32 $0xFFFFFF80  }
0x127: {  	_ =	swait.ge [sflag:s24], $0x80  }
0x128: {  	[sflag:s24] =	ssyncset.done $0x0  }
0x129: {  	[sflag:s24] =	ssyncadd.s32 $0xFFFFFF80  }
0x12a: {  	_ =	swait.ge [sflag:s24], $0x80  }
0x12b: {  	[sflag:s24] =	ssyncset.done $0x0  }
0x12c: {  	[sflag:s24] =	ssyncadd.s32 $0xFFFFFF80  }
0x12d: {  	_ =	swait.ge [sflag:s24], $0x80  }
0x12e: {  	[sflag:s24] =	ssyncset.done $0x0  }
0x12f: {  	[sflag:s24] =	ssyncadd.s32 $0xFFFFFF80  }
0x130: {  	_ =	swait.ge [sflag:s24], $0x80  }
0x131: {  	[sflag:s24] =	ssyncset.done $0x0  }
0x132: {  	[sflag:s24] =	ssyncadd.s32 $0xFFFFFF80  }
0x133: {  	_ =	swait.ge [sflag:s24], $0x80  }
0x134: {  	[sflag:s24] =	ssyncset.done $0x0  }
0x135: {  	[sflag:s24] =	ssyncadd.s32 $0xFFFFFF80  }
0x136: {  	_ =	swait.ge [sflag:s24], $0x80  }
0x137: {  	[sflag:s24] =	ssyncset.done $0x0  }
0x138: {  	s0 =	simm.s32 $0x1EA0;
	[sflag:s24] =	ssyncadd.s32 $0xFFFFFF80  }
0x139: {  	v11 =	vld [tilespmem:s0+$0xFFFFFE60]  }
0x13a: {  	v12 =	vld [tilespmem:s0+$0xFFFFFE70]  }
0x13b: {  	v13 =	vld [tilespmem:s0+$0xFFFFFE80]  }
0x13c: {  	v14 =	vld [tilespmem:s0+$0xFFFFFE90]  }
0x13d: {  	v15 =	vld [tilespmem:s0+$0xFFFFFEA0]  }
0x13e: {  	v17 =	vld [tilespmem:s0+$0xFFFFFEB0];
	v16 =	vadd.f32 $0.0e+00, v11  }
0x13f: {  	v10 =	vor.u32 s2, v0;
	v19 =	vld [tilespmem:s0+$0xFFFFFEC0];
	v18 =	vadd.f32 $0.0e+00, v12  }
0x140: {  	v20 =	vld [tilespmem:s0+$0xFFFFFED0];
	v11 =	vmul.f32 v11, v11;
	v16 =	vadd.f32 v13, v16;
	v13 =	vmul.f32 v13, v13  }
0x141: {  	v21 =	vld [tilespmem:s0+$0xFFFFFEE0];
	v12 =	vmul.f32 v12, v12;
	v18 =	vadd.f32 v14, v18;
	v14 =	vmul.f32 v14, v14  }
0x142: {  	v38 =	vld [tilespmem:s0+$0xFFFFFEF0];
	v11 =	vadd.f32 v13, v11;
	v13 =	vadd.f32 v15, v16;
	v15 =	vmul.f32 v15, v15  }
0x143: {  	v39 =	vld [tilespmem:s0+$0xFFFFFF00];
	v12 =	vadd.f32 v14, v12;
	v14 =	vadd.f32 v17, v18;
	v17 =	vmul.f32 v17, v17  }
0x144: {  	v40 =	vld [tilespmem:s0+$0xFFFFFF10];
	v11 =	vadd.f32 v15, v11;
	v13 =	vadd.f32 v19, v13;
	v15 =	vmul.f32 v19, v19  }
0x145: {  	v42 =	vld [tilespmem:s0+$0xFFFFFF20];
	v41 =	vmul.f32 v20, v20;
	v12 =	vadd.f32 v17, v12;
	v14 =	vadd.f32 v20, v14  }
0x146: {  	v43 =	vld [tilespmem:s0+$0xFFFFFF30];
	v11 =	vadd.f32 v15, v11;
	v13 =	vadd.f32 v21, v13;
	v15 =	vmul.f32 v21, v21  }
0x147: {  	v44 =	vld [tilespmem:s0+$0xFFFFFF40];
	v16 =	vmul.f32 v38, v38;
	v12 =	vadd.f32 v41, v12;
	v14 =	vadd.f32 v38, v14  }
0x148: {  	v45 =	vld [tilespmem:s0+$0xFFFFFF50];
	v11 =	vadd.f32 v15, v11;
	v13 =	vadd.f32 v39, v13;
	v15 =	vmul.f32 v39, v39  }
0x149: {  	v47 =	vld [tilespmem:s0+$0xFFFFFF60];
	v46 =	vmul.f32 v40, v40;
	v12 =	vadd.f32 v16, v12;
	v14 =	vadd.f32 v40, v14  }
0x14a: {  	v48 =	vld [tilespmem:s0+$0xFFFFFF70];
	v11 =	vadd.f32 v15, v11;
	v13 =	vadd.f32 v42, v13;
	v15 =	vmul.f32 v42, v42  }
0x14b: {  	v50 =	vld [tilespmem:s0+$0xFFFFFF80];
	v49 =	vmul.f32 v43, v43;
	v12 =	vadd.f32 v46, v12;
	v14 =	vadd.f32 v43, v14  }
0x14c: {  	v51 =	vld [tilespmem:s0+$0xFFFFFF90];
	v11 =	vadd.f32 v15, v11;
	v13 =	vadd.f32 v44, v13;
	v15 =	vmul.f32 v44, v44  }
0x14d: {  	v53 =	vld [tilespmem:s0+$0xFFFFFFA0];
	v52 =	vmul.f32 v45, v45;
	v12 =	vadd.f32 v49, v12;
	v14 =	vadd.f32 v45, v14  }
0x14e: {  	v54 =	vld [tilespmem:s0+$0xFFFFFFB0];
	v11 =	vadd.f32 v15, v11;
	v13 =	vadd.f32 v47, v13;
	v15 =	vmul.f32 v47, v47  }
0x14f: {  	v56 =	vld [tilespmem:s0+$0xFFFFFFC0];
	v55 =	vmul.f32 v48, v48;
	v12 =	vadd.f32 v52, v12;
	v14 =	vadd.f32 v48, v14  }
0x150: {  	v57 =	vld [tilespmem:s0+$0xFFFFFFD0];
	v11 =	vadd.f32 v15, v11;
	v13 =	vadd.f32 v50, v13;
	v15 =	vmul.f32 v50, v50  }
0x151: {  	v59 =	vld [tilespmem:s0+$0xFFFFFFE0];
	v58 =	vmul.f32 v51, v51;
	v12 =	vadd.f32 v55, v12;
	v14 =	vadd.f32 v51, v14  }
0x152: {  	v60 =	vld [tilespmem:s0+$0xFFFFFFF0];
	v11 =	vadd.f32 v15, v11;
	v13 =	vadd.f32 v53, v13;
	v15 =	vmul.f32 v53, v53  }
0x153: {  	v62 =	vld [tilespmem:s0+$0x0];
	v61 =	vmul.f32 v54, v54;
	v12 =	vadd.f32 v58, v12;
	v14 =	vadd.f32 v54, v14  }
0x154: {  	v63 =	vld [tilespmem:s0+$0x10];
	v11 =	vadd.f32 v15, v11;
	v13 =	vadd.f32 v56, v13;
	v15 =	vmul.f32 v56, v56  }
0x155: {  	v25 =	vld [tilespmem:s0+$0x20];
	v24 =	vmul.f32 v57, v57;
	v12 =	vadd.f32 v61, v12;
	v14 =	vadd.f32 v57, v14  }
0x156: {  	v26 =	vld [tilespmem:s0+$0x30];
	v11 =	vadd.f32 v15, v11;
	v13 =	vadd.f32 v59, v13;
	v15 =	vmul.f32 v59, v59  }
0x157: {  	v28 =	vld [tilespmem:s0+$0x40];
	v27 =	vmul.f32 v60, v60;
	v12 =	vadd.f32 v24, v12;
	v14 =	vadd.f32 v60, v14  }
0x158: {  	v29 =	vld [tilespmem:s0+$0x50];
	v11 =	vadd.f32 v15, v11;
	v13 =	vadd.f32 v62, v13;
	v15 =	vmul.f32 v62, v62  }
0x159: {  	v31 =	vld [tilespmem:s0+$0x60];
	v30 =	vmul.f32 v63, v63;
	v12 =	vadd.f32 v27, v12;
	v14 =	vadd.f32 v63, v14  }
0x15a: {  	v32 =	vld [tilespmem:s0+$0x70];
	v11 =	vadd.f32 v15, v11;
	v13 =	vadd.f32 v25, v13;
	v15 =	vmul.f32 v25, v25  }
0x15b: {  	v34 =	vld [tilespmem:s0+$0x80];
	v33 =	vmul.f32 v26, v26;
	v12 =	vadd.f32 v30, v12;
	v14 =	vadd.f32 v26, v14  }
0x15c: {  	v35 =	vld [tilespmem:s0+$0x90];
	v11 =	vadd.f32 v15, v11;
	v13 =	vadd.f32 v28, v13;
	v15 =	vmul.f32 v28, v28  }
0x15d: {  	v37 =	vld [tilespmem:s0+$0xA0];
	v36 =	vmul.f32 v29, v29;
	v12 =	vadd.f32 v33, v12;
	v14 =	vadd.f32 v29, v14  }
0x15e: {  	v38 =	vld [tilespmem:s0+$0xB0];
	v11 =	vadd.f32 v15, v11;
	v13 =	vadd.f32 v31, v13;
	v15 =	vmul.f32 v31, v31  }
0x15f: {  	v39 =	vmul.f32 v32, v32;
	v40 =	vld [tilespmem:s0+$0xC0];
	v12 =	vadd.f32 v36, v12;
	v14 =	vadd.f32 v32, v14  }
0x160: {  	v41 =	vld [tilespmem:s0+$0xD0];
	v11 =	vadd.f32 v15, v11;
	v13 =	vadd.f32 v34, v13;
	v15 =	vmul.f32 v34, v34  }
0x161: {  	v42 =	vmul.f32 v35, v35;
	v43 =	vld [tilespmem:s0+$0xE0];
	v12 =	vadd.f32 v39, v12;
	v14 =	vadd.f32 v35, v14  }
0x162: {  	v44 =	vld [tilespmem:s0+$0xF0];
	v11 =	vadd.f32 v15, v11;
	v13 =	vadd.f32 v37, v13;
	v15 =	vmul.f32 v37, v37  }
0x163: {  	v46 =	vld [tilespmem:s0+$0x100];
	v45 =	vmul.f32 v38, v38;
	v12 =	vadd.f32 v42, v12;
	v14 =	vadd.f32 v38, v14  }
0x164: {  	v47 =	vld [tilespmem:s0+$0x110];
	v11 =	vadd.f32 v15, v11;
	v13 =	vadd.f32 v40, v13;
	v15 =	vmul.f32 v40, v40  }
0x165: {  	v49 =	vld [tilespmem:s0+$0x120];
	v48 =	vmul.f32 v41, v41;
	v12 =	vadd.f32 v45, v12;
	v14 =	vadd.f32 v41, v14  }
0x166: {  	v50 =	vld [tilespmem:s0+$0x130];
	v11 =	vadd.f32 v15, v11;
	v13 =	vadd.f32 v43, v13;
	v15 =	vmul.f32 v43, v43  }
0x167: {  	v52 =	vld [tilespmem:s0+$0x140];
	v51 =	vmul.f32 v44, v44;
	v12 =	vadd.f32 v48, v12;
	v14 =	vadd.f32 v44, v14  }
0x168: {  	v53 =	vld [tilespmem:s0+$0x150];
	v11 =	vadd.f32 v15, v11;
	v13 =	vadd.f32 v46, v13;
	v15 =	vmul.f32 v46, v46  }
0x169: {  	v55 =	vld [tilespmem:s0+$0x160];
	v54 =	vmul.f32 v47, v47;
	v12 =	vadd.f32 v51, v12;
	v14 =	vadd.f32 v47, v14  }
0x16a: {  	v56 =	vld [tilespmem:s0+$0x170];
	v11 =	vadd.f32 v15, v11;
	v13 =	vadd.f32 v49, v13;
	v15 =	vmul.f32 v49, v49  }
0x16b: {  	v58 =	vld [tilespmem:s0+$0x180];
	v57 =	vmul.f32 v50, v50;
	v12 =	vadd.f32 v54, v12;
	v14 =	vadd.f32 v50, v14  }
0x16c: {  	v59 =	vld [tilespmem:s0+$0x190];
	v11 =	vadd.f32 v15, v11;
	v13 =	vadd.f32 v52, v13;
	v15 =	vmul.f32 v52, v52  }
0x16d: {  	v60 =	vmul.f32 v53, v53;
	v12 =	vadd.f32 v57, v12;
	v14 =	vadd.f32 v53, v14  }
0x16e: {  	v11 =	vadd.f32 v15, v11;
	v13 =	vadd.f32 v55, v13;
	v15 =	vmul.f32 v55, v55  }
0x16f: {  	v61 =	vmul.f32 v56, v56;
	v12 =	vadd.f32 v60, v12;
	v14 =	vadd.f32 v56, v14  }
0x170: {  	v11 =	vadd.f32 v15, v11;
	v13 =	vadd.f32 v58, v13;
	v15 =	vmul.f32 v58, v58  }
0x171: {  	s0 =	simm.s32 $0x10;
	v62 =	vmul.f32 v59, v59;
	v12 =	vadd.f32 v61, v12;
	v14 =	vadd.f32 v59, v14  }
0x172: {  	v63 =	vor.u32 s0, v0;
	v11 =	vadd.f32 v15, v11  }
0x173: {  	v12 =	vadd.f32 v62, v12;
	v13 =	vmul.f32 v13, v13;
	v14 =	vmul.f32 v14, v14;
	_ =	sdelay $0x1  }
0x174: {  	v11 =	vsub.f32 v13, v11;
	v12 =	vsub.f32 v14, v12  }
0x175: {  	v10 =	vld.idx.msk [tilespmem:v10+s20+$0x0], $0xffff  }
0x176: {  	v13 =	vld.idx.msk [tilespmem:v63+s20+$0x0], $0xffff;
	v11 =	vadd.f32 v12, v11;
	_ =	sdelay $0x1  }
0x177: {  	v11 =	vmul.f32 $5.000000000e-01, v11;
	_ =	sdelay $0x1  }
0x178: {  	v10 =	vadd.f32 v11, v10  }
0x179: {  	v11 =	vnsel vm0, $0x0, v13  }
0x17a: {  	v10 =	vadd.f32 v10, v11;
	_ =	sdelay $0x1  }
0x17b: {  	s31 =	simm.s32 $0x21E0;
	[tilespmem:s25+$0x0] =	vst v10  }
0x17c: {  	v13 =	vld [tilespmem:s31+$0xFFFFFE60]  }
0x17d: {  	s30 =	simm.s32 $0x20;
	s29 =	simm.s32 $0x1CD00;
	s1 =	simm.s32 $0x40;
	v12 =	vld [tilespmem:s31+$0xFFFFFE70]  }
.LBB2_2:
0x17e: {  	p0 =	sne.s32 s1, $0xFE0;
	v14 =	vld [tilespmem:s31+$0xFFFFFE80]  }
0x17f: {  	v15 =	vld [tilespmem:s31+$0xFFFFFE90]  }
0x180: {  	v16 =	vld [tilespmem:s31+$0xFFFFFEA0]  }
0x181: {  	s0 =	sadd.s32 $0x10, s30;
	v17 =	vadd.f32 $0.0e+00, v13;
	v18 =	vld [tilespmem:s31+$0xFFFFFEB0]  }
0x182: {  	v11 =	vor.u32 s30, v0;
	s30 =	smov.u32 s1;
	v10 =	vor.u32 s0, v0;
	v19 =	vadd.f32 $0.0e+00, v12;
	v20 =	vld [tilespmem:s31+$0xFFFFFEC0]  }
0x183: {  	v13 =	vmul.f32 v13, v13;
	v17 =	vadd.f32 v14, v17;
	v14 =	vmul.f32 v14, v14;
	v21 =	vld [tilespmem:s31+$0xFFFFFED0]  }
0x184: {  	v12 =	vmul.f32 v12, v12;
	v19 =	vadd.f32 v15, v19;
	v15 =	vmul.f32 v15, v15;
	v22 =	vld [tilespmem:s31+$0xFFFFFEE0]  }
0x185: {  	v13 =	vadd.f32 v14, v13;
	v14 =	vadd.f32 v16, v17;
	v16 =	vmul.f32 v16, v16;
	v17 =	vld [tilespmem:s31+$0xFFFFFEF0]  }
0x186: {  	v12 =	vadd.f32 v15, v12;
	v15 =	vadd.f32 v18, v19;
	v18 =	vmul.f32 v18, v18;
	v19 =	vld [tilespmem:s31+$0xFFFFFF00]  }
0x187: {  	v13 =	vadd.f32 v16, v13;
	v14 =	vadd.f32 v20, v14;
	v16 =	vmul.f32 v20, v20;
	v20 =	vld [tilespmem:s31+$0xFFFFFF10]  }
0x188: {  	v12 =	vadd.f32 v18, v12;
	v15 =	vadd.f32 v21, v15;
	v18 =	vmul.f32 v21, v21;
	v21 =	vld [tilespmem:s31+$0xFFFFFF20]  }
0x189: {  	v13 =	vadd.f32 v16, v13;
	v14 =	vadd.f32 v22, v14;
	v16 =	vmul.f32 v22, v22;
	v22 =	vld [tilespmem:s31+$0xFFFFFF30]  }
0x18a: {  	v12 =	vadd.f32 v18, v12;
	v15 =	vadd.f32 v17, v15;
	v17 =	vmul.f32 v17, v17;
	v18 =	vld [tilespmem:s31+$0xFFFFFF40]  }
0x18b: {  	v13 =	vadd.f32 v16, v13;
	v14 =	vadd.f32 v19, v14;
	v16 =	vmul.f32 v19, v19;
	v19 =	vld [tilespmem:s31+$0xFFFFFF50]  }
0x18c: {  	v12 =	vadd.f32 v17, v12;
	v15 =	vadd.f32 v20, v15;
	v17 =	vmul.f32 v20, v20;
	v20 =	vld [tilespmem:s31+$0xFFFFFF60]  }
0x18d: {  	v13 =	vadd.f32 v16, v13;
	v14 =	vadd.f32 v21, v14;
	v16 =	vmul.f32 v21, v21;
	v21 =	vld [tilespmem:s31+$0xFFFFFF70]  }
0x18e: {  	v12 =	vadd.f32 v17, v12;
	v15 =	vadd.f32 v22, v15;
	v17 =	vmul.f32 v22, v22;
	v22 =	vld [tilespmem:s31+$0xFFFFFF80]  }
0x18f: {  	v13 =	vadd.f32 v16, v13;
	v14 =	vadd.f32 v18, v14;
	v16 =	vmul.f32 v18, v18;
	v18 =	vld [tilespmem:s31+$0xFFFFFF90]  }
0x190: {  	v12 =	vadd.f32 v17, v12;
	v15 =	vadd.f32 v19, v15;
	v17 =	vmul.f32 v19, v19;
	v19 =	vld [tilespmem:s31+$0xFFFFFFA0]  }
0x191: {  	v13 =	vadd.f32 v16, v13;
	v14 =	vadd.f32 v20, v14;
	v16 =	vmul.f32 v20, v20;
	v20 =	vld [tilespmem:s31+$0xFFFFFFB0]  }
0x192: {  	v12 =	vadd.f32 v17, v12;
	v15 =	vadd.f32 v21, v15;
	v17 =	vmul.f32 v21, v21;
	v21 =	vld [tilespmem:s31+$0xFFFFFFC0]  }
0x193: {  	v13 =	vadd.f32 v16, v13;
	v14 =	vadd.f32 v22, v14;
	v16 =	vmul.f32 v22, v22;
	v22 =	vld [tilespmem:s31+$0xFFFFFFD0]  }
0x194: {  	v12 =	vadd.f32 v17, v12;
	v15 =	vadd.f32 v18, v15;
	v17 =	vmul.f32 v18, v18;
	v18 =	vld [tilespmem:s31+$0xFFFFFFE0]  }
0x195: {  	v13 =	vadd.f32 v16, v13;
	v14 =	vadd.f32 v19, v14;
	v16 =	vmul.f32 v19, v19;
	v19 =	vld [tilespmem:s31+$0xFFFFFFF0]  }
0x196: {  	v12 =	vadd.f32 v17, v12;
	v15 =	vadd.f32 v20, v15;
	v17 =	vmul.f32 v20, v20;
	v20 =	vld [tilespmem:s31+$0x0]  }
0x197: {  	v13 =	vadd.f32 v16, v13;
	v14 =	vadd.f32 v21, v14;
	v16 =	vmul.f32 v21, v21;
	v21 =	vld [tilespmem:s31+$0x10]  }
0x198: {  	v12 =	vadd.f32 v17, v12;
	v15 =	vadd.f32 v22, v15;
	v17 =	vmul.f32 v22, v22;
	v22 =	vld [tilespmem:s31+$0x20]  }
0x199: {  	v13 =	vadd.f32 v16, v13;
	v14 =	vadd.f32 v18, v14;
	v16 =	vmul.f32 v18, v18;
	v18 =	vld [tilespmem:s31+$0x30]  }
0x19a: {  	v12 =	vadd.f32 v17, v12;
	v15 =	vadd.f32 v19, v15;
	v17 =	vmul.f32 v19, v19;
	v19 =	vld [tilespmem:s31+$0x40]  }
0x19b: {  	v13 =	vadd.f32 v16, v13;
	v14 =	vadd.f32 v20, v14;
	v16 =	vmul.f32 v20, v20;
	v20 =	vld [tilespmem:s31+$0x50]  }
0x19c: {  	v12 =	vadd.f32 v17, v12;
	v15 =	vadd.f32 v21, v15;
	v17 =	vmul.f32 v21, v21;
	v21 =	vld [tilespmem:s31+$0x60]  }
0x19d: {  	v13 =	vadd.f32 v16, v13;
	v14 =	vadd.f32 v22, v14;
	v16 =	vmul.f32 v22, v22;
	v22 =	vld [tilespmem:s31+$0x70]  }
0x19e: {  	v12 =	vadd.f32 v17, v12;
	v15 =	vadd.f32 v18, v15;
	v17 =	vmul.f32 v18, v18;
	v18 =	vld [tilespmem:s31+$0x80]  }
0x19f: {  	v13 =	vadd.f32 v16, v13;
	v14 =	vadd.f32 v19, v14;
	v16 =	vmul.f32 v19, v19;
	v19 =	vld [tilespmem:s31+$0x90]  }
0x1a0: {  	v12 =	vadd.f32 v17, v12;
	v15 =	vadd.f32 v20, v15;
	v17 =	vmul.f32 v20, v20;
	v20 =	vld [tilespmem:s31+$0xA0]  }
0x1a1: {  	v13 =	vadd.f32 v16, v13;
	v14 =	vadd.f32 v21, v14;
	v16 =	vmul.f32 v21, v21;
	v21 =	vld [tilespmem:s31+$0xB0]  }
0x1a2: {  	v12 =	vadd.f32 v17, v12;
	v15 =	vadd.f32 v22, v15;
	v17 =	vmul.f32 v22, v22;
	v22 =	vld [tilespmem:s31+$0xC0]  }
0x1a3: {  	v13 =	vadd.f32 v16, v13;
	v14 =	vadd.f32 v18, v14;
	v16 =	vmul.f32 v18, v18;
	v18 =	vld [tilespmem:s31+$0xD0]  }
0x1a4: {  	v12 =	vadd.f32 v17, v12;
	v15 =	vadd.f32 v19, v15;
	v17 =	vmul.f32 v19, v19;
	v19 =	vld [tilespmem:s31+$0xE0]  }
0x1a5: {  	v13 =	vadd.f32 v16, v13;
	v14 =	vadd.f32 v20, v14;
	v16 =	vmul.f32 v20, v20;
	v20 =	vld [tilespmem:s31+$0xF0]  }
0x1a6: {  	v12 =	vadd.f32 v17, v12;
	v15 =	vadd.f32 v21, v15;
	v17 =	vmul.f32 v21, v21;
	v21 =	vld [tilespmem:s31+$0x100]  }
0x1a7: {  	v13 =	vadd.f32 v16, v13;
	v14 =	vadd.f32 v22, v14;
	v16 =	vmul.f32 v22, v22;
	v22 =	vld [tilespmem:s31+$0x110]  }
0x1a8: {  	v12 =	vadd.f32 v17, v12;
	v15 =	vadd.f32 v18, v15;
	v17 =	vmul.f32 v18, v18;
	v18 =	vld [tilespmem:s31+$0x120]  }
0x1a9: {  	v13 =	vadd.f32 v16, v13;
	v14 =	vadd.f32 v19, v14;
	v16 =	vmul.f32 v19, v19;
	v19 =	vld [tilespmem:s31+$0x130]  }
0x1aa: {  	v12 =	vadd.f32 v17, v12;
	v15 =	vadd.f32 v20, v15;
	v17 =	vmul.f32 v20, v20;
	v20 =	vld [tilespmem:s31+$0x140]  }
0x1ab: {  	v13 =	vadd.f32 v16, v13;
	v14 =	vadd.f32 v21, v14;
	v16 =	vmul.f32 v21, v21;
	v21 =	vld [tilespmem:s31+$0x150]  }
0x1ac: {  	v12 =	vadd.f32 v17, v12;
	v15 =	vadd.f32 v22, v15;
	v17 =	vmul.f32 v22, v22;
	v22 =	vld [tilespmem:s31+$0x160]  }
0x1ad: {  	v13 =	vadd.f32 v16, v13;
	v14 =	vadd.f32 v18, v14;
	v16 =	vmul.f32 v18, v18;
	v18 =	vld [tilespmem:s31+$0x170]  }
0x1ae: {  	v12 =	vadd.f32 v17, v12;
	v15 =	vadd.f32 v19, v15;
	v17 =	vmul.f32 v19, v19;
	v19 =	vld [tilespmem:s31+$0x180]  }
0x1af: {  	v13 =	vadd.f32 v16, v13;
	v14 =	vadd.f32 v20, v14;
	v16 =	vmul.f32 v20, v20;
	v20 =	vld [tilespmem:s31+$0x190]  }
0x1b0: {  	v12 =	vadd.f32 v17, v12;
	v15 =	vadd.f32 v21, v15;
	v17 =	vmul.f32 v21, v21  }
0x1b1: {  	v13 =	vadd.f32 v16, v13;
	v14 =	vadd.f32 v22, v14;
	v16 =	vmul.f32 v22, v22  }
0x1b2: {  	v12 =	vadd.f32 v17, v12;
	v15 =	vadd.f32 v18, v15;
	v17 =	vmul.f32 v18, v18  }
0x1b3: {  	v13 =	vadd.f32 v16, v13;
	v14 =	vadd.f32 v19, v14;
	v16 =	vmul.f32 v19, v19  }
0x1b4: {  	v12 =	vadd.f32 v17, v12;
	v15 =	vadd.f32 v20, v15;
	v17 =	vmul.f32 v20, v20  }
0x1b5: {  	v13 =	vadd.f32 v16, v13  }
0x1b6: {  	v14 =	vmul.f32 v14, v14;
	v12 =	vadd.f32 v17, v12;
	v15 =	vmul.f32 v15, v15;
	_ =	sdelay $0x1  }
0x1b7: {  	v13 =	vsub.f32 v14, v13;
	v12 =	vsub.f32 v15, v12;
	v11 =	vld.idx.msk [tilespmem:v11+s20+$0x0], $0xffff  }
0x1b8: {  	v10 =	vld.idx.msk [tilespmem:v10+s20+$0x0], $0xffff  }
0x1b9: {  	v12 =	vadd.f32 v12, v13;
	_ =	sdelay $0x1  }
0x1ba: {  	v12 =	vmul.f32 $5.000000000e-01, v12;
	_ =	sdelay $0x1  }
0x1bb: {  	v11 =	vadd.f32 v12, v11  }
0x1bc: {  	v10 =	vnsel vm0, $0x0, v10  }
.Ltmp0:
0x1bd: {  	v10 =	vadd.f32 v11, v10;
	(pc) =	sbr.rel @p0 .LBB2_2-.Ltmp0, $4  }
0x1be: {  	s29 =	sadd.s32 $0x10, s29  }
0x1bf: {  	s31 =	sadd.s32 $0x340, s31;
	[tilespmem:s29+$0x0] =	vst v10  }
0x1c0: {  	v13 =	vld [tilespmem:s31+$0xFFFFFE60]  }
0x1c1: {  	s1 =	sadd.s32 $0x20, s1;
	v12 =	vld [tilespmem:s31+$0xFFFFFE70]  }
0x1c2: {  	v11 =	vld [tilespmem:s31+$0xFFFFFE80]  }
0x1c3: {  	v14 =	vld [tilespmem:s31+$0xFFFFFE90]  }
0x1c4: {  	v15 =	vld [tilespmem:s31+$0xFFFFFEA0]  }
0x1c5: {  	v17 =	vld [tilespmem:s31+$0xFFFFFEB0];
	v16 =	vadd.f32 $0.0e+00, v13  }
0x1c6: {  	v19 =	vld [tilespmem:s31+$0xFFFFFEC0];
	v10 =	vor.u32 s30, v0;
	v18 =	vadd.f32 $0.0e+00, v12  }
0x1c7: {  	v20 =	vld [tilespmem:s31+$0xFFFFFED0];
	v41 =	vmul.f32 v13, v13;
	v16 =	vadd.f32 v11, v16;
	v11 =	vmul.f32 v11, v11  }
0x1c8: {  	v21 =	vld [tilespmem:s31+$0xFFFFFEE0];
	v42 =	vmul.f32 v12, v12;
	v18 =	vadd.f32 v14, v18;
	v14 =	vmul.f32 v14, v14  }
0x1c9: {  	v44 =	vld [tilespmem:s31+$0xFFFFFEF0];
	v11 =	vadd.f32 v11, v41;
	v43 =	vadd.f32 v15, v16;
	v15 =	vmul.f32 v15, v15  }
0x1ca: {  	v46 =	vld [tilespmem:s31+$0xFFFFFF00];
	v12 =	vadd.f32 v14, v42;
	v45 =	vadd.f32 v17, v18;
	v17 =	vmul.f32 v17, v17  }
0x1cb: {  	v48 =	vld [tilespmem:s31+$0xFFFFFF10];
	v47 =	vmul.f32 v19, v19;
	v11 =	vadd.f32 v15, v11;
	v13 =	vadd.f32 v19, v43  }
0x1cc: {  	v50 =	vld [tilespmem:s31+$0xFFFFFF20];
	v49 =	vmul.f32 v20, v20;
	v12 =	vadd.f32 v17, v12;
	v14 =	vadd.f32 v20, v45  }
0x1cd: {  	v52 =	vld [tilespmem:s31+$0xFFFFFF30];
	v51 =	vmul.f32 v21, v21;
	v11 =	vadd.f32 v47, v11;
	v13 =	vadd.f32 v21, v13  }
0x1ce: {  	v53 =	vld [tilespmem:s31+$0xFFFFFF40];
	v16 =	vmul.f32 v44, v44;
	v12 =	vadd.f32 v49, v12;
	v14 =	vadd.f32 v44, v14  }
0x1cf: {  	v55 =	vld [tilespmem:s31+$0xFFFFFF50];
	v54 =	vmul.f32 v46, v46;
	v11 =	vadd.f32 v51, v11;
	v13 =	vadd.f32 v46, v13  }
0x1d0: {  	v57 =	vld [tilespmem:s31+$0xFFFFFF60];
	v56 =	vmul.f32 v48, v48;
	v12 =	vadd.f32 v16, v12;
	v14 =	vadd.f32 v48, v14  }
0x1d1: {  	v59 =	vld [tilespmem:s31+$0xFFFFFF70];
	v58 =	vmul.f32 v50, v50;
	v11 =	vadd.f32 v54, v11;
	v13 =	vadd.f32 v50, v13  }
0x1d2: {  	v61 =	vld [tilespmem:s31+$0xFFFFFF80];
	v60 =	vmul.f32 v52, v52;
	v12 =	vadd.f32 v56, v12;
	v14 =	vadd.f32 v52, v14  }
0x1d3: {  	v63 =	vld [tilespmem:s31+$0xFFFFFF90];
	v62 =	vmul.f32 v53, v53;
	v11 =	vadd.f32 v58, v11;
	v13 =	vadd.f32 v53, v13  }
0x1d4: {  	v25 =	vld [tilespmem:s31+$0xFFFFFFA0];
	v24 =	vmul.f32 v55, v55;
	v12 =	vadd.f32 v60, v12;
	v14 =	vadd.f32 v55, v14  }
0x1d5: {  	v27 =	vld [tilespmem:s31+$0xFFFFFFB0];
	v26 =	vmul.f32 v57, v57;
	v11 =	vadd.f32 v62, v11;
	v13 =	vadd.f32 v57, v13  }
0x1d6: {  	v29 =	vld [tilespmem:s31+$0xFFFFFFC0];
	v28 =	vmul.f32 v59, v59;
	v12 =	vadd.f32 v24, v12;
	v14 =	vadd.f32 v59, v14  }
0x1d7: {  	v31 =	vld [tilespmem:s31+$0xFFFFFFD0];
	v30 =	vmul.f32 v61, v61;
	v11 =	vadd.f32 v26, v11;
	v13 =	vadd.f32 v61, v13  }
0x1d8: {  	v33 =	vld [tilespmem:s31+$0xFFFFFFE0];
	v32 =	vmul.f32 v63, v63;
	v12 =	vadd.f32 v28, v12;
	v14 =	vadd.f32 v63, v14  }
0x1d9: {  	v35 =	vld [tilespmem:s31+$0xFFFFFFF0];
	v34 =	vmul.f32 v25, v25;
	v11 =	vadd.f32 v30, v11;
	v13 =	vadd.f32 v25, v13  }
0x1da: {  	v37 =	vld [tilespmem:s31+$0x0];
	v36 =	vmul.f32 v27, v27;
	v12 =	vadd.f32 v32, v12;
	v14 =	vadd.f32 v27, v14  }
0x1db: {  	v39 =	vld [tilespmem:s31+$0x10];
	v38 =	vmul.f32 v29, v29;
	v11 =	vadd.f32 v34, v11;
	v13 =	vadd.f32 v29, v13  }
0x1dc: {  	v40 =	vmul.f32 v31, v31;
	v41 =	vld [tilespmem:s31+$0x20];
	v12 =	vadd.f32 v36, v12;
	v14 =	vadd.f32 v31, v14  }
0x1dd: {  	v42 =	vmul.f32 v33, v33;
	v43 =	vld [tilespmem:s31+$0x30];
	v11 =	vadd.f32 v38, v11;
	v13 =	vadd.f32 v33, v13  }
0x1de: {  	v45 =	vld [tilespmem:s31+$0x40];
	v44 =	vmul.f32 v35, v35;
	v12 =	vadd.f32 v40, v12;
	v14 =	vadd.f32 v35, v14  }
0x1df: {  	v47 =	vld [tilespmem:s31+$0x50];
	v46 =	vmul.f32 v37, v37;
	v11 =	vadd.f32 v42, v11;
	v13 =	vadd.f32 v37, v13  }
0x1e0: {  	v49 =	vld [tilespmem:s31+$0x60];
	v48 =	vmul.f32 v39, v39;
	v12 =	vadd.f32 v44, v12;
	v14 =	vadd.f32 v39, v14  }
0x1e1: {  	v51 =	vld [tilespmem:s31+$0x70];
	v50 =	vmul.f32 v41, v41;
	v11 =	vadd.f32 v46, v11;
	v13 =	vadd.f32 v41, v13  }
0x1e2: {  	v52 =	vmul.f32 v43, v43;
	v53 =	vld [tilespmem:s31+$0x80];
	v12 =	vadd.f32 v48, v12;
	v14 =	vadd.f32 v43, v14  }
0x1e3: {  	v54 =	vmul.f32 v45, v45;
	v55 =	vld [tilespmem:s31+$0x90];
	v11 =	vadd.f32 v50, v11;
	v13 =	vadd.f32 v45, v13  }
0x1e4: {  	v56 =	vmul.f32 v47, v47;
	v57 =	vld [tilespmem:s31+$0xA0];
	v12 =	vadd.f32 v52, v12;
	v14 =	vadd.f32 v47, v14  }
0x1e5: {  	v58 =	vmul.f32 v49, v49;
	v59 =	vld [tilespmem:s31+$0xB0];
	v11 =	vadd.f32 v54, v11;
	v13 =	vadd.f32 v49, v13  }
0x1e6: {  	v60 =	vmul.f32 v51, v51;
	v61 =	vld [tilespmem:s31+$0xC0];
	v12 =	vadd.f32 v56, v12;
	v14 =	vadd.f32 v51, v14  }
0x1e7: {  	v62 =	vmul.f32 v53, v53;
	v63 =	vld [tilespmem:s31+$0xD0];
	v11 =	vadd.f32 v58, v11;
	v13 =	vadd.f32 v53, v13  }
0x1e8: {  	v24 =	vld [tilespmem:s31+$0xE0];
	v23 =	vmul.f32 v55, v55;
	v12 =	vadd.f32 v60, v12;
	v14 =	vadd.f32 v55, v14  }
0x1e9: {  	v26 =	vld [tilespmem:s31+$0xF0];
	v25 =	vmul.f32 v57, v57;
	v11 =	vadd.f32 v62, v11;
	v13 =	vadd.f32 v57, v13  }
0x1ea: {  	v28 =	vld [tilespmem:s31+$0x100];
	v27 =	vmul.f32 v59, v59;
	v12 =	vadd.f32 v23, v12;
	v14 =	vadd.f32 v59, v14  }
0x1eb: {  	v30 =	vld [tilespmem:s31+$0x110];
	v29 =	vmul.f32 v61, v61;
	v11 =	vadd.f32 v25, v11;
	v13 =	vadd.f32 v61, v13  }
0x1ec: {  	v32 =	vld [tilespmem:s31+$0x120];
	v31 =	vmul.f32 v63, v63;
	v12 =	vadd.f32 v27, v12;
	v14 =	vadd.f32 v63, v14  }
0x1ed: {  	v34 =	vld [tilespmem:s31+$0x130];
	v33 =	vmul.f32 v24, v24;
	v11 =	vadd.f32 v29, v11;
	v13 =	vadd.f32 v24, v13  }
0x1ee: {  	v36 =	vld [tilespmem:s31+$0x140];
	v35 =	vmul.f32 v26, v26;
	v12 =	vadd.f32 v31, v12;
	v14 =	vadd.f32 v26, v14  }
0x1ef: {  	v38 =	vld [tilespmem:s31+$0x150];
	v37 =	vmul.f32 v28, v28;
	v11 =	vadd.f32 v33, v11;
	v13 =	vadd.f32 v28, v13  }
0x1f0: {  	v40 =	vld [tilespmem:s31+$0x160];
	v39 =	vmul.f32 v30, v30;
	v12 =	vadd.f32 v35, v12;
	v14 =	vadd.f32 v30, v14  }
0x1f1: {  	v42 =	vld [tilespmem:s31+$0x170];
	v41 =	vmul.f32 v32, v32;
	v11 =	vadd.f32 v37, v11;
	v13 =	vadd.f32 v32, v13  }
0x1f2: {  	v44 =	vld [tilespmem:s31+$0x180];
	v43 =	vmul.f32 v34, v34;
	v12 =	vadd.f32 v39, v12;
	v14 =	vadd.f32 v34, v14  }
0x1f3: {  	v46 =	vld [tilespmem:s31+$0x190];
	v45 =	vmul.f32 v36, v36;
	v11 =	vadd.f32 v41, v11;
	v13 =	vadd.f32 v36, v13  }
0x1f4: {  	v47 =	vmul.f32 v38, v38;
	v12 =	vadd.f32 v43, v12;
	v14 =	vadd.f32 v38, v14  }
0x1f5: {  	v48 =	vmul.f32 v40, v40;
	v11 =	vadd.f32 v45, v11;
	v13 =	vadd.f32 v40, v13  }
0x1f6: {  	v49 =	vmul.f32 v42, v42;
	v12 =	vadd.f32 v47, v12;
	v14 =	vadd.f32 v42, v14  }
0x1f7: {  	v50 =	vmul.f32 v44, v44;
	v11 =	vadd.f32 v48, v11;
	v13 =	vadd.f32 v44, v13  }
0x1f8: {  	s0 =	sadd.s32 $0x10, s30;
	v51 =	vmul.f32 v46, v46;
	v12 =	vadd.f32 v49, v12;
	v14 =	vadd.f32 v46, v14  }
0x1f9: {  	v52 =	vor.u32 s0, v0;
	v11 =	vadd.f32 v50, v11  }
0x1fa: {  	v13 =	vmul.f32 v13, v13;
	v12 =	vadd.f32 v51, v12;
	v14 =	vmul.f32 v14, v14;
	_ =	sdelay $0x1  }
0x1fb: {  	v11 =	vsub.f32 v13, v11;
	v12 =	vsub.f32 v14, v12  }
0x1fc: {  	v10 =	vld.idx.msk [tilespmem:v10+s20+$0x0], $0xffff  }
0x1fd: {  	v53 =	vld.idx.msk [tilespmem:v52+s20+$0x0], $0xffff;
	v11 =	vadd.f32 v12, v11;
	_ =	sdelay $0x1  }
0x1fe: {  	v11 =	vmul.f32 $5.000000000e-01, v11;
	_ =	sdelay $0x1  }
0x1ff: {  	v10 =	vadd.f32 v11, v10  }
0x200: {  	v11 =	vnsel vm0, $0x0, v53  }
0x201: {  	v10 =	vadd.f32 v10, v11  }
0x202: {  	s31 =	sadd.s32 $0x10, s29  }
0x203: {  	[tilespmem:s31+$0x0] =	vst v10  }
0x204: {  	v10 =	vld.idx.msk [tilespmem:v1+s25+$0x0], $0xffff;
	_ =	sdelay $0x1  }
0x205: {  	v11 =	vld.idx.msk [tilespmem:v2+s25+$0x0], $0xffff;
	_ =	sdelay $0x1  }
0x206: {  	v54 =	vld.idx.msk [tilespmem:v3+s25+$0x0], $0xffff  }
0x207: {  	v10 =	vadd.f32 $0.0e+00, v10  }
0x208: {  	v55 =	vld.idx.msk [tilespmem:v4+s25+$0x0], $0xffff  }
0x209: {  	v10 =	vadd.f32 v11, v10  }
0x20a: {  	v11 =	vld.idx.msk [tilespmem:v5+s25+$0x0], $0xffff  }
0x20b: {  	v10 =	vadd.f32 v54, v10  }
0x20c: {  	v56 =	vld.idx.msk [tilespmem:v6+s25+$0x0], $0xffff  }
0x20d: {  	v10 =	vadd.f32 v55, v10  }
0x20e: {  	v57 =	vld.idx.msk [tilespmem:v7+s25+$0x0], $0xffff  }
0x20f: {  	v10 =	vadd.f32 v11, v10;
	v11 =	vor.u32 $0x9, v1  }
0x210: {  	v58 =	vld.idx.msk [tilespmem:v8+s25+$0x0], $0xffff  }
0x211: {  	v59 =	vor.u32 $0xA, v1;
	v10 =	vadd.f32 v56, v10  }
0x212: {  	v60 =	vld.idx.msk [tilespmem:v9+s25+$0x0], $0xffff  }
0x213: {  	v61 =	vor.u32 $0xB, v1;
	v10 =	vadd.f32 v57, v10  }
0x214: {  	v11 =	vld.idx.msk [tilespmem:v11+s25+$0x0], $0xffff  }
0x215: {  	v62 =	vor.u32 $0xC, v1;
	v10 =	vadd.f32 v58, v10  }
0x216: {  	v12 =	vld.idx.msk [tilespmem:v59+s25+$0x0], $0xffff  }
0x217: {  	v63 =	vor.u32 $0xD, v1;
	v10 =	vadd.f32 v60, v10  }
0x218: {  	v13 =	vld.idx.msk [tilespmem:v61+s25+$0x0], $0xffff  }
0x219: {  	v10 =	vadd.f32 v11, v10;
	v11 =	vor.u32 $0xE, v1  }
0x21a: {  	v14 =	vld.idx.msk [tilespmem:v62+s25+$0x0], $0xffff  }
0x21b: {  	v18 =	vor.u32 $0xF, v1;
	v10 =	vadd.f32 v12, v10  }
0x21c: {  	v15 =	vld.idx.msk [tilespmem:v63+s25+$0x0], $0xffff  }
0x21d: {  	v10 =	vadd.f32 v13, v10  }
0x21e: {  	v11 =	vld.idx.msk [tilespmem:v11+s25+$0x0], $0xffff  }
0x21f: {  	v10 =	vadd.f32 v14, v10  }
0x220: {  	v12 =	vld.idx.msk [tilespmem:v18+s25+$0x0], $0xffff  }
0x221: {  	v10 =	vadd.f32 v15, v10;
	_ =	sdelay $0x1  }
0x222: {  	v10 =	vadd.f32 v11, v10;
	v11 =	vor.u32 $0x100, v1;
	_ =	sdelay $0x1  }
0x223: {  	v19 =	vor.u32 $0x101, v1;
	v10 =	vadd.f32 v12, v10;
	_ =	sdelay $0x1  }
0x224: {  	[tilespmem:$0x1D500] =	vst v10;
	v10 =	vor.u32 $0x102, v1  }
0x225: {  	v11 =	vld.idx.msk [tilespmem:v11+s25+$0x0], $0xffff  }
0x226: {  	v20 =	vor.u32 $0x103, v1  }
0x227: {  	v12 =	vld.idx.msk [tilespmem:v19+s25+$0x0], $0xffff  }
0x228: {  	v21 =	vor.u32 $0x104, v1  }
0x229: {  	v10 =	vld.idx.msk [tilespmem:v10+s25+$0x0], $0xffff  }
0x22a: {  	v22 =	vor.u32 $0x105, v1;
	v11 =	vadd.f32 $0.0e+00, v11  }
0x22b: {  	v13 =	vld.idx.msk [tilespmem:v20+s25+$0x0], $0xffff  }
0x22c: {  	v23 =	vor.u32 $0x106, v1;
	v11 =	vadd.f32 v12, v11  }
0x22d: {  	v14 =	vld.idx.msk [tilespmem:v21+s25+$0x0], $0xffff  }
0x22e: {  	v10 =	vadd.f32 v10, v11;
	v11 =	vor.u32 $0x107, v1  }
0x22f: {  	v15 =	vld.idx.msk [tilespmem:v22+s25+$0x0], $0xffff  }
0x230: {  	v24 =	vor.u32 $0x108, v1;
	v10 =	vadd.f32 v13, v10  }
0x231: {  	v12 =	vld.idx.msk [tilespmem:v23+s25+$0x0], $0xffff  }
0x232: {  	v25 =	vor.u32 $0x109, v1;
	v10 =	vadd.f32 v14, v10  }
0x233: {  	v11 =	vld.idx.msk [tilespmem:v11+s25+$0x0], $0xffff  }
0x234: {  	v26 =	vor.u32 $0x10A, v1;
	v10 =	vadd.f32 v15, v10  }
0x235: {  	v13 =	vld.idx.msk [tilespmem:v24+s25+$0x0], $0xffff  }
0x236: {  	v27 =	vor.u32 $0x10B, v1;
	v10 =	vadd.f32 v12, v10  }
0x237: {  	v14 =	vld.idx.msk [tilespmem:v25+s25+$0x0], $0xffff  }
0x238: {  	v10 =	vadd.f32 v11, v10;
	v11 =	vor.u32 $0x10C, v1  }
0x239: {  	v15 =	vld.idx.msk [tilespmem:v26+s25+$0x0], $0xffff  }
0x23a: {  	v28 =	vor.u32 $0x10D, v1;
	v10 =	vadd.f32 v13, v10  }
0x23b: {  	v12 =	vld.idx.msk [tilespmem:v27+s25+$0x0], $0xffff  }
0x23c: {  	v29 =	vor.u32 $0x10E, v1;
	v10 =	vadd.f32 v14, v10  }
0x23d: {  	v11 =	vld.idx.msk [tilespmem:v11+s25+$0x0], $0xffff  }
0x23e: {  	v30 =	vor.u32 $0x10F, v1;
	v10 =	vadd.f32 v15, v10  }
0x23f: {  	v13 =	vld.idx.msk [tilespmem:v28+s25+$0x0], $0xffff  }
0x240: {  	v10 =	vadd.f32 v12, v10  }
0x241: {  	v31 =	vld.idx.msk [tilespmem:v29+s25+$0x0], $0xffff  }
0x242: {  	v10 =	vadd.f32 v11, v10  }
0x243: {  	v11 =	vld.idx.msk [tilespmem:v30+s25+$0x0], $0xffff  }
0x244: {  	v10 =	vadd.f32 v13, v10;
	_ =	sdelay $0x1  }
0x245: {  	v32 =	vor.u32 $0x200, v1;
	v10 =	vadd.f32 v31, v10;
	_ =	sdelay $0x1  }
0x246: {  	v10 =	vadd.f32 v11, v10;
	v11 =	vor.u32 $0x201, v1;
	_ =	sdelay $0x1  }
0x247: {  	[tilespmem:$0x1D510] =	vst v10;
	v10 =	vor.u32 $0x202, v1  }
0x248: {  	v12 =	vld.idx.msk [tilespmem:v32+s25+$0x0], $0xffff  }
0x249: {  	v33 =	vor.u32 $0x203, v1  }
0x24a: {  	v11 =	vld.idx.msk [tilespmem:v11+s25+$0x0], $0xffff  }
0x24b: {  	v34 =	vor.u32 $0x204, v1  }
0x24c: {  	v10 =	vld.idx.msk [tilespmem:v10+s25+$0x0], $0xffff  }
0x24d: {  	v35 =	vor.u32 $0x205, v1;
	v12 =	vadd.f32 $0.0e+00, v12  }
0x24e: {  	v13 =	vld.idx.msk [tilespmem:v33+s25+$0x0], $0xffff  }
0x24f: {  	v36 =	vor.u32 $0x206, v1;
	v11 =	vadd.f32 v11, v12  }
0x250: {  	v14 =	vld.idx.msk [tilespmem:v34+s25+$0x0], $0xffff  }
0x251: {  	v10 =	vadd.f32 v10, v11;
	v11 =	vor.u32 $0x207, v1  }
0x252: {  	v15 =	vld.idx.msk [tilespmem:v35+s25+$0x0], $0xffff  }
0x253: {  	v37 =	vor.u32 $0x208, v1;
	v10 =	vadd.f32 v13, v10  }
0x254: {  	v12 =	vld.idx.msk [tilespmem:v36+s25+$0x0], $0xffff  }
0x255: {  	v38 =	vor.u32 $0x209, v1;
	v10 =	vadd.f32 v14, v10  }
0x256: {  	v11 =	vld.idx.msk [tilespmem:v11+s25+$0x0], $0xffff  }
0x257: {  	v39 =	vor.u32 $0x20A, v1;
	v10 =	vadd.f32 v15, v10  }
0x258: {  	v13 =	vld.idx.msk [tilespmem:v37+s25+$0x0], $0xffff  }
0x259: {  	v40 =	vor.u32 $0x20B, v1;
	v10 =	vadd.f32 v12, v10  }
0x25a: {  	v14 =	vld.idx.msk [tilespmem:v38+s25+$0x0], $0xffff  }
0x25b: {  	v10 =	vadd.f32 v11, v10;
	v11 =	vor.u32 $0x20C, v1  }
0x25c: {  	v15 =	vld.idx.msk [tilespmem:v39+s25+$0x0], $0xffff  }
0x25d: {  	v41 =	vor.u32 $0x20D, v1;
	v10 =	vadd.f32 v13, v10  }
0x25e: {  	v12 =	vld.idx.msk [tilespmem:v40+s25+$0x0], $0xffff  }
0x25f: {  	v42 =	vor.u32 $0x20E, v1;
	v10 =	vadd.f32 v14, v10  }
0x260: {  	v11 =	vld.idx.msk [tilespmem:v11+s25+$0x0], $0xffff  }
0x261: {  	v43 =	vor.u32 $0x20F, v1;
	v10 =	vadd.f32 v15, v10  }
0x262: {  	v13 =	vld.idx.msk [tilespmem:v41+s25+$0x0], $0xffff  }
0x263: {  	v10 =	vadd.f32 v12, v10  }
0x264: {  	v44 =	vld.idx.msk [tilespmem:v42+s25+$0x0], $0xffff  }
0x265: {  	v10 =	vadd.f32 v11, v10  }
0x266: {  	v11 =	vld.idx.msk [tilespmem:v43+s25+$0x0], $0xffff  }
0x267: {  	v10 =	vadd.f32 v13, v10;
	_ =	sdelay $0x1  }
0x268: {  	v45 =	vor.u32 $0x300, v1;
	v10 =	vadd.f32 v44, v10;
	_ =	sdelay $0x1  }
0x269: {  	v10 =	vadd.f32 v11, v10;
	v11 =	vor.u32 $0x301, v1;
	_ =	sdelay $0x1  }
0x26a: {  	[tilespmem:$0x1D520] =	vst v10;
	v10 =	vor.u32 $0x302, v1  }
0x26b: {  	v12 =	vld.idx.msk [tilespmem:v45+s25+$0x0], $0xffff  }
0x26c: {  	v46 =	vor.u32 $0x303, v1  }
0x26d: {  	v11 =	vld.idx.msk [tilespmem:v11+s25+$0x0], $0xffff  }
0x26e: {  	v47 =	vor.u32 $0x304, v1  }
0x26f: {  	v10 =	vld.idx.msk [tilespmem:v10+s25+$0x0], $0xffff  }
0x270: {  	v48 =	vor.u32 $0x305, v1;
	v12 =	vadd.f32 $0.0e+00, v12  }
0x271: {  	v13 =	vld.idx.msk [tilespmem:v46+s25+$0x0], $0xffff  }
0x272: {  	v49 =	vor.u32 $0x306, v1;
	v11 =	vadd.f32 v11, v12  }
0x273: {  	v14 =	vld.idx.msk [tilespmem:v47+s25+$0x0], $0xffff  }
0x274: {  	v10 =	vadd.f32 v10, v11;
	v11 =	vor.u32 $0x307, v1  }
0x275: {  	v15 =	vld.idx.msk [tilespmem:v48+s25+$0x0], $0xffff  }
0x276: {  	v50 =	vor.u32 $0x308, v1;
	v10 =	vadd.f32 v13, v10  }
0x277: {  	v12 =	vld.idx.msk [tilespmem:v49+s25+$0x0], $0xffff  }
0x278: {  	v51 =	vor.u32 $0x309, v1;
	v10 =	vadd.f32 v14, v10  }
0x279: {  	v11 =	vld.idx.msk [tilespmem:v11+s25+$0x0], $0xffff  }
0x27a: {  	v52 =	vor.u32 $0x30A, v1;
	v10 =	vadd.f32 v15, v10  }
0x27b: {  	v13 =	vld.idx.msk [tilespmem:v50+s25+$0x0], $0xffff  }
0x27c: {  	v53 =	vor.u32 $0x30B, v1;
	v10 =	vadd.f32 v12, v10  }
0x27d: {  	v14 =	vld.idx.msk [tilespmem:v51+s25+$0x0], $0xffff  }
0x27e: {  	v10 =	vadd.f32 v11, v10;
	v11 =	vor.u32 $0x30C, v1  }
0x27f: {  	v15 =	vld.idx.msk [tilespmem:v52+s25+$0x0], $0xffff  }
0x280: {  	v54 =	vor.u32 $0x30D, v1;
	v10 =	vadd.f32 v13, v10  }
0x281: {  	v12 =	vld.idx.msk [tilespmem:v53+s25+$0x0], $0xffff  }
0x282: {  	v55 =	vor.u32 $0x30E, v1;
	v10 =	vadd.f32 v14, v10  }
0x283: {  	v11 =	vld.idx.msk [tilespmem:v11+s25+$0x0], $0xffff  }
0x284: {  	v56 =	vor.u32 $0x30F, v1;
	v10 =	vadd.f32 v15, v10  }
0x285: {  	v13 =	vld.idx.msk [tilespmem:v54+s25+$0x0], $0xffff  }
0x286: {  	v10 =	vadd.f32 v12, v10  }
0x287: {  	v57 =	vld.idx.msk [tilespmem:v55+s25+$0x0], $0xffff  }
0x288: {  	v10 =	vadd.f32 v11, v10  }
0x289: {  	v11 =	vld.idx.msk [tilespmem:v56+s25+$0x0], $0xffff  }
0x28a: {  	v10 =	vadd.f32 v13, v10;
	_ =	sdelay $0x1  }
0x28b: {  	v58 =	vor.u32 $0x400, v1;
	v10 =	vadd.f32 v57, v10;
	_ =	sdelay $0x1  }
0x28c: {  	v10 =	vadd.f32 v11, v10;
	v11 =	vor.u32 $0x401, v1;
	_ =	sdelay $0x1  }
0x28d: {  	[tilespmem:$0x1D530] =	vst v10;
	v10 =	vor.u32 $0x402, v1  }
0x28e: {  	v12 =	vld.idx.msk [tilespmem:v58+s25+$0x0], $0xffff  }
0x28f: {  	v59 =	vor.u32 $0x403, v1  }
0x290: {  	v11 =	vld.idx.msk [tilespmem:v11+s25+$0x0], $0xffff  }
0x291: {  	v60 =	vor.u32 $0x404, v1  }
0x292: {  	v10 =	vld.idx.msk [tilespmem:v10+s25+$0x0], $0xffff  }
0x293: {  	v61 =	vor.u32 $0x405, v1;
	v12 =	vadd.f32 $0.0e+00, v12  }
0x294: {  	v13 =	vld.idx.msk [tilespmem:v59+s25+$0x0], $0xffff  }
0x295: {  	v62 =	vor.u32 $0x406, v1;
	v11 =	vadd.f32 v11, v12  }
0x296: {  	v14 =	vld.idx.msk [tilespmem:v60+s25+$0x0], $0xffff  }
0x297: {  	v10 =	vadd.f32 v10, v11;
	v11 =	vor.u32 $0x407, v1  }
0x298: {  	v15 =	vld.idx.msk [tilespmem:v61+s25+$0x0], $0xffff  }
0x299: {  	v63 =	vor.u32 $0x408, v1;
	v10 =	vadd.f32 v13, v10  }
0x29a: {  	v12 =	vld.idx.msk [tilespmem:v62+s25+$0x0], $0xffff  }
0x29b: {  	v18 =	vor.u32 $0x409, v1;
	v10 =	vadd.f32 v14, v10  }
0x29c: {  	v11 =	vld.idx.msk [tilespmem:v11+s25+$0x0], $0xffff  }
0x29d: {  	v19 =	vor.u32 $0x40A, v1;
	v10 =	vadd.f32 v15, v10  }
0x29e: {  	v13 =	vld.idx.msk [tilespmem:v63+s25+$0x0], $0xffff  }
0x29f: {  	v20 =	vor.u32 $0x40B, v1;
	v10 =	vadd.f32 v12, v10  }
0x2a0: {  	v14 =	vld.idx.msk [tilespmem:v18+s25+$0x0], $0xffff  }
0x2a1: {  	v10 =	vadd.f32 v11, v10;
	v11 =	vor.u32 $0x40C, v1  }
0x2a2: {  	v15 =	vld.idx.msk [tilespmem:v19+s25+$0x0], $0xffff  }
0x2a3: {  	v21 =	vor.u32 $0x40D, v1;
	v10 =	vadd.f32 v13, v10  }
0x2a4: {  	v12 =	vld.idx.msk [tilespmem:v20+s25+$0x0], $0xffff  }
0x2a5: {  	v22 =	vor.u32 $0x40E, v1;
	v10 =	vadd.f32 v14, v10  }
0x2a6: {  	v11 =	vld.idx.msk [tilespmem:v11+s25+$0x0], $0xffff  }
0x2a7: {  	v23 =	vor.u32 $0x40F, v1;
	v10 =	vadd.f32 v15, v10  }
0x2a8: {  	v13 =	vld.idx.msk [tilespmem:v21+s25+$0x0], $0xffff  }
0x2a9: {  	v10 =	vadd.f32 v12, v10  }
0x2aa: {  	v24 =	vld.idx.msk [tilespmem:v22+s25+$0x0], $0xffff  }
0x2ab: {  	v10 =	vadd.f32 v11, v10  }
0x2ac: {  	v11 =	vld.idx.msk [tilespmem:v23+s25+$0x0], $0xffff  }
0x2ad: {  	v10 =	vadd.f32 v13, v10;
	_ =	sdelay $0x1  }
0x2ae: {  	v25 =	vor.u32 $0x500, v1;
	v10 =	vadd.f32 v24, v10;
	_ =	sdelay $0x1  }
0x2af: {  	v10 =	vadd.f32 v11, v10;
	v11 =	vor.u32 $0x501, v1;
	_ =	sdelay $0x1  }
0x2b0: {  	[tilespmem:$0x1D540] =	vst v10;
	v10 =	vor.u32 $0x502, v1  }
0x2b1: {  	v12 =	vld.idx.msk [tilespmem:v25+s25+$0x0], $0xffff  }
0x2b2: {  	v26 =	vor.u32 $0x503, v1  }
0x2b3: {  	v11 =	vld.idx.msk [tilespmem:v11+s25+$0x0], $0xffff  }
0x2b4: {  	v27 =	vor.u32 $0x504, v1  }
0x2b5: {  	v10 =	vld.idx.msk [tilespmem:v10+s25+$0x0], $0xffff  }
0x2b6: {  	v28 =	vor.u32 $0x505, v1;
	v12 =	vadd.f32 $0.0e+00, v12  }
0x2b7: {  	v13 =	vld.idx.msk [tilespmem:v26+s25+$0x0], $0xffff  }
0x2b8: {  	v29 =	vor.u32 $0x506, v1;
	v11 =	vadd.f32 v11, v12  }
0x2b9: {  	v14 =	vld.idx.msk [tilespmem:v27+s25+$0x0], $0xffff  }
0x2ba: {  	v10 =	vadd.f32 v10, v11;
	v11 =	vor.u32 $0x507, v1  }
0x2bb: {  	v15 =	vld.idx.msk [tilespmem:v28+s25+$0x0], $0xffff  }
0x2bc: {  	v30 =	vor.u32 $0x508, v1;
	v10 =	vadd.f32 v13, v10  }
0x2bd: {  	v12 =	vld.idx.msk [tilespmem:v29+s25+$0x0], $0xffff  }
0x2be: {  	v31 =	vor.u32 $0x509, v1;
	v10 =	vadd.f32 v14, v10  }
0x2bf: {  	v11 =	vld.idx.msk [tilespmem:v11+s25+$0x0], $0xffff  }
0x2c0: {  	v32 =	vor.u32 $0x50A, v1;
	v10 =	vadd.f32 v15, v10  }
0x2c1: {  	v13 =	vld.idx.msk [tilespmem:v30+s25+$0x0], $0xffff  }
0x2c2: {  	v33 =	vor.u32 $0x50B, v1;
	v10 =	vadd.f32 v12, v10  }
0x2c3: {  	v14 =	vld.idx.msk [tilespmem:v31+s25+$0x0], $0xffff  }
0x2c4: {  	v10 =	vadd.f32 v11, v10;
	v11 =	vor.u32 $0x50C, v1  }
0x2c5: {  	v15 =	vld.idx.msk [tilespmem:v32+s25+$0x0], $0xffff  }
0x2c6: {  	v34 =	vor.u32 $0x50D, v1;
	v10 =	vadd.f32 v13, v10  }
0x2c7: {  	v12 =	vld.idx.msk [tilespmem:v33+s25+$0x0], $0xffff  }
0x2c8: {  	v35 =	vor.u32 $0x50E, v1;
	v10 =	vadd.f32 v14, v10  }
0x2c9: {  	v11 =	vld.idx.msk [tilespmem:v11+s25+$0x0], $0xffff  }
0x2ca: {  	v36 =	vor.u32 $0x50F, v1;
	v10 =	vadd.f32 v15, v10  }
0x2cb: {  	v13 =	vld.idx.msk [tilespmem:v34+s25+$0x0], $0xffff  }
0x2cc: {  	v10 =	vadd.f32 v12, v10  }
0x2cd: {  	v37 =	vld.idx.msk [tilespmem:v35+s25+$0x0], $0xffff  }
0x2ce: {  	v10 =	vadd.f32 v11, v10  }
0x2cf: {  	v11 =	vld.idx.msk [tilespmem:v36+s25+$0x0], $0xffff  }
0x2d0: {  	v10 =	vadd.f32 v13, v10;
	_ =	sdelay $0x1  }
0x2d1: {  	v38 =	vor.u32 $0x600, v1;
	v10 =	vadd.f32 v37, v10;
	_ =	sdelay $0x1  }
0x2d2: {  	v10 =	vadd.f32 v11, v10;
	v11 =	vor.u32 $0x601, v1;
	_ =	sdelay $0x1  }
0x2d3: {  	[tilespmem:$0x1D550] =	vst v10;
	v10 =	vor.u32 $0x602, v1  }
0x2d4: {  	v12 =	vld.idx.msk [tilespmem:v38+s25+$0x0], $0xffff  }
0x2d5: {  	v39 =	vor.u32 $0x603, v1  }
0x2d6: {  	v11 =	vld.idx.msk [tilespmem:v11+s25+$0x0], $0xffff  }
0x2d7: {  	v40 =	vor.u32 $0x604, v1  }
0x2d8: {  	v10 =	vld.idx.msk [tilespmem:v10+s25+$0x0], $0xffff  }
0x2d9: {  	v41 =	vor.u32 $0x605, v1;
	v12 =	vadd.f32 $0.0e+00, v12  }
0x2da: {  	v13 =	vld.idx.msk [tilespmem:v39+s25+$0x0], $0xffff  }
0x2db: {  	v42 =	vor.u32 $0x606, v1;
	v11 =	vadd.f32 v11, v12  }
0x2dc: {  	v14 =	vld.idx.msk [tilespmem:v40+s25+$0x0], $0xffff  }
0x2dd: {  	v10 =	vadd.f32 v10, v11;
	v11 =	vor.u32 $0x607, v1  }
0x2de: {  	v15 =	vld.idx.msk [tilespmem:v41+s25+$0x0], $0xffff  }
0x2df: {  	v43 =	vor.u32 $0x608, v1;
	v10 =	vadd.f32 v13, v10  }
0x2e0: {  	v12 =	vld.idx.msk [tilespmem:v42+s25+$0x0], $0xffff  }
0x2e1: {  	v44 =	vor.u32 $0x609, v1;
	v10 =	vadd.f32 v14, v10  }
0x2e2: {  	v11 =	vld.idx.msk [tilespmem:v11+s25+$0x0], $0xffff  }
0x2e3: {  	v45 =	vor.u32 $0x60A, v1;
	v10 =	vadd.f32 v15, v10  }
0x2e4: {  	v13 =	vld.idx.msk [tilespmem:v43+s25+$0x0], $0xffff  }
0x2e5: {  	v46 =	vor.u32 $0x60B, v1;
	v10 =	vadd.f32 v12, v10  }
0x2e6: {  	v14 =	vld.idx.msk [tilespmem:v44+s25+$0x0], $0xffff  }
0x2e7: {  	v10 =	vadd.f32 v11, v10;
	v11 =	vor.u32 $0x60C, v1  }
0x2e8: {  	v15 =	vld.idx.msk [tilespmem:v45+s25+$0x0], $0xffff  }
0x2e9: {  	v47 =	vor.u32 $0x60D, v1;
	v10 =	vadd.f32 v13, v10  }
0x2ea: {  	v12 =	vld.idx.msk [tilespmem:v46+s25+$0x0], $0xffff  }
0x2eb: {  	v48 =	vor.u32 $0x60E, v1;
	v10 =	vadd.f32 v14, v10  }
0x2ec: {  	v11 =	vld.idx.msk [tilespmem:v11+s25+$0x0], $0xffff  }
0x2ed: {  	v49 =	vor.u32 $0x60F, v1;
	v10 =	vadd.f32 v15, v10  }
0x2ee: {  	v13 =	vld.idx.msk [tilespmem:v47+s25+$0x0], $0xffff  }
0x2ef: {  	v10 =	vadd.f32 v12, v10  }
0x2f0: {  	v50 =	vld.idx.msk [tilespmem:v48+s25+$0x0], $0xffff  }
0x2f1: {  	v10 =	vadd.f32 v11, v10  }
0x2f2: {  	v11 =	vld.idx.msk [tilespmem:v49+s25+$0x0], $0xffff  }
0x2f3: {  	v10 =	vadd.f32 v13, v10;
	_ =	sdelay $0x1  }
0x2f4: {  	v51 =	vor.u32 $0x700, v1;
	v10 =	vadd.f32 v50, v10;
	_ =	sdelay $0x1  }
0x2f5: {  	v10 =	vadd.f32 v11, v10;
	v11 =	vor.u32 $0x701, v1;
	_ =	sdelay $0x1  }
0x2f6: {  	[tilespmem:$0x1D560] =	vst v10;
	v10 =	vor.u32 $0x702, v1  }
0x2f7: {  	v12 =	vld.idx.msk [tilespmem:v51+s25+$0x0], $0xffff  }
0x2f8: {  	v52 =	vor.u32 $0x703, v1  }
0x2f9: {  	v11 =	vld.idx.msk [tilespmem:v11+s25+$0x0], $0xffff  }
0x2fa: {  	v53 =	vor.u32 $0x704, v1  }
0x2fb: {  	v10 =	vld.idx.msk [tilespmem:v10+s25+$0x0], $0xffff  }
0x2fc: {  	v54 =	vor.u32 $0x705, v1;
	v12 =	vadd.f32 $0.0e+00, v12  }
0x2fd: {  	v13 =	vld.idx.msk [tilespmem:v52+s25+$0x0], $0xffff  }
0x2fe: {  	v55 =	vor.u32 $0x706, v1;
	v11 =	vadd.f32 v11, v12  }
0x2ff: {  	v14 =	vld.idx.msk [tilespmem:v53+s25+$0x0], $0xffff  }
0x300: {  	v10 =	vadd.f32 v10, v11;
	v11 =	vor.u32 $0x707, v1  }
0x301: {  	v15 =	vld.idx.msk [tilespmem:v54+s25+$0x0], $0xffff  }
0x302: {  	v56 =	vor.u32 $0x708, v1;
	v10 =	vadd.f32 v13, v10  }
0x303: {  	v12 =	vld.idx.msk [tilespmem:v55+s25+$0x0], $0xffff  }
0x304: {  	v57 =	vor.u32 $0x709, v1;
	v10 =	vadd.f32 v14, v10  }
0x305: {  	v11 =	vld.idx.msk [tilespmem:v11+s25+$0x0], $0xffff  }
0x306: {  	v58 =	vor.u32 $0x70A, v1;
	v10 =	vadd.f32 v15, v10  }
0x307: {  	v13 =	vld.idx.msk [tilespmem:v56+s25+$0x0], $0xffff  }
0x308: {  	v59 =	vor.u32 $0x70B, v1;
	v10 =	vadd.f32 v12, v10  }
0x309: {  	v14 =	vld.idx.msk [tilespmem:v57+s25+$0x0], $0xffff  }
0x30a: {  	v10 =	vadd.f32 v11, v10;
	v11 =	vor.u32 $0x70C, v1  }
0x30b: {  	v15 =	vld.idx.msk [tilespmem:v58+s25+$0x0], $0xffff  }
0x30c: {  	v60 =	vor.u32 $0x70D, v1;
	v10 =	vadd.f32 v13, v10  }
0x30d: {  	v12 =	vld.idx.msk [tilespmem:v59+s25+$0x0], $0xffff  }
0x30e: {  	v61 =	vor.u32 $0x70E, v1;
	v10 =	vadd.f32 v14, v10  }
0x30f: {  	v11 =	vld.idx.msk [tilespmem:v11+s25+$0x0], $0xffff  }
0x310: {  	v62 =	vor.u32 $0x70F, v1;
	v10 =	vadd.f32 v15, v10  }
0x311: {  	v13 =	vld.idx.msk [tilespmem:v60+s25+$0x0], $0xffff  }
0x312: {  	v10 =	vadd.f32 v12, v10  }
0x313: {  	v63 =	vld.idx.msk [tilespmem:v61+s25+$0x0], $0xffff  }
0x314: {  	v10 =	vadd.f32 v11, v10  }
0x315: {  	v11 =	vld.idx.msk [tilespmem:v62+s25+$0x0], $0xffff  }
0x316: {  	v10 =	vadd.f32 v13, v10;
	_ =	sdelay $0x1  }
0x317: {  	v10 =	vadd.f32 v63, v10;
	_ =	sdelay $0x1  }
0x318: {  	s28 =	sadd.s32 $0x1, s28;
	v10 =	vadd.f32 v11, v10  }
0x319: {  	p0 =	sne.s32 s28, s8  }
.Ltmp1:
0x31a: {  	[tilespmem:$0x1D570] =	vst v10;
	(pc) =	sbr.rel @p0 .LBB2_1-.Ltmp1, $4  }
0x31b: {  	[hbm4b:s7+s2] =	stream.linear.scatter [tilespmem:s26], [sflag:$0x3], $0x80, $0x38;
	[tilespmem:$0x1D580] =	vst v63  }
0x31c: {  	_ =	swait.ge [sflag:s9], $0x80  }
0x31d: {  	[sflag:s9] =	ssyncset.done $0x0  }
0x31e: {  	[sflag:s9] =	ssyncadd.s32 $0xFFFFFF80  }
0x31f: {  	_ =	sfence.sel $0x180000  }
0x320: {  	[bflag:$0x0] =	sbarrier.arrive $0xFFFF  }
0x321: {  	_ =	strace $0x90000047  }
0x322: {  	s0 =	stileid.u32;
	[bflag:$0x2] =	sbarrier.arrive $0xFFFF  }
0x323: {  	p0 =	sne.s32 s0, $0x0;
	s0 =	rddreg [dreg:$0x2]  }
0x324: {  	s0 =	sadd.s32 @!p0 $0x100000, s0  }
0x325: {  	[sflag:s0] =	ssyncadd.tile.s32 @!p0 $0x1;
	_ =	shalt  }
.Lfunc_end2:
_tile_overlayer_lowered:
.L_overlay_start_2:
0x326: {  	(tag) =	ssettag $0x2  }
0x327: {  	s0 =	rddreg [dreg:$0x0];
	s2 =	stileid.u32  }
0x328: {  	s1 =	rddreg [dreg:$0x1];
	p0 =	sne.s32 s2, $0x0  }
0x329: {  	s3 =	rddreg [dreg:$0x2];
	[bflag:$0x3] =	sbarrier.arrive $0xFFFF;
	s2 =	simm.s32 @!p0 $0x1C03  }
0x32a: {  	[timem:s3], [sflag:s2] =	dma.local @!p0 [hbm:s0], s1  }
0x32b: {  	s0 =	simm.s32 @!p0 $0x3  }
0x32c: {  	_ =	swait.ge @!p0 [sflag:s0], s1  }
0x32d: {  	s1 =	ssub.s32 @!p0 $0x0, s1;
	[sflag:s0] =	ssyncset.done @!p0 $0x0  }
0x32e: {  	[sflag:s0] =	ssyncadd.s32 @!p0 s1  }
0x32f: {  	[bflag:$0x3] =	sbarrier.arrive $0xFFFF  }
0x330: {  	_ =	shalt  }

</sc_bundles>
